<compile_context>
chip_gen: v7x
topology: tpu7x:2x2x1
jax: 0.10.2.dev20260603
libtpu: 0.0.44.dev20260713+nightly
codegen_flags: <defaults>
</compile_context>

<pallas_src>
import functools

import jax
import jax.numpy as jnp
from jax import lax
from jax.experimental import pallas as pl
from jax.experimental.pallas import tpu as pltpu
from jax.experimental.pallas import tpu_sc as plsc

N = 320000
D = 128
H = 128
NUM_SEG = 2048

NW = 32
SEGC = NUM_SEG // 16

BR = 16000
NBLK = N // BR
NBLK_A = 12
NBLK_B = NBLK - NBLK_A
ROWS_A = NBLK_A * BR
ROWS_B = NBLK_B * BR


def _silu(v):
    return v * (0.5 * jnp.tanh(0.5 * v) + 0.5)


def _mlp_body(x_ref, w1_ref, b1_ref, w2t_ref, b2_ref, w3t_ref, b3_ref, o_ref):
    x = x_ref[...]
    h = jnp.dot(x, w1_ref[...], preferred_element_type=jnp.float32) + b1_ref[...]
    h = _silu(h)
    ht = h.T
    g = jnp.dot(w2t_ref[...], ht, preferred_element_type=jnp.float32) + b2_ref[...]
    g = _silu(g)
    o = jnp.dot(w3t_ref[...], g, preferred_element_type=jnp.float32) + b3_ref[...]
    i = pl.program_id(0)
    o_ref[pl.ds(i * BR, BR)] = o.reshape(BR)


def _mlp_part(off_blocks, nblk):
    rows = nblk * BR

    def call(x, W1, b1r, W2t, b2c, w3t, b3r):
        return pl.pallas_call(
            _mlp_body,
            grid=(nblk,),
            in_specs=[
                pl.BlockSpec((BR, D), lambda i: (i + off_blocks, 0)),
                pl.BlockSpec((D, H), lambda i: (0, 0)),
                pl.BlockSpec((1, H), lambda i: (0, 0)),
                pl.BlockSpec((H, H), lambda i: (0, 0)),
                pl.BlockSpec((H, 1), lambda i: (0, 0)),
                pl.BlockSpec((1, H), lambda i: (0, 0)),
                pl.BlockSpec((1, 1), lambda i: (0, 0)),
            ],
            out_specs=pl.BlockSpec((rows,), lambda i: (0,)),
            out_shape=jax.ShapeDtypeStruct((rows,), jnp.float32),
        )(x, W1, b1r, W2t, b2c, w3t, b3r)

    return call


_mlp_a = _mlp_part(0, NBLK_A)
_mlp_b = _mlp_part(NBLK_A, NBLK_B)


def _shuf(vec, idx):
    return jnp.take_along_axis(vec, idx, axis=0, mode="promise_in_bounds")


def _make_sc(start, rows):
    rw = rows // NW
    ch = rw // 16

    @functools.partial(
        pl.kernel,
        out_type=jax.ShapeDtypeStruct((2 * NUM_SEG,), jnp.float32),
        mesh=plsc.VectorSubcoreMesh(core_axis_name="c", subcore_axis_name="s"),
        scratch_types=[
            pltpu.VMEM((rw,), jnp.float32),
            pltpu.VMEM((rw,), jnp.int32),
            pltpu.VMEM((rw,), jnp.int32),
            pltpu.VMEM((16,), jnp.float32),
            pltpu.VMEM((NUM_SEG,), jnp.float32),
            pltpu.VMEM((NUM_SEG,), jnp.float32),
            pltpu.VMEM((NUM_SEG,), jnp.float32),
            pltpu.VMEM((128,), jnp.float32),
            pltpu.VMEM((16, 128), jnp.float32),
            pltpu.VMEM_SHARED((16, NUM_SEG), jnp.float32),
            pltpu.SemaphoreType.DMA,
        ],
        compiler_params=pltpu.CompilerParams(needs_layout_passes=False),
    )
    def _sc_segsum(y_hbm, z_hbm, b_hbm, tab_hbm, out_hbm,
                   vals_v, z_v, b_v, tab_v, start_v, end_v, diff_v,
                   red_v, tmp_v, acc_sh, sem):
        c = lax.axis_index("c")
        s = lax.axis_index("s")
        w = s * 2 + c
        base = start + w * rw

        cps = [
            pltpu.async_copy(y_hbm.at[pl.ds(w * rw, rw)], vals_v, sem),
            pltpu.async_copy(z_hbm.at[pl.ds(base, rw)], z_v, sem),
            pltpu.async_copy(b_hbm.at[pl.ds(base, rw)], b_v, sem),
            pltpu.async_copy(tab_hbm, tab_v, sem),
        ]

        zero16 = jnp.zeros((16,), jnp.float32)

        def zbody(i, carry):
            start_v[pl.ds(i * 16, 16)] = zero16
            end_v[pl.ds(i * 16, 16)] = zero16
            return carry

        lax.fori_loop(0, SEGC, zbody, 0)
        for cp in cps:
            cp.wait()

        iota = lax.iota(jnp.int32, 16)
        prev_idx = jnp.maximum(iota - 1, 0)
        next_idx = jnp.minimum(iota + 1, 15)
        last_idx = jnp.full((16,), 15, jnp.int32)
        m0 = iota == 0
        m15 = iota == 15

        def body(i, carry):
            run_vec, prevb_vec = carry
            off = i * 16
            b = b_v[pl.ds(off, 16)]
            v = vals_v[pl.ds(off, 16)]
            zc = z_v[pl.ds(off, 16)]
            v = v + plsc.load_gather(tab_v, [zc])
            inc = plsc.cumsum(v) + run_vec
            prevv = jnp.where(m0, prevb_vec, _shuf(b, prev_idx))
            nextv = _shuf(b, next_idx)
            startm = b != prevv
            endm = (b != nextv) | m15
            plsc.store_scatter(start_v, [b], inc - v, mask=startm)
            plsc.store_scatter(end_v, [b], inc, mask=endm)
            return (_shuf(inc, last_idx), _shuf(b, last_idx))

        lax.fori_loop(0, ch, body,
                      (jnp.zeros((16,), jnp.float32),
                       jnp.full((16,), -1, jnp.int32)))

        def dbody(i, carry):
            sl = pl.ds(i * 16, 16)
            diff_v[sl] = end_v[sl] - start_v[sl]
            return carry

        lax.fori_loop(0, SEGC, dbody, 0)

        pltpu.sync_copy(diff_v, acc_sh.at[s])
        plsc.subcore_barrier()

        rcps = [
            pltpu.async_copy(acc_sh.at[j, pl.ds(s * 128, 128)], tmp_v.at[j], sem)
            for j in range(16)
        ]
        for k in range(8):
            red_v[pl.ds(k * 16, 16)] = zero16
        for cp in rcps:
            cp.wait()
        for j in range(16):
            for k in range(8):
                sl = pl.ds(k * 16, 16)
                red_v[sl] = red_v[sl] + tmp_v[j, pl.ds(k * 16, 16)]
        pltpu.sync_copy(red_v, out_hbm.at[pl.ds(c * NUM_SEG + s * 128, 128)])

    return _sc_segsum


_sc_a = _make_sc(0, ROWS_A)
_sc_b = _make_sc(ROWS_A, ROWS_B)


def _comb_body(p_ref, o_ref):
    o_ref[...] = jnp.sum(p_ref[...], axis=0, keepdims=True)


def _combine(partials):
    return pl.pallas_call(
        _comb_body,
        out_shape=jax.ShapeDtypeStruct((1, NUM_SEG), jnp.float32),
    )(partials)


def kernel(x, Z, batch, W1, b1, W2, b2, W3, b3, atom_ref):
    b1r = b1.reshape(1, H)
    b2c = b2.reshape(H, 1)
    w2t = W2.T
    w3t = W3.reshape(1, H)
    b3r = b3.reshape(1, 1)
    z32 = Z.astype(jnp.int32)
    b32 = batch.astype(jnp.int32)
    tab = jnp.pad(atom_ref.reshape(-1), (0, 16 - atom_ref.shape[0]))

    y_a = _mlp_a(x, W1, b1r, w2t, b2c, w3t, b3r)
    y_b = _mlp_b(x, W1, b1r, w2t, b2c, w3t, b3r)
    p_a = _sc_a(y_a, z32, b32, tab)
    p_b = _sc_b(y_b, z32, b32, tab)
    partials = jnp.concatenate(
        [p_a.reshape(2, NUM_SEG), p_b.reshape(2, NUM_SEG)], axis=0)
    out = _combine(partials)
    return out.reshape(NUM_SEG, 1)

# --- scband reference (transcript-rebuilt; emitter-appended) ---
"""Pipeline reference for scband-extensive-21638045237867 (READ-ONLY COPY).

The authoritative reference and input builder live on the scoring server;
editing this copy changes nothing except your own understanding.
"""

import jax, jax.numpy as jnp
import numpy as np

N = 320000
D = 128
H = 128
NUM_SEG = 2048
NUM_Z = 10
MEAN = 0.0
STD = 1.0

def setup_inputs(seed: int = 0):
    key = jax.random.key(seed)
    ks = jax.random.split(key, 8)
    x = jax.random.normal(ks[0], (N, D), dtype=jnp.float32)
    Z = jax.random.randint(ks[1], (N,), 0, NUM_Z)
    batch = jnp.sort(jax.random.randint(ks[2], (N,), 0, NUM_SEG))
    def lin(k, fan_in, fan_out):
        lim = 1.0 / np.sqrt(fan_in)
        kw, kb = jax.random.split(k)
        W = jax.random.uniform(kw, (fan_in, fan_out), minval=-lim, maxval=lim, dtype=jnp.float32)
        b = jax.random.uniform(kb, (fan_out,), minval=-lim, maxval=lim, dtype=jnp.float32)
        return W, b
    W1, b1 = lin(ks[3], D, H)
    W2, b2 = lin(ks[4], H, H)
    W3, b3 = lin(ks[5], H, 1)
    atom_ref = jax.random.normal(ks[6], (NUM_Z, 1), dtype=jnp.float32) * 0.1
    return {"x": x, "Z": Z, "batch": batch, "W1": W1, "b1": b1, "W2": W2, "b2": b2, "W3": W3, "b3": b3, "atom_ref": atom_ref}

def reference(x, Z, batch, W1, b1, W2, b2, W3, b3, atom_ref):
    h = jax.nn.silu(x @ W1 + b1)
    h = jax.nn.silu(h @ W2 + b2)
    out = h @ W3 + b3
    y = atom_ref[Z] + MEAN + STD * out
    return jax.ops.segment_sum(y, batch, num_segments=NUM_SEG)

if __name__ == "__main__":
    import jax
    _d = setup_inputs()
    print(jax.jit(kernel)(*tuple(_d.values())))

</pallas_src>

<mosaic_0001>
#map = affine_map<(d0, d1) -> (0)>
module attributes {stable_mosaic.version = 14 : i64} {
  func.func @_sc_segsum(%arg0: i32, %arg1: i32, %arg2: memref<192000xf32, #tpu.memory_space<hbm>>, %arg3: memref<320000xi32, #tpu.memory_space<hbm>>, %arg4: memref<320000xi32, #tpu.memory_space<hbm>>, %arg5: memref<16xf32, #tpu.memory_space<hbm>>, %arg6: memref<4096xf32, #tpu.memory_space<hbm>>, %arg7: memref<6000xf32, #tpu.memory_space<vmem>>, %arg8: memref<6000xi32, #tpu.memory_space<vmem>>, %arg9: memref<6000xi32, #tpu.memory_space<vmem>>, %arg10: memref<16xf32, #tpu.memory_space<vmem>>, %arg11: memref<2048xf32, #tpu.memory_space<vmem>>, %arg12: memref<2048xf32, #tpu.memory_space<vmem>>, %arg13: memref<2048xf32, #tpu.memory_space<vmem>>, %arg14: memref<128xf32, #tpu.memory_space<vmem>>, %arg15: memref<16x128xf32, #tpu.memory_space<vmem>>, %arg16: memref<16x2048xf32, #tpu.memory_space<vmem_shared>>, %arg17: memref<!tpu.dma_semaphore, #tpu.memory_space<semaphore_mem>>) attributes {dimension_semantics = [#tpu.dimension_semantics<core_parallel>, #tpu.dimension_semantics<subcore_parallel>], iteration_bounds = array<i64: 2, 16>, scalar_prefetch = 0 : i64, scratch_operands = 11 : i64, tpu.core_type = #tpu.core_type<sc_vector_subcore>, window_params = [{transform_indices = #map}, {transform_indices = #map}, {transform_indices = #map}, {transform_indices = #map}, {transform_indices = #map}]} {
    %mul3A = arith.constant 2 : i32
    %mul3A_0 = arith.muli %arg1, %mul3A : i32
    %add3A = arith.addi %mul3A_0, %arg0 : i32
    %mul3A_1 = arith.constant 6000 : i32
    %mul3A_2 = arith.muli %add3A, %mul3A_1 : i32
    %add3A_3 = arith.constant 0 : i32
    %add3A_4 = arith.addi %add3A_3, %mul3A_2 : i32
    %mul3A_5 = arith.constant 6000 : i32
    %mul3A_6 = arith.muli %add3A, %mul3A_5 : i32
    %dma_start3A = tpu.memref_slice %arg2[%mul3A_6] : memref<192000xf32, #tpu.memory_space<hbm>> -> memref<6000xf32, #tpu.memory_space<hbm>>
    %dma_start3A_7 = tpu.memref_slice %arg2[%mul3A_6] : memref<192000xf32, #tpu.memory_space<hbm>> -> memref<6000xf32, #tpu.memory_space<hbm>>
    tpu.enqueue_dma source(%dma_start3A_7 : memref<6000xf32, #tpu.memory_space<hbm>>) target(%arg7 : memref<6000xf32, #tpu.memory_space<vmem>>) target_semaphore(%arg17 : memref<!tpu.dma_semaphore, #tpu.memory_space<semaphore_mem>>)
    %dma_start3A_8 = tpu.memref_slice %arg3[%add3A_4] : memref<320000xi32, #tpu.memory_space<hbm>> -> memref<6000xi32, #tpu.memory_space<hbm>>
    %dma_start3A_9 = tpu.memref_slice %arg3[%add3A_4] : memref<320000xi32, #tpu.memory_space<hbm>> -> memref<6000xi32, #tpu.memory_space<hbm>>
    tpu.enqueue_dma source(%dma_start3A_9 : memref<6000xi32, #tpu.memory_space<hbm>>) target(%arg8 : memref<6000xi32, #tpu.memory_space<vmem>>) target_semaphore(%arg17 : memref<!tpu.dma_semaphore, #tpu.memory_space<semaphore_mem>>)
    %dma_start3A_10 = tpu.memref_slice %arg4[%add3A_4] : memref<320000xi32, #tpu.memory_space<hbm>> -> memref<6000xi32, #tpu.memory_space<hbm>>
    %dma_start3A_11 = tpu.memref_slice %arg4[%add3A_4] : memref<320000xi32, #tpu.memory_space<hbm>> -> memref<6000xi32, #tpu.memory_space<hbm>>
    tpu.enqueue_dma source(%dma_start3A_11 : memref<6000xi32, #tpu.memory_space<hbm>>) target(%arg9 : memref<6000xi32, #tpu.memory_space<vmem>>) target_semaphore(%arg17 : memref<!tpu.dma_semaphore, #tpu.memory_space<semaphore_mem>>)
    tpu.enqueue_dma source(%arg5 : memref<16xf32, #tpu.memory_space<hbm>>) target(%arg10 : memref<16xf32, #tpu.memory_space<vmem>>) target_semaphore(%arg17 : memref<!tpu.dma_semaphore, #tpu.memory_space<semaphore_mem>>)
    %broadcast_in_dim3A = arith.constant 0.000000e+00 : f32
    %broadcast_in_dim3A_12 = vector.broadcast %broadcast_in_dim3A : f32 to vector<16xf32>
    %scan3A = arith.constant 0 : i32
    %scan3A_13 = arith.constant 0 : i32
    %scan3A_14 = arith.constant 128 : i32
    %scan3A_15 = arith.addi %scan3A_13, %scan3A_14 : i32
    %scan3A_16 = arith.constant 1 : i32
    scf.for %scan3A_1642 = %scan3A_13 to %scan3A_15 step %scan3A_16  : i32 {
      %mul3A_1643 = arith.constant 16 : i32
      %mul3A_1644 = arith.muli %scan3A_1642, %mul3A_1643 : i32
      %swap3A_1645 = arith.index_cast %mul3A_1644 : i32 to index
      %swap3A_1646 = tpu.vector_load %arg11[%swap3A_1645] {strides = array<i32>} : memref<2048xf32, #tpu.memory_space<vmem>>, vector<16xf32>,
      tpu.vector_store %arg11[%swap3A_1645], %broadcast_in_dim3A_12 {strides = array<i32>} : memref<2048xf32, #tpu.memory_space<vmem>>, vector<16xf32>,
      %mul3A_1647 = arith.constant 16 : i32
      %mul3A_1648 = arith.muli %scan3A_1642, %mul3A_1647 : i32
      %swap3A_1649 = arith.index_cast %mul3A_1648 : i32 to index
      %swap3A_1650 = tpu.vector_load %arg12[%swap3A_1649] {strides = array<i32>} : memref<2048xf32, #tpu.memory_space<vmem>>, vector<16xf32>,
      tpu.vector_store %arg12[%swap3A_1649], %broadcast_in_dim3A_12 {strides = array<i32>} : memref<2048xf32, #tpu.memory_space<vmem>>, vector<16xf32>,
    }
    %scan3A_17 = arith.constant 128 : i32
    %dma_wait3A = tpu.memref_slice %arg2[%mul3A_6] : memref<192000xf32, #tpu.memory_space<hbm>> -> memref<6000xf32, #tpu.memory_space<hbm>>
    %dma_wait3A_18 = tpu.memref_slice %arg2[%mul3A_6] : memref<192000xf32, #tpu.memory_space<hbm>> -> memref<6000xf32, #tpu.memory_space<hbm>>
    tpu.wait_dma2 semaphore(%arg17 : memref<!tpu.dma_semaphore, #tpu.memory_space<semaphore_mem>>) src(%dma_wait3A_18 : memref<6000xf32, #tpu.memory_space<hbm>>) dst(%arg7 : memref<6000xf32, #tpu.memory_space<vmem>>)
    %dma_wait3A_19 = tpu.memref_slice %arg3[%add3A_4] : memref<320000xi32, #tpu.memory_space<hbm>> -> memref<6000xi32, #tpu.memory_space<hbm>>
    %dma_wait3A_20 = tpu.memref_slice %arg3[%add3A_4] : memref<320000xi32, #tpu.memory_space<hbm>> -> memref<6000xi32, #tpu.memory_space<hbm>>
    tpu.wait_dma2 semaphore(%arg17 : memref<!tpu.dma_semaphore, #tpu.memory_space<semaphore_mem>>) src(%dma_wait3A_20 : memref<6000xi32, #tpu.memory_space<hbm>>) dst(%arg8 : memref<6000xi32, #tpu.memory_space<vmem>>)
    %dma_wait3A_21 = tpu.memref_slice %arg4[%add3A_4] : memref<320000xi32, #tpu.memory_space<hbm>> -> memref<6000xi32, #tpu.memory_space<hbm>>
    %dma_wait3A_22 = tpu.memref_slice %arg4[%add3A_4] : memref<320000xi32, #tpu.memory_space<hbm>> -> memref<6000xi32, #tpu.memory_space<hbm>>
    tpu.wait_dma2 semaphore(%arg17 : memref<!tpu.dma_semaphore, #tpu.memory_space<semaphore_mem>>) src(%dma_wait3A_22 : memref<6000xi32, #tpu.memory_space<hbm>>) dst(%arg9 : memref<6000xi32, #tpu.memory_space<vmem>>)
    tpu.wait_dma2 semaphore(%arg17 : memref<!tpu.dma_semaphore, #tpu.memory_space<semaphore_mem>>) src(%arg5 : memref<16xf32, #tpu.memory_space<hbm>>) dst(%arg10 : memref<16xf32, #tpu.memory_space<vmem>>)
    %iota3A = tpu.iota {dimensions = array<i32: 0>} : vector<16xi32>
    %sub3A = arith.constant 1 : i32
    %sub3A_23 = vector.broadcast %sub3A : i32 to vector<16xi32>
    %sub3A_24 = arith.subi %iota3A, %sub3A_23 : vector<16xi32>
    %max3A = arith.constant 0 : i32
    %max3A_25 = vector.broadcast %max3A : i32 to vector<16xi32>
    %max3A_26 = arith.maxsi %sub3A_24, %max3A_25 : vector<16xi32>
    %add3A_27 = arith.constant 1 : i32
    %add3A_28 = vector.broadcast %add3A_27 : i32 to vector<16xi32>
    %add3A_29 = arith.addi %iota3A, %add3A_28 : vector<16xi32>
    %min3A = arith.constant 15 : i32
    %min3A_30 = vector.broadcast %min3A : i32 to vector<16xi32>
    %min3A_31 = arith.minsi %add3A_29, %min3A_30 : vector<16xi32>
    %broadcast_in_dim3A_32 = arith.constant 15 : i32
    %broadcast_in_dim3A_33 = vector.broadcast %broadcast_in_dim3A_32 : i32 to vector<16xi32>
    %eq3A = arith.constant 0 : i32
    %eq3A_34 = vector.broadcast %eq3A : i32 to vector<16xi32>
    %eq3A_35 = arith.cmpi eq, %iota3A, %eq3A_34 : vector<16xi32>
    %eq3A_36 = arith.constant 15 : i32
    %eq3A_37 = vector.broadcast %eq3A_36 : i32 to vector<16xi32>
    %eq3A_38 = arith.cmpi eq, %iota3A, %eq3A_37 : vector<16xi32>
    %broadcast_in_dim3A_39 = arith.constant 0.000000e+00 : f32
    %broadcast_in_dim3A_40 = vector.broadcast %broadcast_in_dim3A_39 : f32 to vector<16xf32>
    %broadcast_in_dim3A_41 = arith.constant -1 : i32
    %broadcast_in_dim3A_42 = vector.broadcast %broadcast_in_dim3A_41 : i32 to vector<16xi32>
    %scan3A_43 = arith.constant 0 : i32
    %scan3A_44 = arith.constant 375 : i32
    %scan3A_45 = arith.addi %scan3A_43, %scan3A_44 : i32
    %scan3A_46 = arith.constant 1 : i32
    %scan3A_47:2 = scf.for %scan3A_1642 = %scan3A_43 to %scan3A_45 step %scan3A_46 iter_args(%scan3A_1643 = %broadcast_in_dim3A_40, %scan3A_1644 = %broadcast_in_dim3A_42) -> (vector<16xf32>, vector<16xi32>)  : i32 {
      %mul3A_1645 = arith.constant 16 : i32
      %mul3A_1646 = arith.muli %scan3A_1642, %mul3A_1645 : i32
      %get3A_1647 = arith.index_cast %mul3A_1646 : i32 to index
      %get3A_1648 = tpu.vector_load %arg9[%get3A_1647] {strides = array<i32>} : memref<6000xi32, #tpu.memory_space<vmem>>, vector<16xi32>,
      %get3A_1649 = arith.index_cast %mul3A_1646 : i32 to index
      %get3A_1650 = tpu.vector_load %arg7[%get3A_1649] {strides = array<i32>} : memref<6000xf32, #tpu.memory_space<vmem>>, vector<16xf32>,
      %get3A_1651 = arith.index_cast %mul3A_1646 : i32 to index
      %get3A_1652 = tpu.vector_load %arg8[%get3A_1651] {strides = array<i32>} : memref<6000xi32, #tpu.memory_space<vmem>>, vector<16xi32>,
      %gather3A = tpu.vector_load_idx %arg10[%get3A_1652] : memref<16xf32, #tpu.memory_space<vmem>>[vector<16xi32>], vector<16xf32>,
      %add3A_1653 = arith.addf %get3A_1650, %gather3A : vector<16xf32>
      %broadcast_in_dim3A_1654 = arith.constant true
      %broadcast_in_dim3A_1655 = vector.broadcast %broadcast_in_dim3A_1654 : i1 to vector<16xi1>
      %masked_cumsum3A = tpu.scan <sum>, %add3A_1653 masked %broadcast_in_dim3A_1655 : vector<16xf32>, vector<16xi1> -> vector<16xf32>
      %add3A_1656 = arith.addf %masked_cumsum3A, %scan3A_1643 : vector<16xf32>
      %reshape3A = vector.shape_cast %max3A_26 : vector<16xi32> to vector<16x1xi32>
      %gather3A_1657 = vector.shape_cast %reshape3A : vector<16x1xi32> to vector<16xi32>
      %gather3A_1658 = tpu.dynamic_gather %get3A_1648[%gather3A_1657] in [0] : vector<16xi32>, vector<16xi32> -> vector<16xi32>
      %select_n3A = arith.select %eq3A_35, %scan3A_1644, %gather3A_1658 : vector<16xi1>, vector<16xi32>
      %reshape3A_1659 = vector.shape_cast %min3A_31 : vector<16xi32> to vector<16x1xi32>
      %gather3A_1660 = vector.shape_cast %reshape3A_1659 : vector<16x1xi32> to vector<16xi32>
      %gather3A_1661 = tpu.dynamic_gather %get3A_1648[%gather3A_1660] in [0] : vector<16xi32>, vector<16xi32> -> vector<16xi32>
      %ne3A = arith.cmpi ne, %get3A_1648, %select_n3A : vector<16xi32>
      %ne3A_1662 = arith.cmpi ne, %get3A_1648, %gather3A_1661 : vector<16xi32>
      %or3A = arith.ori %ne3A_1662, %eq3A_38 : vector<16xi1>
      %sub3A_1663 = arith.subf %add3A_1656, %add3A_1653 : vector<16xf32>
      tpu.vector_store_idx %arg11[%get3A_1648], %sub3A_1663 masked %ne3A : memref<2048xf32, #tpu.memory_space<vmem>>[vector<16xi32>], vector<16xf32>, vector<16xi1>
      tpu.vector_store_idx %arg12[%get3A_1648], %add3A_1656 masked %or3A : memref<2048xf32, #tpu.memory_space<vmem>>[vector<16xi32>], vector<16xf32>, vector<16xi1>
      %reshape3A_1664 = vector.shape_cast %broadcast_in_dim3A_33 : vector<16xi32> to vector<16x1xi32>
      %gather3A_1665 = vector.shape_cast %reshape3A_1664 : vector<16x1xi32> to vector<16xi32>
      %gather3A_1666 = tpu.dynamic_gather %add3A_1656[%gather3A_1665] in [0] : vector<16xf32>, vector<16xi32> -> vector<16xf32>
      %reshape3A_1667 = vector.shape_cast %broadcast_in_dim3A_33 : vector<16xi32> to vector<16x1xi32>
      %gather3A_1668 = vector.shape_cast %reshape3A_1667 : vector<16x1xi32> to vector<16xi32>
      %gather3A_1669 = tpu.dynamic_gather %get3A_1648[%gather3A_1668] in [0] : vector<16xi32>, vector<16xi32> -> vector<16xi32>
      scf.yield %gather3A_1666, %gather3A_1669 : vector<16xf32>, vector<16xi32>
    }
    %scan3A_48 = arith.constant 375 : i32
    %scan3A_49 = arith.constant 0 : i32
    %scan3A_50 = arith.constant 0 : i32
    %scan3A_51 = arith.constant 128 : i32
    %scan3A_52 = arith.addi %scan3A_50, %scan3A_51 : i32
    %scan3A_53 = arith.constant 1 : i32
    scf.for %scan3A_1642 = %scan3A_50 to %scan3A_52 step %scan3A_53  : i32 {
      %mul3A_1643 = arith.constant 16 : i32
      %mul3A_1644 = arith.muli %scan3A_1642, %mul3A_1643 : i32
      %get3A_1645 = arith.index_cast %mul3A_1644 : i32 to index
      %get3A_1646 = tpu.vector_load %arg12[%get3A_1645] {strides = array<i32>} : memref<2048xf32, #tpu.memory_space<vmem>>, vector<16xf32>,
      %get3A_1647 = arith.index_cast %mul3A_1644 : i32 to index
      %get3A_1648 = tpu.vector_load %arg11[%get3A_1647] {strides = array<i32>} : memref<2048xf32, #tpu.memory_space<vmem>>, vector<16xf32>,
      %sub3A_1649 = arith.subf %get3A_1646, %get3A_1648 : vector<16xf32>
      %swap3A_1650 = arith.index_cast %mul3A_1644 : i32 to index
      %swap3A_1651 = tpu.vector_load %arg13[%swap3A_1650] {strides = array<i32>} : memref<2048xf32, #tpu.memory_space<vmem>>, vector<16xf32>,
      tpu.vector_store %arg13[%swap3A_1650], %sub3A_1649 {strides = array<i32>} : memref<2048xf32, #tpu.memory_space<vmem>>, vector<16xf32>,
    }
    %scan3A_54 = arith.constant 128 : i32
    "tpu.region"() ({
      %run_scoped3A = tpu.sem_alloc : memref<!tpu.dma_semaphore, #tpu.memory_space<semaphore_mem>>
      %dma_start3A_1642 = arith.constant 0 : i32
      %dma_start3A_1643 = tpu.memref_slice %arg16[%arg1, %dma_start3A_1642] : memref<16x2048xf32, #tpu.memory_space<vmem_shared>> -> memref<1x2048xf32, #tpu.memory_space<vmem_shared>>
      %dma_start3A_1644 = tpu.memref_squeeze %dma_start3A_1643 : memref<1x2048xf32, #tpu.memory_space<vmem_shared>> -> memref<2048xf32, #tpu.memory_space<vmem_shared>>
      %dma_start3A_1645 = arith.constant 0 : i32
      %dma_start3A_1646 = tpu.memref_slice %arg16[%arg1, %dma_start3A_1645] : memref<16x2048xf32, #tpu.memory_space<vmem_shared>> -> memref<1x2048xf32, #tpu.memory_space<vmem_shared>>
      %dma_start3A_1647 = tpu.memref_squeeze %dma_start3A_1646 : memref<1x2048xf32, #tpu.memory_space<vmem_shared>> -> memref<2048xf32, #tpu.memory_space<vmem_shared>>
      tpu.enqueue_dma source(%arg13 : memref<2048xf32, #tpu.memory_space<vmem>>) target(%dma_start3A_1647 : memref<2048xf32, #tpu.memory_space<vmem_shared>>) target_semaphore(%run_scoped3A : memref<!tpu.dma_semaphore, #tpu.memory_space<semaphore_mem>>)
      %dma_wait3A_1648 = arith.constant 0 : i32
      %dma_wait3A_1649 = tpu.memref_slice %arg16[%arg1, %dma_wait3A_1648] : memref<16x2048xf32, #tpu.memory_space<vmem_shared>> -> memref<1x2048xf32, #tpu.memory_space<vmem_shared>>
      %dma_wait3A_1650 = tpu.memref_squeeze %dma_wait3A_1649 : memref<1x2048xf32, #tpu.memory_space<vmem_shared>> -> memref<2048xf32, #tpu.memory_space<vmem_shared>>
      %dma_wait3A_1651 = arith.constant 0 : i32
      %dma_wait3A_1652 = tpu.memref_slice %arg16[%arg1, %dma_wait3A_1651] : memref<16x2048xf32, #tpu.memory_space<vmem_shared>> -> memref<1x2048xf32, #tpu.memory_space<vmem_shared>>
      %dma_wait3A_1653 = tpu.memref_squeeze %dma_wait3A_1652 : memref<1x2048xf32, #tpu.memory_space<vmem_shared>> -> memref<2048xf32, #tpu.memory_space<vmem_shared>>
      tpu.wait_dma2 semaphore(%run_scoped3A : memref<!tpu.dma_semaphore, #tpu.memory_space<semaphore_mem>>) src(%arg13 : memref<2048xf32, #tpu.memory_space<vmem>>) dst(%dma_wait3A_1653 : memref<2048xf32, #tpu.memory_space<vmem_shared>>)
      tpu.yield
    }) : () -> ()
    %barrier3A = arith.constant 0 : index
    tpu.barrier barrier_id(%barrier3A)
    %mul3A_55 = arith.constant 128 : i32
    %mul3A_56 = arith.muli %arg1, %mul3A_55 : i32
    %dma_start3A_57 = arith.constant 0 : i32
    %dma_start3A_58 = arith.constant 0 : i32
    %dma_start3A_59 = arith.constant 0 : i32
    %dma_start3A_60 = tpu.memref_slice %arg15[%dma_start3A_58, %dma_start3A_59] : memref<16x128xf32, #tpu.memory_space<vmem>> -> memref<1x128xf32, #tpu.memory_space<vmem>>
    %dma_start3A_61 = tpu.memref_squeeze %dma_start3A_60 : memref<1x128xf32, #tpu.memory_space<vmem>> -> memref<128xf32, #tpu.memory_space<vmem>>
    %dma_start3A_62 = tpu.memref_slice %arg16[%dma_start3A_57, %mul3A_56] : memref<16x2048xf32, #tpu.memory_space<vmem_shared>> -> memref<1x128xf32, #tpu.memory_space<vmem_shared>>
    %dma_start3A_63 = tpu.memref_squeeze %dma_start3A_62 : memref<1x128xf32, #tpu.memory_space<vmem_shared>> -> memref<128xf32, #tpu.memory_space<vmem_shared>>
    %dma_start3A_64 = arith.constant 0 : i32
    %dma_start3A_65 = tpu.memref_slice %arg15[%dma_start3A_58, %dma_start3A_64] : memref<16x128xf32, #tpu.memory_space<vmem>> -> memref<1x128xf32, #tpu.memory_space<vmem>>
    %dma_start3A_66 = tpu.memref_squeeze %dma_start3A_65 : memref<1x128xf32, #tpu.memory_space<vmem>> -> memref<128xf32, #tpu.memory_space<vmem>>
    %dma_start3A_67 = tpu.memref_slice %arg16[%dma_start3A_57, %mul3A_56] : memref<16x2048xf32, #tpu.memory_space<vmem_shared>> -> memref<1x128xf32, #tpu.memory_space<vmem_shared>>
    %dma_start3A_68 = tpu.memref_squeeze %dma_start3A_67 : memref<1x128xf32, #tpu.memory_space<vmem_shared>> -> memref<128xf32, #tpu.memory_space<vmem_shared>>
    tpu.enqueue_dma source(%dma_start3A_68 : memref<128xf32, #tpu.memory_space<vmem_shared>>) target(%dma_start3A_66 : memref<128xf32, #tpu.memory_space<vmem>>) target_semaphore(%arg17 : memref<!tpu.dma_semaphore, #tpu.memory_space<semaphore_mem>>)
    %mul3A_69 = arith.constant 128 : i32
    %mul3A_70 = arith.muli %arg1, %mul3A_69 : i32
    %dma_start3A_71 = arith.constant 1 : i32
    %dma_start3A_72 = arith.constant 1 : i32
    %dma_start3A_73 = arith.constant 0 : i32
    %dma_start3A_74 = tpu.memref_slice %arg15[%dma_start3A_72, %dma_start3A_73] : memref<16x128xf32, #tpu.memory_space<vmem>> -> memref<1x128xf32, #tpu.memory_space<vmem>>
    %dma_start3A_75 = tpu.memref_squeeze %dma_start3A_74 : memref<1x128xf32, #tpu.memory_space<vmem>> -> memref<128xf32, #tpu.memory_space<vmem>>
    %dma_start3A_76 = tpu.memref_slice %arg16[%dma_start3A_71, %mul3A_70] : memref<16x2048xf32, #tpu.memory_space<vmem_shared>> -> memref<1x128xf32, #tpu.memory_space<vmem_shared>>
    %dma_start3A_77 = tpu.memref_squeeze %dma_start3A_76 : memref<1x128xf32, #tpu.memory_space<vmem_shared>> -> memref<128xf32, #tpu.memory_space<vmem_shared>>
    %dma_start3A_78 = arith.constant 0 : i32
    %dma_start3A_79 = tpu.memref_slice %arg15[%dma_start3A_72, %dma_start3A_78] : memref<16x128xf32, #tpu.memory_space<vmem>> -> memref<1x128xf32, #tpu.memory_space<vmem>>
    %dma_start3A_80 = tpu.memref_squeeze %dma_start3A_79 : memref<1x128xf32, #tpu.memory_space<vmem>> -> memref<128xf32, #tpu.memory_space<vmem>>
    %dma_start3A_81 = tpu.memref_slice %arg16[%dma_start3A_71, %mul3A_70] : memref<16x2048xf32, #tpu.memory_space<vmem_shared>> -> memref<1x128xf32, #tpu.memory_space<vmem_shared>>
    %dma_start3A_82 = tpu.memref_squeeze %dma_start3A_81 : memref<1x128xf32, #tpu.memory_space<vmem_shared>> -> memref<128xf32, #tpu.memory_space<vmem_shared>>
    tpu.enqueue_dma source(%dma_start3A_82 : memref<128xf32, #tpu.memory_space<vmem_shared>>) target(%dma_start3A_80 : memref<128xf32, #tpu.memory_space<vmem>>) target_semaphore(%arg17 : memref<!tpu.dma_semaphore, #tpu.memory_space<semaphore_mem>>)
    %mul3A_83 = arith.constant 128 : i32
    %mul3A_84 = arith.muli %arg1, %mul3A_83 : i32
    %dma_start3A_85 = arith.constant 2 : i32
    %dma_start3A_86 = arith.constant 2 : i32
    %dma_start3A_87 = arith.constant 0 : i32
    %dma_start3A_88 = tpu.memref_slice %arg15[%dma_start3A_86, %dma_start3A_87] : memref<16x128xf32, #tpu.memory_space<vmem>> -> memref<1x128xf32, #tpu.memory_space<vmem>>
    %dma_start3A_89 = tpu.memref_squeeze %dma_start3A_88 : memref<1x128xf32, #tpu.memory_space<vmem>> -> memref<128xf32, #tpu.memory_space<vmem>>
    %dma_start3A_90 = tpu.memref_slice %arg16[%dma_start3A_85, %mul3A_84] : memref<16x2048xf32, #tpu.memory_space<vmem_shared>> -> memref<1x128xf32, #tpu.memory_space<vmem_shared>>
    %dma_start3A_91 = tpu.memref_squeeze %dma_start3A_90 : memref<1x128xf32, #tpu.memory_space<vmem_shared>> -> memref<128xf32, #tpu.memory_space<vmem_shared>>
    %dma_start3A_92 = arith.constant 0 : i32
    %dma_start3A_93 = tpu.memref_slice %arg15[%dma_start3A_86, %dma_start3A_92] : memref<16x128xf32, #tpu.memory_space<vmem>> -> memref<1x128xf32, #tpu.memory_space<vmem>>
    %dma_start3A_94 = tpu.memref_squeeze %dma_start3A_93 : memref<1x128xf32, #tpu.memory_space<vmem>> -> memref<128xf32, #tpu.memory_space<vmem>>
    %dma_start3A_95 = tpu.memref_slice %arg16[%dma_start3A_85, %mul3A_84] : memref<16x2048xf32, #tpu.memory_space<vmem_shared>> -> memref<1x128xf32, #tpu.memory_space<vmem_shared>>
    %dma_start3A_96 = tpu.memref_squeeze %dma_start3A_95 : memref<1x128xf32, #tpu.memory_space<vmem_shared>> -> memref<128xf32, #tpu.memory_space<vmem_shared>>
    tpu.enqueue_dma source(%dma_start3A_96 : memref<128xf32, #tpu.memory_space<vmem_shared>>) target(%dma_start3A_94 : memref<128xf32, #tpu.memory_space<vmem>>) target_semaphore(%arg17 : memref<!tpu.dma_semaphore, #tpu.memory_space<semaphore_mem>>)
    %mul3A_97 = arith.constant 128 : i32
    %mul3A_98 = arith.muli %arg1, %mul3A_97 : i32
    %dma_start3A_99 = arith.constant 3 : i32
    %dma_start3A_100 = arith.constant 3 : i32
    %dma_start3A_101 = arith.constant 0 : i32
    %dma_start3A_102 = tpu.memref_slice %arg15[%dma_start3A_100, %dma_start3A_101] : memref<16x128xf32, #tpu.memory_space<vmem>> -> memref<1x128xf32, #tpu.memory_space<vmem>>
    %dma_start3A_103 = tpu.memref_squeeze %dma_start3A_102 : memref<1x128xf32, #tpu.memory_space<vmem>> -> memref<128xf32, #tpu.memory_space<vmem>>
    %dma_start3A_104 = tpu.memref_slice %arg16[%dma_start3A_99, %mul3A_98] : memref<16x2048xf32, #tpu.memory_space<vmem_shared>> -> memref<1x128xf32, #tpu.memory_space<vmem_shared>>
    %dma_start3A_105 = tpu.memref_squeeze %dma_start3A_104 : memref<1x128xf32, #tpu.memory_space<vmem_shared>> -> memref<128xf32, #tpu.memory_space<vmem_shared>>
    %dma_start3A_106 = arith.constant 0 : i32
    %dma_start3A_107 = tpu.memref_slice %arg15[%dma_start3A_100, %dma_start3A_106] : memref<16x128xf32, #tpu.memory_space<vmem>> -> memref<1x128xf32, #tpu.memory_space<vmem>>
    %dma_start3A_108 = tpu.memref_squeeze %dma_start3A_107 : memref<1x128xf32, #tpu.memory_space<vmem>> -> memref<128xf32, #tpu.memory_space<vmem>>
    %dma_start3A_109 = tpu.memref_slice %arg16[%dma_start3A_99, %mul3A_98] : memref<16x2048xf32, #tpu.memory_space<vmem_shared>> -> memref<1x128xf32, #tpu.memory_space<vmem_shared>>
    %dma_start3A_110 = tpu.memref_squeeze %dma_start3A_109 : memref<1x128xf32, #tpu.memory_space<vmem_shared>> -> memref<128xf32, #tpu.memory_space<vmem_shared>>
    tpu.enqueue_dma source(%dma_start3A_110 : memref<128xf32, #tpu.memory_space<vmem_shared>>) target(%dma_start3A_108 : memref<128xf32, #tpu.memory_space<vmem>>) target_semaphore(%arg17 : memref<!tpu.dma_semaphore, #tpu.memory_space<semaphore_mem>>)
    %mul3A_111 = arith.constant 128 : i32
    %mul3A_112 = arith.muli %arg1, %mul3A_111 : i32
    %dma_start3A_113 = arith.constant 4 : i32
    %dma_start3A_114 = arith.constant 4 : i32
    %dma_start3A_115 = arith.constant 0 : i32
    %dma_start3A_116 = tpu.memref_slice %arg15[%dma_start3A_114, %dma_start3A_115] : memref<16x128xf32, #tpu.memory_space<vmem>> -> memref<1x128xf32, #tpu.memory_space<vmem>>
    %dma_start3A_117 = tpu.memref_squeeze %dma_start3A_116 : memref<1x128xf32, #tpu.memory_space<vmem>> -> memref<128xf32, #tpu.memory_space<vmem>>
    %dma_start3A_118 = tpu.memref_slice %arg16[%dma_start3A_113, %mul3A_112] : memref<16x2048xf32, #tpu.memory_space<vmem_shared>> -> memref<1x128xf32, #tpu.memory_space<vmem_shared>>
    %dma_start3A_119 = tpu.memref_squeeze %dma_start3A_118 : memref<1x128xf32, #tpu.memory_space<vmem_shared>> -> memref<128xf32, #tpu.memory_space<vmem_shared>>
    %dma_start3A_120 = arith.constant 0 : i32
    %dma_start3A_121 = tpu.memref_slice %arg15[%dma_start3A_114, %dma_start3A_120] : memref<16x128xf32, #tpu.memory_space<vmem>> -> memref<1x128xf32, #tpu.memory_space<vmem>>
    %dma_start3A_122 = tpu.memref_squeeze %dma_start3A_121 : memref<1x128xf32, #tpu.memory_space<vmem>> -> memref<128xf32, #tpu.memory_space<vmem>>
    %dma_start3A_123 = tpu.memref_slice %arg16[%dma_start3A_113, %mul3A_112] : memref<16x2048xf32, #tpu.memory_space<vmem_shared>> -> memref<1x128xf32, #tpu.memory_space<vmem_shared>>
    %dma_start3A_124 = tpu.memref_squeeze %dma_start3A_123 : memref<1x128xf32, #tpu.memory_space<vmem_shared>> -> memref<128xf32, #tpu.memory_space<vmem_shared>>
    tpu.enqueue_dma source(%dma_start3A_124 : memref<128xf32, #tpu.memory_space<vmem_shared>>) target(%dma_start3A_122 : memref<128xf32, #tpu.memory_space<vmem>>) target_semaphore(%arg17 : memref<!tpu.dma_semaphore, #tpu.memory_space<semaphore_mem>>)
    %mul3A_125 = arith.constant 128 : i32
    %mul3A_126 = arith.muli %arg1, %mul3A_125 : i32
    %dma_start3A_127 = arith.constant 5 : i32
    %dma_start3A_128 = arith.constant 5 : i32
    %dma_start3A_129 = arith.constant 0 : i32
    %dma_start3A_130 = tpu.memref_slice %arg15[%dma_start3A_128, %dma_start3A_129] : memref<16x128xf32, #tpu.memory_space<vmem>> -> memref<1x128xf32, #tpu.memory_space<vmem>>
    %dma_start3A_131 = tpu.memref_squeeze %dma_start3A_130 : memref<1x128xf32, #tpu.memory_space<vmem>> -> memref<128xf32, #tpu.memory_space<vmem>>
    %dma_start3A_132 = tpu.memref_slice %arg16[%dma_start3A_127, %mul3A_126] : memref<16x2048xf32, #tpu.memory_space<vmem_shared>> -> memref<1x128xf32, #tpu.memory_space<vmem_shared>>
    %dma_start3A_133 = tpu.memref_squeeze %dma_start3A_132 : memref<1x128xf32, #tpu.memory_space<vmem_shared>> -> memref<128xf32, #tpu.memory_space<vmem_shared>>
    %dma_start3A_134 = arith.constant 0 : i32
    %dma_start3A_135 = tpu.memref_slice %arg15[%dma_start3A_128, %dma_start3A_134] : memref<16x128xf32, #tpu.memory_space<vmem>> -> memref<1x128xf32, #tpu.memory_space<vmem>>
    %dma_start3A_136 = tpu.memref_squeeze %dma_start3A_135 : memref<1x128xf32, #tpu.memory_space<vmem>> -> memref<128xf32, #tpu.memory_space<vmem>>
    %dma_start3A_137 = tpu.memref_slice %arg16[%dma_start3A_127, %mul3A_126] : memref<16x2048xf32, #tpu.memory_space<vmem_shared>> -> memref<1x128xf32, #tpu.memory_space<vmem_shared>>
    %dma_start3A_138 = tpu.memref_squeeze %dma_start3A_137 : memref<1x128xf32, #tpu.memory_space<vmem_shared>> -> memref<128xf32, #tpu.memory_space<vmem_shared>>
    tpu.enqueue_dma source(%dma_start3A_138 : memref<128xf32, #tpu.memory_space<vmem_shared>>) target(%dma_start3A_136 : memref<128xf32, #tpu.memory_space<vmem>>) target_semaphore(%arg17 : memref<!tpu.dma_semaphore, #tpu.memory_space<semaphore_mem>>)
    %mul3A_139 = arith.constant 128 : i32
    %mul3A_140 = arith.muli %arg1, %mul3A_139 : i32
    %dma_start3A_141 = arith.constant 6 : i32
    %dma_start3A_142 = arith.constant 6 : i32
    %dma_start3A_143 = arith.constant 0 : i32
    %dma_start3A_144 = tpu.memref_slice %arg15[%dma_start3A_142, %dma_start3A_143] : memref<16x128xf32, #tpu.memory_space<vmem>> -> memref<1x128xf32, #tpu.memory_space<vmem>>
    %dma_start3A_145 = tpu.memref_squeeze %dma_start3A_144 : memref<1x128xf32, #tpu.memory_space<vmem>> -> memref<128xf32, #tpu.memory_space<vmem>>
    %dma_start3A_146 = tpu.memref_slice %arg16[%dma_start3A_141, %mul3A_140] : memref<16x2048xf32, #tpu.memory_space<vmem_shared>> -> memref<1x128xf32, #tpu.memory_space<vmem_shared>>
    %dma_start3A_147 = tpu.memref_squeeze %dma_start3A_146 : memref<1x128xf32, #tpu.memory_space<vmem_shared>> -> memref<128xf32, #tpu.memory_space<vmem_shared>>
    %dma_start3A_148 = arith.constant 0 : i32
    %dma_start3A_149 = tpu.memref_slice %arg15[%dma_start3A_142, %dma_start3A_148] : memref<16x128xf32, #tpu.memory_space<vmem>> -> memref<1x128xf32, #tpu.memory_space<vmem>>
    %dma_start3A_150 = tpu.memref_squeeze %dma_start3A_149 : memref<1x128xf32, #tpu.memory_space<vmem>> -> memref<128xf32, #tpu.memory_space<vmem>>
    %dma_start3A_151 = tpu.memref_slice %arg16[%dma_start3A_141, %mul3A_140] : memref<16x2048xf32, #tpu.memory_space<vmem_shared>> -> memref<1x128xf32, #tpu.memory_space<vmem_shared>>
    %dma_start3A_152 = tpu.memref_squeeze %dma_start3A_151 : memref<1x128xf32, #tpu.memory_space<vmem_shared>> -> memref<128xf32, #tpu.memory_space<vmem_shared>>
    tpu.enqueue_dma source(%dma_start3A_152 : memref<128xf32, #tpu.memory_space<vmem_shared>>) target(%dma_start3A_150 : memref<128xf32, #tpu.memory_space<vmem>>) target_semaphore(%arg17 : memref<!tpu.dma_semaphore, #tpu.memory_space<semaphore_mem>>)
    %mul3A_153 = arith.constant 128 : i32
    %mul3A_154 = arith.muli %arg1, %mul3A_153 : i32
    %dma_start3A_155 = arith.constant 7 : i32
    %dma_start3A_156 = arith.constant 7 : i32
    %dma_start3A_157 = arith.constant 0 : i32
    %dma_start3A_158 = tpu.memref_slice %arg15[%dma_start3A_156, %dma_start3A_157] : memref<16x128xf32, #tpu.memory_space<vmem>> -> memref<1x128xf32, #tpu.memory_space<vmem>>
    %dma_start3A_159 = tpu.memref_squeeze %dma_start3A_158 : memref<1x128xf32, #tpu.memory_space<vmem>> -> memref<128xf32, #tpu.memory_space<vmem>>
    %dma_start3A_160 = tpu.memref_slice %arg16[%dma_start3A_155, %mul3A_154] : memref<16x2048xf32, #tpu.memory_space<vmem_shared>> -> memref<1x128xf32, #tpu.memory_space<vmem_shared>>
    %dma_start3A_161 = tpu.memref_squeeze %dma_start3A_160 : memref<1x128xf32, #tpu.memory_space<vmem_shared>> -> memref<128xf32, #tpu.memory_space<vmem_shared>>
    %dma_start3A_162 = arith.constant 0 : i32
    %dma_start3A_163 = tpu.memref_slice %arg15[%dma_start3A_156, %dma_start3A_162] : memref<16x128xf32, #tpu.memory_space<vmem>> -> memref<1x128xf32, #tpu.memory_space<vmem>>
    %dma_start3A_164 = tpu.memref_squeeze %dma_start3A_163 : memref<1x128xf32, #tpu.memory_space<vmem>> -> memref<128xf32, #tpu.memory_space<vmem>>
    %dma_start3A_165 = tpu.memref_slice %arg16[%dma_start3A_155, %mul3A_154] : memref<16x2048xf32, #tpu.memory_space<vmem_shared>> -> memref<1x128xf32, #tpu.memory_space<vmem_shared>>
    %dma_start3A_166 = tpu.memref_squeeze %dma_start3A_165 : memref<1x128xf32, #tpu.memory_space<vmem_shared>> -> memref<128xf32, #tpu.memory_space<vmem_shared>>
    tpu.enqueue_dma source(%dma_start3A_166 : memref<128xf32, #tpu.memory_space<vmem_shared>>) target(%dma_start3A_164 : memref<128xf32, #tpu.memory_space<vmem>>) target_semaphore(%arg17 : memref<!tpu.dma_semaphore, #tpu.memory_space<semaphore_mem>>)
    %mul3A_167 = arith.constant 128 : i32
    %mul3A_168 = arith.muli %arg1, %mul3A_167 : i32
    %dma_start3A_169 = arith.constant 8 : i32
    %dma_start3A_170 = arith.constant 8 : i32
    %dma_start3A_171 = arith.constant 0 : i32
    %dma_start3A_172 = tpu.memref_slice %arg15[%dma_start3A_170, %dma_start3A_171] : memref<16x128xf32, #tpu.memory_space<vmem>> -> memref<1x128xf32, #tpu.memory_space<vmem>>
    %dma_start3A_173 = tpu.memref_squeeze %dma_start3A_172 : memref<1x128xf32, #tpu.memory_space<vmem>> -> memref<128xf32, #tpu.memory_space<vmem>>
    %dma_start3A_174 = tpu.memref_slice %arg16[%dma_start3A_169, %mul3A_168] : memref<16x2048xf32, #tpu.memory_space<vmem_shared>> -> memref<1x128xf32, #tpu.memory_space<vmem_shared>>
    %dma_start3A_175 = tpu.memref_squeeze %dma_start3A_174 : memref<1x128xf32, #tpu.memory_space<vmem_shared>> -> memref<128xf32, #tpu.memory_space<vmem_shared>>
    %dma_start3A_176 = arith.constant 0 : i32
    %dma_start3A_177 = tpu.memref_slice %arg15[%dma_start3A_170, %dma_start3A_176] : memref<16x128xf32, #tpu.memory_space<vmem>> -> memref<1x128xf32, #tpu.memory_space<vmem>>
    %dma_start3A_178 = tpu.memref_squeeze %dma_start3A_177 : memref<1x128xf32, #tpu.memory_space<vmem>> -> memref<128xf32, #tpu.memory_space<vmem>>
    %dma_start3A_179 = tpu.memref_slice %arg16[%dma_start3A_169, %mul3A_168] : memref<16x2048xf32, #tpu.memory_space<vmem_shared>> -> memref<1x128xf32, #tpu.memory_space<vmem_shared>>
    %dma_start3A_180 = tpu.memref_squeeze %dma_start3A_179 : memref<1x128xf32, #tpu.memory_space<vmem_shared>> -> memref<128xf32, #tpu.memory_space<vmem_shared>>
    tpu.enqueue_dma source(%dma_start3A_180 : memref<128xf32, #tpu.memory_space<vmem_shared>>) target(%dma_start3A_178 : memref<128xf32, #tpu.memory_space<vmem>>) target_semaphore(%arg17 : memref<!tpu.dma_semaphore, #tpu.memory_space<semaphore_mem>>)
    %mul3A_181 = arith.constant 128 : i32
    %mul3A_182 = arith.muli %arg1, %mul3A_181 : i32
    %dma_start3A_183 = arith.constant 9 : i32
    %dma_start3A_184 = arith.constant 9 : i32
    %dma_start3A_185 = arith.constant 0 : i32
    %dma_start3A_186 = tpu.memref_slice %arg15[%dma_start3A_184, %dma_start3A_185] : memref<16x128xf32, #tpu.memory_space<vmem>> -> memref<1x128xf32, #tpu.memory_space<vmem>>
    %dma_start3A_187 = tpu.memref_squeeze %dma_start3A_186 : memref<1x128xf32, #tpu.memory_space<vmem>> -> memref<128xf32, #tpu.memory_space<vmem>>
    %dma_start3A_188 = tpu.memref_slice %arg16[%dma_start3A_183, %mul3A_182] : memref<16x2048xf32, #tpu.memory_space<vmem_shared>> -> memref<1x128xf32, #tpu.memory_space<vmem_shared>>
    %dma_start3A_189 = tpu.memref_squeeze %dma_start3A_188 : memref<1x128xf32, #tpu.memory_space<vmem_shared>> -> memref<128xf32, #tpu.memory_space<vmem_shared>>
    %dma_start3A_190 = arith.constant 0 : i32
    %dma_start3A_191 = tpu.memref_slice %arg15[%dma_start3A_184, %dma_start3A_190] : memref<16x128xf32, #tpu.memory_space<vmem>> -> memref<1x128xf32, #tpu.memory_space<vmem>>
    %dma_start3A_192 = tpu.memref_squeeze %dma_start3A_191 : memref<1x128xf32, #tpu.memory_space<vmem>> -> memref<128xf32, #tpu.memory_space<vmem>>
    %dma_start3A_193 = tpu.memref_slice %arg16[%dma_start3A_183, %mul3A_182] : memref<16x2048xf32, #tpu.memory_space<vmem_shared>> -> memref<1x128xf32, #tpu.memory_space<vmem_shared>>
    %dma_start3A_194 = tpu.memref_squeeze %dma_start3A_193 : memref<1x128xf32, #tpu.memory_space<vmem_shared>> -> memref<128xf32, #tpu.memory_space<vmem_shared>>
    tpu.enqueue_dma source(%dma_start3A_194 : memref<128xf32, #tpu.memory_space<vmem_shared>>) target(%dma_start3A_192 : memref<128xf32, #tpu.memory_space<vmem>>) target_semaphore(%arg17 : memref<!tpu.dma_semaphore, #tpu.memory_space<semaphore_mem>>)
    %mul3A_195 = arith.constant 128 : i32
    %mul3A_196 = arith.muli %arg1, %mul3A_195 : i32
    %dma_start3A_197 = arith.constant 10 : i32
    %dma_start3A_198 = arith.constant 10 : i32
    %dma_start3A_199 = arith.constant 0 : i32
    %dma_start3A_200 = tpu.memref_slice %arg15[%dma_start3A_198, %dma_start3A_199] : memref<16x128xf32, #tpu.memory_space<vmem>> -> memref<1x128xf32, #tpu.memory_space<vmem>>
    %dma_start3A_201 = tpu.memref_squeeze %dma_start3A_200 : memref<1x128xf32, #tpu.memory_space<vmem>> -> memref<128xf32, #tpu.memory_space<vmem>>
    %dma_start3A_202 = tpu.memref_slice %arg16[%dma_start3A_197, %mul3A_196] : memref<16x2048xf32, #tpu.memory_space<vmem_shared>> -> memref<1x128xf32, #tpu.memory_space<vmem_shared>>
    %dma_start3A_203 = tpu.memref_squeeze %dma_start3A_202 : memref<1x128xf32, #tpu.memory_space<vmem_shared>> -> memref<128xf32, #tpu.memory_space<vmem_shared>>
    %dma_start3A_204 = arith.constant 0 : i32
    %dma_start3A_205 = tpu.memref_slice %arg15[%dma_start3A_198, %dma_start3A_204] : memref<16x128xf32, #tpu.memory_space<vmem>> -> memref<1x128xf32, #tpu.memory_space<vmem>>
    %dma_start3A_206 = tpu.memref_squeeze %dma_start3A_205 : memref<1x128xf32, #tpu.memory_space<vmem>> -> memref<128xf32, #tpu.memory_space<vmem>>
    %dma_start3A_207 = tpu.memref_slice %arg16[%dma_start3A_197, %mul3A_196] : memref<16x2048xf32, #tpu.memory_space<vmem_shared>> -> memref<1x128xf32, #tpu.memory_space<vmem_shared>>
    %dma_start3A_208 = tpu.memref_squeeze %dma_start3A_207 : memref<1x128xf32, #tpu.memory_space<vmem_shared>> -> memref<128xf32, #tpu.memory_space<vmem_shared>>
    tpu.enqueue_dma source(%dma_start3A_208 : memref<128xf32, #tpu.memory_space<vmem_shared>>) target(%dma_start3A_206 : memref<128xf32, #tpu.memory_space<vmem>>) target_semaphore(%arg17 : memref<!tpu.dma_semaphore, #tpu.memory_space<semaphore_mem>>)
    %mul3A_209 = arith.constant 128 : i32
    %mul3A_210 = arith.muli %arg1, %mul3A_209 : i32
    %dma_start3A_211 = arith.constant 11 : i32
    %dma_start3A_212 = arith.constant 11 : i32
    %dma_start3A_213 = arith.constant 0 : i32
    %dma_start3A_214 = tpu.memref_slice %arg15[%dma_start3A_212, %dma_start3A_213] : memref<16x128xf32, #tpu.memory_space<vmem>> -> memref<1x128xf32, #tpu.memory_space<vmem>>
    %dma_start3A_215 = tpu.memref_squeeze %dma_start3A_214 : memref<1x128xf32, #tpu.memory_space<vmem>> -> memref<128xf32, #tpu.memory_space<vmem>>
    %dma_start3A_216 = tpu.memref_slice %arg16[%dma_start3A_211, %mul3A_210] : memref<16x2048xf32, #tpu.memory_space<vmem_shared>> -> memref<1x128xf32, #tpu.memory_space<vmem_shared>>
    %dma_start3A_217 = tpu.memref_squeeze %dma_start3A_216 : memref<1x128xf32, #tpu.memory_space<vmem_shared>> -> memref<128xf32, #tpu.memory_space<vmem_shared>>
    %dma_start3A_218 = arith.constant 0 : i32
    %dma_start3A_219 = tpu.memref_slice %arg15[%dma_start3A_212, %dma_start3A_218] : memref<16x128xf32, #tpu.memory_space<vmem>> -> memref<1x128xf32, #tpu.memory_space<vmem>>
    %dma_start3A_220 = tpu.memref_squeeze %dma_start3A_219 : memref<1x128xf32, #tpu.memory_space<vmem>> -> memref<128xf32, #tpu.memory_space<vmem>>
    %dma_start3A_221 = tpu.memref_slice %arg16[%dma_start3A_211, %mul3A_210] : memref<16x2048xf32, #tpu.memory_space<vmem_shared>> -> memref<1x128xf32, #tpu.memory_space<vmem_shared>>
    %dma_start3A_222 = tpu.memref_squeeze %dma_start3A_221 : memref<1x128xf32, #tpu.memory_space<vmem_shared>> -> memref<128xf32, #tpu.memory_space<vmem_shared>>
    tpu.enqueue_dma source(%dma_start3A_222 : memref<128xf32, #tpu.memory_space<vmem_shared>>) target(%dma_start3A_220 : memref<128xf32, #tpu.memory_space<vmem>>) target_semaphore(%arg17 : memref<!tpu.dma_semaphore, #tpu.memory_space<semaphore_mem>>)
    %mul3A_223 = arith.constant 128 : i32
    %mul3A_224 = arith.muli %arg1, %mul3A_223 : i32
    %dma_start3A_225 = arith.constant 12 : i32
    %dma_start3A_226 = arith.constant 12 : i32
    %dma_start3A_227 = arith.constant 0 : i32
    %dma_start3A_228 = tpu.memref_slice %arg15[%dma_start3A_226, %dma_start3A_227] : memref<16x128xf32, #tpu.memory_space<vmem>> -> memref<1x128xf32, #tpu.memory_space<vmem>>
    %dma_start3A_229 = tpu.memref_squeeze %dma_start3A_228 : memref<1x128xf32, #tpu.memory_space<vmem>> -> memref<128xf32, #tpu.memory_space<vmem>>
    %dma_start3A_230 = tpu.memref_slice %arg16[%dma_start3A_225, %mul3A_224] : memref<16x2048xf32, #tpu.memory_space<vmem_shared>> -> memref<1x128xf32, #tpu.memory_space<vmem_shared>>
    %dma_start3A_231 = tpu.memref_squeeze %dma_start3A_230 : memref<1x128xf32, #tpu.memory_space<vmem_shared>> -> memref<128xf32, #tpu.memory_space<vmem_shared>>
    %dma_start3A_232 = arith.constant 0 : i32
    %dma_start3A_233 = tpu.memref_slice %arg15[%dma_start3A_226, %dma_start3A_232] : memref<16x128xf32, #tpu.memory_space<vmem>> -> memref<1x128xf32, #tpu.memory_space<vmem>>
    %dma_start3A_234 = tpu.memref_squeeze %dma_start3A_233 : memref<1x128xf32, #tpu.memory_space<vmem>> -> memref<128xf32, #tpu.memory_space<vmem>>
    %dma_start3A_235 = tpu.memref_slice %arg16[%dma_start3A_225, %mul3A_224] : memref<16x2048xf32, #tpu.memory_space<vmem_shared>> -> memref<1x128xf32, #tpu.memory_space<vmem_shared>>
    %dma_start3A_236 = tpu.memref_squeeze %dma_start3A_235 : memref<1x128xf32, #tpu.memory_space<vmem_shared>> -> memref<128xf32, #tpu.memory_space<vmem_shared>>
    tpu.enqueue_dma source(%dma_start3A_236 : memref<128xf32, #tpu.memory_space<vmem_shared>>) target(%dma_start3A_234 : memref<128xf32, #tpu.memory_space<vmem>>) target_semaphore(%arg17 : memref<!tpu.dma_semaphore, #tpu.memory_space<semaphore_mem>>)
    %mul3A_237 = arith.constant 128 : i32
    %mul3A_238 = arith.muli %arg1, %mul3A_237 : i32
    %dma_start3A_239 = arith.constant 13 : i32
    %dma_start3A_240 = arith.constant 13 : i32
    %dma_start3A_241 = arith.constant 0 : i32
    %dma_start3A_242 = tpu.memref_slice %arg15[%dma_start3A_240, %dma_start3A_241] : memref<16x128xf32, #tpu.memory_space<vmem>> -> memref<1x128xf32, #tpu.memory_space<vmem>>
    %dma_start3A_243 = tpu.memref_squeeze %dma_start3A_242 : memref<1x128xf32, #tpu.memory_space<vmem>> -> memref<128xf32, #tpu.memory_space<vmem>>
    %dma_start3A_244 = tpu.memref_slice %arg16[%dma_start3A_239, %mul3A_238] : memref<16x2048xf32, #tpu.memory_space<vmem_shared>> -> memref<1x128xf32, #tpu.memory_space<vmem_shared>>
    %dma_start3A_245 = tpu.memref_squeeze %dma_start3A_244 : memref<1x128xf32, #tpu.memory_space<vmem_shared>> -> memref<128xf32, #tpu.memory_space<vmem_shared>>
    %dma_start3A_246 = arith.constant 0 : i32
    %dma_start3A_247 = tpu.memref_slice %arg15[%dma_start3A_240, %dma_start3A_246] : memref<16x128xf32, #tpu.memory_space<vmem>> -> memref<1x128xf32, #tpu.memory_space<vmem>>
    %dma_start3A_248 = tpu.memref_squeeze %dma_start3A_247 : memref<1x128xf32, #tpu.memory_space<vmem>> -> memref<128xf32, #tpu.memory_space<vmem>>
    %dma_start3A_249 = tpu.memref_slice %arg16[%dma_start3A_239, %mul3A_238] : memref<16x2048xf32, #tpu.memory_space<vmem_shared>> -> memref<1x128xf32, #tpu.memory_space<vmem_shared>>
    %dma_start3A_250 = tpu.memref_squeeze %dma_start3A_249 : memref<1x128xf32, #tpu.memory_space<vmem_shared>> -> memref<128xf32, #tpu.memory_space<vmem_shared>>
    tpu.enqueue_dma source(%dma_start3A_250 : memref<128xf32, #tpu.memory_space<vmem_shared>>) target(%dma_start3A_248 : memref<128xf32, #tpu.memory_space<vmem>>) target_semaphore(%arg17 : memref<!tpu.dma_semaphore, #tpu.memory_space<semaphore_mem>>)
    %mul3A_251 = arith.constant 128 : i32
    %mul3A_252 = arith.muli %arg1, %mul3A_251 : i32
    %dma_start3A_253 = arith.constant 14 : i32
    %dma_start3A_254 = arith.constant 14 : i32
    %dma_start3A_255 = arith.constant 0 : i32
    %dma_start3A_256 = tpu.memref_slice %arg15[%dma_start3A_254, %dma_start3A_255] : memref<16x128xf32, #tpu.memory_space<vmem>> -> memref<1x128xf32, #tpu.memory_space<vmem>>
    %dma_start3A_257 = tpu.memref_squeeze %dma_start3A_256 : memref<1x128xf32, #tpu.memory_space<vmem>> -> memref<128xf32, #tpu.memory_space<vmem>>
    %dma_start3A_258 = tpu.memref_slice %arg16[%dma_start3A_253, %mul3A_252] : memref<16x2048xf32, #tpu.memory_space<vmem_shared>> -> memref<1x128xf32, #tpu.memory_space<vmem_shared>>
    %dma_start3A_259 = tpu.memref_squeeze %dma_start3A_258 : memref<1x128xf32, #tpu.memory_space<vmem_shared>> -> memref<128xf32, #tpu.memory_space<vmem_shared>>
    %dma_start3A_260 = arith.constant 0 : i32
    %dma_start3A_261 = tpu.memref_slice %arg15[%dma_start3A_254, %dma_start3A_260] : memref<16x128xf32, #tpu.memory_space<vmem>> -> memref<1x128xf32, #tpu.memory_space<vmem>>
    %dma_start3A_262 = tpu.memref_squeeze %dma_start3A_261 : memref<1x128xf32, #tpu.memory_space<vmem>> -> memref<128xf32, #tpu.memory_space<vmem>>
    %dma_start3A_263 = tpu.memref_slice %arg16[%dma_start3A_253, %mul3A_252] : memref<16x2048xf32, #tpu.memory_space<vmem_shared>> -> memref<1x128xf32, #tpu.memory_space<vmem_shared>>
    %dma_start3A_264 = tpu.memref_squeeze %dma_start3A_263 : memref<1x128xf32, #tpu.memory_space<vmem_shared>> -> memref<128xf32, #tpu.memory_space<vmem_shared>>
    tpu.enqueue_dma source(%dma_start3A_264 : memref<128xf32, #tpu.memory_space<vmem_shared>>) target(%dma_start3A_262 : memref<128xf32, #tpu.memory_space<vmem>>) target_semaphore(%arg17 : memref<!tpu.dma_semaphore, #tpu.memory_space<semaphore_mem>>)
    %mul3A_265 = arith.constant 128 : i32
    %mul3A_266 = arith.muli %arg1, %mul3A_265 : i32
    %dma_start3A_267 = arith.constant 15 : i32
    %dma_start3A_268 = arith.constant 15 : i32
    %dma_start3A_269 = arith.constant 0 : i32
    %dma_start3A_270 = tpu.memref_slice %arg15[%dma_start3A_268, %dma_start3A_269] : memref<16x128xf32, #tpu.memory_space<vmem>> -> memref<1x128xf32, #tpu.memory_space<vmem>>
    %dma_start3A_271 = tpu.memref_squeeze %dma_start3A_270 : memref<1x128xf32, #tpu.memory_space<vmem>> -> memref<128xf32, #tpu.memory_space<vmem>>
    %dma_start3A_272 = tpu.memref_slice %arg16[%dma_start3A_267, %mul3A_266] : memref<16x2048xf32, #tpu.memory_space<vmem_shared>> -> memref<1x128xf32, #tpu.memory_space<vmem_shared>>
    %dma_start3A_273 = tpu.memref_squeeze %dma_start3A_272 : memref<1x128xf32, #tpu.memory_space<vmem_shared>> -> memref<128xf32, #tpu.memory_space<vmem_shared>>
    %dma_start3A_274 = arith.constant 0 : i32
    %dma_start3A_275 = tpu.memref_slice %arg15[%dma_start3A_268, %dma_start3A_274] : memref<16x128xf32, #tpu.memory_space<vmem>> -> memref<1x128xf32, #tpu.memory_space<vmem>>
    %dma_start3A_276 = tpu.memref_squeeze %dma_start3A_275 : memref<1x128xf32, #tpu.memory_space<vmem>> -> memref<128xf32, #tpu.memory_space<vmem>>
    %dma_start3A_277 = tpu.memref_slice %arg16[%dma_start3A_267, %mul3A_266] : memref<16x2048xf32, #tpu.memory_space<vmem_shared>> -> memref<1x128xf32, #tpu.memory_space<vmem_shared>>
    %dma_start3A_278 = tpu.memref_squeeze %dma_start3A_277 : memref<1x128xf32, #tpu.memory_space<vmem_shared>> -> memref<128xf32, #tpu.memory_space<vmem_shared>>
    tpu.enqueue_dma source(%dma_start3A_278 : memref<128xf32, #tpu.memory_space<vmem_shared>>) target(%dma_start3A_276 : memref<128xf32, #tpu.memory_space<vmem>>) target_semaphore(%arg17 : memref<!tpu.dma_semaphore, #tpu.memory_space<semaphore_mem>>)
    %swap3A = arith.constant 0 : index
    %swap3A_279 = tpu.vector_load %arg14[%swap3A] {strides = array<i32>} : memref<128xf32, #tpu.memory_space<vmem>>, vector<16xf32>,
    tpu.vector_store %arg14[%swap3A], %broadcast_in_dim3A_12 {strides = array<i32>} : memref<128xf32, #tpu.memory_space<vmem>>, vector<16xf32>,
    %swap3A_280 = arith.constant 16 : index
    %swap3A_281 = tpu.vector_load %arg14[%swap3A_280] {strides = array<i32>} : memref<128xf32, #tpu.memory_space<vmem>>, vector<16xf32>,
    tpu.vector_store %arg14[%swap3A_280], %broadcast_in_dim3A_12 {strides = array<i32>} : memref<128xf32, #tpu.memory_space<vmem>>, vector<16xf32>,
    %swap3A_282 = arith.constant 32 : index
    %swap3A_283 = tpu.vector_load %arg14[%swap3A_282] {strides = array<i32>} : memref<128xf32, #tpu.memory_space<vmem>>, vector<16xf32>,
    tpu.vector_store %arg14[%swap3A_282], %broadcast_in_dim3A_12 {strides = array<i32>} : memref<128xf32, #tpu.memory_space<vmem>>, vector<16xf32>,
    %swap3A_284 = arith.constant 48 : index
    %swap3A_285 = tpu.vector_load %arg14[%swap3A_284] {strides = array<i32>} : memref<128xf32, #tpu.memory_space<vmem>>, vector<16xf32>,
    tpu.vector_store %arg14[%swap3A_284], %broadcast_in_dim3A_12 {strides = array<i32>} : memref<128xf32, #tpu.memory_space<vmem>>, vector<16xf32>,
    %swap3A_286 = arith.constant 64 : index
    %swap3A_287 = tpu.vector_load %arg14[%swap3A_286] {strides = array<i32>} : memref<128xf32, #tpu.memory_space<vmem>>, vector<16xf32>,
    tpu.vector_store %arg14[%swap3A_286], %broadcast_in_dim3A_12 {strides = array<i32>} : memref<128xf32, #tpu.memory_space<vmem>>, vector<16xf32>,
    %swap3A_288 = arith.constant 80 : index
    %swap3A_289 = tpu.vector_load %arg14[%swap3A_288] {strides = array<i32>} : memref<128xf32, #tpu.memory_space<vmem>>, vector<16xf32>,
    tpu.vector_store %arg14[%swap3A_288], %broadcast_in_dim3A_12 {strides = array<i32>} : memref<128xf32, #tpu.memory_space<vmem>>, vector<16xf32>,
    %swap3A_290 = arith.constant 96 : index
    %swap3A_291 = tpu.vector_load %arg14[%swap3A_290] {strides = array<i32>} : memref<128xf32, #tpu.memory_space<vmem>>, vector<16xf32>,
    tpu.vector_store %arg14[%swap3A_290], %broadcast_in_dim3A_12 {strides = array<i32>} : memref<128xf32, #tpu.memory_space<vmem>>, vector<16xf32>,
    %swap3A_292 = arith.constant 112 : index
    %swap3A_293 = tpu.vector_load %arg14[%swap3A_292] {strides = array<i32>} : memref<128xf32, #tpu.memory_space<vmem>>, vector<16xf32>,
    tpu.vector_store %arg14[%swap3A_292], %broadcast_in_dim3A_12 {strides = array<i32>} : memref<128xf32, #tpu.memory_space<vmem>>, vector<16xf32>,
    %dma_wait3A_294 = arith.constant 0 : i32
    %dma_wait3A_295 = arith.constant 0 : i32
    %dma_wait3A_296 = arith.constant 0 : i32
    %dma_wait3A_297 = tpu.memref_slice %arg15[%dma_wait3A_295, %dma_wait3A_296] : memref<16x128xf32, #tpu.memory_space<vmem>> -> memref<1x128xf32, #tpu.memory_space<vmem>>
    %dma_wait3A_298 = tpu.memref_squeeze %dma_wait3A_297 : memref<1x128xf32, #tpu.memory_space<vmem>> -> memref<128xf32, #tpu.memory_space<vmem>>
    %dma_wait3A_299 = tpu.memref_slice %arg16[%dma_wait3A_294, %mul3A_56] : memref<16x2048xf32, #tpu.memory_space<vmem_shared>> -> memref<1x128xf32, #tpu.memory_space<vmem_shared>>
    %dma_wait3A_300 = tpu.memref_squeeze %dma_wait3A_299 : memref<1x128xf32, #tpu.memory_space<vmem_shared>> -> memref<128xf32, #tpu.memory_space<vmem_shared>>
    %dma_wait3A_301 = arith.constant 0 : i32
    %dma_wait3A_302 = tpu.memref_slice %arg15[%dma_wait3A_295, %dma_wait3A_301] : memref<16x128xf32, #tpu.memory_space<vmem>> -> memref<1x128xf32, #tpu.memory_space<vmem>>
    %dma_wait3A_303 = tpu.memref_squeeze %dma_wait3A_302 : memref<1x128xf32, #tpu.memory_space<vmem>> -> memref<128xf32, #tpu.memory_space<vmem>>
    %dma_wait3A_304 = tpu.memref_slice %arg16[%dma_wait3A_294, %mul3A_56] : memref<16x2048xf32, #tpu.memory_space<vmem_shared>> -> memref<1x128xf32, #tpu.memory_space<vmem_shared>>
    %dma_wait3A_305 = tpu.memref_squeeze %dma_wait3A_304 : memref<1x128xf32, #tpu.memory_space<vmem_shared>> -> memref<128xf32, #tpu.memory_space<vmem_shared>>
    tpu.wait_dma2 semaphore(%arg17 : memref<!tpu.dma_semaphore, #tpu.memory_space<semaphore_mem>>) src(%dma_wait3A_305 : memref<128xf32, #tpu.memory_space<vmem_shared>>) dst(%dma_wait3A_303 : memref<128xf32, #tpu.memory_space<vmem>>)
    %dma_wait3A_306 = arith.constant 1 : i32
    %dma_wait3A_307 = arith.constant 1 : i32
    %dma_wait3A_308 = arith.constant 0 : i32
    %dma_wait3A_309 = tpu.memref_slice %arg15[%dma_wait3A_307, %dma_wait3A_308] : memref<16x128xf32, #tpu.memory_space<vmem>> -> memref<1x128xf32, #tpu.memory_space<vmem>>
    %dma_wait3A_310 = tpu.memref_squeeze %dma_wait3A_309 : memref<1x128xf32, #tpu.memory_space<vmem>> -> memref<128xf32, #tpu.memory_space<vmem>>
    %dma_wait3A_311 = tpu.memref_slice %arg16[%dma_wait3A_306, %mul3A_70] : memref<16x2048xf32, #tpu.memory_space<vmem_shared>> -> memref<1x128xf32, #tpu.memory_space<vmem_shared>>
    %dma_wait3A_312 = tpu.memref_squeeze %dma_wait3A_311 : memref<1x128xf32, #tpu.memory_space<vmem_shared>> -> memref<128xf32, #tpu.memory_space<vmem_shared>>
    %dma_wait3A_313 = arith.constant 0 : i32
    %dma_wait3A_314 = tpu.memref_slice %arg15[%dma_wait3A_307, %dma_wait3A_313] : memref<16x128xf32, #tpu.memory_space<vmem>> -> memref<1x128xf32, #tpu.memory_space<vmem>>
    %dma_wait3A_315 = tpu.memref_squeeze %dma_wait3A_314 : memref<1x128xf32, #tpu.memory_space<vmem>> -> memref<128xf32, #tpu.memory_space<vmem>>
    %dma_wait3A_316 = tpu.memref_slice %arg16[%dma_wait3A_306, %mul3A_70] : memref<16x2048xf32, #tpu.memory_space<vmem_shared>> -> memref<1x128xf32, #tpu.memory_space<vmem_shared>>
    %dma_wait3A_317 = tpu.memref_squeeze %dma_wait3A_316 : memref<1x128xf32, #tpu.memory_space<vmem_shared>> -> memref<128xf32, #tpu.memory_space<vmem_shared>>
    tpu.wait_dma2 semaphore(%arg17 : memref<!tpu.dma_semaphore, #tpu.memory_space<semaphore_mem>>) src(%dma_wait3A_317 : memref<128xf32, #tpu.memory_space<vmem_shared>>) dst(%dma_wait3A_315 : memref<128xf32, #tpu.memory_space<vmem>>)
    %dma_wait3A_318 = arith.constant 2 : i32
    %dma_wait3A_319 = arith.constant 2 : i32
    %dma_wait3A_320 = arith.constant 0 : i32
    %dma_wait3A_321 = tpu.memref_slice %arg15[%dma_wait3A_319, %dma_wait3A_320] : memref<16x128xf32, #tpu.memory_space<vmem>> -> memref<1x128xf32, #tpu.memory_space<vmem>>
    %dma_wait3A_322 = tpu.memref_squeeze %dma_wait3A_321 : memref<1x128xf32, #tpu.memory_space<vmem>> -> memref<128xf32, #tpu.memory_space<vmem>>
    %dma_wait3A_323 = tpu.memref_slice %arg16[%dma_wait3A_318, %mul3A_84] : memref<16x2048xf32, #tpu.memory_space<vmem_shared>> -> memref<1x128xf32, #tpu.memory_space<vmem_shared>>
    %dma_wait3A_324 = tpu.memref_squeeze %dma_wait3A_323 : memref<1x128xf32, #tpu.memory_space<vmem_shared>> -> memref<128xf32, #tpu.memory_space<vmem_shared>>
    %dma_wait3A_325 = arith.constant 0 : i32
    %dma_wait3A_326 = tpu.memref_slice %arg15[%dma_wait3A_319, %dma_wait3A_325] : memref<16x128xf32, #tpu.memory_space<vmem>> -> memref<1x128xf32, #tpu.memory_space<vmem>>
    %dma_wait3A_327 = tpu.memref_squeeze %dma_wait3A_326 : memref<1x128xf32, #tpu.memory_space<vmem>> -> memref<128xf32, #tpu.memory_space<vmem>>
    %dma_wait3A_328 = tpu.memref_slice %arg16[%dma_wait3A_318, %mul3A_84] : memref<16x2048xf32, #tpu.memory_space<vmem_shared>> -> memref<1x128xf32, #tpu.memory_space<vmem_shared>>
    %dma_wait3A_329 = tpu.memref_squeeze %dma_wait3A_328 : memref<1x128xf32, #tpu.memory_space<vmem_shared>> -> memref<128xf32, #tpu.memory_space<vmem_shared>>
    tpu.wait_dma2 semaphore(%arg17 : memref<!tpu.dma_semaphore, #tpu.memory_space<semaphore_mem>>) src(%dma_wait3A_329 : memref<128xf32, #tpu.memory_space<vmem_shared>>) dst(%dma_wait3A_327 : memref<128xf32, #tpu.memory_space<vmem>>)
    %dma_wait3A_330 = arith.constant 3 : i32
    %dma_wait3A_331 = arith.constant 3 : i32
    %dma_wait3A_332 = arith.constant 0 : i32
    %dma_wait3A_333 = tpu.memref_slice %arg15[%dma_wait3A_331, %dma_wait3A_332] : memref<16x128xf32, #tpu.memory_space<vmem>> -> memref<1x128xf32, #tpu.memory_space<vmem>>
    %dma_wait3A_334 = tpu.memref_squeeze %dma_wait3A_333 : memref<1x128xf32, #tpu.memory_space<vmem>> -> memref<128xf32, #tpu.memory_space<vmem>>
    %dma_wait3A_335 = tpu.memref_slice %arg16[%dma_wait3A_330, %mul3A_98] : memref<16x2048xf32, #tpu.memory_space<vmem_shared>> -> memref<1x128xf32, #tpu.memory_space<vmem_shared>>
    %dma_wait3A_336 = tpu.memref_squeeze %dma_wait3A_335 : memref<1x128xf32, #tpu.memory_space<vmem_shared>> -> memref<128xf32, #tpu.memory_space<vmem_shared>>
    %dma_wait3A_337 = arith.constant 0 : i32
    %dma_wait3A_338 = tpu.memref_slice %arg15[%dma_wait3A_331, %dma_wait3A_337] : memref<16x128xf32, #tpu.memory_space<vmem>> -> memref<1x128xf32, #tpu.memory_space<vmem>>
    %dma_wait3A_339 = tpu.memref_squeeze %dma_wait3A_338 : memref<1x128xf32, #tpu.memory_space<vmem>> -> memref<128xf32, #tpu.memory_space<vmem>>
    %dma_wait3A_340 = tpu.memref_slice %arg16[%dma_wait3A_330, %mul3A_98] : memref<16x2048xf32, #tpu.memory_space<vmem_shared>> -> memref<1x128xf32, #tpu.memory_space<vmem_shared>>
    %dma_wait3A_341 = tpu.memref_squeeze %dma_wait3A_340 : memref<1x128xf32, #tpu.memory_space<vmem_shared>> -> memref<128xf32, #tpu.memory_space<vmem_shared>>
    tpu.wait_dma2 semaphore(%arg17 : memref<!tpu.dma_semaphore, #tpu.memory_space<semaphore_mem>>) src(%dma_wait3A_341 : memref<128xf32, #tpu.memory_space<vmem_shared>>) dst(%dma_wait3A_339 : memref<128xf32, #tpu.memory_space<vmem>>)
    %dma_wait3A_342 = arith.constant 4 : i32
    %dma_wait3A_343 = arith.constant 4 : i32
    %dma_wait3A_344 = arith.constant 0 : i32
    %dma_wait3A_345 = tpu.memref_slice %arg15[%dma_wait3A_343, %dma_wait3A_344] : memref<16x128xf32, #tpu.memory_space<vmem>> -> memref<1x128xf32, #tpu.memory_space<vmem>>
    %dma_wait3A_346 = tpu.memref_squeeze %dma_wait3A_345 : memref<1x128xf32, #tpu.memory_space<vmem>> -> memref<128xf32, #tpu.memory_space<vmem>>
    %dma_wait3A_347 = tpu.memref_slice %arg16[%dma_wait3A_342, %mul3A_112] : memref<16x2048xf32, #tpu.memory_space<vmem_shared>> -> memref<1x128xf32, #tpu.memory_space<vmem_shared>>
    %dma_wait3A_348 = tpu.memref_squeeze %dma_wait3A_347 : memref<1x128xf32, #tpu.memory_space<vmem_shared>> -> memref<128xf32, #tpu.memory_space<vmem_shared>>
    %dma_wait3A_349 = arith.constant 0 : i32
    %dma_wait3A_350 = tpu.memref_slice %arg15[%dma_wait3A_343, %dma_wait3A_349] : memref<16x128xf32, #tpu.memory_space<vmem>> -> memref<1x128xf32, #tpu.memory_space<vmem>>
    %dma_wait3A_351 = tpu.memref_squeeze %dma_wait3A_350 : memref<1x128xf32, #tpu.memory_space<vmem>> -> memref<128xf32, #tpu.memory_space<vmem>>
    %dma_wait3A_352 = tpu.memref_slice %arg16[%dma_wait3A_342, %mul3A_112] : memref<16x2048xf32, #tpu.memory_space<vmem_shared>> -> memref<1x128xf32, #tpu.memory_space<vmem_shared>>
    %dma_wait3A_353 = tpu.memref_squeeze %dma_wait3A_352 : memref<1x128xf32, #tpu.memory_space<vmem_shared>> -> memref<128xf32, #tpu.memory_space<vmem_shared>>
    tpu.wait_dma2 semaphore(%arg17 : memref<!tpu.dma_semaphore, #tpu.memory_space<semaphore_mem>>) src(%dma_wait3A_353 : memref<128xf32, #tpu.memory_space<vmem_shared>>) dst(%dma_wait3A_351 : memref<128xf32, #tpu.memory_space<vmem>>)
    %dma_wait3A_354 = arith.constant 5 : i32
    %dma_wait3A_355 = arith.constant 5 : i32
    %dma_wait3A_356 = arith.constant 0 : i32
    %dma_wait3A_357 = tpu.memref_slice %arg15[%dma_wait3A_355, %dma_wait3A_356] : memref<16x128xf32, #tpu.memory_space<vmem>> -> memref<1x128xf32, #tpu.memory_space<vmem>>
    %dma_wait3A_358 = tpu.memref_squeeze %dma_wait3A_357 : memref<1x128xf32, #tpu.memory_space<vmem>> -> memref<128xf32, #tpu.memory_space<vmem>>
    %dma_wait3A_359 = tpu.memref_slice %arg16[%dma_wait3A_354, %mul3A_126] : memref<16x2048xf32, #tpu.memory_space<vmem_shared>> -> memref<1x128xf32, #tpu.memory_space<vmem_shared>>
    %dma_wait3A_360 = tpu.memref_squeeze %dma_wait3A_359 : memref<1x128xf32, #tpu.memory_space<vmem_shared>> -> memref<128xf32, #tpu.memory_space<vmem_shared>>
    %dma_wait3A_361 = arith.constant 0 : i32
    %dma_wait3A_362 = tpu.memref_slice %arg15[%dma_wait3A_355, %dma_wait3A_361] : memref<16x128xf32, #tpu.memory_space<vmem>> -> memref<1x128xf32, #tpu.memory_space<vmem>>
    %dma_wait3A_363 = tpu.memref_squeeze %dma_wait3A_362 : memref<1x128xf32, #tpu.memory_space<vmem>> -> memref<128xf32, #tpu.memory_space<vmem>>
    %dma_wait3A_364 = tpu.memref_slice %arg16[%dma_wait3A_354, %mul3A_126] : memref<16x2048xf32, #tpu.memory_space<vmem_shared>> -> memref<1x128xf32, #tpu.memory_space<vmem_shared>>
    %dma_wait3A_365 = tpu.memref_squeeze %dma_wait3A_364 : memref<1x128xf32, #tpu.memory_space<vmem_shared>> -> memref<128xf32, #tpu.memory_space<vmem_shared>>
    tpu.wait_dma2 semaphore(%arg17 : memref<!tpu.dma_semaphore, #tpu.memory_space<semaphore_mem>>) src(%dma_wait3A_365 : memref<128xf32, #tpu.memory_space<vmem_shared>>) dst(%dma_wait3A_363 : memref<128xf32, #tpu.memory_space<vmem>>)
    %dma_wait3A_366 = arith.constant 6 : i32
    %dma_wait3A_367 = arith.constant 6 : i32
    %dma_wait3A_368 = arith.constant 0 : i32
    %dma_wait3A_369 = tpu.memref_slice %arg15[%dma_wait3A_367, %dma_wait3A_368] : memref<16x128xf32, #tpu.memory_space<vmem>> -> memref<1x128xf32, #tpu.memory_space<vmem>>
    %dma_wait3A_370 = tpu.memref_squeeze %dma_wait3A_369 : memref<1x128xf32, #tpu.memory_space<vmem>> -> memref<128xf32, #tpu.memory_space<vmem>>
    %dma_wait3A_371 = tpu.memref_slice %arg16[%dma_wait3A_366, %mul3A_140] : memref<16x2048xf32, #tpu.memory_space<vmem_shared>> -> memref<1x128xf32, #tpu.memory_space<vmem_shared>>
    %dma_wait3A_372 = tpu.memref_squeeze %dma_wait3A_371 : memref<1x128xf32, #tpu.memory_space<vmem_shared>> -> memref<128xf32, #tpu.memory_space<vmem_shared>>
    %dma_wait3A_373 = arith.constant 0 : i32
    %dma_wait3A_374 = tpu.memref_slice %arg15[%dma_wait3A_367, %dma_wait3A_373] : memref<16x128xf32, #tpu.memory_space<vmem>> -> memref<1x128xf32, #tpu.memory_space<vmem>>
    %dma_wait3A_375 = tpu.memref_squeeze %dma_wait3A_374 : memref<1x128xf32, #tpu.memory_space<vmem>> -> memref<128xf32, #tpu.memory_space<vmem>>
    %dma_wait3A_376 = tpu.memref_slice %arg16[%dma_wait3A_366, %mul3A_140] : memref<16x2048xf32, #tpu.memory_space<vmem_shared>> -> memref<1x128xf32, #tpu.memory_space<vmem_shared>>
    %dma_wait3A_377 = tpu.memref_squeeze %dma_wait3A_376 : memref<1x128xf32, #tpu.memory_space<vmem_shared>> -> memref<128xf32, #tpu.memory_space<vmem_shared>>
    tpu.wait_dma2 semaphore(%arg17 : memref<!tpu.dma_semaphore, #tpu.memory_space<semaphore_mem>>) src(%dma_wait3A_377 : memref<128xf32, #tpu.memory_space<vmem_shared>>) dst(%dma_wait3A_375 : memref<128xf32, #tpu.memory_space<vmem>>)
    %dma_wait3A_378 = arith.constant 7 : i32
    %dma_wait3A_379 = arith.constant 7 : i32
    %dma_wait3A_380 = arith.constant 0 : i32
    %dma_wait3A_381 = tpu.memref_slice %arg15[%dma_wait3A_379, %dma_wait3A_380] : memref<16x128xf32, #tpu.memory_space<vmem>> -> memref<1x128xf32, #tpu.memory_space<vmem>>
    %dma_wait3A_382 = tpu.memref_squeeze %dma_wait3A_381 : memref<1x128xf32, #tpu.memory_space<vmem>> -> memref<128xf32, #tpu.memory_space<vmem>>
    %dma_wait3A_383 = tpu.memref_slice %arg16[%dma_wait3A_378, %mul3A_154] : memref<16x2048xf32, #tpu.memory_space<vmem_shared>> -> memref<1x128xf32, #tpu.memory_space<vmem_shared>>
    %dma_wait3A_384 = tpu.memref_squeeze %dma_wait3A_383 : memref<1x128xf32, #tpu.memory_space<vmem_shared>> -> memref<128xf32, #tpu.memory_space<vmem_shared>>
    %dma_wait3A_385 = arith.constant 0 : i32
    %dma_wait3A_386 = tpu.memref_slice %arg15[%dma_wait3A_379, %dma_wait3A_385] : memref<16x128xf32, #tpu.memory_space<vmem>> -> memref<1x128xf32, #tpu.memory_space<vmem>>
    %dma_wait3A_387 = tpu.memref_squeeze %dma_wait3A_386 : memref<1x128xf32, #tpu.memory_space<vmem>> -> memref<128xf32, #tpu.memory_space<vmem>>
    %dma_wait3A_388 = tpu.memref_slice %arg16[%dma_wait3A_378, %mul3A_154] : memref<16x2048xf32, #tpu.memory_space<vmem_shared>> -> memref<1x128xf32, #tpu.memory_space<vmem_shared>>
    %dma_wait3A_389 = tpu.memref_squeeze %dma_wait3A_388 : memref<1x128xf32, #tpu.memory_space<vmem_shared>> -> memref<128xf32, #tpu.memory_space<vmem_shared>>
    tpu.wait_dma2 semaphore(%arg17 : memref<!tpu.dma_semaphore, #tpu.memory_space<semaphore_mem>>) src(%dma_wait3A_389 : memref<128xf32, #tpu.memory_space<vmem_shared>>) dst(%dma_wait3A_387 : memref<128xf32, #tpu.memory_space<vmem>>)
    %dma_wait3A_390 = arith.constant 8 : i32
    %dma_wait3A_391 = arith.constant 8 : i32
    %dma_wait3A_392 = arith.constant 0 : i32
    %dma_wait3A_393 = tpu.memref_slice %arg15[%dma_wait3A_391, %dma_wait3A_392] : memref<16x128xf32, #tpu.memory_space<vmem>> -> memref<1x128xf32, #tpu.memory_space<vmem>>
    %dma_wait3A_394 = tpu.memref_squeeze %dma_wait3A_393 : memref<1x128xf32, #tpu.memory_space<vmem>> -> memref<128xf32, #tpu.memory_space<vmem>>
    %dma_wait3A_395 = tpu.memref_slice %arg16[%dma_wait3A_390, %mul3A_168] : memref<16x2048xf32, #tpu.memory_space<vmem_shared>> -> memref<1x128xf32, #tpu.memory_space<vmem_shared>>
    %dma_wait3A_396 = tpu.memref_squeeze %dma_wait3A_395 : memref<1x128xf32, #tpu.memory_space<vmem_shared>> -> memref<128xf32, #tpu.memory_space<vmem_shared>>
    %dma_wait3A_397 = arith.constant 0 : i32
    %dma_wait3A_398 = tpu.memref_slice %arg15[%dma_wait3A_391, %dma_wait3A_397] : memref<16x128xf32, #tpu.memory_space<vmem>> -> memref<1x128xf32, #tpu.memory_space<vmem>>
    %dma_wait3A_399 = tpu.memref_squeeze %dma_wait3A_398 : memref<1x128xf32, #tpu.memory_space<vmem>> -> memref<128xf32, #tpu.memory_space<vmem>>
    %dma_wait3A_400 = tpu.memref_slice %arg16[%dma_wait3A_390, %mul3A_168] : memref<16x2048xf32, #tpu.memory_space<vmem_shared>> -> memref<1x128xf32, #tpu.memory_space<vmem_shared>>
    %dma_wait3A_401 = tpu.memref_squeeze %dma_wait3A_400 : memref<1x128xf32, #tpu.memory_space<vmem_shared>> -> memref<128xf32, #tpu.memory_space<vmem_shared>>
    tpu.wait_dma2 semaphore(%arg17 : memref<!tpu.dma_semaphore, #tpu.memory_space<semaphore_mem>>) src(%dma_wait3A_401 : memref<128xf32, #tpu.memory_space<vmem_shared>>) dst(%dma_wait3A_399 : memref<128xf32, #tpu.memory_space<vmem>>)
    %dma_wait3A_402 = arith.constant 9 : i32
    %dma_wait3A_403 = arith.constant 9 : i32
    %dma_wait3A_404 = arith.constant 0 : i32
    %dma_wait3A_405 = tpu.memref_slice %arg15[%dma_wait3A_403, %dma_wait3A_404] : memref<16x128xf32, #tpu.memory_space<vmem>> -> memref<1x128xf32, #tpu.memory_space<vmem>>
    %dma_wait3A_406 = tpu.memref_squeeze %dma_wait3A_405 : memref<1x128xf32, #tpu.memory_space<vmem>> -> memref<128xf32, #tpu.memory_space<vmem>>
    %dma_wait3A_407 = tpu.memref_slice %arg16[%dma_wait3A_402, %mul3A_182] : memref<16x2048xf32, #tpu.memory_space<vmem_shared>> -> memref<1x128xf32, #tpu.memory_space<vmem_shared>>
    %dma_wait3A_408 = tpu.memref_squeeze %dma_wait3A_407 : memref<1x128xf32, #tpu.memory_space<vmem_shared>> -> memref<128xf32, #tpu.memory_space<vmem_shared>>
    %dma_wait3A_409 = arith.constant 0 : i32
    %dma_wait3A_410 = tpu.memref_slice %arg15[%dma_wait3A_403, %dma_wait3A_409] : memref<16x128xf32, #tpu.memory_space<vmem>> -> memref<1x128xf32, #tpu.memory_space<vmem>>
    %dma_wait3A_411 = tpu.memref_squeeze %dma_wait3A_410 : memref<1x128xf32, #tpu.memory_space<vmem>> -> memref<128xf32, #tpu.memory_space<vmem>>
    %dma_wait3A_412 = tpu.memref_slice %arg16[%dma_wait3A_402, %mul3A_182] : memref<16x2048xf32, #tpu.memory_space<vmem_shared>> -> memref<1x128xf32, #tpu.memory_space<vmem_shared>>
    %dma_wait3A_413 = tpu.memref_squeeze %dma_wait3A_412 : memref<1x128xf32, #tpu.memory_space<vmem_shared>> -> memref<128xf32, #tpu.memory_space<vmem_shared>>
    tpu.wait_dma2 semaphore(%arg17 : memref<!tpu.dma_semaphore, #tpu.memory_space<semaphore_mem>>) src(%dma_wait3A_413 : memref<128xf32, #tpu.memory_space<vmem_shared>>) dst(%dma_wait3A_411 : memref<128xf32, #tpu.memory_space<vmem>>)
    %dma_wait3A_414 = arith.constant 10 : i32
    %dma_wait3A_415 = arith.constant 10 : i32
    %dma_wait3A_416 = arith.constant 0 : i32
    %dma_wait3A_417 = tpu.memref_slice %arg15[%dma_wait3A_415, %dma_wait3A_416] : memref<16x128xf32, #tpu.memory_space<vmem>> -> memref<1x128xf32, #tpu.memory_space<vmem>>
    %dma_wait3A_418 = tpu.memref_squeeze %dma_wait3A_417 : memref<1x128xf32, #tpu.memory_space<vmem>> -> memref<128xf32, #tpu.memory_space<vmem>>
    %dma_wait3A_419 = tpu.memref_slice %arg16[%dma_wait3A_414, %mul3A_196] : memref<16x2048xf32, #tpu.memory_space<vmem_shared>> -> memref<1x128xf32, #tpu.memory_space<vmem_shared>>
    %dma_wait3A_420 = tpu.memref_squeeze %dma_wait3A_419 : memref<1x128xf32, #tpu.memory_space<vmem_shared>> -> memref<128xf32, #tpu.memory_space<vmem_shared>>
    %dma_wait3A_421 = arith.constant 0 : i32
    %dma_wait3A_422 = tpu.memref_slice %arg15[%dma_wait3A_415, %dma_wait3A_421] : memref<16x128xf32, #tpu.memory_space<vmem>> -> memref<1x128xf32, #tpu.memory_space<vmem>>
    %dma_wait3A_423 = tpu.memref_squeeze %dma_wait3A_422 : memref<1x128xf32, #tpu.memory_space<vmem>> -> memref<128xf32, #tpu.memory_space<vmem>>
    %dma_wait3A_424 = tpu.memref_slice %arg16[%dma_wait3A_414, %mul3A_196] : memref<16x2048xf32, #tpu.memory_space<vmem_shared>> -> memref<1x128xf32, #tpu.memory_space<vmem_shared>>
    %dma_wait3A_425 = tpu.memref_squeeze %dma_wait3A_424 : memref<1x128xf32, #tpu.memory_space<vmem_shared>> -> memref<128xf32, #tpu.memory_space<vmem_shared>>
    tpu.wait_dma2 semaphore(%arg17 : memref<!tpu.dma_semaphore, #tpu.memory_space<semaphore_mem>>) src(%dma_wait3A_425 : memref<128xf32, #tpu.memory_space<vmem_shared>>) dst(%dma_wait3A_423 : memref<128xf32, #tpu.memory_space<vmem>>)
    %dma_wait3A_426 = arith.constant 11 : i32
    %dma_wait3A_427 = arith.constant 11 : i32
    %dma_wait3A_428 = arith.constant 0 : i32
    %dma_wait3A_429 = tpu.memref_slice %arg15[%dma_wait3A_427, %dma_wait3A_428] : memref<16x128xf32, #tpu.memory_space<vmem>> -> memref<1x128xf32, #tpu.memory_space<vmem>>
    %dma_wait3A_430 = tpu.memref_squeeze %dma_wait3A_429 : memref<1x128xf32, #tpu.memory_space<vmem>> -> memref<128xf32, #tpu.memory_space<vmem>>
    %dma_wait3A_431 = tpu.memref_slice %arg16[%dma_wait3A_426, %mul3A_210] : memref<16x2048xf32, #tpu.memory_space<vmem_shared>> -> memref<1x128xf32, #tpu.memory_space<vmem_shared>>
    %dma_wait3A_432 = tpu.memref_squeeze %dma_wait3A_431 : memref<1x128xf32, #tpu.memory_space<vmem_shared>> -> memref<128xf32, #tpu.memory_space<vmem_shared>>
    %dma_wait3A_433 = arith.constant 0 : i32
    %dma_wait3A_434 = tpu.memref_slice %arg15[%dma_wait3A_427, %dma_wait3A_433] : memref<16x128xf32, #tpu.memory_space<vmem>> -> memref<1x128xf32, #tpu.memory_space<vmem>>
    %dma_wait3A_435 = tpu.memref_squeeze %dma_wait3A_434 : memref<1x128xf32, #tpu.memory_space<vmem>> -> memref<128xf32, #tpu.memory_space<vmem>>
    %dma_wait3A_436 = tpu.memref_slice %arg16[%dma_wait3A_426, %mul3A_210] : memref<16x2048xf32, #tpu.memory_space<vmem_shared>> -> memref<1x128xf32, #tpu.memory_space<vmem_shared>>
    %dma_wait3A_437 = tpu.memref_squeeze %dma_wait3A_436 : memref<1x128xf32, #tpu.memory_space<vmem_shared>> -> memref<128xf32, #tpu.memory_space<vmem_shared>>
    tpu.wait_dma2 semaphore(%arg17 : memref<!tpu.dma_semaphore, #tpu.memory_space<semaphore_mem>>) src(%dma_wait3A_437 : memref<128xf32, #tpu.memory_space<vmem_shared>>) dst(%dma_wait3A_435 : memref<128xf32, #tpu.memory_space<vmem>>)
    %dma_wait3A_438 = arith.constant 12 : i32
    %dma_wait3A_439 = arith.constant 12 : i32
    %dma_wait3A_440 = arith.constant 0 : i32
    %dma_wait3A_441 = tpu.memref_slice %arg15[%dma_wait3A_439, %dma_wait3A_440] : memref<16x128xf32, #tpu.memory_space<vmem>> -> memref<1x128xf32, #tpu.memory_space<vmem>>
    %dma_wait3A_442 = tpu.memref_squeeze %dma_wait3A_441 : memref<1x128xf32, #tpu.memory_space<vmem>> -> memref<128xf32, #tpu.memory_space<vmem>>
    %dma_wait3A_443 = tpu.memref_slice %arg16[%dma_wait3A_438, %mul3A_224] : memref<16x2048xf32, #tpu.memory_space<vmem_shared>> -> memref<1x128xf32, #tpu.memory_space<vmem_shared>>
    %dma_wait3A_444 = tpu.memref_squeeze %dma_wait3A_443 : memref<1x128xf32, #tpu.memory_space<vmem_shared>> -> memref<128xf32, #tpu.memory_space<vmem_shared>>
    %dma_wait3A_445 = arith.constant 0 : i32
    %dma_wait3A_446 = tpu.memref_slice %arg15[%dma_wait3A_439, %dma_wait3A_445] : memref<16x128xf32, #tpu.memory_space<vmem>> -> memref<1x128xf32, #tpu.memory_space<vmem>>
    %dma_wait3A_447 = tpu.memref_squeeze %dma_wait3A_446 : memref<1x128xf32, #tpu.memory_space<vmem>> -> memref<128xf32, #tpu.memory_space<vmem>>
    %dma_wait3A_448 = tpu.memref_slice %arg16[%dma_wait3A_438, %mul3A_224] : memref<16x2048xf32, #tpu.memory_space<vmem_shared>> -> memref<1x128xf32, #tpu.memory_space<vmem_shared>>
    %dma_wait3A_449 = tpu.memref_squeeze %dma_wait3A_448 : memref<1x128xf32, #tpu.memory_space<vmem_shared>> -> memref<128xf32, #tpu.memory_space<vmem_shared>>
    tpu.wait_dma2 semaphore(%arg17 : memref<!tpu.dma_semaphore, #tpu.memory_space<semaphore_mem>>) src(%dma_wait3A_449 : memref<128xf32, #tpu.memory_space<vmem_shared>>) dst(%dma_wait3A_447 : memref<128xf32, #tpu.memory_space<vmem>>)
    %dma_wait3A_450 = arith.constant 13 : i32
    %dma_wait3A_451 = arith.constant 13 : i32
    %dma_wait3A_452 = arith.constant 0 : i32
    %dma_wait3A_453 = tpu.memref_slice %arg15[%dma_wait3A_451, %dma_wait3A_452] : memref<16x128xf32, #tpu.memory_space<vmem>> -> memref<1x128xf32, #tpu.memory_space<vmem>>
    %dma_wait3A_454 = tpu.memref_squeeze %dma_wait3A_453 : memref<1x128xf32, #tpu.memory_space<vmem>> -> memref<128xf32, #tpu.memory_space<vmem>>
    %dma_wait3A_455 = tpu.memref_slice %arg16[%dma_wait3A_450, %mul3A_238] : memref<16x2048xf32, #tpu.memory_space<vmem_shared>> -> memref<1x128xf32, #tpu.memory_space<vmem_shared>>
    %dma_wait3A_456 = tpu.memref_squeeze %dma_wait3A_455 : memref<1x128xf32, #tpu.memory_space<vmem_shared>> -> memref<128xf32, #tpu.memory_space<vmem_shared>>
    %dma_wait3A_457 = arith.constant 0 : i32
    %dma_wait3A_458 = tpu.memref_slice %arg15[%dma_wait3A_451, %dma_wait3A_457] : memref<16x128xf32, #tpu.memory_space<vmem>> -> memref<1x128xf32, #tpu.memory_space<vmem>>
    %dma_wait3A_459 = tpu.memref_squeeze %dma_wait3A_458 : memref<1x128xf32, #tpu.memory_space<vmem>> -> memref<128xf32, #tpu.memory_space<vmem>>
    %dma_wait3A_460 = tpu.memref_slice %arg16[%dma_wait3A_450, %mul3A_238] : memref<16x2048xf32, #tpu.memory_space<vmem_shared>> -> memref<1x128xf32, #tpu.memory_space<vmem_shared>>
    %dma_wait3A_461 = tpu.memref_squeeze %dma_wait3A_460 : memref<1x128xf32, #tpu.memory_space<vmem_shared>> -> memref<128xf32, #tpu.memory_space<vmem_shared>>
    tpu.wait_dma2 semaphore(%arg17 : memref<!tpu.dma_semaphore, #tpu.memory_space<semaphore_mem>>) src(%dma_wait3A_461 : memref<128xf32, #tpu.memory_space<vmem_shared>>) dst(%dma_wait3A_459 : memref<128xf32, #tpu.memory_space<vmem>>)
    %dma_wait3A_462 = arith.constant 14 : i32
    %dma_wait3A_463 = arith.constant 14 : i32
    %dma_wait3A_464 = arith.constant 0 : i32
    %dma_wait3A_465 = tpu.memref_slice %arg15[%dma_wait3A_463, %dma_wait3A_464] : memref<16x128xf32, #tpu.memory_space<vmem>> -> memref<1x128xf32, #tpu.memory_space<vmem>>
    %dma_wait3A_466 = tpu.memref_squeeze %dma_wait3A_465 : memref<1x128xf32, #tpu.memory_space<vmem>> -> memref<128xf32, #tpu.memory_space<vmem>>
    %dma_wait3A_467 = tpu.memref_slice %arg16[%dma_wait3A_462, %mul3A_252] : memref<16x2048xf32, #tpu.memory_space<vmem_shared>> -> memref<1x128xf32, #tpu.memory_space<vmem_shared>>
    %dma_wait3A_468 = tpu.memref_squeeze %dma_wait3A_467 : memref<1x128xf32, #tpu.memory_space<vmem_shared>> -> memref<128xf32, #tpu.memory_space<vmem_shared>>
    %dma_wait3A_469 = arith.constant 0 : i32
    %dma_wait3A_470 = tpu.memref_slice %arg15[%dma_wait3A_463, %dma_wait3A_469] : memref<16x128xf32, #tpu.memory_space<vmem>> -> memref<1x128xf32, #tpu.memory_space<vmem>>
    %dma_wait3A_471 = tpu.memref_squeeze %dma_wait3A_470 : memref<1x128xf32, #tpu.memory_space<vmem>> -> memref<128xf32, #tpu.memory_space<vmem>>
    %dma_wait3A_472 = tpu.memref_slice %arg16[%dma_wait3A_462, %mul3A_252] : memref<16x2048xf32, #tpu.memory_space<vmem_shared>> -> memref<1x128xf32, #tpu.memory_space<vmem_shared>>
    %dma_wait3A_473 = tpu.memref_squeeze %dma_wait3A_472 : memref<1x128xf32, #tpu.memory_space<vmem_shared>> -> memref<128xf32, #tpu.memory_space<vmem_shared>>
    tpu.wait_dma2 semaphore(%arg17 : memref<!tpu.dma_semaphore, #tpu.memory_space<semaphore_mem>>) src(%dma_wait3A_473 : memref<128xf32, #tpu.memory_space<vmem_shared>>) dst(%dma_wait3A_471 : memref<128xf32, #tpu.memory_space<vmem>>)
    %dma_wait3A_474 = arith.constant 15 : i32
    %dma_wait3A_475 = arith.constant 15 : i32
    %dma_wait3A_476 = arith.constant 0 : i32
    %dma_wait3A_477 = tpu.memref_slice %arg15[%dma_wait3A_475, %dma_wait3A_476] : memref<16x128xf32, #tpu.memory_space<vmem>> -> memref<1x128xf32, #tpu.memory_space<vmem>>
    %dma_wait3A_478 = tpu.memref_squeeze %dma_wait3A_477 : memref<1x128xf32, #tpu.memory_space<vmem>> -> memref<128xf32, #tpu.memory_space<vmem>>
    %dma_wait3A_479 = tpu.memref_slice %arg16[%dma_wait3A_474, %mul3A_266] : memref<16x2048xf32, #tpu.memory_space<vmem_shared>> -> memref<1x128xf32, #tpu.memory_space<vmem_shared>>
    %dma_wait3A_480 = tpu.memref_squeeze %dma_wait3A_479 : memref<1x128xf32, #tpu.memory_space<vmem_shared>> -> memref<128xf32, #tpu.memory_space<vmem_shared>>
    %dma_wait3A_481 = arith.constant 0 : i32
    %dma_wait3A_482 = tpu.memref_slice %arg15[%dma_wait3A_475, %dma_wait3A_481] : memref<16x128xf32, #tpu.memory_space<vmem>> -> memref<1x128xf32, #tpu.memory_space<vmem>>
    %dma_wait3A_483 = tpu.memref_squeeze %dma_wait3A_482 : memref<1x128xf32, #tpu.memory_space<vmem>> -> memref<128xf32, #tpu.memory_space<vmem>>
    %dma_wait3A_484 = tpu.memref_slice %arg16[%dma_wait3A_474, %mul3A_266] : memref<16x2048xf32, #tpu.memory_space<vmem_shared>> -> memref<1x128xf32, #tpu.memory_space<vmem_shared>>
    %dma_wait3A_485 = tpu.memref_squeeze %dma_wait3A_484 : memref<1x128xf32, #tpu.memory_space<vmem_shared>> -> memref<128xf32, #tpu.memory_space<vmem_shared>>
    tpu.wait_dma2 semaphore(%arg17 : memref<!tpu.dma_semaphore, #tpu.memory_space<semaphore_mem>>) src(%dma_wait3A_485 : memref<128xf32, #tpu.memory_space<vmem_shared>>) dst(%dma_wait3A_483 : memref<128xf32, #tpu.memory_space<vmem>>)
    %get3A = arith.constant 0 : index
    %get3A_486 = tpu.vector_load %arg14[%get3A] {strides = array<i32>} : memref<128xf32, #tpu.memory_space<vmem>>, vector<16xf32>,
    %get3A_487 = arith.constant 0 : i32
    %get3A_488 = arith.index_cast %get3A_487 : i32 to index
    %get3A_489 = arith.constant 0 : index
    %get3A_490 = tpu.vector_load %arg15[%get3A_488, %get3A_489] {strides = array<i32>} : memref<16x128xf32, #tpu.memory_space<vmem>>, vector<16xf32>,
    %add3A_491 = arith.addf %get3A_486, %get3A_490 : vector<16xf32>
    %swap3A_492 = arith.constant 0 : index
    %swap3A_493 = tpu.vector_load %arg14[%swap3A_492] {strides = array<i32>} : memref<128xf32, #tpu.memory_space<vmem>>, vector<16xf32>,
    tpu.vector_store %arg14[%swap3A_492], %add3A_491 {strides = array<i32>} : memref<128xf32, #tpu.memory_space<vmem>>, vector<16xf32>,
    %get3A_494 = arith.constant 16 : index
    %get3A_495 = tpu.vector_load %arg14[%get3A_494] {strides = array<i32>} : memref<128xf32, #tpu.memory_space<vmem>>, vector<16xf32>,
    %get3A_496 = arith.constant 0 : i32
    %get3A_497 = arith.index_cast %get3A_496 : i32 to index
    %get3A_498 = arith.constant 16 : index
    %get3A_499 = tpu.vector_load %arg15[%get3A_497, %get3A_498] {strides = array<i32>} : memref<16x128xf32, #tpu.memory_space<vmem>>, vector<16xf32>,
    %add3A_500 = arith.addf %get3A_495, %get3A_499 : vector<16xf32>
    %swap3A_501 = arith.constant 16 : index
    %swap3A_502 = tpu.vector_load %arg14[%swap3A_501] {strides = array<i32>} : memref<128xf32, #tpu.memory_space<vmem>>, vector<16xf32>,
    tpu.vector_store %arg14[%swap3A_501], %add3A_500 {strides = array<i32>} : memref<128xf32, #tpu.memory_space<vmem>>, vector<16xf32>,
    %get3A_503 = arith.constant 32 : index
    %get3A_504 = tpu.vector_load %arg14[%get3A_503] {strides = array<i32>} : memref<128xf32, #tpu.memory_space<vmem>>, vector<16xf32>,
    %get3A_505 = arith.constant 0 : i32
    %get3A_506 = arith.index_cast %get3A_505 : i32 to index
    %get3A_507 = arith.constant 32 : index
    %get3A_508 = tpu.vector_load %arg15[%get3A_506, %get3A_507] {strides = array<i32>} : memref<16x128xf32, #tpu.memory_space<vmem>>, vector<16xf32>,
    %add3A_509 = arith.addf %get3A_504, %get3A_508 : vector<16xf32>
    %swap3A_510 = arith.constant 32 : index
    %swap3A_511 = tpu.vector_load %arg14[%swap3A_510] {strides = array<i32>} : memref<128xf32, #tpu.memory_space<vmem>>, vector<16xf32>,
    tpu.vector_store %arg14[%swap3A_510], %add3A_509 {strides = array<i32>} : memref<128xf32, #tpu.memory_space<vmem>>, vector<16xf32>,
    %get3A_512 = arith.constant 48 : index
    %get3A_513 = tpu.vector_load %arg14[%get3A_512] {strides = array<i32>} : memref<128xf32, #tpu.memory_space<vmem>>, vector<16xf32>,
    %get3A_514 = arith.constant 0 : i32
    %get3A_515 = arith.index_cast %get3A_514 : i32 to index
    %get3A_516 = arith.constant 48 : index
    %get3A_517 = tpu.vector_load %arg15[%get3A_515, %get3A_516] {strides = array<i32>} : memref<16x128xf32, #tpu.memory_space<vmem>>, vector<16xf32>,
    %add3A_518 = arith.addf %get3A_513, %get3A_517 : vector<16xf32>
    %swap3A_519 = arith.constant 48 : index
    %swap3A_520 = tpu.vector_load %arg14[%swap3A_519] {strides = array<i32>} : memref<128xf32, #tpu.memory_space<vmem>>, vector<16xf32>,
    tpu.vector_store %arg14[%swap3A_519], %add3A_518 {strides = array<i32>} : memref<128xf32, #tpu.memory_space<vmem>>, vector<16xf32>,
    %get3A_521 = arith.constant 64 : index
    %get3A_522 = tpu.vector_load %arg14[%get3A_521] {strides = array<i32>} : memref<128xf32, #tpu.memory_space<vmem>>, vector<16xf32>,
    %get3A_523 = arith.constant 0 : i32
    %get3A_524 = arith.index_cast %get3A_523 : i32 to index
    %get3A_525 = arith.constant 64 : index
    %get3A_526 = tpu.vector_load %arg15[%get3A_524, %get3A_525] {strides = array<i32>} : memref<16x128xf32, #tpu.memory_space<vmem>>, vector<16xf32>,
    %add3A_527 = arith.addf %get3A_522, %get3A_526 : vector<16xf32>
    %swap3A_528 = arith.constant 64 : index
    %swap3A_529 = tpu.vector_load %arg14[%swap3A_528] {strides = array<i32>} : memref<128xf32, #tpu.memory_space<vmem>>, vector<16xf32>,
    tpu.vector_store %arg14[%swap3A_528], %add3A_527 {strides = array<i32>} : memref<128xf32, #tpu.memory_space<vmem>>, vector<16xf32>,
    %get3A_530 = arith.constant 80 : index
    %get3A_531 = tpu.vector_load %arg14[%get3A_530] {strides = array<i32>} : memref<128xf32, #tpu.memory_space<vmem>>, vector<16xf32>,
    %get3A_532 = arith.constant 0 : i32
    %get3A_533 = arith.index_cast %get3A_532 : i32 to index
    %get3A_534 = arith.constant 80 : index
    %get3A_535 = tpu.vector_load %arg15[%get3A_533, %get3A_534] {strides = array<i32>} : memref<16x128xf32, #tpu.memory_space<vmem>>, vector<16xf32>,
    %add3A_536 = arith.addf %get3A_531, %get3A_535 : vector<16xf32>
    %swap3A_537 = arith.constant 80 : index
    %swap3A_538 = tpu.vector_load %arg14[%swap3A_537] {strides = array<i32>} : memref<128xf32, #tpu.memory_space<vmem>>, vector<16xf32>,
    tpu.vector_store %arg14[%swap3A_537], %add3A_536 {strides = array<i32>} : memref<128xf32, #tpu.memory_space<vmem>>, vector<16xf32>,
    %get3A_539 = arith.constant 96 : index
    %get3A_540 = tpu.vector_load %arg14[%get3A_539] {strides = array<i32>} : memref<128xf32, #tpu.memory_space<vmem>>, vector<16xf32>,
    %get3A_541 = arith.constant 0 : i32
    %get3A_542 = arith.index_cast %get3A_541 : i32 to index
    %get3A_543 = arith.constant 96 : index
    %get3A_544 = tpu.vector_load %arg15[%get3A_542, %get3A_543] {strides = array<i32>} : memref<16x128xf32, #tpu.memory_space<vmem>>, vector<16xf32>,
    %add3A_545 = arith.addf %get3A_540, %get3A_544 : vector<16xf32>
    %swap3A_546 = arith.constant 96 : index
    %swap3A_547 = tpu.vector_load %arg14[%swap3A_546] {strides = array<i32>} : memref<128xf32, #tpu.memory_space<vmem>>, vector<16xf32>,
    tpu.vector_store %arg14[%swap3A_546], %add3A_545 {strides = array<i32>} : memref<128xf32, #tpu.memory_space<vmem>>, vector<16xf32>,
    %get3A_548 = arith.constant 112 : index
    %get3A_549 = tpu.vector_load %arg14[%get3A_548] {strides = array<i32>} : memref<128xf32, #tpu.memory_space<vmem>>, vector<16xf32>,
    %get3A_550 = arith.constant 0 : i32
    %get3A_551 = arith.index_cast %get3A_550 : i32 to index
    %get3A_552 = arith.constant 112 : index
    %get3A_553 = tpu.vector_load %arg15[%get3A_551, %get3A_552] {strides = array<i32>} : memref<16x128xf32, #tpu.memory_space<vmem>>, vector<16xf32>,
    %add3A_554 = arith.addf %get3A_549, %get3A_553 : vector<16xf32>
    %swap3A_555 = arith.constant 112 : index
    %swap3A_556 = tpu.vector_load %arg14[%swap3A_555] {strides = array<i32>} : memref<128xf32, #tpu.memory_space<vmem>>, vector<16xf32>,
    tpu.vector_store %arg14[%swap3A_555], %add3A_554 {strides = array<i32>} : memref<128xf32, #tpu.memory_space<vmem>>, vector<16xf32>,
    %get3A_557 = arith.constant 0 : index
    %get3A_558 = tpu.vector_load %arg14[%get3A_557] {strides = array<i32>} : memref<128xf32, #tpu.memory_space<vmem>>, vector<16xf32>,
    %get3A_559 = arith.constant 1 : i32
    %get3A_560 = arith.index_cast %get3A_559 : i32 to index
    %get3A_561 = arith.constant 0 : index
    %get3A_562 = tpu.vector_load %arg15[%get3A_560, %get3A_561] {strides = array<i32>} : memref<16x128xf32, #tpu.memory_space<vmem>>, vector<16xf32>,
    %add3A_563 = arith.addf %get3A_558, %get3A_562 : vector<16xf32>
    %swap3A_564 = arith.constant 0 : index
    %swap3A_565 = tpu.vector_load %arg14[%swap3A_564] {strides = array<i32>} : memref<128xf32, #tpu.memory_space<vmem>>, vector<16xf32>,
    tpu.vector_store %arg14[%swap3A_564], %add3A_563 {strides = array<i32>} : memref<128xf32, #tpu.memory_space<vmem>>, vector<16xf32>,
    %get3A_566 = arith.constant 16 : index
    %get3A_567 = tpu.vector_load %arg14[%get3A_566] {strides = array<i32>} : memref<128xf32, #tpu.memory_space<vmem>>, vector<16xf32>,
    %get3A_568 = arith.constant 1 : i32
    %get3A_569 = arith.index_cast %get3A_568 : i32 to index
    %get3A_570 = arith.constant 16 : index
    %get3A_571 = tpu.vector_load %arg15[%get3A_569, %get3A_570] {strides = array<i32>} : memref<16x128xf32, #tpu.memory_space<vmem>>, vector<16xf32>,
    %add3A_572 = arith.addf %get3A_567, %get3A_571 : vector<16xf32>
    %swap3A_573 = arith.constant 16 : index
    %swap3A_574 = tpu.vector_load %arg14[%swap3A_573] {strides = array<i32>} : memref<128xf32, #tpu.memory_space<vmem>>, vector<16xf32>,
    tpu.vector_store %arg14[%swap3A_573], %add3A_572 {strides = array<i32>} : memref<128xf32, #tpu.memory_space<vmem>>, vector<16xf32>,
    %get3A_575 = arith.constant 32 : index
    %get3A_576 = tpu.vector_load %arg14[%get3A_575] {strides = array<i32>} : memref<128xf32, #tpu.memory_space<vmem>>, vector<16xf32>,
    %get3A_577 = arith.constant 1 : i32
    %get3A_578 = arith.index_cast %get3A_577 : i32 to index
    %get3A_579 = arith.constant 32 : index
    %get3A_580 = tpu.vector_load %arg15[%get3A_578, %get3A_579] {strides = array<i32>} : memref<16x128xf32, #tpu.memory_space<vmem>>, vector<16xf32>,
    %add3A_581 = arith.addf %get3A_576, %get3A_580 : vector<16xf32>
    %swap3A_582 = arith.constant 32 : index
    %swap3A_583 = tpu.vector_load %arg14[%swap3A_582] {strides = array<i32>} : memref<128xf32, #tpu.memory_space<vmem>>, vector<16xf32>,
    tpu.vector_store %arg14[%swap3A_582], %add3A_581 {strides = array<i32>} : memref<128xf32, #tpu.memory_space<vmem>>, vector<16xf32>,
    %get3A_584 = arith.constant 48 : index
    %get3A_585 = tpu.vector_load %arg14[%get3A_584] {strides = array<i32>} : memref<128xf32, #tpu.memory_space<vmem>>, vector<16xf32>,
    %get3A_586 = arith.constant 1 : i32
    %get3A_587 = arith.index_cast %get3A_586 : i32 to index
    %get3A_588 = arith.constant 48 : index
    %get3A_589 = tpu.vector_load %arg15[%get3A_587, %get3A_588] {strides = array<i32>} : memref<16x128xf32, #tpu.memory_space<vmem>>, vector<16xf32>,
    %add3A_590 = arith.addf %get3A_585, %get3A_589 : vector<16xf32>
    %swap3A_591 = arith.constant 48 : index
    %swap3A_592 = tpu.vector_load %arg14[%swap3A_591] {strides = array<i32>} : memref<128xf32, #tpu.memory_space<vmem>>, vector<16xf32>,
    tpu.vector_store %arg14[%swap3A_591], %add3A_590 {strides = array<i32>} : memref<128xf32, #tpu.memory_space<vmem>>, vector<16xf32>,
    %get3A_593 = arith.constant 64 : index
    %get3A_594 = tpu.vector_load %arg14[%get3A_593] {strides = array<i32>} : memref<128xf32, #tpu.memory_space<vmem>>, vector<16xf32>,
    %get3A_595 = arith.constant 1 : i32
    %get3A_596 = arith.index_cast %get3A_595 : i32 to index
    %get3A_597 = arith.constant 64 : index
    %get3A_598 = tpu.vector_load %arg15[%get3A_596, %get3A_597] {strides = array<i32>} : memref<16x128xf32, #tpu.memory_space<vmem>>, vector<16xf32>,
    %add3A_599 = arith.addf %get3A_594, %get3A_598 : vector<16xf32>
    %swap3A_600 = arith.constant 64 : index
    %swap3A_601 = tpu.vector_load %arg14[%swap3A_600] {strides = array<i32>} : memref<128xf32, #tpu.memory_space<vmem>>, vector<16xf32>,
    tpu.vector_store %arg14[%swap3A_600], %add3A_599 {strides = array<i32>} : memref<128xf32, #tpu.memory_space<vmem>>, vector<16xf32>,
    %get3A_602 = arith.constant 80 : index
    %get3A_603 = tpu.vector_load %arg14[%get3A_602] {strides = array<i32>} : memref<128xf32, #tpu.memory_space<vmem>>, vector<16xf32>,
    %get3A_604 = arith.constant 1 : i32
    %get3A_605 = arith.index_cast %get3A_604 : i32 to index
    %get3A_606 = arith.constant 80 : index
    %get3A_607 = tpu.vector_load %arg15[%get3A_605, %get3A_606] {strides = array<i32>} : memref<16x128xf32, #tpu.memory_space<vmem>>, vector<16xf32>,
    %add3A_608 = arith.addf %get3A_603, %get3A_607 : vector<16xf32>
    %swap3A_609 = arith.constant 80 : index
    %swap3A_610 = tpu.vector_load %arg14[%swap3A_609] {strides = array<i32>} : memref<128xf32, #tpu.memory_space<vmem>>, vector<16xf32>,
    tpu.vector_store %arg14[%swap3A_609], %add3A_608 {strides = array<i32>} : memref<128xf32, #tpu.memory_space<vmem>>, vector<16xf32>,
    %get3A_611 = arith.constant 96 : index
    %get3A_612 = tpu.vector_load %arg14[%get3A_611] {strides = array<i32>} : memref<128xf32, #tpu.memory_space<vmem>>, vector<16xf32>,
    %get3A_613 = arith.constant 1 : i32
    %get3A_614 = arith.index_cast %get3A_613 : i32 to index
    %get3A_615 = arith.constant 96 : index
    %get3A_616 = tpu.vector_load %arg15[%get3A_614, %get3A_615] {strides = array<i32>} : memref<16x128xf32, #tpu.memory_space<vmem>>, vector<16xf32>,
    %add3A_617 = arith.addf %get3A_612, %get3A_616 : vector<16xf32>
    %swap3A_618 = arith.constant 96 : index
    %swap3A_619 = tpu.vector_load %arg14[%swap3A_618] {strides = array<i32>} : memref<128xf32, #tpu.memory_space<vmem>>, vector<16xf32>,
    tpu.vector_store %arg14[%swap3A_618], %add3A_617 {strides = array<i32>} : memref<128xf32, #tpu.memory_space<vmem>>, vector<16xf32>,
    %get3A_620 = arith.constant 112 : index
    %get3A_621 = tpu.vector_load %arg14[%get3A_620] {strides = array<i32>} : memref<128xf32, #tpu.memory_space<vmem>>, vector<16xf32>,
    %get3A_622 = arith.constant 1 : i32
    %get3A_623 = arith.index_cast %get3A_622 : i32 to index
    %get3A_624 = arith.constant 112 : index
    %get3A_625 = tpu.vector_load %arg15[%get3A_623, %get3A_624] {strides = array<i32>} : memref<16x128xf32, #tpu.memory_space<vmem>>, vector<16xf32>,
    %add3A_626 = arith.addf %get3A_621, %get3A_625 : vector<16xf32>
    %swap3A_627 = arith.constant 112 : index
    %swap3A_628 = tpu.vector_load %arg14[%swap3A_627] {strides = array<i32>} : memref<128xf32, #tpu.memory_space<vmem>>, vector<16xf32>,
    tpu.vector_store %arg14[%swap3A_627], %add3A_626 {strides = array<i32>} : memref<128xf32, #tpu.memory_space<vmem>>, vector<16xf32>,
    %get3A_629 = arith.constant 0 : index
    %get3A_630 = tpu.vector_load %arg14[%get3A_629] {strides = array<i32>} : memref<128xf32, #tpu.memory_space<vmem>>, vector<16xf32>,
    %get3A_631 = arith.constant 2 : i32
    %get3A_632 = arith.index_cast %get3A_631 : i32 to index
    %get3A_633 = arith.constant 0 : index
    %get3A_634 = tpu.vector_load %arg15[%get3A_632, %get3A_633] {strides = array<i32>} : memref<16x128xf32, #tpu.memory_space<vmem>>, vector<16xf32>,
    %add3A_635 = arith.addf %get3A_630, %get3A_634 : vector<16xf32>
    %swap3A_636 = arith.constant 0 : index
    %swap3A_637 = tpu.vector_load %arg14[%swap3A_636] {strides = array<i32>} : memref<128xf32, #tpu.memory_space<vmem>>, vector<16xf32>,
    tpu.vector_store %arg14[%swap3A_636], %add3A_635 {strides = array<i32>} : memref<128xf32, #tpu.memory_space<vmem>>, vector<16xf32>,
    %get3A_638 = arith.constant 16 : index
    %get3A_639 = tpu.vector_load %arg14[%get3A_638] {strides = array<i32>} : memref<128xf32, #tpu.memory_space<vmem>>, vector<16xf32>,
    %get3A_640 = arith.constant 2 : i32
    %get3A_641 = arith.index_cast %get3A_640 : i32 to index
    %get3A_642 = arith.constant 16 : index
    %get3A_643 = tpu.vector_load %arg15[%get3A_641, %get3A_642] {strides = array<i32>} : memref<16x128xf32, #tpu.memory_space<vmem>>, vector<16xf32>,
    %add3A_644 = arith.addf %get3A_639, %get3A_643 : vector<16xf32>
    %swap3A_645 = arith.constant 16 : index
    %swap3A_646 = tpu.vector_load %arg14[%swap3A_645] {strides = array<i32>} : memref<128xf32, #tpu.memory_space<vmem>>, vector<16xf32>,
    tpu.vector_store %arg14[%swap3A_645], %add3A_644 {strides = array<i32>} : memref<128xf32, #tpu.memory_space<vmem>>, vector<16xf32>,
    %get3A_647 = arith.constant 32 : index
    %get3A_648 = tpu.vector_load %arg14[%get3A_647] {strides = array<i32>} : memref<128xf32, #tpu.memory_space<vmem>>, vector<16xf32>,
    %get3A_649 = arith.constant 2 : i32
    %get3A_650 = arith.index_cast %get3A_649 : i32 to index
    %get3A_651 = arith.constant 32 : index
    %get3A_652 = tpu.vector_load %arg15[%get3A_650, %get3A_651] {strides = array<i32>} : memref<16x128xf32, #tpu.memory_space<vmem>>, vector<16xf32>,
    %add3A_653 = arith.addf %get3A_648, %get3A_652 : vector<16xf32>
    %swap3A_654 = arith.constant 32 : index
    %swap3A_655 = tpu.vector_load %arg14[%swap3A_654] {strides = array<i32>} : memref<128xf32, #tpu.memory_space<vmem>>, vector<16xf32>,
    tpu.vector_store %arg14[%swap3A_654], %add3A_653 {strides = array<i32>} : memref<128xf32, #tpu.memory_space<vmem>>, vector<16xf32>,
    %get3A_656 = arith.constant 48 : index
    %get3A_657 = tpu.vector_load %arg14[%get3A_656] {strides = array<i32>} : memref<128xf32, #tpu.memory_space<vmem>>, vector<16xf32>,
    %get3A_658 = arith.constant 2 : i32
    %get3A_659 = arith.index_cast %get3A_658 : i32 to index
    %get3A_660 = arith.constant 48 : index
    %get3A_661 = tpu.vector_load %arg15[%get3A_659, %get3A_660] {strides = array<i32>} : memref<16x128xf32, #tpu.memory_space<vmem>>, vector<16xf32>,
    %add3A_662 = arith.addf %get3A_657, %get3A_661 : vector<16xf32>
    %swap3A_663 = arith.constant 48 : index
    %swap3A_664 = tpu.vector_load %arg14[%swap3A_663] {strides = array<i32>} : memref<128xf32, #tpu.memory_space<vmem>>, vector<16xf32>,
    tpu.vector_store %arg14[%swap3A_663], %add3A_662 {strides = array<i32>} : memref<128xf32, #tpu.memory_space<vmem>>, vector<16xf32>,
    %get3A_665 = arith.constant 64 : index
    %get3A_666 = tpu.vector_load %arg14[%get3A_665] {strides = array<i32>} : memref<128xf32, #tpu.memory_space<vmem>>, vector<16xf32>,
    %get3A_667 = arith.constant 2 : i32
    %get3A_668 = arith.index_cast %get3A_667 : i32 to index
    %get3A_669 = arith.constant 64 : index
    %get3A_670 = tpu.vector_load %arg15[%get3A_668, %get3A_669] {strides = array<i32>} : memref<16x128xf32, #tpu.memory_space<vmem>>, vector<16xf32>,
    %add3A_671 = arith.addf %get3A_666, %get3A_670 : vector<16xf32>
    %swap3A_672 = arith.constant 64 : index
    %swap3A_673 = tpu.vector_load %arg14[%swap3A_672] {strides = array<i32>} : memref<128xf32, #tpu.memory_space<vmem>>, vector<16xf32>,
    tpu.vector_store %arg14[%swap3A_672], %add3A_671 {strides = array<i32>} : memref<128xf32, #tpu.memory_space<vmem>>, vector<16xf32>,
    %get3A_674 = arith.constant 80 : index
    %get3A_675 = tpu.vector_load %arg14[%get3A_674] {strides = array<i32>} : memref<128xf32, #tpu.memory_space<vmem>>, vector<16xf32>,
    %get3A_676 = arith.constant 2 : i32
    %get3A_677 = arith.index_cast %get3A_676 : i32 to index
    %get3A_678 = arith.constant 80 : index
    %get3A_679 = tpu.vector_load %arg15[%get3A_677, %get3A_678] {strides = array<i32>} : memref<16x128xf32, #tpu.memory_space<vmem>>, vector<16xf32>,
    %add3A_680 = arith.addf %get3A_675, %get3A_679 : vector<16xf32>
    %swap3A_681 = arith.constant 80 : index
    %swap3A_682 = tpu.vector_load %arg14[%swap3A_681] {strides = array<i32>} : memref<128xf32, #tpu.memory_space<vmem>>, vector<16xf32>,
    tpu.vector_store %arg14[%swap3A_681], %add3A_680 {strides = array<i32>} : memref<128xf32, #tpu.memory_space<vmem>>, vector<16xf32>,
    %get3A_683 = arith.constant 96 : index
    %get3A_684 = tpu.vector_load %arg14[%get3A_683] {strides = array<i32>} : memref<128xf32, #tpu.memory_space<vmem>>, vector<16xf32>,
    %get3A_685 = arith.constant 2 : i32
    %get3A_686 = arith.index_cast %get3A_685 : i32 to index
    %get3A_687 = arith.constant 96 : index
    %get3A_688 = tpu.vector_load %arg15[%get3A_686, %get3A_687] {strides = array<i32>} : memref<16x128xf32, #tpu.memory_space<vmem>>, vector<16xf32>,
    %add3A_689 = arith.addf %get3A_684, %get3A_688 : vector<16xf32>
    %swap3A_690 = arith.constant 96 : index
    %swap3A_691 = tpu.vector_load %arg14[%swap3A_690] {strides = array<i32>} : memref<128xf32, #tpu.memory_space<vmem>>, vector<16xf32>,
    tpu.vector_store %arg14[%swap3A_690], %add3A_689 {strides = array<i32>} : memref<128xf32, #tpu.memory_space<vmem>>, vector<16xf32>,
    %get3A_692 = arith.constant 112 : index
    %get3A_693 = tpu.vector_load %arg14[%get3A_692] {strides = array<i32>} : memref<128xf32, #tpu.memory_space<vmem>>, vector<16xf32>,
    %get3A_694 = arith.constant 2 : i32
    %get3A_695 = arith.index_cast %get3A_694 : i32 to index
    %get3A_696 = arith.constant 112 : index
    %get3A_697 = tpu.vector_load %arg15[%get3A_695, %get3A_696] {strides = array<i32>} : memref<16x128xf32, #tpu.memory_space<vmem>>, vector<16xf32>,
    %add3A_698 = arith.addf %get3A_693, %get3A_697 : vector<16xf32>
    %swap3A_699 = arith.constant 112 : index
    %swap3A_700 = tpu.vector_load %arg14[%swap3A_699] {strides = array<i32>} : memref<128xf32, #tpu.memory_space<vmem>>, vector<16xf32>,
    tpu.vector_store %arg14[%swap3A_699], %add3A_698 {strides = array<i32>} : memref<128xf32, #tpu.memory_space<vmem>>, vector<16xf32>,
    %get3A_701 = arith.constant 0 : index
    %get3A_702 = tpu.vector_load %arg14[%get3A_701] {strides = array<i32>} : memref<128xf32, #tpu.memory_space<vmem>>, vector<16xf32>,
    %get3A_703 = arith.constant 3 : i32
    %get3A_704 = arith.index_cast %get3A_703 : i32 to index
    %get3A_705 = arith.constant 0 : index
    %get3A_706 = tpu.vector_load %arg15[%get3A_704, %get3A_705] {strides = array<i32>} : memref<16x128xf32, #tpu.memory_space<vmem>>, vector<16xf32>,
    %add3A_707 = arith.addf %get3A_702, %get3A_706 : vector<16xf32>
    %swap3A_708 = arith.constant 0 : index
    %swap3A_709 = tpu.vector_load %arg14[%swap3A_708] {strides = array<i32>} : memref<128xf32, #tpu.memory_space<vmem>>, vector<16xf32>,
    tpu.vector_store %arg14[%swap3A_708], %add3A_707 {strides = array<i32>} : memref<128xf32, #tpu.memory_space<vmem>>, vector<16xf32>,
    %get3A_710 = arith.constant 16 : index
    %get3A_711 = tpu.vector_load %arg14[%get3A_710] {strides = array<i32>} : memref<128xf32, #tpu.memory_space<vmem>>, vector<16xf32>,
    %get3A_712 = arith.constant 3 : i32
    %get3A_713 = arith.index_cast %get3A_712 : i32 to index
    %get3A_714 = arith.constant 16 : index
    %get3A_715 = tpu.vector_load %arg15[%get3A_713, %get3A_714] {strides = array<i32>} : memref<16x128xf32, #tpu.memory_space<vmem>>, vector<16xf32>,
    %add3A_716 = arith.addf %get3A_711, %get3A_715 : vector<16xf32>
    %swap3A_717 = arith.constant 16 : index
    %swap3A_718 = tpu.vector_load %arg14[%swap3A_717] {strides = array<i32>} : memref<128xf32, #tpu.memory_space<vmem>>, vector<16xf32>,
    tpu.vector_store %arg14[%swap3A_717], %add3A_716 {strides = array<i32>} : memref<128xf32, #tpu.memory_space<vmem>>, vector<16xf32>,
    %get3A_719 = arith.constant 32 : index
    %get3A_720 = tpu.vector_load %arg14[%get3A_719] {strides = array<i32>} : memref<128xf32, #tpu.memory_space<vmem>>, vector<16xf32>,
    %get3A_721 = arith.constant 3 : i32
    %get3A_722 = arith.index_cast %get3A_721 : i32 to index
    %get3A_723 = arith.constant 32 : index
    %get3A_724 = tpu.vector_load %arg15[%get3A_722, %get3A_723] {strides = array<i32>} : memref<16x128xf32, #tpu.memory_space<vmem>>, vector<16xf32>,
    %add3A_725 = arith.addf %get3A_720, %get3A_724 : vector<16xf32>
    %swap3A_726 = arith.constant 32 : index
    %swap3A_727 = tpu.vector_load %arg14[%swap3A_726] {strides = array<i32>} : memref<128xf32, #tpu.memory_space<vmem>>, vector<16xf32>,
    tpu.vector_store %arg14[%swap3A_726], %add3A_725 {strides = array<i32>} : memref<128xf32, #tpu.memory_space<vmem>>, vector<16xf32>,
    %get3A_728 = arith.constant 48 : index
    %get3A_729 = tpu.vector_load %arg14[%get3A_728] {strides = array<i32>} : memref<128xf32, #tpu.memory_space<vmem>>, vector<16xf32>,
    %get3A_730 = arith.constant 3 : i32
    %get3A_731 = arith.index_cast %get3A_730 : i32 to index
    %get3A_732 = arith.constant 48 : index
    %get3A_733 = tpu.vector_load %arg15[%get3A_731, %get3A_732] {strides = array<i32>} : memref<16x128xf32, #tpu.memory_space<vmem>>, vector<16xf32>,
    %add3A_734 = arith.addf %get3A_729, %get3A_733 : vector<16xf32>
    %swap3A_735 = arith.constant 48 : index
    %swap3A_736 = tpu.vector_load %arg14[%swap3A_735] {strides = array<i32>} : memref<128xf32, #tpu.memory_space<vmem>>, vector<16xf32>,
    tpu.vector_store %arg14[%swap3A_735], %add3A_734 {strides = array<i32>} : memref<128xf32, #tpu.memory_space<vmem>>, vector<16xf32>,
    %get3A_737 = arith.constant 64 : index
    %get3A_738 = tpu.vector_load %arg14[%get3A_737] {strides = array<i32>} : memref<128xf32, #tpu.memory_space<vmem>>, vector<16xf32>,
    %get3A_739 = arith.constant 3 : i32
    %get3A_740 = arith.index_cast %get3A_739 : i32 to index
    %get3A_741 = arith.constant 64 : index
    %get3A_742 = tpu.vector_load %arg15[%get3A_740, %get3A_741] {strides = array<i32>} : memref<16x128xf32, #tpu.memory_space<vmem>>, vector<16xf32>,
    %add3A_743 = arith.addf %get3A_738, %get3A_742 : vector<16xf32>
    %swap3A_744 = arith.constant 64 : index
    %swap3A_745 = tpu.vector_load %arg14[%swap3A_744] {strides = array<i32>} : memref<128xf32, #tpu.memory_space<vmem>>, vector<16xf32>,
    tpu.vector_store %arg14[%swap3A_744], %add3A_743 {strides = array<i32>} : memref<128xf32, #tpu.memory_space<vmem>>, vector<16xf32>,
    %get3A_746 = arith.constant 80 : index
    %get3A_747 = tpu.vector_load %arg14[%get3A_746] {strides = array<i32>} : memref<128xf32, #tpu.memory_space<vmem>>, vector<16xf32>,
    %get3A_748 = arith.constant 3 : i32
    %get3A_749 = arith.index_cast %get3A_748 : i32 to index
    %get3A_750 = arith.constant 80 : index
    %get3A_751 = tpu.vector_load %arg15[%get3A_749, %get3A_750] {strides = array<i32>} : memref<16x128xf32, #tpu.memory_space<vmem>>, vector<16xf32>,
    %add3A_752 = arith.addf %get3A_747, %get3A_751 : vector<16xf32>
    %swap3A_753 = arith.constant 80 : index
    %swap3A_754 = tpu.vector_load %arg14[%swap3A_753] {strides = array<i32>} : memref<128xf32, #tpu.memory_space<vmem>>, vector<16xf32>,
    tpu.vector_store %arg14[%swap3A_753], %add3A_752 {strides = array<i32>} : memref<128xf32, #tpu.memory_space<vmem>>, vector<16xf32>,
    %get3A_755 = arith.constant 96 : index
    %get3A_756 = tpu.vector_load %arg14[%get3A_755] {strides = array<i32>} : memref<128xf32, #tpu.memory_space<vmem>>, vector<16xf32>,
    %get3A_757 = arith.constant 3 : i32
    %get3A_758 = arith.index_cast %get3A_757 : i32 to index
    %get3A_759 = arith.constant 96 : index
    %get3A_760 = tpu.vector_load %arg15[%get3A_758, %get3A_759] {strides = array<i32>} : memref<16x128xf32, #tpu.memory_space<vmem>>, vector<16xf32>,
    %add3A_761 = arith.addf %get3A_756, %get3A_760 : vector<16xf32>
    %swap3A_762 = arith.constant 96 : index
    %swap3A_763 = tpu.vector_load %arg14[%swap3A_762] {strides = array<i32>} : memref<128xf32, #tpu.memory_space<vmem>>, vector<16xf32>,
    tpu.vector_store %arg14[%swap3A_762], %add3A_761 {strides = array<i32>} : memref<128xf32, #tpu.memory_space<vmem>>, vector<16xf32>,
    %get3A_764 = arith.constant 112 : index
    %get3A_765 = tpu.vector_load %arg14[%get3A_764] {strides = array<i32>} : memref<128xf32, #tpu.memory_space<vmem>>, vector<16xf32>,
    %get3A_766 = arith.constant 3 : i32
    %get3A_767 = arith.index_cast %get3A_766 : i32 to index
    %get3A_768 = arith.constant 112 : index
    %get3A_769 = tpu.vector_load %arg15[%get3A_767, %get3A_768] {strides = array<i32>} : memref<16x128xf32, #tpu.memory_space<vmem>>, vector<16xf32>,
    %add3A_770 = arith.addf %get3A_765, %get3A_769 : vector<16xf32>
    %swap3A_771 = arith.constant 112 : index
    %swap3A_772 = tpu.vector_load %arg14[%swap3A_771] {strides = array<i32>} : memref<128xf32, #tpu.memory_space<vmem>>, vector<16xf32>,
    tpu.vector_store %arg14[%swap3A_771], %add3A_770 {strides = array<i32>} : memref<128xf32, #tpu.memory_space<vmem>>, vector<16xf32>,
    %get3A_773 = arith.constant 0 : index
    %get3A_774 = tpu.vector_load %arg14[%get3A_773] {strides = array<i32>} : memref<128xf32, #tpu.memory_space<vmem>>, vector<16xf32>,
    %get3A_775 = arith.constant 4 : i32
    %get3A_776 = arith.index_cast %get3A_775 : i32 to index
    %get3A_777 = arith.constant 0 : index
    %get3A_778 = tpu.vector_load %arg15[%get3A_776, %get3A_777] {strides = array<i32>} : memref<16x128xf32, #tpu.memory_space<vmem>>, vector<16xf32>,
    %add3A_779 = arith.addf %get3A_774, %get3A_778 : vector<16xf32>
    %swap3A_780 = arith.constant 0 : index
    %swap3A_781 = tpu.vector_load %arg14[%swap3A_780] {strides = array<i32>} : memref<128xf32, #tpu.memory_space<vmem>>, vector<16xf32>,
    tpu.vector_store %arg14[%swap3A_780], %add3A_779 {strides = array<i32>} : memref<128xf32, #tpu.memory_space<vmem>>, vector<16xf32>,
    %get3A_782 = arith.constant 16 : index
    %get3A_783 = tpu.vector_load %arg14[%get3A_782] {strides = array<i32>} : memref<128xf32, #tpu.memory_space<vmem>>, vector<16xf32>,
    %get3A_784 = arith.constant 4 : i32
    %get3A_785 = arith.index_cast %get3A_784 : i32 to index
    %get3A_786 = arith.constant 16 : index
    %get3A_787 = tpu.vector_load %arg15[%get3A_785, %get3A_786] {strides = array<i32>} : memref<16x128xf32, #tpu.memory_space<vmem>>, vector<16xf32>,
    %add3A_788 = arith.addf %get3A_783, %get3A_787 : vector<16xf32>
    %swap3A_789 = arith.constant 16 : index
    %swap3A_790 = tpu.vector_load %arg14[%swap3A_789] {strides = array<i32>} : memref<128xf32, #tpu.memory_space<vmem>>, vector<16xf32>,
    tpu.vector_store %arg14[%swap3A_789], %add3A_788 {strides = array<i32>} : memref<128xf32, #tpu.memory_space<vmem>>, vector<16xf32>,
    %get3A_791 = arith.constant 32 : index
    %get3A_792 = tpu.vector_load %arg14[%get3A_791] {strides = array<i32>} : memref<128xf32, #tpu.memory_space<vmem>>, vector<16xf32>,
    %get3A_793 = arith.constant 4 : i32
    %get3A_794 = arith.index_cast %get3A_793 : i32 to index
    %get3A_795 = arith.constant 32 : index
    %get3A_796 = tpu.vector_load %arg15[%get3A_794, %get3A_795] {strides = array<i32>} : memref<16x128xf32, #tpu.memory_space<vmem>>, vector<16xf32>,
    %add3A_797 = arith.addf %get3A_792, %get3A_796 : vector<16xf32>
    %swap3A_798 = arith.constant 32 : index
    %swap3A_799 = tpu.vector_load %arg14[%swap3A_798] {strides = array<i32>} : memref<128xf32, #tpu.memory_space<vmem>>, vector<16xf32>,
    tpu.vector_store %arg14[%swap3A_798], %add3A_797 {strides = array<i32>} : memref<128xf32, #tpu.memory_space<vmem>>, vector<16xf32>,
    %get3A_800 = arith.constant 48 : index
    %get3A_801 = tpu.vector_load %arg14[%get3A_800] {strides = array<i32>} : memref<128xf32, #tpu.memory_space<vmem>>, vector<16xf32>,
    %get3A_802 = arith.constant 4 : i32
    %get3A_803 = arith.index_cast %get3A_802 : i32 to index
    %get3A_804 = arith.constant 48 : index
    %get3A_805 = tpu.vector_load %arg15[%get3A_803, %get3A_804] {strides = array<i32>} : memref<16x128xf32, #tpu.memory_space<vmem>>, vector<16xf32>,
    %add3A_806 = arith.addf %get3A_801, %get3A_805 : vector<16xf32>
    %swap3A_807 = arith.constant 48 : index
    %swap3A_808 = tpu.vector_load %arg14[%swap3A_807] {strides = array<i32>} : memref<128xf32, #tpu.memory_space<vmem>>, vector<16xf32>,
    tpu.vector_store %arg14[%swap3A_807], %add3A_806 {strides = array<i32>} : memref<128xf32, #tpu.memory_space<vmem>>, vector<16xf32>,
    %get3A_809 = arith.constant 64 : index
    %get3A_810 = tpu.vector_load %arg14[%get3A_809] {strides = array<i32>} : memref<128xf32, #tpu.memory_space<vmem>>, vector<16xf32>,
    %get3A_811 = arith.constant 4 : i32
    %get3A_812 = arith.index_cast %get3A_811 : i32 to index
    %get3A_813 = arith.constant 64 : index
    %get3A_814 = tpu.vector_load %arg15[%get3A_812, %get3A_813] {strides = array<i32>} : memref<16x128xf32, #tpu.memory_space<vmem>>, vector<16xf32>,
    %add3A_815 = arith.addf %get3A_810, %get3A_814 : vector<16xf32>
    %swap3A_816 = arith.constant 64 : index
    %swap3A_817 = tpu.vector_load %arg14[%swap3A_816] {strides = array<i32>} : memref<128xf32, #tpu.memory_space<vmem>>, vector<16xf32>,
    tpu.vector_store %arg14[%swap3A_816], %add3A_815 {strides = array<i32>} : memref<128xf32, #tpu.memory_space<vmem>>, vector<16xf32>,
    %get3A_818 = arith.constant 80 : index
    %get3A_819 = tpu.vector_load %arg14[%get3A_818] {strides = array<i32>} : memref<128xf32, #tpu.memory_space<vmem>>, vector<16xf32>,
    %get3A_820 = arith.constant 4 : i32
    %get3A_821 = arith.index_cast %get3A_820 : i32 to index
    %get3A_822 = arith.constant 80 : index
    %get3A_823 = tpu.vector_load %arg15[%get3A_821, %get3A_822] {strides = array<i32>} : memref<16x128xf32, #tpu.memory_space<vmem>>, vector<16xf32>,
    %add3A_824 = arith.addf %get3A_819, %get3A_823 : vector<16xf32>
    %swap3A_825 = arith.constant 80 : index
    %swap3A_826 = tpu.vector_load %arg14[%swap3A_825] {strides = array<i32>} : memref<128xf32, #tpu.memory_space<vmem>>, vector<16xf32>,
    tpu.vector_store %arg14[%swap3A_825], %add3A_824 {strides = array<i32>} : memref<128xf32, #tpu.memory_space<vmem>>, vector<16xf32>,
    %get3A_827 = arith.constant 96 : index
    %get3A_828 = tpu.vector_load %arg14[%get3A_827] {strides = array<i32>} : memref<128xf32, #tpu.memory_space<vmem>>, vector<16xf32>,
    %get3A_829 = arith.constant 4 : i32
    %get3A_830 = arith.index_cast %get3A_829 : i32 to index
    %get3A_831 = arith.constant 96 : index
    %get3A_832 = tpu.vector_load %arg15[%get3A_830, %get3A_831] {strides = array<i32>} : memref<16x128xf32, #tpu.memory_space<vmem>>, vector<16xf32>,
    %add3A_833 = arith.addf %get3A_828, %get3A_832 : vector<16xf32>
    %swap3A_834 = arith.constant 96 : index
    %swap3A_835 = tpu.vector_load %arg14[%swap3A_834] {strides = array<i32>} : memref<128xf32, #tpu.memory_space<vmem>>, vector<16xf32>,
    tpu.vector_store %arg14[%swap3A_834], %add3A_833 {strides = array<i32>} : memref<128xf32, #tpu.memory_space<vmem>>, vector<16xf32>,
    %get3A_836 = arith.constant 112 : index
    %get3A_837 = tpu.vector_load %arg14[%get3A_836] {strides = array<i32>} : memref<128xf32, #tpu.memory_space<vmem>>, vector<16xf32>,
    %get3A_838 = arith.constant 4 : i32
    %get3A_839 = arith.index_cast %get3A_838 : i32 to index
    %get3A_840 = arith.constant 112 : index
    %get3A_841 = tpu.vector_load %arg15[%get3A_839, %get3A_840] {strides = array<i32>} : memref<16x128xf32, #tpu.memory_space<vmem>>, vector<16xf32>,
    %add3A_842 = arith.addf %get3A_837, %get3A_841 : vector<16xf32>
    %swap3A_843 = arith.constant 112 : index
    %swap3A_844 = tpu.vector_load %arg14[%swap3A_843] {strides = array<i32>} : memref<128xf32, #tpu.memory_space<vmem>>, vector<16xf32>,
    tpu.vector_store %arg14[%swap3A_843], %add3A_842 {strides = array<i32>} : memref<128xf32, #tpu.memory_space<vmem>>, vector<16xf32>,
    %get3A_845 = arith.constant 0 : index
    %get3A_846 = tpu.vector_load %arg14[%get3A_845] {strides = array<i32>} : memref<128xf32, #tpu.memory_space<vmem>>, vector<16xf32>,
    %get3A_847 = arith.constant 5 : i32
    %get3A_848 = arith.index_cast %get3A_847 : i32 to index
    %get3A_849 = arith.constant 0 : index
    %get3A_850 = tpu.vector_load %arg15[%get3A_848, %get3A_849] {strides = array<i32>} : memref<16x128xf32, #tpu.memory_space<vmem>>, vector<16xf32>,
    %add3A_851 = arith.addf %get3A_846, %get3A_850 : vector<16xf32>
    %swap3A_852 = arith.constant 0 : index
    %swap3A_853 = tpu.vector_load %arg14[%swap3A_852] {strides = array<i32>} : memref<128xf32, #tpu.memory_space<vmem>>, vector<16xf32>,
    tpu.vector_store %arg14[%swap3A_852], %add3A_851 {strides = array<i32>} : memref<128xf32, #tpu.memory_space<vmem>>, vector<16xf32>,
    %get3A_854 = arith.constant 16 : index
    %get3A_855 = tpu.vector_load %arg14[%get3A_854] {strides = array<i32>} : memref<128xf32, #tpu.memory_space<vmem>>, vector<16xf32>,
    %get3A_856 = arith.constant 5 : i32
    %get3A_857 = arith.index_cast %get3A_856 : i32 to index
    %get3A_858 = arith.constant 16 : index
    %get3A_859 = tpu.vector_load %arg15[%get3A_857, %get3A_858] {strides = array<i32>} : memref<16x128xf32, #tpu.memory_space<vmem>>, vector<16xf32>,
    %add3A_860 = arith.addf %get3A_855, %get3A_859 : vector<16xf32>
    %swap3A_861 = arith.constant 16 : index
    %swap3A_862 = tpu.vector_load %arg14[%swap3A_861] {strides = array<i32>} : memref<128xf32, #tpu.memory_space<vmem>>, vector<16xf32>,
    tpu.vector_store %arg14[%swap3A_861], %add3A_860 {strides = array<i32>} : memref<128xf32, #tpu.memory_space<vmem>>, vector<16xf32>,
    %get3A_863 = arith.constant 32 : index
    %get3A_864 = tpu.vector_load %arg14[%get3A_863] {strides = array<i32>} : memref<128xf32, #tpu.memory_space<vmem>>, vector<16xf32>,
    %get3A_865 = arith.constant 5 : i32
    %get3A_866 = arith.index_cast %get3A_865 : i32 to index
    %get3A_867 = arith.constant 32 : index
    %get3A_868 = tpu.vector_load %arg15[%get3A_866, %get3A_867] {strides = array<i32>} : memref<16x128xf32, #tpu.memory_space<vmem>>, vector<16xf32>,
    %add3A_869 = arith.addf %get3A_864, %get3A_868 : vector<16xf32>
    %swap3A_870 = arith.constant 32 : index
    %swap3A_871 = tpu.vector_load %arg14[%swap3A_870] {strides = array<i32>} : memref<128xf32, #tpu.memory_space<vmem>>, vector<16xf32>,
    tpu.vector_store %arg14[%swap3A_870], %add3A_869 {strides = array<i32>} : memref<128xf32, #tpu.memory_space<vmem>>, vector<16xf32>,
    %get3A_872 = arith.constant 48 : index
    %get3A_873 = tpu.vector_load %arg14[%get3A_872] {strides = array<i32>} : memref<128xf32, #tpu.memory_space<vmem>>, vector<16xf32>,
    %get3A_874 = arith.constant 5 : i32
    %get3A_875 = arith.index_cast %get3A_874 : i32 to index
    %get3A_876 = arith.constant 48 : index
    %get3A_877 = tpu.vector_load %arg15[%get3A_875, %get3A_876] {strides = array<i32>} : memref<16x128xf32, #tpu.memory_space<vmem>>, vector<16xf32>,
    %add3A_878 = arith.addf %get3A_873, %get3A_877 : vector<16xf32>
    %swap3A_879 = arith.constant 48 : index
    %swap3A_880 = tpu.vector_load %arg14[%swap3A_879] {strides = array<i32>} : memref<128xf32, #tpu.memory_space<vmem>>, vector<16xf32>,
    tpu.vector_store %arg14[%swap3A_879], %add3A_878 {strides = array<i32>} : memref<128xf32, #tpu.memory_space<vmem>>, vector<16xf32>,
    %get3A_881 = arith.constant 64 : index
    %get3A_882 = tpu.vector_load %arg14[%get3A_881] {strides = array<i32>} : memref<128xf32, #tpu.memory_space<vmem>>, vector<16xf32>,
    %get3A_883 = arith.constant 5 : i32
    %get3A_884 = arith.index_cast %get3A_883 : i32 to index
    %get3A_885 = arith.constant 64 : index
    %get3A_886 = tpu.vector_load %arg15[%get3A_884, %get3A_885] {strides = array<i32>} : memref<16x128xf32, #tpu.memory_space<vmem>>, vector<16xf32>,
    %add3A_887 = arith.addf %get3A_882, %get3A_886 : vector<16xf32>
    %swap3A_888 = arith.constant 64 : index
    %swap3A_889 = tpu.vector_load %arg14[%swap3A_888] {strides = array<i32>} : memref<128xf32, #tpu.memory_space<vmem>>, vector<16xf32>,
    tpu.vector_store %arg14[%swap3A_888], %add3A_887 {strides = array<i32>} : memref<128xf32, #tpu.memory_space<vmem>>, vector<16xf32>,
    %get3A_890 = arith.constant 80 : index
    %get3A_891 = tpu.vector_load %arg14[%get3A_890] {strides = array<i32>} : memref<128xf32, #tpu.memory_space<vmem>>, vector<16xf32>,
    %get3A_892 = arith.constant 5 : i32
    %get3A_893 = arith.index_cast %get3A_892 : i32 to index
    %get3A_894 = arith.constant 80 : index
    %get3A_895 = tpu.vector_load %arg15[%get3A_893, %get3A_894] {strides = array<i32>} : memref<16x128xf32, #tpu.memory_space<vmem>>, vector<16xf32>,
    %add3A_896 = arith.addf %get3A_891, %get3A_895 : vector<16xf32>
    %swap3A_897 = arith.constant 80 : index
    %swap3A_898 = tpu.vector_load %arg14[%swap3A_897] {strides = array<i32>} : memref<128xf32, #tpu.memory_space<vmem>>, vector<16xf32>,
    tpu.vector_store %arg14[%swap3A_897], %add3A_896 {strides = array<i32>} : memref<128xf32, #tpu.memory_space<vmem>>, vector<16xf32>,
    %get3A_899 = arith.constant 96 : index
    %get3A_900 = tpu.vector_load %arg14[%get3A_899] {strides = array<i32>} : memref<128xf32, #tpu.memory_space<vmem>>, vector<16xf32>,
    %get3A_901 = arith.constant 5 : i32
    %get3A_902 = arith.index_cast %get3A_901 : i32 to index
    %get3A_903 = arith.constant 96 : index
    %get3A_904 = tpu.vector_load %arg15[%get3A_902, %get3A_903] {strides = array<i32>} : memref<16x128xf32, #tpu.memory_space<vmem>>, vector<16xf32>,
    %add3A_905 = arith.addf %get3A_900, %get3A_904 : vector<16xf32>
    %swap3A_906 = arith.constant 96 : index
    %swap3A_907 = tpu.vector_load %arg14[%swap3A_906] {strides = array<i32>} : memref<128xf32, #tpu.memory_space<vmem>>, vector<16xf32>,
    tpu.vector_store %arg14[%swap3A_906], %add3A_905 {strides = array<i32>} : memref<128xf32, #tpu.memory_space<vmem>>, vector<16xf32>,
    %get3A_908 = arith.constant 112 : index
    %get3A_909 = tpu.vector_load %arg14[%get3A_908] {strides = array<i32>} : memref<128xf32, #tpu.memory_space<vmem>>, vector<16xf32>,
    %get3A_910 = arith.constant 5 : i32
    %get3A_911 = arith.index_cast %get3A_910 : i32 to index
    %get3A_912 = arith.constant 112 : index
    %get3A_913 = tpu.vector_load %arg15[%get3A_911, %get3A_912] {strides = array<i32>} : memref<16x128xf32, #tpu.memory_space<vmem>>, vector<16xf32>,
    %add3A_914 = arith.addf %get3A_909, %get3A_913 : vector<16xf32>
    %swap3A_915 = arith.constant 112 : index
    %swap3A_916 = tpu.vector_load %arg14[%swap3A_915] {strides = array<i32>} : memref<128xf32, #tpu.memory_space<vmem>>, vector<16xf32>,
    tpu.vector_store %arg14[%swap3A_915], %add3A_914 {strides = array<i32>} : memref<128xf32, #tpu.memory_space<vmem>>, vector<16xf32>,
    %get3A_917 = arith.constant 0 : index
    %get3A_918 = tpu.vector_load %arg14[%get3A_917] {strides = array<i32>} : memref<128xf32, #tpu.memory_space<vmem>>, vector<16xf32>,
    %get3A_919 = arith.constant 6 : i32
    %get3A_920 = arith.index_cast %get3A_919 : i32 to index
    %get3A_921 = arith.constant 0 : index
    %get3A_922 = tpu.vector_load %arg15[%get3A_920, %get3A_921] {strides = array<i32>} : memref<16x128xf32, #tpu.memory_space<vmem>>, vector<16xf32>,
    %add3A_923 = arith.addf %get3A_918, %get3A_922 : vector<16xf32>
    %swap3A_924 = arith.constant 0 : index
    %swap3A_925 = tpu.vector_load %arg14[%swap3A_924] {strides = array<i32>} : memref<128xf32, #tpu.memory_space<vmem>>, vector<16xf32>,
    tpu.vector_store %arg14[%swap3A_924], %add3A_923 {strides = array<i32>} : memref<128xf32, #tpu.memory_space<vmem>>, vector<16xf32>,
    %get3A_926 = arith.constant 16 : index
    %get3A_927 = tpu.vector_load %arg14[%get3A_926] {strides = array<i32>} : memref<128xf32, #tpu.memory_space<vmem>>, vector<16xf32>,
    %get3A_928 = arith.constant 6 : i32
    %get3A_929 = arith.index_cast %get3A_928 : i32 to index
    %get3A_930 = arith.constant 16 : index
    %get3A_931 = tpu.vector_load %arg15[%get3A_929, %get3A_930] {strides = array<i32>} : memref<16x128xf32, #tpu.memory_space<vmem>>, vector<16xf32>,
    %add3A_932 = arith.addf %get3A_927, %get3A_931 : vector<16xf32>
    %swap3A_933 = arith.constant 16 : index
    %swap3A_934 = tpu.vector_load %arg14[%swap3A_933] {strides = array<i32>} : memref<128xf32, #tpu.memory_space<vmem>>, vector<16xf32>,
    tpu.vector_store %arg14[%swap3A_933], %add3A_932 {strides = array<i32>} : memref<128xf32, #tpu.memory_space<vmem>>, vector<16xf32>,
    %get3A_935 = arith.constant 32 : index
    %get3A_936 = tpu.vector_load %arg14[%get3A_935] {strides = array<i32>} : memref<128xf32, #tpu.memory_space<vmem>>, vector<16xf32>,
    %get3A_937 = arith.constant 6 : i32
    %get3A_938 = arith.index_cast %get3A_937 : i32 to index
    %get3A_939 = arith.constant 32 : index
    %get3A_940 = tpu.vector_load %arg15[%get3A_938, %get3A_939] {strides = array<i32>} : memref<16x128xf32, #tpu.memory_space<vmem>>, vector<16xf32>,
    %add3A_941 = arith.addf %get3A_936, %get3A_940 : vector<16xf32>
    %swap3A_942 = arith.constant 32 : index
    %swap3A_943 = tpu.vector_load %arg14[%swap3A_942] {strides = array<i32>} : memref<128xf32, #tpu.memory_space<vmem>>, vector<16xf32>,
    tpu.vector_store %arg14[%swap3A_942], %add3A_941 {strides = array<i32>} : memref<128xf32, #tpu.memory_space<vmem>>, vector<16xf32>,
    %get3A_944 = arith.constant 48 : index
    %get3A_945 = tpu.vector_load %arg14[%get3A_944] {strides = array<i32>} : memref<128xf32, #tpu.memory_space<vmem>>, vector<16xf32>,
    %get3A_946 = arith.constant 6 : i32
    %get3A_947 = arith.index_cast %get3A_946 : i32 to index
    %get3A_948 = arith.constant 48 : index
    %get3A_949 = tpu.vector_load %arg15[%get3A_947, %get3A_948] {strides = array<i32>} : memref<16x128xf32, #tpu.memory_space<vmem>>, vector<16xf32>,
    %add3A_950 = arith.addf %get3A_945, %get3A_949 : vector<16xf32>
    %swap3A_951 = arith.constant 48 : index
    %swap3A_952 = tpu.vector_load %arg14[%swap3A_951] {strides = array<i32>} : memref<128xf32, #tpu.memory_space<vmem>>, vector<16xf32>,
    tpu.vector_store %arg14[%swap3A_951], %add3A_950 {strides = array<i32>} : memref<128xf32, #tpu.memory_space<vmem>>, vector<16xf32>,
    %get3A_953 = arith.constant 64 : index
    %get3A_954 = tpu.vector_load %arg14[%get3A_953] {strides = array<i32>} : memref<128xf32, #tpu.memory_space<vmem>>, vector<16xf32>,
    %get3A_955 = arith.constant 6 : i32
    %get3A_956 = arith.index_cast %get3A_955 : i32 to index
    %get3A_957 = arith.constant 64 : index
    %get3A_958 = tpu.vector_load %arg15[%get3A_956, %get3A_957] {strides = array<i32>} : memref<16x128xf32, #tpu.memory_space<vmem>>, vector<16xf32>,
    %add3A_959 = arith.addf %get3A_954, %get3A_958 : vector<16xf32>
    %swap3A_960 = arith.constant 64 : index
    %swap3A_961 = tpu.vector_load %arg14[%swap3A_960] {strides = array<i32>} : memref<128xf32, #tpu.memory_space<vmem>>, vector<16xf32>,
    tpu.vector_store %arg14[%swap3A_960], %add3A_959 {strides = array<i32>} : memref<128xf32, #tpu.memory_space<vmem>>, vector<16xf32>,
    %get3A_962 = arith.constant 80 : index
    %get3A_963 = tpu.vector_load %arg14[%get3A_962] {strides = array<i32>} : memref<128xf32, #tpu.memory_space<vmem>>, vector<16xf32>,
    %get3A_964 = arith.constant 6 : i32
    %get3A_965 = arith.index_cast %get3A_964 : i32 to index
    %get3A_966 = arith.constant 80 : index
    %get3A_967 = tpu.vector_load %arg15[%get3A_965, %get3A_966] {strides = array<i32>} : memref<16x128xf32, #tpu.memory_space<vmem>>, vector<16xf32>,
    %add3A_968 = arith.addf %get3A_963, %get3A_967 : vector<16xf32>
    %swap3A_969 = arith.constant 80 : index
    %swap3A_970 = tpu.vector_load %arg14[%swap3A_969] {strides = array<i32>} : memref<128xf32, #tpu.memory_space<vmem>>, vector<16xf32>,
    tpu.vector_store %arg14[%swap3A_969], %add3A_968 {strides = array<i32>} : memref<128xf32, #tpu.memory_space<vmem>>, vector<16xf32>,
    %get3A_971 = arith.constant 96 : index
    %get3A_972 = tpu.vector_load %arg14[%get3A_971] {strides = array<i32>} : memref<128xf32, #tpu.memory_space<vmem>>, vector<16xf32>,
    %get3A_973 = arith.constant 6 : i32
    %get3A_974 = arith.index_cast %get3A_973 : i32 to index
    %get3A_975 = arith.constant 96 : index
    %get3A_976 = tpu.vector_load %arg15[%get3A_974, %get3A_975] {strides = array<i32>} : memref<16x128xf32, #tpu.memory_space<vmem>>, vector<16xf32>,
    %add3A_977 = arith.addf %get3A_972, %get3A_976 : vector<16xf32>
    %swap3A_978 = arith.constant 96 : index
    %swap3A_979 = tpu.vector_load %arg14[%swap3A_978] {strides = array<i32>} : memref<128xf32, #tpu.memory_space<vmem>>, vector<16xf32>,
    tpu.vector_store %arg14[%swap3A_978], %add3A_977 {strides = array<i32>} : memref<128xf32, #tpu.memory_space<vmem>>, vector<16xf32>,
    %get3A_980 = arith.constant 112 : index
    %get3A_981 = tpu.vector_load %arg14[%get3A_980] {strides = array<i32>} : memref<128xf32, #tpu.memory_space<vmem>>, vector<16xf32>,
    %get3A_982 = arith.constant 6 : i32
    %get3A_983 = arith.index_cast %get3A_982 : i32 to index
    %get3A_984 = arith.constant 112 : index
    %get3A_985 = tpu.vector_load %arg15[%get3A_983, %get3A_984] {strides = array<i32>} : memref<16x128xf32, #tpu.memory_space<vmem>>, vector<16xf32>,
    %add3A_986 = arith.addf %get3A_981, %get3A_985 : vector<16xf32>
    %swap3A_987 = arith.constant 112 : index
    %swap3A_988 = tpu.vector_load %arg14[%swap3A_987] {strides = array<i32>} : memref<128xf32, #tpu.memory_space<vmem>>, vector<16xf32>,
    tpu.vector_store %arg14[%swap3A_987], %add3A_986 {strides = array<i32>} : memref<128xf32, #tpu.memory_space<vmem>>, vector<16xf32>,
    %get3A_989 = arith.constant 0 : index
    %get3A_990 = tpu.vector_load %arg14[%get3A_989] {strides = array<i32>} : memref<128xf32, #tpu.memory_space<vmem>>, vector<16xf32>,
    %get3A_991 = arith.constant 7 : i32
    %get3A_992 = arith.index_cast %get3A_991 : i32 to index
    %get3A_993 = arith.constant 0 : index
    %get3A_994 = tpu.vector_load %arg15[%get3A_992, %get3A_993] {strides = array<i32>} : memref<16x128xf32, #tpu.memory_space<vmem>>, vector<16xf32>,
    %add3A_995 = arith.addf %get3A_990, %get3A_994 : vector<16xf32>
    %swap3A_996 = arith.constant 0 : index
    %swap3A_997 = tpu.vector_load %arg14[%swap3A_996] {strides = array<i32>} : memref<128xf32, #tpu.memory_space<vmem>>, vector<16xf32>,
    tpu.vector_store %arg14[%swap3A_996], %add3A_995 {strides = array<i32>} : memref<128xf32, #tpu.memory_space<vmem>>, vector<16xf32>,
    %get3A_998 = arith.constant 16 : index
    %get3A_999 = tpu.vector_load %arg14[%get3A_998] {strides = array<i32>} : memref<128xf32, #tpu.memory_space<vmem>>, vector<16xf32>,
    %get3A_1000 = arith.constant 7 : i32
    %get3A_1001 = arith.index_cast %get3A_1000 : i32 to index
    %get3A_1002 = arith.constant 16 : index
    %get3A_1003 = tpu.vector_load %arg15[%get3A_1001, %get3A_1002] {strides = array<i32>} : memref<16x128xf32, #tpu.memory_space<vmem>>, vector<16xf32>,
    %add3A_1004 = arith.addf %get3A_999, %get3A_1003 : vector<16xf32>
    %swap3A_1005 = arith.constant 16 : index
    %swap3A_1006 = tpu.vector_load %arg14[%swap3A_1005] {strides = array<i32>} : memref<128xf32, #tpu.memory_space<vmem>>, vector<16xf32>,
    tpu.vector_store %arg14[%swap3A_1005], %add3A_1004 {strides = array<i32>} : memref<128xf32, #tpu.memory_space<vmem>>, vector<16xf32>,
    %get3A_1007 = arith.constant 32 : index
    %get3A_1008 = tpu.vector_load %arg14[%get3A_1007] {strides = array<i32>} : memref<128xf32, #tpu.memory_space<vmem>>, vector<16xf32>,
    %get3A_1009 = arith.constant 7 : i32
    %get3A_1010 = arith.index_cast %get3A_1009 : i32 to index
    %get3A_1011 = arith.constant 32 : index
    %get3A_1012 = tpu.vector_load %arg15[%get3A_1010, %get3A_1011] {strides = array<i32>} : memref<16x128xf32, #tpu.memory_space<vmem>>, vector<16xf32>,
    %add3A_1013 = arith.addf %get3A_1008, %get3A_1012 : vector<16xf32>
    %swap3A_1014 = arith.constant 32 : index
    %swap3A_1015 = tpu.vector_load %arg14[%swap3A_1014] {strides = array<i32>} : memref<128xf32, #tpu.memory_space<vmem>>, vector<16xf32>,
    tpu.vector_store %arg14[%swap3A_1014], %add3A_1013 {strides = array<i32>} : memref<128xf32, #tpu.memory_space<vmem>>, vector<16xf32>,
    %get3A_1016 = arith.constant 48 : index
    %get3A_1017 = tpu.vector_load %arg14[%get3A_1016] {strides = array<i32>} : memref<128xf32, #tpu.memory_space<vmem>>, vector<16xf32>,
    %get3A_1018 = arith.constant 7 : i32
    %get3A_1019 = arith.index_cast %get3A_1018 : i32 to index
    %get3A_1020 = arith.constant 48 : index
    %get3A_1021 = tpu.vector_load %arg15[%get3A_1019, %get3A_1020] {strides = array<i32>} : memref<16x128xf32, #tpu.memory_space<vmem>>, vector<16xf32>,
    %add3A_1022 = arith.addf %get3A_1017, %get3A_1021 : vector<16xf32>
    %swap3A_1023 = arith.constant 48 : index
    %swap3A_1024 = tpu.vector_load %arg14[%swap3A_1023] {strides = array<i32>} : memref<128xf32, #tpu.memory_space<vmem>>, vector<16xf32>,
    tpu.vector_store %arg14[%swap3A_1023], %add3A_1022 {strides = array<i32>} : memref<128xf32, #tpu.memory_space<vmem>>, vector<16xf32>,
    %get3A_1025 = arith.constant 64 : index
    %get3A_1026 = tpu.vector_load %arg14[%get3A_1025] {strides = array<i32>} : memref<128xf32, #tpu.memory_space<vmem>>, vector<16xf32>,
    %get3A_1027 = arith.constant 7 : i32
    %get3A_1028 = arith.index_cast %get3A_1027 : i32 to index
    %get3A_1029 = arith.constant 64 : index
    %get3A_1030 = tpu.vector_load %arg15[%get3A_1028, %get3A_1029] {strides = array<i32>} : memref<16x128xf32, #tpu.memory_space<vmem>>, vector<16xf32>,
    %add3A_1031 = arith.addf %get3A_1026, %get3A_1030 : vector<16xf32>
    %swap3A_1032 = arith.constant 64 : index
    %swap3A_1033 = tpu.vector_load %arg14[%swap3A_1032] {strides = array<i32>} : memref<128xf32, #tpu.memory_space<vmem>>, vector<16xf32>,
    tpu.vector_store %arg14[%swap3A_1032], %add3A_1031 {strides = array<i32>} : memref<128xf32, #tpu.memory_space<vmem>>, vector<16xf32>,
    %get3A_1034 = arith.constant 80 : index
    %get3A_1035 = tpu.vector_load %arg14[%get3A_1034] {strides = array<i32>} : memref<128xf32, #tpu.memory_space<vmem>>, vector<16xf32>,
    %get3A_1036 = arith.constant 7 : i32
    %get3A_1037 = arith.index_cast %get3A_1036 : i32 to index
    %get3A_1038 = arith.constant 80 : index
    %get3A_1039 = tpu.vector_load %arg15[%get3A_1037, %get3A_1038] {strides = array<i32>} : memref<16x128xf32, #tpu.memory_space<vmem>>, vector<16xf32>,
    %add3A_1040 = arith.addf %get3A_1035, %get3A_1039 : vector<16xf32>
    %swap3A_1041 = arith.constant 80 : index
    %swap3A_1042 = tpu.vector_load %arg14[%swap3A_1041] {strides = array<i32>} : memref<128xf32, #tpu.memory_space<vmem>>, vector<16xf32>,
    tpu.vector_store %arg14[%swap3A_1041], %add3A_1040 {strides = array<i32>} : memref<128xf32, #tpu.memory_space<vmem>>, vector<16xf32>,
    %get3A_1043 = arith.constant 96 : index
    %get3A_1044 = tpu.vector_load %arg14[%get3A_1043] {strides = array<i32>} : memref<128xf32, #tpu.memory_space<vmem>>, vector<16xf32>,
    %get3A_1045 = arith.constant 7 : i32
    %get3A_1046 = arith.index_cast %get3A_1045 : i32 to index
    %get3A_1047 = arith.constant 96 : index
    %get3A_1048 = tpu.vector_load %arg15[%get3A_1046, %get3A_1047] {strides = array<i32>} : memref<16x128xf32, #tpu.memory_space<vmem>>, vector<16xf32>,
    %add3A_1049 = arith.addf %get3A_1044, %get3A_1048 : vector<16xf32>
    %swap3A_1050 = arith.constant 96 : index
    %swap3A_1051 = tpu.vector_load %arg14[%swap3A_1050] {strides = array<i32>} : memref<128xf32, #tpu.memory_space<vmem>>, vector<16xf32>,
    tpu.vector_store %arg14[%swap3A_1050], %add3A_1049 {strides = array<i32>} : memref<128xf32, #tpu.memory_space<vmem>>, vector<16xf32>,
    %get3A_1052 = arith.constant 112 : index
    %get3A_1053 = tpu.vector_load %arg14[%get3A_1052] {strides = array<i32>} : memref<128xf32, #tpu.memory_space<vmem>>, vector<16xf32>,
    %get3A_1054 = arith.constant 7 : i32
    %get3A_1055 = arith.index_cast %get3A_1054 : i32 to index
    %get3A_1056 = arith.constant 112 : index
    %get3A_1057 = tpu.vector_load %arg15[%get3A_1055, %get3A_1056] {strides = array<i32>} : memref<16x128xf32, #tpu.memory_space<vmem>>, vector<16xf32>,
    %add3A_1058 = arith.addf %get3A_1053, %get3A_1057 : vector<16xf32>
    %swap3A_1059 = arith.constant 112 : index
    %swap3A_1060 = tpu.vector_load %arg14[%swap3A_1059] {strides = array<i32>} : memref<128xf32, #tpu.memory_space<vmem>>, vector<16xf32>,
    tpu.vector_store %arg14[%swap3A_1059], %add3A_1058 {strides = array<i32>} : memref<128xf32, #tpu.memory_space<vmem>>, vector<16xf32>,
    %get3A_1061 = arith.constant 0 : index
    %get3A_1062 = tpu.vector_load %arg14[%get3A_1061] {strides = array<i32>} : memref<128xf32, #tpu.memory_space<vmem>>, vector<16xf32>,
    %get3A_1063 = arith.constant 8 : i32
    %get3A_1064 = arith.index_cast %get3A_1063 : i32 to index
    %get3A_1065 = arith.constant 0 : index
    %get3A_1066 = tpu.vector_load %arg15[%get3A_1064, %get3A_1065] {strides = array<i32>} : memref<16x128xf32, #tpu.memory_space<vmem>>, vector<16xf32>,
    %add3A_1067 = arith.addf %get3A_1062, %get3A_1066 : vector<16xf32>
    %swap3A_1068 = arith.constant 0 : index
    %swap3A_1069 = tpu.vector_load %arg14[%swap3A_1068] {strides = array<i32>} : memref<128xf32, #tpu.memory_space<vmem>>, vector<16xf32>,
    tpu.vector_store %arg14[%swap3A_1068], %add3A_1067 {strides = array<i32>} : memref<128xf32, #tpu.memory_space<vmem>>, vector<16xf32>,
    %get3A_1070 = arith.constant 16 : index
    %get3A_1071 = tpu.vector_load %arg14[%get3A_1070] {strides = array<i32>} : memref<128xf32, #tpu.memory_space<vmem>>, vector<16xf32>,
    %get3A_1072 = arith.constant 8 : i32
    %get3A_1073 = arith.index_cast %get3A_1072 : i32 to index
    %get3A_1074 = arith.constant 16 : index
    %get3A_1075 = tpu.vector_load %arg15[%get3A_1073, %get3A_1074] {strides = array<i32>} : memref<16x128xf32, #tpu.memory_space<vmem>>, vector<16xf32>,
    %add3A_1076 = arith.addf %get3A_1071, %get3A_1075 : vector<16xf32>
    %swap3A_1077 = arith.constant 16 : index
    %swap3A_1078 = tpu.vector_load %arg14[%swap3A_1077] {strides = array<i32>} : memref<128xf32, #tpu.memory_space<vmem>>, vector<16xf32>,
    tpu.vector_store %arg14[%swap3A_1077], %add3A_1076 {strides = array<i32>} : memref<128xf32, #tpu.memory_space<vmem>>, vector<16xf32>,
    %get3A_1079 = arith.constant 32 : index
    %get3A_1080 = tpu.vector_load %arg14[%get3A_1079] {strides = array<i32>} : memref<128xf32, #tpu.memory_space<vmem>>, vector<16xf32>,
    %get3A_1081 = arith.constant 8 : i32
    %get3A_1082 = arith.index_cast %get3A_1081 : i32 to index
    %get3A_1083 = arith.constant 32 : index
    %get3A_1084 = tpu.vector_load %arg15[%get3A_1082, %get3A_1083] {strides = array<i32>} : memref<16x128xf32, #tpu.memory_space<vmem>>, vector<16xf32>,
    %add3A_1085 = arith.addf %get3A_1080, %get3A_1084 : vector<16xf32>
    %swap3A_1086 = arith.constant 32 : index
    %swap3A_1087 = tpu.vector_load %arg14[%swap3A_1086] {strides = array<i32>} : memref<128xf32, #tpu.memory_space<vmem>>, vector<16xf32>,
    tpu.vector_store %arg14[%swap3A_1086], %add3A_1085 {strides = array<i32>} : memref<128xf32, #tpu.memory_space<vmem>>, vector<16xf32>,
    %get3A_1088 = arith.constant 48 : index
    %get3A_1089 = tpu.vector_load %arg14[%get3A_1088] {strides = array<i32>} : memref<128xf32, #tpu.memory_space<vmem>>, vector<16xf32>,
    %get3A_1090 = arith.constant 8 : i32
    %get3A_1091 = arith.index_cast %get3A_1090 : i32 to index
    %get3A_1092 = arith.constant 48 : index
    %get3A_1093 = tpu.vector_load %arg15[%get3A_1091, %get3A_1092] {strides = array<i32>} : memref<16x128xf32, #tpu.memory_space<vmem>>, vector<16xf32>,
    %add3A_1094 = arith.addf %get3A_1089, %get3A_1093 : vector<16xf32>
    %swap3A_1095 = arith.constant 48 : index
    %swap3A_1096 = tpu.vector_load %arg14[%swap3A_1095] {strides = array<i32>} : memref<128xf32, #tpu.memory_space<vmem>>, vector<16xf32>,
    tpu.vector_store %arg14[%swap3A_1095], %add3A_1094 {strides = array<i32>} : memref<128xf32, #tpu.memory_space<vmem>>, vector<16xf32>,
    %get3A_1097 = arith.constant 64 : index
    %get3A_1098 = tpu.vector_load %arg14[%get3A_1097] {strides = array<i32>} : memref<128xf32, #tpu.memory_space<vmem>>, vector<16xf32>,
    %get3A_1099 = arith.constant 8 : i32
    %get3A_1100 = arith.index_cast %get3A_1099 : i32 to index
    %get3A_1101 = arith.constant 64 : index
    %get3A_1102 = tpu.vector_load %arg15[%get3A_1100, %get3A_1101] {strides = array<i32>} : memref<16x128xf32, #tpu.memory_space<vmem>>, vector<16xf32>,
    %add3A_1103 = arith.addf %get3A_1098, %get3A_1102 : vector<16xf32>
    %swap3A_1104 = arith.constant 64 : index
    %swap3A_1105 = tpu.vector_load %arg14[%swap3A_1104] {strides = array<i32>} : memref<128xf32, #tpu.memory_space<vmem>>, vector<16xf32>,
    tpu.vector_store %arg14[%swap3A_1104], %add3A_1103 {strides = array<i32>} : memref<128xf32, #tpu.memory_space<vmem>>, vector<16xf32>,
    %get3A_1106 = arith.constant 80 : index
    %get3A_1107 = tpu.vector_load %arg14[%get3A_1106] {strides = array<i32>} : memref<128xf32, #tpu.memory_space<vmem>>, vector<16xf32>,
    %get3A_1108 = arith.constant 8 : i32
    %get3A_1109 = arith.index_cast %get3A_1108 : i32 to index
    %get3A_1110 = arith.constant 80 : index
    %get3A_1111 = tpu.vector_load %arg15[%get3A_1109, %get3A_1110] {strides = array<i32>} : memref<16x128xf32, #tpu.memory_space<vmem>>, vector<16xf32>,
    %add3A_1112 = arith.addf %get3A_1107, %get3A_1111 : vector<16xf32>
    %swap3A_1113 = arith.constant 80 : index
    %swap3A_1114 = tpu.vector_load %arg14[%swap3A_1113] {strides = array<i32>} : memref<128xf32, #tpu.memory_space<vmem>>, vector<16xf32>,
    tpu.vector_store %arg14[%swap3A_1113], %add3A_1112 {strides = array<i32>} : memref<128xf32, #tpu.memory_space<vmem>>, vector<16xf32>,
    %get3A_1115 = arith.constant 96 : index
    %get3A_1116 = tpu.vector_load %arg14[%get3A_1115] {strides = array<i32>} : memref<128xf32, #tpu.memory_space<vmem>>, vector<16xf32>,
    %get3A_1117 = arith.constant 8 : i32
    %get3A_1118 = arith.index_cast %get3A_1117 : i32 to index
    %get3A_1119 = arith.constant 96 : index
    %get3A_1120 = tpu.vector_load %arg15[%get3A_1118, %get3A_1119] {strides = array<i32>} : memref<16x128xf32, #tpu.memory_space<vmem>>, vector<16xf32>,
    %add3A_1121 = arith.addf %get3A_1116, %get3A_1120 : vector<16xf32>
    %swap3A_1122 = arith.constant 96 : index
    %swap3A_1123 = tpu.vector_load %arg14[%swap3A_1122] {strides = array<i32>} : memref<128xf32, #tpu.memory_space<vmem>>, vector<16xf32>,
    tpu.vector_store %arg14[%swap3A_1122], %add3A_1121 {strides = array<i32>} : memref<128xf32, #tpu.memory_space<vmem>>, vector<16xf32>,
    %get3A_1124 = arith.constant 112 : index
    %get3A_1125 = tpu.vector_load %arg14[%get3A_1124] {strides = array<i32>} : memref<128xf32, #tpu.memory_space<vmem>>, vector<16xf32>,
    %get3A_1126 = arith.constant 8 : i32
    %get3A_1127 = arith.index_cast %get3A_1126 : i32 to index
    %get3A_1128 = arith.constant 112 : index
    %get3A_1129 = tpu.vector_load %arg15[%get3A_1127, %get3A_1128] {strides = array<i32>} : memref<16x128xf32, #tpu.memory_space<vmem>>, vector<16xf32>,
    %add3A_1130 = arith.addf %get3A_1125, %get3A_1129 : vector<16xf32>
    %swap3A_1131 = arith.constant 112 : index
    %swap3A_1132 = tpu.vector_load %arg14[%swap3A_1131] {strides = array<i32>} : memref<128xf32, #tpu.memory_space<vmem>>, vector<16xf32>,
    tpu.vector_store %arg14[%swap3A_1131], %add3A_1130 {strides = array<i32>} : memref<128xf32, #tpu.memory_space<vmem>>, vector<16xf32>,
    %get3A_1133 = arith.constant 0 : index
    %get3A_1134 = tpu.vector_load %arg14[%get3A_1133] {strides = array<i32>} : memref<128xf32, #tpu.memory_space<vmem>>, vector<16xf32>,
    %get3A_1135 = arith.constant 9 : i32
    %get3A_1136 = arith.index_cast %get3A_1135 : i32 to index
    %get3A_1137 = arith.constant 0 : index
    %get3A_1138 = tpu.vector_load %arg15[%get3A_1136, %get3A_1137] {strides = array<i32>} : memref<16x128xf32, #tpu.memory_space<vmem>>, vector<16xf32>,
    %add3A_1139 = arith.addf %get3A_1134, %get3A_1138 : vector<16xf32>
    %swap3A_1140 = arith.constant 0 : index
    %swap3A_1141 = tpu.vector_load %arg14[%swap3A_1140] {strides = array<i32>} : memref<128xf32, #tpu.memory_space<vmem>>, vector<16xf32>,
    tpu.vector_store %arg14[%swap3A_1140], %add3A_1139 {strides = array<i32>} : memref<128xf32, #tpu.memory_space<vmem>>, vector<16xf32>,
    %get3A_1142 = arith.constant 16 : index
    %get3A_1143 = tpu.vector_load %arg14[%get3A_1142] {strides = array<i32>} : memref<128xf32, #tpu.memory_space<vmem>>, vector<16xf32>,
    %get3A_1144 = arith.constant 9 : i32
    %get3A_1145 = arith.index_cast %get3A_1144 : i32 to index
    %get3A_1146 = arith.constant 16 : index
    %get3A_1147 = tpu.vector_load %arg15[%get3A_1145, %get3A_1146] {strides = array<i32>} : memref<16x128xf32, #tpu.memory_space<vmem>>, vector<16xf32>,
    %add3A_1148 = arith.addf %get3A_1143, %get3A_1147 : vector<16xf32>
    %swap3A_1149 = arith.constant 16 : index
    %swap3A_1150 = tpu.vector_load %arg14[%swap3A_1149] {strides = array<i32>} : memref<128xf32, #tpu.memory_space<vmem>>, vector<16xf32>,
    tpu.vector_store %arg14[%swap3A_1149], %add3A_1148 {strides = array<i32>} : memref<128xf32, #tpu.memory_space<vmem>>, vector<16xf32>,
    %get3A_1151 = arith.constant 32 : index
    %get3A_1152 = tpu.vector_load %arg14[%get3A_1151] {strides = array<i32>} : memref<128xf32, #tpu.memory_space<vmem>>, vector<16xf32>,
    %get3A_1153 = arith.constant 9 : i32
    %get3A_1154 = arith.index_cast %get3A_1153 : i32 to index
    %get3A_1155 = arith.constant 32 : index
    %get3A_1156 = tpu.vector_load %arg15[%get3A_1154, %get3A_1155] {strides = array<i32>} : memref<16x128xf32, #tpu.memory_space<vmem>>, vector<16xf32>,
    %add3A_1157 = arith.addf %get3A_1152, %get3A_1156 : vector<16xf32>
    %swap3A_1158 = arith.constant 32 : index
    %swap3A_1159 = tpu.vector_load %arg14[%swap3A_1158] {strides = array<i32>} : memref<128xf32, #tpu.memory_space<vmem>>, vector<16xf32>,
    tpu.vector_store %arg14[%swap3A_1158], %add3A_1157 {strides = array<i32>} : memref<128xf32, #tpu.memory_space<vmem>>, vector<16xf32>,
    %get3A_1160 = arith.constant 48 : index
    %get3A_1161 = tpu.vector_load %arg14[%get3A_1160] {strides = array<i32>} : memref<128xf32, #tpu.memory_space<vmem>>, vector<16xf32>,
    %get3A_1162 = arith.constant 9 : i32
    %get3A_1163 = arith.index_cast %get3A_1162 : i32 to index
    %get3A_1164 = arith.constant 48 : index
    %get3A_1165 = tpu.vector_load %arg15[%get3A_1163, %get3A_1164] {strides = array<i32>} : memref<16x128xf32, #tpu.memory_space<vmem>>, vector<16xf32>,
    %add3A_1166 = arith.addf %get3A_1161, %get3A_1165 : vector<16xf32>
    %swap3A_1167 = arith.constant 48 : index
    %swap3A_1168 = tpu.vector_load %arg14[%swap3A_1167] {strides = array<i32>} : memref<128xf32, #tpu.memory_space<vmem>>, vector<16xf32>,
    tpu.vector_store %arg14[%swap3A_1167], %add3A_1166 {strides = array<i32>} : memref<128xf32, #tpu.memory_space<vmem>>, vector<16xf32>,
    %get3A_1169 = arith.constant 64 : index
    %get3A_1170 = tpu.vector_load %arg14[%get3A_1169] {strides = array<i32>} : memref<128xf32, #tpu.memory_space<vmem>>, vector<16xf32>,
    %get3A_1171 = arith.constant 9 : i32
    %get3A_1172 = arith.index_cast %get3A_1171 : i32 to index
    %get3A_1173 = arith.constant 64 : index
    %get3A_1174 = tpu.vector_load %arg15[%get3A_1172, %get3A_1173] {strides = array<i32>} : memref<16x128xf32, #tpu.memory_space<vmem>>, vector<16xf32>,
    %add3A_1175 = arith.addf %get3A_1170, %get3A_1174 : vector<16xf32>
    %swap3A_1176 = arith.constant 64 : index
    %swap3A_1177 = tpu.vector_load %arg14[%swap3A_1176] {strides = array<i32>} : memref<128xf32, #tpu.memory_space<vmem>>, vector<16xf32>,
    tpu.vector_store %arg14[%swap3A_1176], %add3A_1175 {strides = array<i32>} : memref<128xf32, #tpu.memory_space<vmem>>, vector<16xf32>,
    %get3A_1178 = arith.constant 80 : index
    %get3A_1179 = tpu.vector_load %arg14[%get3A_1178] {strides = array<i32>} : memref<128xf32, #tpu.memory_space<vmem>>, vector<16xf32>,
    %get3A_1180 = arith.constant 9 : i32
    %get3A_1181 = arith.index_cast %get3A_1180 : i32 to index
    %get3A_1182 = arith.constant 80 : index
    %get3A_1183 = tpu.vector_load %arg15[%get3A_1181, %get3A_1182] {strides = array<i32>} : memref<16x128xf32, #tpu.memory_space<vmem>>, vector<16xf32>,
    %add3A_1184 = arith.addf %get3A_1179, %get3A_1183 : vector<16xf32>
    %swap3A_1185 = arith.constant 80 : index
    %swap3A_1186 = tpu.vector_load %arg14[%swap3A_1185] {strides = array<i32>} : memref<128xf32, #tpu.memory_space<vmem>>, vector<16xf32>,
    tpu.vector_store %arg14[%swap3A_1185], %add3A_1184 {strides = array<i32>} : memref<128xf32, #tpu.memory_space<vmem>>, vector<16xf32>,
    %get3A_1187 = arith.constant 96 : index
    %get3A_1188 = tpu.vector_load %arg14[%get3A_1187] {strides = array<i32>} : memref<128xf32, #tpu.memory_space<vmem>>, vector<16xf32>,
    %get3A_1189 = arith.constant 9 : i32
    %get3A_1190 = arith.index_cast %get3A_1189 : i32 to index
    %get3A_1191 = arith.constant 96 : index
    %get3A_1192 = tpu.vector_load %arg15[%get3A_1190, %get3A_1191] {strides = array<i32>} : memref<16x128xf32, #tpu.memory_space<vmem>>, vector<16xf32>,
    %add3A_1193 = arith.addf %get3A_1188, %get3A_1192 : vector<16xf32>
    %swap3A_1194 = arith.constant 96 : index
    %swap3A_1195 = tpu.vector_load %arg14[%swap3A_1194] {strides = array<i32>} : memref<128xf32, #tpu.memory_space<vmem>>, vector<16xf32>,
    tpu.vector_store %arg14[%swap3A_1194], %add3A_1193 {strides = array<i32>} : memref<128xf32, #tpu.memory_space<vmem>>, vector<16xf32>,
    %get3A_1196 = arith.constant 112 : index
    %get3A_1197 = tpu.vector_load %arg14[%get3A_1196] {strides = array<i32>} : memref<128xf32, #tpu.memory_space<vmem>>, vector<16xf32>,
    %get3A_1198 = arith.constant 9 : i32
    %get3A_1199 = arith.index_cast %get3A_1198 : i32 to index
    %get3A_1200 = arith.constant 112 : index
    %get3A_1201 = tpu.vector_load %arg15[%get3A_1199, %get3A_1200] {strides = array<i32>} : memref<16x128xf32, #tpu.memory_space<vmem>>, vector<16xf32>,
    %add3A_1202 = arith.addf %get3A_1197, %get3A_1201 : vector<16xf32>
    %swap3A_1203 = arith.constant 112 : index
    %swap3A_1204 = tpu.vector_load %arg14[%swap3A_1203] {strides = array<i32>} : memref<128xf32, #tpu.memory_space<vmem>>, vector<16xf32>,
    tpu.vector_store %arg14[%swap3A_1203], %add3A_1202 {strides = array<i32>} : memref<128xf32, #tpu.memory_space<vmem>>, vector<16xf32>,
    %get3A_1205 = arith.constant 0 : index
    %get3A_1206 = tpu.vector_load %arg14[%get3A_1205] {strides = array<i32>} : memref<128xf32, #tpu.memory_space<vmem>>, vector<16xf32>,
    %get3A_1207 = arith.constant 10 : i32
    %get3A_1208 = arith.index_cast %get3A_1207 : i32 to index
    %get3A_1209 = arith.constant 0 : index
    %get3A_1210 = tpu.vector_load %arg15[%get3A_1208, %get3A_1209] {strides = array<i32>} : memref<16x128xf32, #tpu.memory_space<vmem>>, vector<16xf32>,
    %add3A_1211 = arith.addf %get3A_1206, %get3A_1210 : vector<16xf32>
    %swap3A_1212 = arith.constant 0 : index
    %swap3A_1213 = tpu.vector_load %arg14[%swap3A_1212] {strides = array<i32>} : memref<128xf32, #tpu.memory_space<vmem>>, vector<16xf32>,
    tpu.vector_store %arg14[%swap3A_1212], %add3A_1211 {strides = array<i32>} : memref<128xf32, #tpu.memory_space<vmem>>, vector<16xf32>,
    %get3A_1214 = arith.constant 16 : index
    %get3A_1215 = tpu.vector_load %arg14[%get3A_1214] {strides = array<i32>} : memref<128xf32, #tpu.memory_space<vmem>>, vector<16xf32>,
    %get3A_1216 = arith.constant 10 : i32
    %get3A_1217 = arith.index_cast %get3A_1216 : i32 to index
    %get3A_1218 = arith.constant 16 : index
    %get3A_1219 = tpu.vector_load %arg15[%get3A_1217, %get3A_1218] {strides = array<i32>} : memref<16x128xf32, #tpu.memory_space<vmem>>, vector<16xf32>,
    %add3A_1220 = arith.addf %get3A_1215, %get3A_1219 : vector<16xf32>
    %swap3A_1221 = arith.constant 16 : index
    %swap3A_1222 = tpu.vector_load %arg14[%swap3A_1221] {strides = array<i32>} : memref<128xf32, #tpu.memory_space<vmem>>, vector<16xf32>,
    tpu.vector_store %arg14[%swap3A_1221], %add3A_1220 {strides = array<i32>} : memref<128xf32, #tpu.memory_space<vmem>>, vector<16xf32>,
    %get3A_1223 = arith.constant 32 : index
    %get3A_1224 = tpu.vector_load %arg14[%get3A_1223] {strides = array<i32>} : memref<128xf32, #tpu.memory_space<vmem>>, vector<16xf32>,
    %get3A_1225 = arith.constant 10 : i32
    %get3A_1226 = arith.index_cast %get3A_1225 : i32 to index
    %get3A_1227 = arith.constant 32 : index
    %get3A_1228 = tpu.vector_load %arg15[%get3A_1226, %get3A_1227] {strides = array<i32>} : memref<16x128xf32, #tpu.memory_space<vmem>>, vector<16xf32>,
    %add3A_1229 = arith.addf %get3A_1224, %get3A_1228 : vector<16xf32>
    %swap3A_1230 = arith.constant 32 : index
    %swap3A_1231 = tpu.vector_load %arg14[%swap3A_1230] {strides = array<i32>} : memref<128xf32, #tpu.memory_space<vmem>>, vector<16xf32>,
    tpu.vector_store %arg14[%swap3A_1230], %add3A_1229 {strides = array<i32>} : memref<128xf32, #tpu.memory_space<vmem>>, vector<16xf32>,
    %get3A_1232 = arith.constant 48 : index
    %get3A_1233 = tpu.vector_load %arg14[%get3A_1232] {strides = array<i32>} : memref<128xf32, #tpu.memory_space<vmem>>, vector<16xf32>,
    %get3A_1234 = arith.constant 10 : i32
    %get3A_1235 = arith.index_cast %get3A_1234 : i32 to index
    %get3A_1236 = arith.constant 48 : index
    %get3A_1237 = tpu.vector_load %arg15[%get3A_1235, %get3A_1236] {strides = array<i32>} : memref<16x128xf32, #tpu.memory_space<vmem>>, vector<16xf32>,
    %add3A_1238 = arith.addf %get3A_1233, %get3A_1237 : vector<16xf32>
    %swap3A_1239 = arith.constant 48 : index
    %swap3A_1240 = tpu.vector_load %arg14[%swap3A_1239] {strides = array<i32>} : memref<128xf32, #tpu.memory_space<vmem>>, vector<16xf32>,
    tpu.vector_store %arg14[%swap3A_1239], %add3A_1238 {strides = array<i32>} : memref<128xf32, #tpu.memory_space<vmem>>, vector<16xf32>,
    %get3A_1241 = arith.constant 64 : index
    %get3A_1242 = tpu.vector_load %arg14[%get3A_1241] {strides = array<i32>} : memref<128xf32, #tpu.memory_space<vmem>>, vector<16xf32>,
    %get3A_1243 = arith.constant 10 : i32
    %get3A_1244 = arith.index_cast %get3A_1243 : i32 to index
    %get3A_1245 = arith.constant 64 : index
    %get3A_1246 = tpu.vector_load %arg15[%get3A_1244, %get3A_1245] {strides = array<i32>} : memref<16x128xf32, #tpu.memory_space<vmem>>, vector<16xf32>,
    %add3A_1247 = arith.addf %get3A_1242, %get3A_1246 : vector<16xf32>
    %swap3A_1248 = arith.constant 64 : index
    %swap3A_1249 = tpu.vector_load %arg14[%swap3A_1248] {strides = array<i32>} : memref<128xf32, #tpu.memory_space<vmem>>, vector<16xf32>,
    tpu.vector_store %arg14[%swap3A_1248], %add3A_1247 {strides = array<i32>} : memref<128xf32, #tpu.memory_space<vmem>>, vector<16xf32>,
    %get3A_1250 = arith.constant 80 : index
    %get3A_1251 = tpu.vector_load %arg14[%get3A_1250] {strides = array<i32>} : memref<128xf32, #tpu.memory_space<vmem>>, vector<16xf32>,
    %get3A_1252 = arith.constant 10 : i32
    %get3A_1253 = arith.index_cast %get3A_1252 : i32 to index
    %get3A_1254 = arith.constant 80 : index
    %get3A_1255 = tpu.vector_load %arg15[%get3A_1253, %get3A_1254] {strides = array<i32>} : memref<16x128xf32, #tpu.memory_space<vmem>>, vector<16xf32>,
    %add3A_1256 = arith.addf %get3A_1251, %get3A_1255 : vector<16xf32>
    %swap3A_1257 = arith.constant 80 : index
    %swap3A_1258 = tpu.vector_load %arg14[%swap3A_1257] {strides = array<i32>} : memref<128xf32, #tpu.memory_space<vmem>>, vector<16xf32>,
    tpu.vector_store %arg14[%swap3A_1257], %add3A_1256 {strides = array<i32>} : memref<128xf32, #tpu.memory_space<vmem>>, vector<16xf32>,
    %get3A_1259 = arith.constant 96 : index
    %get3A_1260 = tpu.vector_load %arg14[%get3A_1259] {strides = array<i32>} : memref<128xf32, #tpu.memory_space<vmem>>, vector<16xf32>,
    %get3A_1261 = arith.constant 10 : i32
    %get3A_1262 = arith.index_cast %get3A_1261 : i32 to index
    %get3A_1263 = arith.constant 96 : index
    %get3A_1264 = tpu.vector_load %arg15[%get3A_1262, %get3A_1263] {strides = array<i32>} : memref<16x128xf32, #tpu.memory_space<vmem>>, vector<16xf32>,
    %add3A_1265 = arith.addf %get3A_1260, %get3A_1264 : vector<16xf32>
    %swap3A_1266 = arith.constant 96 : index
    %swap3A_1267 = tpu.vector_load %arg14[%swap3A_1266] {strides = array<i32>} : memref<128xf32, #tpu.memory_space<vmem>>, vector<16xf32>,
    tpu.vector_store %arg14[%swap3A_1266], %add3A_1265 {strides = array<i32>} : memref<128xf32, #tpu.memory_space<vmem>>, vector<16xf32>,
    %get3A_1268 = arith.constant 112 : index
    %get3A_1269 = tpu.vector_load %arg14[%get3A_1268] {strides = array<i32>} : memref<128xf32, #tpu.memory_space<vmem>>, vector<16xf32>,
    %get3A_1270 = arith.constant 10 : i32
    %get3A_1271 = arith.index_cast %get3A_1270 : i32 to index
    %get3A_1272 = arith.constant 112 : index
    %get3A_1273 = tpu.vector_load %arg15[%get3A_1271, %get3A_1272] {strides = array<i32>} : memref<16x128xf32, #tpu.memory_space<vmem>>, vector<16xf32>,
    %add3A_1274 = arith.addf %get3A_1269, %get3A_1273 : vector<16xf32>
    %swap3A_1275 = arith.constant 112 : index
    %swap3A_1276 = tpu.vector_load %arg14[%swap3A_1275] {strides = array<i32>} : memref<128xf32, #tpu.memory_space<vmem>>, vector<16xf32>,
    tpu.vector_store %arg14[%swap3A_1275], %add3A_1274 {strides = array<i32>} : memref<128xf32, #tpu.memory_space<vmem>>, vector<16xf32>,
    %get3A_1277 = arith.constant 0 : index
    %get3A_1278 = tpu.vector_load %arg14[%get3A_1277] {strides = array<i32>} : memref<128xf32, #tpu.memory_space<vmem>>, vector<16xf32>,
    %get3A_1279 = arith.constant 11 : i32
    %get3A_1280 = arith.index_cast %get3A_1279 : i32 to index
    %get3A_1281 = arith.constant 0 : index
    %get3A_1282 = tpu.vector_load %arg15[%get3A_1280, %get3A_1281] {strides = array<i32>} : memref<16x128xf32, #tpu.memory_space<vmem>>, vector<16xf32>,
    %add3A_1283 = arith.addf %get3A_1278, %get3A_1282 : vector<16xf32>
    %swap3A_1284 = arith.constant 0 : index
    %swap3A_1285 = tpu.vector_load %arg14[%swap3A_1284] {strides = array<i32>} : memref<128xf32, #tpu.memory_space<vmem>>, vector<16xf32>,
    tpu.vector_store %arg14[%swap3A_1284], %add3A_1283 {strides = array<i32>} : memref<128xf32, #tpu.memory_space<vmem>>, vector<16xf32>,
    %get3A_1286 = arith.constant 16 : index
    %get3A_1287 = tpu.vector_load %arg14[%get3A_1286] {strides = array<i32>} : memref<128xf32, #tpu.memory_space<vmem>>, vector<16xf32>,
    %get3A_1288 = arith.constant 11 : i32
    %get3A_1289 = arith.index_cast %get3A_1288 : i32 to index
    %get3A_1290 = arith.constant 16 : index
    %get3A_1291 = tpu.vector_load %arg15[%get3A_1289, %get3A_1290] {strides = array<i32>} : memref<16x128xf32, #tpu.memory_space<vmem>>, vector<16xf32>,
    %add3A_1292 = arith.addf %get3A_1287, %get3A_1291 : vector<16xf32>
    %swap3A_1293 = arith.constant 16 : index
    %swap3A_1294 = tpu.vector_load %arg14[%swap3A_1293] {strides = array<i32>} : memref<128xf32, #tpu.memory_space<vmem>>, vector<16xf32>,
    tpu.vector_store %arg14[%swap3A_1293], %add3A_1292 {strides = array<i32>} : memref<128xf32, #tpu.memory_space<vmem>>, vector<16xf32>,
    %get3A_1295 = arith.constant 32 : index
    %get3A_1296 = tpu.vector_load %arg14[%get3A_1295] {strides = array<i32>} : memref<128xf32, #tpu.memory_space<vmem>>, vector<16xf32>,
    %get3A_1297 = arith.constant 11 : i32
    %get3A_1298 = arith.index_cast %get3A_1297 : i32 to index
    %get3A_1299 = arith.constant 32 : index
    %get3A_1300 = tpu.vector_load %arg15[%get3A_1298, %get3A_1299] {strides = array<i32>} : memref<16x128xf32, #tpu.memory_space<vmem>>, vector<16xf32>,
    %add3A_1301 = arith.addf %get3A_1296, %get3A_1300 : vector<16xf32>
    %swap3A_1302 = arith.constant 32 : index
    %swap3A_1303 = tpu.vector_load %arg14[%swap3A_1302] {strides = array<i32>} : memref<128xf32, #tpu.memory_space<vmem>>, vector<16xf32>,
    tpu.vector_store %arg14[%swap3A_1302], %add3A_1301 {strides = array<i32>} : memref<128xf32, #tpu.memory_space<vmem>>, vector<16xf32>,
    %get3A_1304 = arith.constant 48 : index
    %get3A_1305 = tpu.vector_load %arg14[%get3A_1304] {strides = array<i32>} : memref<128xf32, #tpu.memory_space<vmem>>, vector<16xf32>,
    %get3A_1306 = arith.constant 11 : i32
    %get3A_1307 = arith.index_cast %get3A_1306 : i32 to index
    %get3A_1308 = arith.constant 48 : index
    %get3A_1309 = tpu.vector_load %arg15[%get3A_1307, %get3A_1308] {strides = array<i32>} : memref<16x128xf32, #tpu.memory_space<vmem>>, vector<16xf32>,
    %add3A_1310 = arith.addf %get3A_1305, %get3A_1309 : vector<16xf32>
    %swap3A_1311 = arith.constant 48 : index
    %swap3A_1312 = tpu.vector_load %arg14[%swap3A_1311] {strides = array<i32>} : memref<128xf32, #tpu.memory_space<vmem>>, vector<16xf32>,
    tpu.vector_store %arg14[%swap3A_1311], %add3A_1310 {strides = array<i32>} : memref<128xf32, #tpu.memory_space<vmem>>, vector<16xf32>,
    %get3A_1313 = arith.constant 64 : index
    %get3A_1314 = tpu.vector_load %arg14[%get3A_1313] {strides = array<i32>} : memref<128xf32, #tpu.memory_space<vmem>>, vector<16xf32>,
    %get3A_1315 = arith.constant 11 : i32
    %get3A_1316 = arith.index_cast %get3A_1315 : i32 to index
    %get3A_1317 = arith.constant 64 : index
    %get3A_1318 = tpu.vector_load %arg15[%get3A_1316, %get3A_1317] {strides = array<i32>} : memref<16x128xf32, #tpu.memory_space<vmem>>, vector<16xf32>,
    %add3A_1319 = arith.addf %get3A_1314, %get3A_1318 : vector<16xf32>
    %swap3A_1320 = arith.constant 64 : index
    %swap3A_1321 = tpu.vector_load %arg14[%swap3A_1320] {strides = array<i32>} : memref<128xf32, #tpu.memory_space<vmem>>, vector<16xf32>,
    tpu.vector_store %arg14[%swap3A_1320], %add3A_1319 {strides = array<i32>} : memref<128xf32, #tpu.memory_space<vmem>>, vector<16xf32>,
    %get3A_1322 = arith.constant 80 : index
    %get3A_1323 = tpu.vector_load %arg14[%get3A_1322] {strides = array<i32>} : memref<128xf32, #tpu.memory_space<vmem>>, vector<16xf32>,
    %get3A_1324 = arith.constant 11 : i32
    %get3A_1325 = arith.index_cast %get3A_1324 : i32 to index
    %get3A_1326 = arith.constant 80 : index
    %get3A_1327 = tpu.vector_load %arg15[%get3A_1325, %get3A_1326] {strides = array<i32>} : memref<16x128xf32, #tpu.memory_space<vmem>>, vector<16xf32>,
    %add3A_1328 = arith.addf %get3A_1323, %get3A_1327 : vector<16xf32>
    %swap3A_1329 = arith.constant 80 : index
    %swap3A_1330 = tpu.vector_load %arg14[%swap3A_1329] {strides = array<i32>} : memref<128xf32, #tpu.memory_space<vmem>>, vector<16xf32>,
    tpu.vector_store %arg14[%swap3A_1329], %add3A_1328 {strides = array<i32>} : memref<128xf32, #tpu.memory_space<vmem>>, vector<16xf32>,
    %get3A_1331 = arith.constant 96 : index
    %get3A_1332 = tpu.vector_load %arg14[%get3A_1331] {strides = array<i32>} : memref<128xf32, #tpu.memory_space<vmem>>, vector<16xf32>,
    %get3A_1333 = arith.constant 11 : i32
    %get3A_1334 = arith.index_cast %get3A_1333 : i32 to index
    %get3A_1335 = arith.constant 96 : index
    %get3A_1336 = tpu.vector_load %arg15[%get3A_1334, %get3A_1335] {strides = array<i32>} : memref<16x128xf32, #tpu.memory_space<vmem>>, vector<16xf32>,
    %add3A_1337 = arith.addf %get3A_1332, %get3A_1336 : vector<16xf32>
    %swap3A_1338 = arith.constant 96 : index
    %swap3A_1339 = tpu.vector_load %arg14[%swap3A_1338] {strides = array<i32>} : memref<128xf32, #tpu.memory_space<vmem>>, vector<16xf32>,
    tpu.vector_store %arg14[%swap3A_1338], %add3A_1337 {strides = array<i32>} : memref<128xf32, #tpu.memory_space<vmem>>, vector<16xf32>,
    %get3A_1340 = arith.constant 112 : index
    %get3A_1341 = tpu.vector_load %arg14[%get3A_1340] {strides = array<i32>} : memref<128xf32, #tpu.memory_space<vmem>>, vector<16xf32>,
    %get3A_1342 = arith.constant 11 : i32
    %get3A_1343 = arith.index_cast %get3A_1342 : i32 to index
    %get3A_1344 = arith.constant 112 : index
    %get3A_1345 = tpu.vector_load %arg15[%get3A_1343, %get3A_1344] {strides = array<i32>} : memref<16x128xf32, #tpu.memory_space<vmem>>, vector<16xf32>,
    %add3A_1346 = arith.addf %get3A_1341, %get3A_1345 : vector<16xf32>
    %swap3A_1347 = arith.constant 112 : index
    %swap3A_1348 = tpu.vector_load %arg14[%swap3A_1347] {strides = array<i32>} : memref<128xf32, #tpu.memory_space<vmem>>, vector<16xf32>,
    tpu.vector_store %arg14[%swap3A_1347], %add3A_1346 {strides = array<i32>} : memref<128xf32, #tpu.memory_space<vmem>>, vector<16xf32>,
    %get3A_1349 = arith.constant 0 : index
    %get3A_1350 = tpu.vector_load %arg14[%get3A_1349] {strides = array<i32>} : memref<128xf32, #tpu.memory_space<vmem>>, vector<16xf32>,
    %get3A_1351 = arith.constant 12 : i32
    %get3A_1352 = arith.index_cast %get3A_1351 : i32 to index
    %get3A_1353 = arith.constant 0 : index
    %get3A_1354 = tpu.vector_load %arg15[%get3A_1352, %get3A_1353] {strides = array<i32>} : memref<16x128xf32, #tpu.memory_space<vmem>>, vector<16xf32>,
    %add3A_1355 = arith.addf %get3A_1350, %get3A_1354 : vector<16xf32>
    %swap3A_1356 = arith.constant 0 : index
    %swap3A_1357 = tpu.vector_load %arg14[%swap3A_1356] {strides = array<i32>} : memref<128xf32, #tpu.memory_space<vmem>>, vector<16xf32>,
    tpu.vector_store %arg14[%swap3A_1356], %add3A_1355 {strides = array<i32>} : memref<128xf32, #tpu.memory_space<vmem>>, vector<16xf32>,
    %get3A_1358 = arith.constant 16 : index
    %get3A_1359 = tpu.vector_load %arg14[%get3A_1358] {strides = array<i32>} : memref<128xf32, #tpu.memory_space<vmem>>, vector<16xf32>,
    %get3A_1360 = arith.constant 12 : i32
    %get3A_1361 = arith.index_cast %get3A_1360 : i32 to index
    %get3A_1362 = arith.constant 16 : index
    %get3A_1363 = tpu.vector_load %arg15[%get3A_1361, %get3A_1362] {strides = array<i32>} : memref<16x128xf32, #tpu.memory_space<vmem>>, vector<16xf32>,
    %add3A_1364 = arith.addf %get3A_1359, %get3A_1363 : vector<16xf32>
    %swap3A_1365 = arith.constant 16 : index
    %swap3A_1366 = tpu.vector_load %arg14[%swap3A_1365] {strides = array<i32>} : memref<128xf32, #tpu.memory_space<vmem>>, vector<16xf32>,
    tpu.vector_store %arg14[%swap3A_1365], %add3A_1364 {strides = array<i32>} : memref<128xf32, #tpu.memory_space<vmem>>, vector<16xf32>,
    %get3A_1367 = arith.constant 32 : index
    %get3A_1368 = tpu.vector_load %arg14[%get3A_1367] {strides = array<i32>} : memref<128xf32, #tpu.memory_space<vmem>>, vector<16xf32>,
    %get3A_1369 = arith.constant 12 : i32
    %get3A_1370 = arith.index_cast %get3A_1369 : i32 to index
    %get3A_1371 = arith.constant 32 : index
    %get3A_1372 = tpu.vector_load %arg15[%get3A_1370, %get3A_1371] {strides = array<i32>} : memref<16x128xf32, #tpu.memory_space<vmem>>, vector<16xf32>,
    %add3A_1373 = arith.addf %get3A_1368, %get3A_1372 : vector<16xf32>
    %swap3A_1374 = arith.constant 32 : index
    %swap3A_1375 = tpu.vector_load %arg14[%swap3A_1374] {strides = array<i32>} : memref<128xf32, #tpu.memory_space<vmem>>, vector<16xf32>,
    tpu.vector_store %arg14[%swap3A_1374], %add3A_1373 {strides = array<i32>} : memref<128xf32, #tpu.memory_space<vmem>>, vector<16xf32>,
    %get3A_1376 = arith.constant 48 : index
    %get3A_1377 = tpu.vector_load %arg14[%get3A_1376] {strides = array<i32>} : memref<128xf32, #tpu.memory_space<vmem>>, vector<16xf32>,
    %get3A_1378 = arith.constant 12 : i32
    %get3A_1379 = arith.index_cast %get3A_1378 : i32 to index
    %get3A_1380 = arith.constant 48 : index
    %get3A_1381 = tpu.vector_load %arg15[%get3A_1379, %get3A_1380] {strides = array<i32>} : memref<16x128xf32, #tpu.memory_space<vmem>>, vector<16xf32>,
    %add3A_1382 = arith.addf %get3A_1377, %get3A_1381 : vector<16xf32>
    %swap3A_1383 = arith.constant 48 : index
    %swap3A_1384 = tpu.vector_load %arg14[%swap3A_1383] {strides = array<i32>} : memref<128xf32, #tpu.memory_space<vmem>>, vector<16xf32>,
    tpu.vector_store %arg14[%swap3A_1383], %add3A_1382 {strides = array<i32>} : memref<128xf32, #tpu.memory_space<vmem>>, vector<16xf32>,
    %get3A_1385 = arith.constant 64 : index
    %get3A_1386 = tpu.vector_load %arg14[%get3A_1385] {strides = array<i32>} : memref<128xf32, #tpu.memory_space<vmem>>, vector<16xf32>,
    %get3A_1387 = arith.constant 12 : i32
    %get3A_1388 = arith.index_cast %get3A_1387 : i32 to index
    %get3A_1389 = arith.constant 64 : index
    %get3A_1390 = tpu.vector_load %arg15[%get3A_1388, %get3A_1389] {strides = array<i32>} : memref<16x128xf32, #tpu.memory_space<vmem>>, vector<16xf32>,
    %add3A_1391 = arith.addf %get3A_1386, %get3A_1390 : vector<16xf32>
    %swap3A_1392 = arith.constant 64 : index
    %swap3A_1393 = tpu.vector_load %arg14[%swap3A_1392] {strides = array<i32>} : memref<128xf32, #tpu.memory_space<vmem>>, vector<16xf32>,
    tpu.vector_store %arg14[%swap3A_1392], %add3A_1391 {strides = array<i32>} : memref<128xf32, #tpu.memory_space<vmem>>, vector<16xf32>,
    %get3A_1394 = arith.constant 80 : index
    %get3A_1395 = tpu.vector_load %arg14[%get3A_1394] {strides = array<i32>} : memref<128xf32, #tpu.memory_space<vmem>>, vector<16xf32>,
    %get3A_1396 = arith.constant 12 : i32
    %get3A_1397 = arith.index_cast %get3A_1396 : i32 to index
    %get3A_1398 = arith.constant 80 : index
    %get3A_1399 = tpu.vector_load %arg15[%get3A_1397, %get3A_1398] {strides = array<i32>} : memref<16x128xf32, #tpu.memory_space<vmem>>, vector<16xf32>,
    %add3A_1400 = arith.addf %get3A_1395, %get3A_1399 : vector<16xf32>
    %swap3A_1401 = arith.constant 80 : index
    %swap3A_1402 = tpu.vector_load %arg14[%swap3A_1401] {strides = array<i32>} : memref<128xf32, #tpu.memory_space<vmem>>, vector<16xf32>,
    tpu.vector_store %arg14[%swap3A_1401], %add3A_1400 {strides = array<i32>} : memref<128xf32, #tpu.memory_space<vmem>>, vector<16xf32>,
    %get3A_1403 = arith.constant 96 : index
    %get3A_1404 = tpu.vector_load %arg14[%get3A_1403] {strides = array<i32>} : memref<128xf32, #tpu.memory_space<vmem>>, vector<16xf32>,
    %get3A_1405 = arith.constant 12 : i32
    %get3A_1406 = arith.index_cast %get3A_1405 : i32 to index
    %get3A_1407 = arith.constant 96 : index
    %get3A_1408 = tpu.vector_load %arg15[%get3A_1406, %get3A_1407] {strides = array<i32>} : memref<16x128xf32, #tpu.memory_space<vmem>>, vector<16xf32>,
    %add3A_1409 = arith.addf %get3A_1404, %get3A_1408 : vector<16xf32>
    %swap3A_1410 = arith.constant 96 : index
    %swap3A_1411 = tpu.vector_load %arg14[%swap3A_1410] {strides = array<i32>} : memref<128xf32, #tpu.memory_space<vmem>>, vector<16xf32>,
    tpu.vector_store %arg14[%swap3A_1410], %add3A_1409 {strides = array<i32>} : memref<128xf32, #tpu.memory_space<vmem>>, vector<16xf32>,
    %get3A_1412 = arith.constant 112 : index
    %get3A_1413 = tpu.vector_load %arg14[%get3A_1412] {strides = array<i32>} : memref<128xf32, #tpu.memory_space<vmem>>, vector<16xf32>,
    %get3A_1414 = arith.constant 12 : i32
    %get3A_1415 = arith.index_cast %get3A_1414 : i32 to index
    %get3A_1416 = arith.constant 112 : index
    %get3A_1417 = tpu.vector_load %arg15[%get3A_1415, %get3A_1416] {strides = array<i32>} : memref<16x128xf32, #tpu.memory_space<vmem>>, vector<16xf32>,
    %add3A_1418 = arith.addf %get3A_1413, %get3A_1417 : vector<16xf32>
    %swap3A_1419 = arith.constant 112 : index
    %swap3A_1420 = tpu.vector_load %arg14[%swap3A_1419] {strides = array<i32>} : memref<128xf32, #tpu.memory_space<vmem>>, vector<16xf32>,
    tpu.vector_store %arg14[%swap3A_1419], %add3A_1418 {strides = array<i32>} : memref<128xf32, #tpu.memory_space<vmem>>, vector<16xf32>,
    %get3A_1421 = arith.constant 0 : index
    %get3A_1422 = tpu.vector_load %arg14[%get3A_1421] {strides = array<i32>} : memref<128xf32, #tpu.memory_space<vmem>>, vector<16xf32>,
    %get3A_1423 = arith.constant 13 : i32
    %get3A_1424 = arith.index_cast %get3A_1423 : i32 to index
    %get3A_1425 = arith.constant 0 : index
    %get3A_1426 = tpu.vector_load %arg15[%get3A_1424, %get3A_1425] {strides = array<i32>} : memref<16x128xf32, #tpu.memory_space<vmem>>, vector<16xf32>,
    %add3A_1427 = arith.addf %get3A_1422, %get3A_1426 : vector<16xf32>
    %swap3A_1428 = arith.constant 0 : index
    %swap3A_1429 = tpu.vector_load %arg14[%swap3A_1428] {strides = array<i32>} : memref<128xf32, #tpu.memory_space<vmem>>, vector<16xf32>,
    tpu.vector_store %arg14[%swap3A_1428], %add3A_1427 {strides = array<i32>} : memref<128xf32, #tpu.memory_space<vmem>>, vector<16xf32>,
    %get3A_1430 = arith.constant 16 : index
    %get3A_1431 = tpu.vector_load %arg14[%get3A_1430] {strides = array<i32>} : memref<128xf32, #tpu.memory_space<vmem>>, vector<16xf32>,
    %get3A_1432 = arith.constant 13 : i32
    %get3A_1433 = arith.index_cast %get3A_1432 : i32 to index
    %get3A_1434 = arith.constant 16 : index
    %get3A_1435 = tpu.vector_load %arg15[%get3A_1433, %get3A_1434] {strides = array<i32>} : memref<16x128xf32, #tpu.memory_space<vmem>>, vector<16xf32>,
    %add3A_1436 = arith.addf %get3A_1431, %get3A_1435 : vector<16xf32>
    %swap3A_1437 = arith.constant 16 : index
    %swap3A_1438 = tpu.vector_load %arg14[%swap3A_1437] {strides = array<i32>} : memref<128xf32, #tpu.memory_space<vmem>>, vector<16xf32>,
    tpu.vector_store %arg14[%swap3A_1437], %add3A_1436 {strides = array<i32>} : memref<128xf32, #tpu.memory_space<vmem>>, vector<16xf32>,
    %get3A_1439 = arith.constant 32 : index
    %get3A_1440 = tpu.vector_load %arg14[%get3A_1439] {strides = array<i32>} : memref<128xf32, #tpu.memory_space<vmem>>, vector<16xf32>,
    %get3A_1441 = arith.constant 13 : i32
    %get3A_1442 = arith.index_cast %get3A_1441 : i32 to index
    %get3A_1443 = arith.constant 32 : index
    %get3A_1444 = tpu.vector_load %arg15[%get3A_1442, %get3A_1443] {strides = array<i32>} : memref<16x128xf32, #tpu.memory_space<vmem>>, vector<16xf32>,
    %add3A_1445 = arith.addf %get3A_1440, %get3A_1444 : vector<16xf32>
    %swap3A_1446 = arith.constant 32 : index
    %swap3A_1447 = tpu.vector_load %arg14[%swap3A_1446] {strides = array<i32>} : memref<128xf32, #tpu.memory_space<vmem>>, vector<16xf32>,
    tpu.vector_store %arg14[%swap3A_1446], %add3A_1445 {strides = array<i32>} : memref<128xf32, #tpu.memory_space<vmem>>, vector<16xf32>,
    %get3A_1448 = arith.constant 48 : index
    %get3A_1449 = tpu.vector_load %arg14[%get3A_1448] {strides = array<i32>} : memref<128xf32, #tpu.memory_space<vmem>>, vector<16xf32>,
    %get3A_1450 = arith.constant 13 : i32
    %get3A_1451 = arith.index_cast %get3A_1450 : i32 to index
    %get3A_1452 = arith.constant 48 : index
    %get3A_1453 = tpu.vector_load %arg15[%get3A_1451, %get3A_1452] {strides = array<i32>} : memref<16x128xf32, #tpu.memory_space<vmem>>, vector<16xf32>,
    %add3A_1454 = arith.addf %get3A_1449, %get3A_1453 : vector<16xf32>
    %swap3A_1455 = arith.constant 48 : index
    %swap3A_1456 = tpu.vector_load %arg14[%swap3A_1455] {strides = array<i32>} : memref<128xf32, #tpu.memory_space<vmem>>, vector<16xf32>,
    tpu.vector_store %arg14[%swap3A_1455], %add3A_1454 {strides = array<i32>} : memref<128xf32, #tpu.memory_space<vmem>>, vector<16xf32>,
    %get3A_1457 = arith.constant 64 : index
    %get3A_1458 = tpu.vector_load %arg14[%get3A_1457] {strides = array<i32>} : memref<128xf32, #tpu.memory_space<vmem>>, vector<16xf32>,
    %get3A_1459 = arith.constant 13 : i32
    %get3A_1460 = arith.index_cast %get3A_1459 : i32 to index
    %get3A_1461 = arith.constant 64 : index
    %get3A_1462 = tpu.vector_load %arg15[%get3A_1460, %get3A_1461] {strides = array<i32>} : memref<16x128xf32, #tpu.memory_space<vmem>>, vector<16xf32>,
    %add3A_1463 = arith.addf %get3A_1458, %get3A_1462 : vector<16xf32>
    %swap3A_1464 = arith.constant 64 : index
    %swap3A_1465 = tpu.vector_load %arg14[%swap3A_1464] {strides = array<i32>} : memref<128xf32, #tpu.memory_space<vmem>>, vector<16xf32>,
    tpu.vector_store %arg14[%swap3A_1464], %add3A_1463 {strides = array<i32>} : memref<128xf32, #tpu.memory_space<vmem>>, vector<16xf32>,
    %get3A_1466 = arith.constant 80 : index
    %get3A_1467 = tpu.vector_load %arg14[%get3A_1466] {strides = array<i32>} : memref<128xf32, #tpu.memory_space<vmem>>, vector<16xf32>,
    %get3A_1468 = arith.constant 13 : i32
    %get3A_1469 = arith.index_cast %get3A_1468 : i32 to index
    %get3A_1470 = arith.constant 80 : index
    %get3A_1471 = tpu.vector_load %arg15[%get3A_1469, %get3A_1470] {strides = array<i32>} : memref<16x128xf32, #tpu.memory_space<vmem>>, vector<16xf32>,
    %add3A_1472 = arith.addf %get3A_1467, %get3A_1471 : vector<16xf32>
    %swap3A_1473 = arith.constant 80 : index
    %swap3A_1474 = tpu.vector_load %arg14[%swap3A_1473] {strides = array<i32>} : memref<128xf32, #tpu.memory_space<vmem>>, vector<16xf32>,
    tpu.vector_store %arg14[%swap3A_1473], %add3A_1472 {strides = array<i32>} : memref<128xf32, #tpu.memory_space<vmem>>, vector<16xf32>,
    %get3A_1475 = arith.constant 96 : index
    %get3A_1476 = tpu.vector_load %arg14[%get3A_1475] {strides = array<i32>} : memref<128xf32, #tpu.memory_space<vmem>>, vector<16xf32>,
    %get3A_1477 = arith.constant 13 : i32
    %get3A_1478 = arith.index_cast %get3A_1477 : i32 to index
    %get3A_1479 = arith.constant 96 : index
    %get3A_1480 = tpu.vector_load %arg15[%get3A_1478, %get3A_1479] {strides = array<i32>} : memref<16x128xf32, #tpu.memory_space<vmem>>, vector<16xf32>,
    %add3A_1481 = arith.addf %get3A_1476, %get3A_1480 : vector<16xf32>
    %swap3A_1482 = arith.constant 96 : index
    %swap3A_1483 = tpu.vector_load %arg14[%swap3A_1482] {strides = array<i32>} : memref<128xf32, #tpu.memory_space<vmem>>, vector<16xf32>,
    tpu.vector_store %arg14[%swap3A_1482], %add3A_1481 {strides = array<i32>} : memref<128xf32, #tpu.memory_space<vmem>>, vector<16xf32>,
    %get3A_1484 = arith.constant 112 : index
    %get3A_1485 = tpu.vector_load %arg14[%get3A_1484] {strides = array<i32>} : memref<128xf32, #tpu.memory_space<vmem>>, vector<16xf32>,
    %get3A_1486 = arith.constant 13 : i32
    %get3A_1487 = arith.index_cast %get3A_1486 : i32 to index
    %get3A_1488 = arith.constant 112 : index
    %get3A_1489 = tpu.vector_load %arg15[%get3A_1487, %get3A_1488] {strides = array<i32>} : memref<16x128xf32, #tpu.memory_space<vmem>>, vector<16xf32>,
    %add3A_1490 = arith.addf %get3A_1485, %get3A_1489 : vector<16xf32>
    %swap3A_1491 = arith.constant 112 : index
    %swap3A_1492 = tpu.vector_load %arg14[%swap3A_1491] {strides = array<i32>} : memref<128xf32, #tpu.memory_space<vmem>>, vector<16xf32>,
    tpu.vector_store %arg14[%swap3A_1491], %add3A_1490 {strides = array<i32>} : memref<128xf32, #tpu.memory_space<vmem>>, vector<16xf32>,
    %get3A_1493 = arith.constant 0 : index
    %get3A_1494 = tpu.vector_load %arg14[%get3A_1493] {strides = array<i32>} : memref<128xf32, #tpu.memory_space<vmem>>, vector<16xf32>,
    %get3A_1495 = arith.constant 14 : i32
    %get3A_1496 = arith.index_cast %get3A_1495 : i32 to index
    %get3A_1497 = arith.constant 0 : index
    %get3A_1498 = tpu.vector_load %arg15[%get3A_1496, %get3A_1497] {strides = array<i32>} : memref<16x128xf32, #tpu.memory_space<vmem>>, vector<16xf32>,
    %add3A_1499 = arith.addf %get3A_1494, %get3A_1498 : vector<16xf32>
    %swap3A_1500 = arith.constant 0 : index
    %swap3A_1501 = tpu.vector_load %arg14[%swap3A_1500] {strides = array<i32>} : memref<128xf32, #tpu.memory_space<vmem>>, vector<16xf32>,
    tpu.vector_store %arg14[%swap3A_1500], %add3A_1499 {strides = array<i32>} : memref<128xf32, #tpu.memory_space<vmem>>, vector<16xf32>,
    %get3A_1502 = arith.constant 16 : index
    %get3A_1503 = tpu.vector_load %arg14[%get3A_1502] {strides = array<i32>} : memref<128xf32, #tpu.memory_space<vmem>>, vector<16xf32>,
    %get3A_1504 = arith.constant 14 : i32
    %get3A_1505 = arith.index_cast %get3A_1504 : i32 to index
    %get3A_1506 = arith.constant 16 : index
    %get3A_1507 = tpu.vector_load %arg15[%get3A_1505, %get3A_1506] {strides = array<i32>} : memref<16x128xf32, #tpu.memory_space<vmem>>, vector<16xf32>,
    %add3A_1508 = arith.addf %get3A_1503, %get3A_1507 : vector<16xf32>
    %swap3A_1509 = arith.constant 16 : index
    %swap3A_1510 = tpu.vector_load %arg14[%swap3A_1509] {strides = array<i32>} : memref<128xf32, #tpu.memory_space<vmem>>, vector<16xf32>,
    tpu.vector_store %arg14[%swap3A_1509], %add3A_1508 {strides = array<i32>} : memref<128xf32, #tpu.memory_space<vmem>>, vector<16xf32>,
    %get3A_1511 = arith.constant 32 : index
    %get3A_1512 = tpu.vector_load %arg14[%get3A_1511] {strides = array<i32>} : memref<128xf32, #tpu.memory_space<vmem>>, vector<16xf32>,
    %get3A_1513 = arith.constant 14 : i32
    %get3A_1514 = arith.index_cast %get3A_1513 : i32 to index
    %get3A_1515 = arith.constant 32 : index
    %get3A_1516 = tpu.vector_load %arg15[%get3A_1514, %get3A_1515] {strides = array<i32>} : memref<16x128xf32, #tpu.memory_space<vmem>>, vector<16xf32>,
    %add3A_1517 = arith.addf %get3A_1512, %get3A_1516 : vector<16xf32>
    %swap3A_1518 = arith.constant 32 : index
    %swap3A_1519 = tpu.vector_load %arg14[%swap3A_1518] {strides = array<i32>} : memref<128xf32, #tpu.memory_space<vmem>>, vector<16xf32>,
    tpu.vector_store %arg14[%swap3A_1518], %add3A_1517 {strides = array<i32>} : memref<128xf32, #tpu.memory_space<vmem>>, vector<16xf32>,
    %get3A_1520 = arith.constant 48 : index
    %get3A_1521 = tpu.vector_load %arg14[%get3A_1520] {strides = array<i32>} : memref<128xf32, #tpu.memory_space<vmem>>, vector<16xf32>,
    %get3A_1522 = arith.constant 14 : i32
    %get3A_1523 = arith.index_cast %get3A_1522 : i32 to index
    %get3A_1524 = arith.constant 48 : index
    %get3A_1525 = tpu.vector_load %arg15[%get3A_1523, %get3A_1524] {strides = array<i32>} : memref<16x128xf32, #tpu.memory_space<vmem>>, vector<16xf32>,
    %add3A_1526 = arith.addf %get3A_1521, %get3A_1525 : vector<16xf32>
    %swap3A_1527 = arith.constant 48 : index
    %swap3A_1528 = tpu.vector_load %arg14[%swap3A_1527] {strides = array<i32>} : memref<128xf32, #tpu.memory_space<vmem>>, vector<16xf32>,
    tpu.vector_store %arg14[%swap3A_1527], %add3A_1526 {strides = array<i32>} : memref<128xf32, #tpu.memory_space<vmem>>, vector<16xf32>,
    %get3A_1529 = arith.constant 64 : index
    %get3A_1530 = tpu.vector_load %arg14[%get3A_1529] {strides = array<i32>} : memref<128xf32, #tpu.memory_space<vmem>>, vector<16xf32>,
    %get3A_1531 = arith.constant 14 : i32
    %get3A_1532 = arith.index_cast %get3A_1531 : i32 to index
    %get3A_1533 = arith.constant 64 : index
    %get3A_1534 = tpu.vector_load %arg15[%get3A_1532, %get3A_1533] {strides = array<i32>} : memref<16x128xf32, #tpu.memory_space<vmem>>, vector<16xf32>,
    %add3A_1535 = arith.addf %get3A_1530, %get3A_1534 : vector<16xf32>
    %swap3A_1536 = arith.constant 64 : index
    %swap3A_1537 = tpu.vector_load %arg14[%swap3A_1536] {strides = array<i32>} : memref<128xf32, #tpu.memory_space<vmem>>, vector<16xf32>,
    tpu.vector_store %arg14[%swap3A_1536], %add3A_1535 {strides = array<i32>} : memref<128xf32, #tpu.memory_space<vmem>>, vector<16xf32>,
    %get3A_1538 = arith.constant 80 : index
    %get3A_1539 = tpu.vector_load %arg14[%get3A_1538] {strides = array<i32>} : memref<128xf32, #tpu.memory_space<vmem>>, vector<16xf32>,
    %get3A_1540 = arith.constant 14 : i32
    %get3A_1541 = arith.index_cast %get3A_1540 : i32 to index
    %get3A_1542 = arith.constant 80 : index
    %get3A_1543 = tpu.vector_load %arg15[%get3A_1541, %get3A_1542] {strides = array<i32>} : memref<16x128xf32, #tpu.memory_space<vmem>>, vector<16xf32>,
    %add3A_1544 = arith.addf %get3A_1539, %get3A_1543 : vector<16xf32>
    %swap3A_1545 = arith.constant 80 : index
    %swap3A_1546 = tpu.vector_load %arg14[%swap3A_1545] {strides = array<i32>} : memref<128xf32, #tpu.memory_space<vmem>>, vector<16xf32>,
    tpu.vector_store %arg14[%swap3A_1545], %add3A_1544 {strides = array<i32>} : memref<128xf32, #tpu.memory_space<vmem>>, vector<16xf32>,
    %get3A_1547 = arith.constant 96 : index
    %get3A_1548 = tpu.vector_load %arg14[%get3A_1547] {strides = array<i32>} : memref<128xf32, #tpu.memory_space<vmem>>, vector<16xf32>,
    %get3A_1549 = arith.constant 14 : i32
    %get3A_1550 = arith.index_cast %get3A_1549 : i32 to index
    %get3A_1551 = arith.constant 96 : index
    %get3A_1552 = tpu.vector_load %arg15[%get3A_1550, %get3A_1551] {strides = array<i32>} : memref<16x128xf32, #tpu.memory_space<vmem>>, vector<16xf32>,
    %add3A_1553 = arith.addf %get3A_1548, %get3A_1552 : vector<16xf32>
    %swap3A_1554 = arith.constant 96 : index
    %swap3A_1555 = tpu.vector_load %arg14[%swap3A_1554] {strides = array<i32>} : memref<128xf32, #tpu.memory_space<vmem>>, vector<16xf32>,
    tpu.vector_store %arg14[%swap3A_1554], %add3A_1553 {strides = array<i32>} : memref<128xf32, #tpu.memory_space<vmem>>, vector<16xf32>,
    %get3A_1556 = arith.constant 112 : index
    %get3A_1557 = tpu.vector_load %arg14[%get3A_1556] {strides = array<i32>} : memref<128xf32, #tpu.memory_space<vmem>>, vector<16xf32>,
    %get3A_1558 = arith.constant 14 : i32
    %get3A_1559 = arith.index_cast %get3A_1558 : i32 to index
    %get3A_1560 = arith.constant 112 : index
    %get3A_1561 = tpu.vector_load %arg15[%get3A_1559, %get3A_1560] {strides = array<i32>} : memref<16x128xf32, #tpu.memory_space<vmem>>, vector<16xf32>,
    %add3A_1562 = arith.addf %get3A_1557, %get3A_1561 : vector<16xf32>
    %swap3A_1563 = arith.constant 112 : index
    %swap3A_1564 = tpu.vector_load %arg14[%swap3A_1563] {strides = array<i32>} : memref<128xf32, #tpu.memory_space<vmem>>, vector<16xf32>,
    tpu.vector_store %arg14[%swap3A_1563], %add3A_1562 {strides = array<i32>} : memref<128xf32, #tpu.memory_space<vmem>>, vector<16xf32>,
    %get3A_1565 = arith.constant 0 : index
    %get3A_1566 = tpu.vector_load %arg14[%get3A_1565] {strides = array<i32>} : memref<128xf32, #tpu.memory_space<vmem>>, vector<16xf32>,
    %get3A_1567 = arith.constant 15 : i32
    %get3A_1568 = arith.index_cast %get3A_1567 : i32 to index
    %get3A_1569 = arith.constant 0 : index
    %get3A_1570 = tpu.vector_load %arg15[%get3A_1568, %get3A_1569] {strides = array<i32>} : memref<16x128xf32, #tpu.memory_space<vmem>>, vector<16xf32>,
    %add3A_1571 = arith.addf %get3A_1566, %get3A_1570 : vector<16xf32>
    %swap3A_1572 = arith.constant 0 : index
    %swap3A_1573 = tpu.vector_load %arg14[%swap3A_1572] {strides = array<i32>} : memref<128xf32, #tpu.memory_space<vmem>>, vector<16xf32>,
    tpu.vector_store %arg14[%swap3A_1572], %add3A_1571 {strides = array<i32>} : memref<128xf32, #tpu.memory_space<vmem>>, vector<16xf32>,
    %get3A_1574 = arith.constant 16 : index
    %get3A_1575 = tpu.vector_load %arg14[%get3A_1574] {strides = array<i32>} : memref<128xf32, #tpu.memory_space<vmem>>, vector<16xf32>,
    %get3A_1576 = arith.constant 15 : i32
    %get3A_1577 = arith.index_cast %get3A_1576 : i32 to index
    %get3A_1578 = arith.constant 16 : index
    %get3A_1579 = tpu.vector_load %arg15[%get3A_1577, %get3A_1578] {strides = array<i32>} : memref<16x128xf32, #tpu.memory_space<vmem>>, vector<16xf32>,
    %add3A_1580 = arith.addf %get3A_1575, %get3A_1579 : vector<16xf32>
    %swap3A_1581 = arith.constant 16 : index
    %swap3A_1582 = tpu.vector_load %arg14[%swap3A_1581] {strides = array<i32>} : memref<128xf32, #tpu.memory_space<vmem>>, vector<16xf32>,
    tpu.vector_store %arg14[%swap3A_1581], %add3A_1580 {strides = array<i32>} : memref<128xf32, #tpu.memory_space<vmem>>, vector<16xf32>,
    %get3A_1583 = arith.constant 32 : index
    %get3A_1584 = tpu.vector_load %arg14[%get3A_1583] {strides = array<i32>} : memref<128xf32, #tpu.memory_space<vmem>>, vector<16xf32>,
    %get3A_1585 = arith.constant 15 : i32
    %get3A_1586 = arith.index_cast %get3A_1585 : i32 to index
    %get3A_1587 = arith.constant 32 : index
    %get3A_1588 = tpu.vector_load %arg15[%get3A_1586, %get3A_1587] {strides = array<i32>} : memref<16x128xf32, #tpu.memory_space<vmem>>, vector<16xf32>,
    %add3A_1589 = arith.addf %get3A_1584, %get3A_1588 : vector<16xf32>
    %swap3A_1590 = arith.constant 32 : index
    %swap3A_1591 = tpu.vector_load %arg14[%swap3A_1590] {strides = array<i32>} : memref<128xf32, #tpu.memory_space<vmem>>, vector<16xf32>,
    tpu.vector_store %arg14[%swap3A_1590], %add3A_1589 {strides = array<i32>} : memref<128xf32, #tpu.memory_space<vmem>>, vector<16xf32>,
    %get3A_1592 = arith.constant 48 : index
    %get3A_1593 = tpu.vector_load %arg14[%get3A_1592] {strides = array<i32>} : memref<128xf32, #tpu.memory_space<vmem>>, vector<16xf32>,
    %get3A_1594 = arith.constant 15 : i32
    %get3A_1595 = arith.index_cast %get3A_1594 : i32 to index
    %get3A_1596 = arith.constant 48 : index
    %get3A_1597 = tpu.vector_load %arg15[%get3A_1595, %get3A_1596] {strides = array<i32>} : memref<16x128xf32, #tpu.memory_space<vmem>>, vector<16xf32>,
    %add3A_1598 = arith.addf %get3A_1593, %get3A_1597 : vector<16xf32>
    %swap3A_1599 = arith.constant 48 : index
    %swap3A_1600 = tpu.vector_load %arg14[%swap3A_1599] {strides = array<i32>} : memref<128xf32, #tpu.memory_space<vmem>>, vector<16xf32>,
    tpu.vector_store %arg14[%swap3A_1599], %add3A_1598 {strides = array<i32>} : memref<128xf32, #tpu.memory_space<vmem>>, vector<16xf32>,
    %get3A_1601 = arith.constant 64 : index
    %get3A_1602 = tpu.vector_load %arg14[%get3A_1601] {strides = array<i32>} : memref<128xf32, #tpu.memory_space<vmem>>, vector<16xf32>,
    %get3A_1603 = arith.constant 15 : i32
    %get3A_1604 = arith.index_cast %get3A_1603 : i32 to index
    %get3A_1605 = arith.constant 64 : index
    %get3A_1606 = tpu.vector_load %arg15[%get3A_1604, %get3A_1605] {strides = array<i32>} : memref<16x128xf32, #tpu.memory_space<vmem>>, vector<16xf32>,
    %add3A_1607 = arith.addf %get3A_1602, %get3A_1606 : vector<16xf32>
    %swap3A_1608 = arith.constant 64 : index
    %swap3A_1609 = tpu.vector_load %arg14[%swap3A_1608] {strides = array<i32>} : memref<128xf32, #tpu.memory_space<vmem>>, vector<16xf32>,
    tpu.vector_store %arg14[%swap3A_1608], %add3A_1607 {strides = array<i32>} : memref<128xf32, #tpu.memory_space<vmem>>, vector<16xf32>,
    %get3A_1610 = arith.constant 80 : index
    %get3A_1611 = tpu.vector_load %arg14[%get3A_1610] {strides = array<i32>} : memref<128xf32, #tpu.memory_space<vmem>>, vector<16xf32>,
    %get3A_1612 = arith.constant 15 : i32
    %get3A_1613 = arith.index_cast %get3A_1612 : i32 to index
    %get3A_1614 = arith.constant 80 : index
    %get3A_1615 = tpu.vector_load %arg15[%get3A_1613, %get3A_1614] {strides = array<i32>} : memref<16x128xf32, #tpu.memory_space<vmem>>, vector<16xf32>,
    %add3A_1616 = arith.addf %get3A_1611, %get3A_1615 : vector<16xf32>
    %swap3A_1617 = arith.constant 80 : index
    %swap3A_1618 = tpu.vector_load %arg14[%swap3A_1617] {strides = array<i32>} : memref<128xf32, #tpu.memory_space<vmem>>, vector<16xf32>,
    tpu.vector_store %arg14[%swap3A_1617], %add3A_1616 {strides = array<i32>} : memref<128xf32, #tpu.memory_space<vmem>>, vector<16xf32>,
    %get3A_1619 = arith.constant 96 : index
    %get3A_1620 = tpu.vector_load %arg14[%get3A_1619] {strides = array<i32>} : memref<128xf32, #tpu.memory_space<vmem>>, vector<16xf32>,
    %get3A_1621 = arith.constant 15 : i32
    %get3A_1622 = arith.index_cast %get3A_1621 : i32 to index
    %get3A_1623 = arith.constant 96 : index
    %get3A_1624 = tpu.vector_load %arg15[%get3A_1622, %get3A_1623] {strides = array<i32>} : memref<16x128xf32, #tpu.memory_space<vmem>>, vector<16xf32>,
    %add3A_1625 = arith.addf %get3A_1620, %get3A_1624 : vector<16xf32>
    %swap3A_1626 = arith.constant 96 : index
    %swap3A_1627 = tpu.vector_load %arg14[%swap3A_1626] {strides = array<i32>} : memref<128xf32, #tpu.memory_space<vmem>>, vector<16xf32>,
    tpu.vector_store %arg14[%swap3A_1626], %add3A_1625 {strides = array<i32>} : memref<128xf32, #tpu.memory_space<vmem>>, vector<16xf32>,
    %get3A_1628 = arith.constant 112 : index
    %get3A_1629 = tpu.vector_load %arg14[%get3A_1628] {strides = array<i32>} : memref<128xf32, #tpu.memory_space<vmem>>, vector<16xf32>,
    %get3A_1630 = arith.constant 15 : i32
    %get3A_1631 = arith.index_cast %get3A_1630 : i32 to index
    %get3A_1632 = arith.constant 112 : index
    %get3A_1633 = tpu.vector_load %arg15[%get3A_1631, %get3A_1632] {strides = array<i32>} : memref<16x128xf32, #tpu.memory_space<vmem>>, vector<16xf32>,
    %add3A_1634 = arith.addf %get3A_1629, %get3A_1633 : vector<16xf32>
    %swap3A_1635 = arith.constant 112 : index
    %swap3A_1636 = tpu.vector_load %arg14[%swap3A_1635] {strides = array<i32>} : memref<128xf32, #tpu.memory_space<vmem>>, vector<16xf32>,
    tpu.vector_store %arg14[%swap3A_1635], %add3A_1634 {strides = array<i32>} : memref<128xf32, #tpu.memory_space<vmem>>, vector<16xf32>,
    %mul3A_1637 = arith.constant 2048 : i32
    %mul3A_1638 = arith.muli %arg0, %mul3A_1637 : i32
    %mul3A_1639 = arith.constant 128 : i32
    %mul3A_1640 = arith.muli %arg1, %mul3A_1639 : i32
    %add3A_1641 = arith.addi %mul3A_1638, %mul3A_1640 : i32
    "tpu.region"() ({
      %run_scoped3A = tpu.sem_alloc : memref<!tpu.dma_semaphore, #tpu.memory_space<semaphore_mem>>
      %dma_start3A_1642 = tpu.memref_slice %arg6[%add3A_1641] : memref<4096xf32, #tpu.memory_space<hbm>> -> memref<128xf32, #tpu.memory_space<hbm>>
      %dma_start3A_1643 = tpu.memref_slice %arg6[%add3A_1641] : memref<4096xf32, #tpu.memory_space<hbm>> -> memref<128xf32, #tpu.memory_space<hbm>>
      tpu.enqueue_dma source(%arg14 : memref<128xf32, #tpu.memory_space<vmem>>) target(%dma_start3A_1643 : memref<128xf32, #tpu.memory_space<hbm>>) target_semaphore(%run_scoped3A : memref<!tpu.dma_semaphore, #tpu.memory_space<semaphore_mem>>)
      %dma_wait3A_1644 = tpu.memref_slice %arg6[%add3A_1641] : memref<4096xf32, #tpu.memory_space<hbm>> -> memref<128xf32, #tpu.memory_space<hbm>>
      %dma_wait3A_1645 = tpu.memref_slice %arg6[%add3A_1641] : memref<4096xf32, #tpu.memory_space<hbm>> -> memref<128xf32, #tpu.memory_space<hbm>>
      tpu.wait_dma2 semaphore(%run_scoped3A : memref<!tpu.dma_semaphore, #tpu.memory_space<semaphore_mem>>) src(%arg14 : memref<128xf32, #tpu.memory_space<vmem>>) dst(%dma_wait3A_1645 : memref<128xf32, #tpu.memory_space<hbm>>)
      tpu.yield
    }) : () -> ()
    return
  }
}

#map = affine_map<(d0, d1) -> (0)>
module attributes {stable_mosaic.version = 14 : i64} {
  func.func @_sc_segsum(%arg0: i32, %arg1: i32, %arg2: memref<128000xf32, #tpu.memory_space<hbm>>, %arg3: memref<320000xi32, #tpu.memory_space<hbm>>, %arg4: memref<320000xi32, #tpu.memory_space<hbm>>, %arg5: memref<16xf32, #tpu.memory_space<hbm>>, %arg6: memref<4096xf32, #tpu.memory_space<hbm>>, %arg7: memref<4000xf32, #tpu.memory_space<vmem>>, %arg8: memref<4000xi32, #tpu.memory_space<vmem>>, %arg9: memref<4000xi32, #tpu.memory_space<vmem>>, %arg10: memref<16xf32, #tpu.memory_space<vmem>>, %arg11: memref<2048xf32, #tpu.memory_space<vmem>>, %arg12: memref<2048xf32, #tpu.memory_space<vmem>>, %arg13: memref<2048xf32, #tpu.memory_space<vmem>>, %arg14: memref<128xf32, #tpu.memory_space<vmem>>, %arg15: memref<16x128xf32, #tpu.memory_space<vmem>>, %arg16: memref<16x2048xf32, #tpu.memory_space<vmem_shared>>, %arg17: memref<!tpu.dma_semaphore, #tpu.memory_space<semaphore_mem>>) attributes {dimension_semantics = [#tpu.dimension_semantics<core_parallel>, #tpu.dimension_semantics<subcore_parallel>], iteration_bounds = array<i64: 2, 16>, scalar_prefetch = 0 : i64, scratch_operands = 11 : i64, tpu.core_type = #tpu.core_type<sc_vector_subcore>, window_params = [{transform_indices = #map}, {transform_indices = #map}, {transform_indices = #map}, {transform_indices = #map}, {transform_indices = #map}]} {
    %mul3A = arith.constant 2 : i32
    %mul3A_0 = arith.muli %arg1, %mul3A : i32
    %add3A = arith.addi %mul3A_0, %arg0 : i32
    %mul3A_1 = arith.constant 4000 : i32
    %mul3A_2 = arith.muli %add3A, %mul3A_1 : i32
    %add3A_3 = arith.constant 192000 : i32
    %add3A_4 = arith.addi %add3A_3, %mul3A_2 : i32
    %mul3A_5 = arith.constant 4000 : i32
    %mul3A_6 = arith.muli %add3A, %mul3A_5 : i32
    %dma_start3A = tpu.memref_slice %arg2[%mul3A_6] : memref<128000xf32, #tpu.memory_space<hbm>> -> memref<4000xf32, #tpu.memory_space<hbm>>
    %dma_start3A_7 = tpu.memref_slice %arg2[%mul3A_6] : memref<128000xf32, #tpu.memory_space<hbm>> -> memref<4000xf32, #tpu.memory_space<hbm>>
    tpu.enqueue_dma source(%dma_start3A_7 : memref<4000xf32, #tpu.memory_space<hbm>>) target(%arg7 : memref<4000xf32, #tpu.memory_space<vmem>>) target_semaphore(%arg17 : memref<!tpu.dma_semaphore, #tpu.memory_space<semaphore_mem>>)
    %dma_start3A_8 = tpu.memref_slice %arg3[%add3A_4] : memref<320000xi32, #tpu.memory_space<hbm>> -> memref<4000xi32, #tpu.memory_space<hbm>>
    %dma_start3A_9 = tpu.memref_slice %arg3[%add3A_4] : memref<320000xi32, #tpu.memory_space<hbm>> -> memref<4000xi32, #tpu.memory_space<hbm>>
    tpu.enqueue_dma source(%dma_start3A_9 : memref<4000xi32, #tpu.memory_space<hbm>>) target(%arg8 : memref<4000xi32, #tpu.memory_space<vmem>>) target_semaphore(%arg17 : memref<!tpu.dma_semaphore, #tpu.memory_space<semaphore_mem>>)
    %dma_start3A_10 = tpu.memref_slice %arg4[%add3A_4] : memref<320000xi32, #tpu.memory_space<hbm>> -> memref<4000xi32, #tpu.memory_space<hbm>>
    %dma_start3A_11 = tpu.memref_slice %arg4[%add3A_4] : memref<320000xi32, #tpu.memory_space<hbm>> -> memref<4000xi32, #tpu.memory_space<hbm>>
    tpu.enqueue_dma source(%dma_start3A_11 : memref<4000xi32, #tpu.memory_space<hbm>>) target(%arg9 : memref<4000xi32, #tpu.memory_space<vmem>>) target_semaphore(%arg17 : memref<!tpu.dma_semaphore, #tpu.memory_space<semaphore_mem>>)
    tpu.enqueue_dma source(%arg5 : memref<16xf32, #tpu.memory_space<hbm>>) target(%arg10 : memref<16xf32, #tpu.memory_space<vmem>>) target_semaphore(%arg17 : memref<!tpu.dma_semaphore, #tpu.memory_space<semaphore_mem>>)
    %broadcast_in_dim3A = arith.constant 0.000000e+00 : f32
    %broadcast_in_dim3A_12 = vector.broadcast %broadcast_in_dim3A : f32 to vector<16xf32>
    %scan3A = arith.constant 0 : i32
    %scan3A_13 = arith.constant 0 : i32
    %scan3A_14 = arith.constant 128 : i32
    %scan3A_15 = arith.addi %scan3A_13, %scan3A_14 : i32
    %scan3A_16 = arith.constant 1 : i32
    scf.for %scan3A_1642 = %scan3A_13 to %scan3A_15 step %scan3A_16  : i32 {
      %mul3A_1643 = arith.constant 16 : i32
      %mul3A_1644 = arith.muli %scan3A_1642, %mul3A_1643 : i32
      %swap3A_1645 = arith.index_cast %mul3A_1644 : i32 to index
      %swap3A_1646 = tpu.vector_load %arg11[%swap3A_1645] {strides = array<i32>} : memref<2048xf32, #tpu.memory_space<vmem>>, vector<16xf32>,
      tpu.vector_store %arg11[%swap3A_1645], %broadcast_in_dim3A_12 {strides = array<i32>} : memref<2048xf32, #tpu.memory_space<vmem>>, vector<16xf32>,
      %mul3A_1647 = arith.constant 16 : i32
      %mul3A_1648 = arith.muli %scan3A_1642, %mul3A_1647 : i32
      %swap3A_1649 = arith.index_cast %mul3A_1648 : i32 to index
      %swap3A_1650 = tpu.vector_load %arg12[%swap3A_1649] {strides = array<i32>} : memref<2048xf32, #tpu.memory_space<vmem>>, vector<16xf32>,
      tpu.vector_store %arg12[%swap3A_1649], %broadcast_in_dim3A_12 {strides = array<i32>} : memref<2048xf32, #tpu.memory_space<vmem>>, vector<16xf32>,
    }
    %scan3A_17 = arith.constant 128 : i32
    %dma_wait3A = tpu.memref_slice %arg2[%mul3A_6] : memref<128000xf32, #tpu.memory_space<hbm>> -> memref<4000xf32, #tpu.memory_space<hbm>>
    %dma_wait3A_18 = tpu.memref_slice %arg2[%mul3A_6] : memref<128000xf32, #tpu.memory_space<hbm>> -> memref<4000xf32, #tpu.memory_space<hbm>>
    tpu.wait_dma2 semaphore(%arg17 : memref<!tpu.dma_semaphore, #tpu.memory_space<semaphore_mem>>) src(%dma_wait3A_18 : memref<4000xf32, #tpu.memory_space<hbm>>) dst(%arg7 : memref<4000xf32, #tpu.memory_space<vmem>>)
    %dma_wait3A_19 = tpu.memref_slice %arg3[%add3A_4] : memref<320000xi32, #tpu.memory_space<hbm>> -> memref<4000xi32, #tpu.memory_space<hbm>>
    %dma_wait3A_20 = tpu.memref_slice %arg3[%add3A_4] : memref<320000xi32, #tpu.memory_space<hbm>> -> memref<4000xi32, #tpu.memory_space<hbm>>
    tpu.wait_dma2 semaphore(%arg17 : memref<!tpu.dma_semaphore, #tpu.memory_space<semaphore_mem>>) src(%dma_wait3A_20 : memref<4000xi32, #tpu.memory_space<hbm>>) dst(%arg8 : memref<4000xi32, #tpu.memory_space<vmem>>)
    %dma_wait3A_21 = tpu.memref_slice %arg4[%add3A_4] : memref<320000xi32, #tpu.memory_space<hbm>> -> memref<4000xi32, #tpu.memory_space<hbm>>
    %dma_wait3A_22 = tpu.memref_slice %arg4[%add3A_4] : memref<320000xi32, #tpu.memory_space<hbm>> -> memref<4000xi32, #tpu.memory_space<hbm>>
    tpu.wait_dma2 semaphore(%arg17 : memref<!tpu.dma_semaphore, #tpu.memory_space<semaphore_mem>>) src(%dma_wait3A_22 : memref<4000xi32, #tpu.memory_space<hbm>>) dst(%arg9 : memref<4000xi32, #tpu.memory_space<vmem>>)
    tpu.wait_dma2 semaphore(%arg17 : memref<!tpu.dma_semaphore, #tpu.memory_space<semaphore_mem>>) src(%arg5 : memref<16xf32, #tpu.memory_space<hbm>>) dst(%arg10 : memref<16xf32, #tpu.memory_space<vmem>>)
    %iota3A = tpu.iota {dimensions = array<i32: 0>} : vector<16xi32>
    %sub3A = arith.constant 1 : i32
    %sub3A_23 = vector.broadcast %sub3A : i32 to vector<16xi32>
    %sub3A_24 = arith.subi %iota3A, %sub3A_23 : vector<16xi32>
    %max3A = arith.constant 0 : i32
    %max3A_25 = vector.broadcast %max3A : i32 to vector<16xi32>
    %max3A_26 = arith.maxsi %sub3A_24, %max3A_25 : vector<16xi32>
    %add3A_27 = arith.constant 1 : i32
    %add3A_28 = vector.broadcast %add3A_27 : i32 to vector<16xi32>
    %add3A_29 = arith.addi %iota3A, %add3A_28 : vector<16xi32>
    %min3A = arith.constant 15 : i32
    %min3A_30 = vector.broadcast %min3A : i32 to vector<16xi32>
    %min3A_31 = arith.minsi %add3A_29, %min3A_30 : vector<16xi32>
    %broadcast_in_dim3A_32 = arith.constant 15 : i32
    %broadcast_in_dim3A_33 = vector.broadcast %broadcast_in_dim3A_32 : i32 to vector<16xi32>
    %eq3A = arith.constant 0 : i32
    %eq3A_34 = vector.broadcast %eq3A : i32 to vector<16xi32>
    %eq3A_35 = arith.cmpi eq, %iota3A, %eq3A_34 : vector<16xi32>
    %eq3A_36 = arith.constant 15 : i32
    %eq3A_37 = vector.broadcast %eq3A_36 : i32 to vector<16xi32>
    %eq3A_38 = arith.cmpi eq, %iota3A, %eq3A_37 : vector<16xi32>
    %broadcast_in_dim3A_39 = arith.constant 0.000000e+00 : f32
    %broadcast_in_dim3A_40 = vector.broadcast %broadcast_in_dim3A_39 : f32 to vector<16xf32>
    %broadcast_in_dim3A_41 = arith.constant -1 : i32
    %broadcast_in_dim3A_42 = vector.broadcast %broadcast_in_dim3A_41 : i32 to vector<16xi32>
    %scan3A_43 = arith.constant 0 : i32
    %scan3A_44 = arith.constant 250 : i32
    %scan3A_45 = arith.addi %scan3A_43, %scan3A_44 : i32
    %scan3A_46 = arith.constant 1 : i32
    %scan3A_47:2 = scf.for %scan3A_1642 = %scan3A_43 to %scan3A_45 step %scan3A_46 iter_args(%scan3A_1643 = %broadcast_in_dim3A_40, %scan3A_1644 = %broadcast_in_dim3A_42) -> (vector<16xf32>, vector<16xi32>)  : i32 {
      %mul3A_1645 = arith.constant 16 : i32
      %mul3A_1646 = arith.muli %scan3A_1642, %mul3A_1645 : i32
      %get3A_1647 = arith.index_cast %mul3A_1646 : i32 to index
      %get3A_1648 = tpu.vector_load %arg9[%get3A_1647] {strides = array<i32>} : memref<4000xi32, #tpu.memory_space<vmem>>, vector<16xi32>,
      %get3A_1649 = arith.index_cast %mul3A_1646 : i32 to index
      %get3A_1650 = tpu.vector_load %arg7[%get3A_1649] {strides = array<i32>} : memref<4000xf32, #tpu.memory_space<vmem>>, vector<16xf32>,
      %get3A_1651 = arith.index_cast %mul3A_1646 : i32 to index
      %get3A_1652 = tpu.vector_load %arg8[%get3A_1651] {strides = array<i32>} : memref<4000xi32, #tpu.memory_space<vmem>>, vector<16xi32>,
      %gather3A = tpu.vector_load_idx %arg10[%get3A_1652] : memref<16xf32, #tpu.memory_space<vmem>>[vector<16xi32>], vector<16xf32>,
      %add3A_1653 = arith.addf %get3A_1650, %gather3A : vector<16xf32>
      %broadcast_in_dim3A_1654 = arith.constant true
      %broadcast_in_dim3A_1655 = vector.broadcast %broadcast_in_dim3A_1654 : i1 to vector<16xi1>
      %masked_cumsum3A = tpu.scan <sum>, %add3A_1653 masked %broadcast_in_dim3A_1655 : vector<16xf32>, vector<16xi1> -> vector<16xf32>
      %add3A_1656 = arith.addf %masked_cumsum3A, %scan3A_1643 : vector<16xf32>
      %reshape3A = vector.shape_cast %max3A_26 : vector<16xi32> to vector<16x1xi32>
      %gather3A_1657 = vector.shape_cast %reshape3A : vector<16x1xi32> to vector<16xi32>
      %gather3A_1658 = tpu.dynamic_gather %get3A_1648[%gather3A_1657] in [0] : vector<16xi32>, vector<16xi32> -> vector<16xi32>
      %select_n3A = arith.select %eq3A_35, %scan3A_1644, %gather3A_1658 : vector<16xi1>, vector<16xi32>
      %reshape3A_1659 = vector.shape_cast %min3A_31 : vector<16xi32> to vector<16x1xi32>
      %gather3A_1660 = vector.shape_cast %reshape3A_1659 : vector<16x1xi32> to vector<16xi32>
      %gather3A_1661 = tpu.dynamic_gather %get3A_1648[%gather3A_1660] in [0] : vector<16xi32>, vector<16xi32> -> vector<16xi32>
      %ne3A = arith.cmpi ne, %get3A_1648, %select_n3A : vector<16xi32>
      %ne3A_1662 = arith.cmpi ne, %get3A_1648, %gather3A_1661 : vector<16xi32>
      %or3A = arith.ori %ne3A_1662, %eq3A_38 : vector<16xi1>
      %sub3A_1663 = arith.subf %add3A_1656, %add3A_1653 : vector<16xf32>
      tpu.vector_store_idx %arg11[%get3A_1648], %sub3A_1663 masked %ne3A : memref<2048xf32, #tpu.memory_space<vmem>>[vector<16xi32>], vector<16xf32>, vector<16xi1>
      tpu.vector_store_idx %arg12[%get3A_1648], %add3A_1656 masked %or3A : memref<2048xf32, #tpu.memory_space<vmem>>[vector<16xi32>], vector<16xf32>, vector<16xi1>
      %reshape3A_1664 = vector.shape_cast %broadcast_in_dim3A_33 : vector<16xi32> to vector<16x1xi32>
      %gather3A_1665 = vector.shape_cast %reshape3A_1664 : vector<16x1xi32> to vector<16xi32>
      %gather3A_1666 = tpu.dynamic_gather %add3A_1656[%gather3A_1665] in [0] : vector<16xf32>, vector<16xi32> -> vector<16xf32>
      %reshape3A_1667 = vector.shape_cast %broadcast_in_dim3A_33 : vector<16xi32> to vector<16x1xi32>
      %gather3A_1668 = vector.shape_cast %reshape3A_1667 : vector<16x1xi32> to vector<16xi32>
      %gather3A_1669 = tpu.dynamic_gather %get3A_1648[%gather3A_1668] in [0] : vector<16xi32>, vector<16xi32> -> vector<16xi32>
      scf.yield %gather3A_1666, %gather3A_1669 : vector<16xf32>, vector<16xi32>
    }
    %scan3A_48 = arith.constant 250 : i32
    %scan3A_49 = arith.constant 0 : i32
    %scan3A_50 = arith.constant 0 : i32
    %scan3A_51 = arith.constant 128 : i32
    %scan3A_52 = arith.addi %scan3A_50, %scan3A_51 : i32
    %scan3A_53 = arith.constant 1 : i32
    scf.for %scan3A_1642 = %scan3A_50 to %scan3A_52 step %scan3A_53  : i32 {
      %mul3A_1643 = arith.constant 16 : i32
      %mul3A_1644 = arith.muli %scan3A_1642, %mul3A_1643 : i32
      %get3A_1645 = arith.index_cast %mul3A_1644 : i32 to index
      %get3A_1646 = tpu.vector_load %arg12[%get3A_1645] {strides = array<i32>} : memref<2048xf32, #tpu.memory_space<vmem>>, vector<16xf32>,
      %get3A_1647 = arith.index_cast %mul3A_1644 : i32 to index
      %get3A_1648 = tpu.vector_load %arg11[%get3A_1647] {strides = array<i32>} : memref<2048xf32, #tpu.memory_space<vmem>>, vector<16xf32>,
      %sub3A_1649 = arith.subf %get3A_1646, %get3A_1648 : vector<16xf32>
      %swap3A_1650 = arith.index_cast %mul3A_1644 : i32 to index
      %swap3A_1651 = tpu.vector_load %arg13[%swap3A_1650] {strides = array<i32>} : memref<2048xf32, #tpu.memory_space<vmem>>, vector<16xf32>,
      tpu.vector_store %arg13[%swap3A_1650], %sub3A_1649 {strides = array<i32>} : memref<2048xf32, #tpu.memory_space<vmem>>, vector<16xf32>,
    }
    %scan3A_54 = arith.constant 128 : i32
    "tpu.region"() ({
      %run_scoped3A = tpu.sem_alloc : memref<!tpu.dma_semaphore, #tpu.memory_space<semaphore_mem>>
      %dma_start3A_1642 = arith.constant 0 : i32
      %dma_start3A_1643 = tpu.memref_slice %arg16[%arg1, %dma_start3A_1642] : memref<16x2048xf32, #tpu.memory_space<vmem_shared>> -> memref<1x2048xf32, #tpu.memory_space<vmem_shared>>
      %dma_start3A_1644 = tpu.memref_squeeze %dma_start3A_1643 : memref<1x2048xf32, #tpu.memory_space<vmem_shared>> -> memref<2048xf32, #tpu.memory_space<vmem_shared>>
      %dma_start3A_1645 = arith.constant 0 : i32
      %dma_start3A_1646 = tpu.memref_slice %arg16[%arg1, %dma_start3A_1645] : memref<16x2048xf32, #tpu.memory_space<vmem_shared>> -> memref<1x2048xf32, #tpu.memory_space<vmem_shared>>
      %dma_start3A_1647 = tpu.memref_squeeze %dma_start3A_1646 : memref<1x2048xf32, #tpu.memory_space<vmem_shared>> -> memref<2048xf32, #tpu.memory_space<vmem_shared>>
      tpu.enqueue_dma source(%arg13 : memref<2048xf32, #tpu.memory_space<vmem>>) target(%dma_start3A_1647 : memref<2048xf32, #tpu.memory_space<vmem_shared>>) target_semaphore(%run_scoped3A : memref<!tpu.dma_semaphore, #tpu.memory_space<semaphore_mem>>)
      %dma_wait3A_1648 = arith.constant 0 : i32
      %dma_wait3A_1649 = tpu.memref_slice %arg16[%arg1, %dma_wait3A_1648] : memref<16x2048xf32, #tpu.memory_space<vmem_shared>> -> memref<1x2048xf32, #tpu.memory_space<vmem_shared>>
      %dma_wait3A_1650 = tpu.memref_squeeze %dma_wait3A_1649 : memref<1x2048xf32, #tpu.memory_space<vmem_shared>> -> memref<2048xf32, #tpu.memory_space<vmem_shared>>
      %dma_wait3A_1651 = arith.constant 0 : i32
      %dma_wait3A_1652 = tpu.memref_slice %arg16[%arg1, %dma_wait3A_1651] : memref<16x2048xf32, #tpu.memory_space<vmem_shared>> -> memref<1x2048xf32, #tpu.memory_space<vmem_shared>>
      %dma_wait3A_1653 = tpu.memref_squeeze %dma_wait3A_1652 : memref<1x2048xf32, #tpu.memory_space<vmem_shared>> -> memref<2048xf32, #tpu.memory_space<vmem_shared>>
      tpu.wait_dma2 semaphore(%run_scoped3A : memref<!tpu.dma_semaphore, #tpu.memory_space<semaphore_mem>>) src(%arg13 : memref<2048xf32, #tpu.memory_space<vmem>>) dst(%dma_wait3A_1653 : memref<2048xf32, #tpu.memory_space<vmem_shared>>)
      tpu.yield
    }) : () -> ()
    %barrier3A = arith.constant 0 : index
    tpu.barrier barrier_id(%barrier3A)
    %mul3A_55 = arith.constant 128 : i32
    %mul3A_56 = arith.muli %arg1, %mul3A_55 : i32
    %dma_start3A_57 = arith.constant 0 : i32
    %dma_start3A_58 = arith.constant 0 : i32
    %dma_start3A_59 = arith.constant 0 : i32
    %dma_start3A_60 = tpu.memref_slice %arg15[%dma_start3A_58, %dma_start3A_59] : memref<16x128xf32, #tpu.memory_space<vmem>> -> memref<1x128xf32, #tpu.memory_space<vmem>>
    %dma_start3A_61 = tpu.memref_squeeze %dma_start3A_60 : memref<1x128xf32, #tpu.memory_space<vmem>> -> memref<128xf32, #tpu.memory_space<vmem>>
    %dma_start3A_62 = tpu.memref_slice %arg16[%dma_start3A_57, %mul3A_56] : memref<16x2048xf32, #tpu.memory_space<vmem_shared>> -> memref<1x128xf32, #tpu.memory_space<vmem_shared>>
    %dma_start3A_63 = tpu.memref_squeeze %dma_start3A_62 : memref<1x128xf32, #tpu.memory_space<vmem_shared>> -> memref<128xf32, #tpu.memory_space<vmem_shared>>
    %dma_start3A_64 = arith.constant 0 : i32
    %dma_start3A_65 = tpu.memref_slice %arg15[%dma_start3A_58, %dma_start3A_64] : memref<16x128xf32, #tpu.memory_space<vmem>> -> memref<1x128xf32, #tpu.memory_space<vmem>>
    %dma_start3A_66 = tpu.memref_squeeze %dma_start3A_65 : memref<1x128xf32, #tpu.memory_space<vmem>> -> memref<128xf32, #tpu.memory_space<vmem>>
    %dma_start3A_67 = tpu.memref_slice %arg16[%dma_start3A_57, %mul3A_56] : memref<16x2048xf32, #tpu.memory_space<vmem_shared>> -> memref<1x128xf32, #tpu.memory_space<vmem_shared>>
    %dma_start3A_68 = tpu.memref_squeeze %dma_start3A_67 : memref<1x128xf32, #tpu.memory_space<vmem_shared>> -> memref<128xf32, #tpu.memory_space<vmem_shared>>
    tpu.enqueue_dma source(%dma_start3A_68 : memref<128xf32, #tpu.memory_space<vmem_shared>>) target(%dma_start3A_66 : memref<128xf32, #tpu.memory_space<vmem>>) target_semaphore(%arg17 : memref<!tpu.dma_semaphore, #tpu.memory_space<semaphore_mem>>)
    %mul3A_69 = arith.constant 128 : i32
    %mul3A_70 = arith.muli %arg1, %mul3A_69 : i32
    %dma_start3A_71 = arith.constant 1 : i32
    %dma_start3A_72 = arith.constant 1 : i32
    %dma_start3A_73 = arith.constant 0 : i32
    %dma_start3A_74 = tpu.memref_slice %arg15[%dma_start3A_72, %dma_start3A_73] : memref<16x128xf32, #tpu.memory_space<vmem>> -> memref<1x128xf32, #tpu.memory_space<vmem>>
    %dma_start3A_75 = tpu.memref_squeeze %dma_start3A_74 : memref<1x128xf32, #tpu.memory_space<vmem>> -> memref<128xf32, #tpu.memory_space<vmem>>
    %dma_start3A_76 = tpu.memref_slice %arg16[%dma_start3A_71, %mul3A_70] : memref<16x2048xf32, #tpu.memory_space<vmem_shared>> -> memref<1x128xf32, #tpu.memory_space<vmem_shared>>
    %dma_start3A_77 = tpu.memref_squeeze %dma_start3A_76 : memref<1x128xf32, #tpu.memory_space<vmem_shared>> -> memref<128xf32, #tpu.memory_space<vmem_shared>>
    %dma_start3A_78 = arith.constant 0 : i32
    %dma_start3A_79 = tpu.memref_slice %arg15[%dma_start3A_72, %dma_start3A_78] : memref<16x128xf32, #tpu.memory_space<vmem>> -> memref<1x128xf32, #tpu.memory_space<vmem>>
    %dma_start3A_80 = tpu.memref_squeeze %dma_start3A_79 : memref<1x128xf32, #tpu.memory_space<vmem>> -> memref<128xf32, #tpu.memory_space<vmem>>
    %dma_start3A_81 = tpu.memref_slice %arg16[%dma_start3A_71, %mul3A_70] : memref<16x2048xf32, #tpu.memory_space<vmem_shared>> -> memref<1x128xf32, #tpu.memory_space<vmem_shared>>
    %dma_start3A_82 = tpu.memref_squeeze %dma_start3A_81 : memref<1x128xf32, #tpu.memory_space<vmem_shared>> -> memref<128xf32, #tpu.memory_space<vmem_shared>>
    tpu.enqueue_dma source(%dma_start3A_82 : memref<128xf32, #tpu.memory_space<vmem_shared>>) target(%dma_start3A_80 : memref<128xf32, #tpu.memory_space<vmem>>) target_semaphore(%arg17 : memref<!tpu.dma_semaphore, #tpu.memory_space<semaphore_mem>>)
    %mul3A_83 = arith.constant 128 : i32
    %mul3A_84 = arith.muli %arg1, %mul3A_83 : i32
    %dma_start3A_85 = arith.constant 2 : i32
    %dma_start3A_86 = arith.constant 2 : i32
    %dma_start3A_87 = arith.constant 0 : i32
    %dma_start3A_88 = tpu.memref_slice %arg15[%dma_start3A_86, %dma_start3A_87] : memref<16x128xf32, #tpu.memory_space<vmem>> -> memref<1x128xf32, #tpu.memory_space<vmem>>
    %dma_start3A_89 = tpu.memref_squeeze %dma_start3A_88 : memref<1x128xf32, #tpu.memory_space<vmem>> -> memref<128xf32, #tpu.memory_space<vmem>>
    %dma_start3A_90 = tpu.memref_slice %arg16[%dma_start3A_85, %mul3A_84] : memref<16x2048xf32, #tpu.memory_space<vmem_shared>> -> memref<1x128xf32, #tpu.memory_space<vmem_shared>>
    %dma_start3A_91 = tpu.memref_squeeze %dma_start3A_90 : memref<1x128xf32, #tpu.memory_space<vmem_shared>> -> memref<128xf32, #tpu.memory_space<vmem_shared>>
    %dma_start3A_92 = arith.constant 0 : i32
    %dma_start3A_93 = tpu.memref_slice %arg15[%dma_start3A_86, %dma_start3A_92] : memref<16x128xf32, #tpu.memory_space<vmem>> -> memref<1x128xf32, #tpu.memory_space<vmem>>
    %dma_start3A_94 = tpu.memref_squeeze %dma_start3A_93 : memref<1x128xf32, #tpu.memory_space<vmem>> -> memref<128xf32, #tpu.memory_space<vmem>>
    %dma_start3A_95 = tpu.memref_slice %arg16[%dma_start3A_85, %mul3A_84] : memref<16x2048xf32, #tpu.memory_space<vmem_shared>> -> memref<1x128xf32, #tpu.memory_space<vmem_shared>>
    %dma_start3A_96 = tpu.memref_squeeze %dma_start3A_95 : memref<1x128xf32, #tpu.memory_space<vmem_shared>> -> memref<128xf32, #tpu.memory_space<vmem_shared>>
    tpu.enqueue_dma source(%dma_start3A_96 : memref<128xf32, #tpu.memory_space<vmem_shared>>) target(%dma_start3A_94 : memref<128xf32, #tpu.memory_space<vmem>>) target_semaphore(%arg17 : memref<!tpu.dma_semaphore, #tpu.memory_space<semaphore_mem>>)
    %mul3A_97 = arith.constant 128 : i32
    %mul3A_98 = arith.muli %arg1, %mul3A_97 : i32
    %dma_start3A_99 = arith.constant 3 : i32
    %dma_start3A_100 = arith.constant 3 : i32
    %dma_start3A_101 = arith.constant 0 : i32
    %dma_start3A_102 = tpu.memref_slice %arg15[%dma_start3A_100, %dma_start3A_101] : memref<16x128xf32, #tpu.memory_space<vmem>> -> memref<1x128xf32, #tpu.memory_space<vmem>>
    %dma_start3A_103 = tpu.memref_squeeze %dma_start3A_102 : memref<1x128xf32, #tpu.memory_space<vmem>> -> memref<128xf32, #tpu.memory_space<vmem>>
    %dma_start3A_104 = tpu.memref_slice %arg16[%dma_start3A_99, %mul3A_98] : memref<16x2048xf32, #tpu.memory_space<vmem_shared>> -> memref<1x128xf32, #tpu.memory_space<vmem_shared>>
    %dma_start3A_105 = tpu.memref_squeeze %dma_start3A_104 : memref<1x128xf32, #tpu.memory_space<vmem_shared>> -> memref<128xf32, #tpu.memory_space<vmem_shared>>
    %dma_start3A_106 = arith.constant 0 : i32
    %dma_start3A_107 = tpu.memref_slice %arg15[%dma_start3A_100, %dma_start3A_106] : memref<16x128xf32, #tpu.memory_space<vmem>> -> memref<1x128xf32, #tpu.memory_space<vmem>>
    %dma_start3A_108 = tpu.memref_squeeze %dma_start3A_107 : memref<1x128xf32, #tpu.memory_space<vmem>> -> memref<128xf32, #tpu.memory_space<vmem>>
    %dma_start3A_109 = tpu.memref_slice %arg16[%dma_start3A_99, %mul3A_98] : memref<16x2048xf32, #tpu.memory_space<vmem_shared>> -> memref<1x128xf32, #tpu.memory_space<vmem_shared>>
    %dma_start3A_110 = tpu.memref_squeeze %dma_start3A_109 : memref<1x128xf32, #tpu.memory_space<vmem_shared>> -> memref<128xf32, #tpu.memory_space<vmem_shared>>
    tpu.enqueue_dma source(%dma_start3A_110 : memref<128xf32, #tpu.memory_space<vmem_shared>>) target(%dma_start3A_108 : memref<128xf32, #tpu.memory_space<vmem>>) target_semaphore(%arg17 : memref<!tpu.dma_semaphore, #tpu.memory_space<semaphore_mem>>)
    %mul3A_111 = arith.constant 128 : i32
    %mul3A_112 = arith.muli %arg1, %mul3A_111 : i32
    %dma_start3A_113 = arith.constant 4 : i32
    %dma_start3A_114 = arith.constant 4 : i32
    %dma_start3A_115 = arith.constant 0 : i32
    %dma_start3A_116 = tpu.memref_slice %arg15[%dma_start3A_114, %dma_start3A_115] : memref<16x128xf32, #tpu.memory_space<vmem>> -> memref<1x128xf32, #tpu.memory_space<vmem>>
    %dma_start3A_117 = tpu.memref_squeeze %dma_start3A_116 : memref<1x128xf32, #tpu.memory_space<vmem>> -> memref<128xf32, #tpu.memory_space<vmem>>
    %dma_start3A_118 = tpu.memref_slice %arg16[%dma_start3A_113, %mul3A_112] : memref<16x2048xf32, #tpu.memory_space<vmem_shared>> -> memref<1x128xf32, #tpu.memory_space<vmem_shared>>
    %dma_start3A_119 = tpu.memref_squeeze %dma_start3A_118 : memref<1x128xf32, #tpu.memory_space<vmem_shared>> -> memref<128xf32, #tpu.memory_space<vmem_shared>>
    %dma_start3A_120 = arith.constant 0 : i32
    %dma_start3A_121 = tpu.memref_slice %arg15[%dma_start3A_114, %dma_start3A_120] : memref<16x128xf32, #tpu.memory_space<vmem>> -> memref<1x128xf32, #tpu.memory_space<vmem>>
    %dma_start3A_122 = tpu.memref_squeeze %dma_start3A_121 : memref<1x128xf32, #tpu.memory_space<vmem>> -> memref<128xf32, #tpu.memory_space<vmem>>
    %dma_start3A_123 = tpu.memref_slice %arg16[%dma_start3A_113, %mul3A_112] : memref<16x2048xf32, #tpu.memory_space<vmem_shared>> -> memref<1x128xf32, #tpu.memory_space<vmem_shared>>
    %dma_start3A_124 = tpu.memref_squeeze %dma_start3A_123 : memref<1x128xf32, #tpu.memory_space<vmem_shared>> -> memref<128xf32, #tpu.memory_space<vmem_shared>>
    tpu.enqueue_dma source(%dma_start3A_124 : memref<128xf32, #tpu.memory_space<vmem_shared>>) target(%dma_start3A_122 : memref<128xf32, #tpu.memory_space<vmem>>) target_semaphore(%arg17 : memref<!tpu.dma_semaphore, #tpu.memory_space<semaphore_mem>>)
    %mul3A_125 = arith.constant 128 : i32
    %mul3A_126 = arith.muli %arg1, %mul3A_125 : i32
    %dma_start3A_127 = arith.constant 5 : i32
    %dma_start3A_128 = arith.constant 5 : i32
    %dma_start3A_129 = arith.constant 0 : i32
    %dma_start3A_130 = tpu.memref_slice %arg15[%dma_start3A_128, %dma_start3A_129] : memref<16x128xf32, #tpu.memory_space<vmem>> -> memref<1x128xf32, #tpu.memory_space<vmem>>
    %dma_start3A_131 = tpu.memref_squeeze %dma_start3A_130 : memref<1x128xf32, #tpu.memory_space<vmem>> -> memref<128xf32, #tpu.memory_space<vmem>>
    %dma_start3A_132 = tpu.memref_slice %arg16[%dma_start3A_127, %mul3A_126] : memref<16x2048xf32, #tpu.memory_space<vmem_shared>> -> memref<1x128xf32, #tpu.memory_space<vmem_shared>>
    %dma_start3A_133 = tpu.memref_squeeze %dma_start3A_132 : memref<1x128xf32, #tpu.memory_space<vmem_shared>> -> memref<128xf32, #tpu.memory_space<vmem_shared>>
    %dma_start3A_134 = arith.constant 0 : i32
    %dma_start3A_135 = tpu.memref_slice %arg15[%dma_start3A_128, %dma_start3A_134] : memref<16x128xf32, #tpu.memory_space<vmem>> -> memref<1x128xf32, #tpu.memory_space<vmem>>
    %dma_start3A_136 = tpu.memref_squeeze %dma_start3A_135 : memref<1x128xf32, #tpu.memory_space<vmem>> -> memref<128xf32, #tpu.memory_space<vmem>>
    %dma_start3A_137 = tpu.memref_slice %arg16[%dma_start3A_127, %mul3A_126] : memref<16x2048xf32, #tpu.memory_space<vmem_shared>> -> memref<1x128xf32, #tpu.memory_space<vmem_shared>>
    %dma_start3A_138 = tpu.memref_squeeze %dma_start3A_137 : memref<1x128xf32, #tpu.memory_space<vmem_shared>> -> memref<128xf32, #tpu.memory_space<vmem_shared>>
    tpu.enqueue_dma source(%dma_start3A_138 : memref<128xf32, #tpu.memory_space<vmem_shared>>) target(%dma_start3A_136 : memref<128xf32, #tpu.memory_space<vmem>>) target_semaphore(%arg17 : memref<!tpu.dma_semaphore, #tpu.memory_space<semaphore_mem>>)
    %mul3A_139 = arith.constant 128 : i32
    %mul3A_140 = arith.muli %arg1, %mul3A_139 : i32
    %dma_start3A_141 = arith.constant 6 : i32
    %dma_start3A_142 = arith.constant 6 : i32
    %dma_start3A_143 = arith.constant 0 : i32
    %dma_start3A_144 = tpu.memref_slice %arg15[%dma_start3A_142, %dma_start3A_143] : memref<16x128xf32, #tpu.memory_space<vmem>> -> memref<1x128xf32, #tpu.memory_space<vmem>>
    %dma_start3A_145 = tpu.memref_squeeze %dma_start3A_144 : memref<1x128xf32, #tpu.memory_space<vmem>> -> memref<128xf32, #tpu.memory_space<vmem>>
    %dma_start3A_146 = tpu.memref_slice %arg16[%dma_start3A_141, %mul3A_140] : memref<16x2048xf32, #tpu.memory_space<vmem_shared>> -> memref<1x128xf32, #tpu.memory_space<vmem_shared>>
    %dma_start3A_147 = tpu.memref_squeeze %dma_start3A_146 : memref<1x128xf32, #tpu.memory_space<vmem_shared>> -> memref<128xf32, #tpu.memory_space<vmem_shared>>
    %dma_start3A_148 = arith.constant 0 : i32
    %dma_start3A_149 = tpu.memref_slice %arg15[%dma_start3A_142, %dma_start3A_148] : memref<16x128xf32, #tpu.memory_space<vmem>> -> memref<1x128xf32, #tpu.memory_space<vmem>>
    %dma_start3A_150 = tpu.memref_squeeze %dma_start3A_149 : memref<1x128xf32, #tpu.memory_space<vmem>> -> memref<128xf32, #tpu.memory_space<vmem>>
    %dma_start3A_151 = tpu.memref_slice %arg16[%dma_start3A_141, %mul3A_140] : memref<16x2048xf32, #tpu.memory_space<vmem_shared>> -> memref<1x128xf32, #tpu.memory_space<vmem_shared>>
    %dma_start3A_152 = tpu.memref_squeeze %dma_start3A_151 : memref<1x128xf32, #tpu.memory_space<vmem_shared>> -> memref<128xf32, #tpu.memory_space<vmem_shared>>
    tpu.enqueue_dma source(%dma_start3A_152 : memref<128xf32, #tpu.memory_space<vmem_shared>>) target(%dma_start3A_150 : memref<128xf32, #tpu.memory_space<vmem>>) target_semaphore(%arg17 : memref<!tpu.dma_semaphore, #tpu.memory_space<semaphore_mem>>)
    %mul3A_153 = arith.constant 128 : i32
    %mul3A_154 = arith.muli %arg1, %mul3A_153 : i32
    %dma_start3A_155 = arith.constant 7 : i32
    %dma_start3A_156 = arith.constant 7 : i32
    %dma_start3A_157 = arith.constant 0 : i32
    %dma_start3A_158 = tpu.memref_slice %arg15[%dma_start3A_156, %dma_start3A_157] : memref<16x128xf32, #tpu.memory_space<vmem>> -> memref<1x128xf32, #tpu.memory_space<vmem>>
    %dma_start3A_159 = tpu.memref_squeeze %dma_start3A_158 : memref<1x128xf32, #tpu.memory_space<vmem>> -> memref<128xf32, #tpu.memory_space<vmem>>
    %dma_start3A_160 = tpu.memref_slice %arg16[%dma_start3A_155, %mul3A_154] : memref<16x2048xf32, #tpu.memory_space<vmem_shared>> -> memref<1x128xf32, #tpu.memory_space<vmem_shared>>
    %dma_start3A_161 = tpu.memref_squeeze %dma_start3A_160 : memref<1x128xf32, #tpu.memory_space<vmem_shared>> -> memref<128xf32, #tpu.memory_space<vmem_shared>>
    %dma_start3A_162 = arith.constant 0 : i32
    %dma_start3A_163 = tpu.memref_slice %arg15[%dma_start3A_156, %dma_start3A_162] : memref<16x128xf32, #tpu.memory_space<vmem>> -> memref<1x128xf32, #tpu.memory_space<vmem>>
    %dma_start3A_164 = tpu.memref_squeeze %dma_start3A_163 : memref<1x128xf32, #tpu.memory_space<vmem>> -> memref<128xf32, #tpu.memory_space<vmem>>
    %dma_start3A_165 = tpu.memref_slice %arg16[%dma_start3A_155, %mul3A_154] : memref<16x2048xf32, #tpu.memory_space<vmem_shared>> -> memref<1x128xf32, #tpu.memory_space<vmem_shared>>
    %dma_start3A_166 = tpu.memref_squeeze %dma_start3A_165 : memref<1x128xf32, #tpu.memory_space<vmem_shared>> -> memref<128xf32, #tpu.memory_space<vmem_shared>>
    tpu.enqueue_dma source(%dma_start3A_166 : memref<128xf32, #tpu.memory_space<vmem_shared>>) target(%dma_start3A_164 : memref<128xf32, #tpu.memory_space<vmem>>) target_semaphore(%arg17 : memref<!tpu.dma_semaphore, #tpu.memory_space<semaphore_mem>>)
    %mul3A_167 = arith.constant 128 : i32
    %mul3A_168 = arith.muli %arg1, %mul3A_167 : i32
    %dma_start3A_169 = arith.constant 8 : i32
    %dma_start3A_170 = arith.constant 8 : i32
    %dma_start3A_171 = arith.constant 0 : i32
    %dma_start3A_172 = tpu.memref_slice %arg15[%dma_start3A_170, %dma_start3A_171] : memref<16x128xf32, #tpu.memory_space<vmem>> -> memref<1x128xf32, #tpu.memory_space<vmem>>
    %dma_start3A_173 = tpu.memref_squeeze %dma_start3A_172 : memref<1x128xf32, #tpu.memory_space<vmem>> -> memref<128xf32, #tpu.memory_space<vmem>>
    %dma_start3A_174 = tpu.memref_slice %arg16[%dma_start3A_169, %mul3A_168] : memref<16x2048xf32, #tpu.memory_space<vmem_shared>> -> memref<1x128xf32, #tpu.memory_space<vmem_shared>>
    %dma_start3A_175 = tpu.memref_squeeze %dma_start3A_174 : memref<1x128xf32, #tpu.memory_space<vmem_shared>> -> memref<128xf32, #tpu.memory_space<vmem_shared>>
    %dma_start3A_176 = arith.constant 0 : i32
    %dma_start3A_177 = tpu.memref_slice %arg15[%dma_start3A_170, %dma_start3A_176] : memref<16x128xf32, #tpu.memory_space<vmem>> -> memref<1x128xf32, #tpu.memory_space<vmem>>
    %dma_start3A_178 = tpu.memref_squeeze %dma_start3A_177 : memref<1x128xf32, #tpu.memory_space<vmem>> -> memref<128xf32, #tpu.memory_space<vmem>>
    %dma_start3A_179 = tpu.memref_slice %arg16[%dma_start3A_169, %mul3A_168] : memref<16x2048xf32, #tpu.memory_space<vmem_shared>> -> memref<1x128xf32, #tpu.memory_space<vmem_shared>>
    %dma_start3A_180 = tpu.memref_squeeze %dma_start3A_179 : memref<1x128xf32, #tpu.memory_space<vmem_shared>> -> memref<128xf32, #tpu.memory_space<vmem_shared>>
    tpu.enqueue_dma source(%dma_start3A_180 : memref<128xf32, #tpu.memory_space<vmem_shared>>) target(%dma_start3A_178 : memref<128xf32, #tpu.memory_space<vmem>>) target_semaphore(%arg17 : memref<!tpu.dma_semaphore, #tpu.memory_space<semaphore_mem>>)
    %mul3A_181 = arith.constant 128 : i32
    %mul3A_182 = arith.muli %arg1, %mul3A_181 : i32
    %dma_start3A_183 = arith.constant 9 : i32
    %dma_start3A_184 = arith.constant 9 : i32
    %dma_start3A_185 = arith.constant 0 : i32
    %dma_start3A_186 = tpu.memref_slice %arg15[%dma_start3A_184, %dma_start3A_185] : memref<16x128xf32, #tpu.memory_space<vmem>> -> memref<1x128xf32, #tpu.memory_space<vmem>>
    %dma_start3A_187 = tpu.memref_squeeze %dma_start3A_186 : memref<1x128xf32, #tpu.memory_space<vmem>> -> memref<128xf32, #tpu.memory_space<vmem>>
    %dma_start3A_188 = tpu.memref_slice %arg16[%dma_start3A_183, %mul3A_182] : memref<16x2048xf32, #tpu.memory_space<vmem_shared>> -> memref<1x128xf32, #tpu.memory_space<vmem_shared>>
    %dma_start3A_189 = tpu.memref_squeeze %dma_start3A_188 : memref<1x128xf32, #tpu.memory_space<vmem_shared>> -> memref<128xf32, #tpu.memory_space<vmem_shared>>
    %dma_start3A_190 = arith.constant 0 : i32
    %dma_start3A_191 = tpu.memref_slice %arg15[%dma_start3A_184, %dma_start3A_190] : memref<16x128xf32, #tpu.memory_space<vmem>> -> memref<1x128xf32, #tpu.memory_space<vmem>>
    %dma_start3A_192 = tpu.memref_squeeze %dma_start3A_191 : memref<1x128xf32, #tpu.memory_space<vmem>> -> memref<128xf32, #tpu.memory_space<vmem>>
    %dma_start3A_193 = tpu.memref_slice %arg16[%dma_start3A_183, %mul3A_182] : memref<16x2048xf32, #tpu.memory_space<vmem_shared>> -> memref<1x128xf32, #tpu.memory_space<vmem_shared>>
    %dma_start3A_194 = tpu.memref_squeeze %dma_start3A_193 : memref<1x128xf32, #tpu.memory_space<vmem_shared>> -> memref<128xf32, #tpu.memory_space<vmem_shared>>
    tpu.enqueue_dma source(%dma_start3A_194 : memref<128xf32, #tpu.memory_space<vmem_shared>>) target(%dma_start3A_192 : memref<128xf32, #tpu.memory_space<vmem>>) target_semaphore(%arg17 : memref<!tpu.dma_semaphore, #tpu.memory_space<semaphore_mem>>)
    %mul3A_195 = arith.constant 128 : i32
    %mul3A_196 = arith.muli %arg1, %mul3A_195 : i32
    %dma_start3A_197 = arith.constant 10 : i32
    %dma_start3A_198 = arith.constant 10 : i32
    %dma_start3A_199 = arith.constant 0 : i32
    %dma_start3A_200 = tpu.memref_slice %arg15[%dma_start3A_198, %dma_start3A_199] : memref<16x128xf32, #tpu.memory_space<vmem>> -> memref<1x128xf32, #tpu.memory_space<vmem>>
    %dma_start3A_201 = tpu.memref_squeeze %dma_start3A_200 : memref<1x128xf32, #tpu.memory_space<vmem>> -> memref<128xf32, #tpu.memory_space<vmem>>
    %dma_start3A_202 = tpu.memref_slice %arg16[%dma_start3A_197, %mul3A_196] : memref<16x2048xf32, #tpu.memory_space<vmem_shared>> -> memref<1x128xf32, #tpu.memory_space<vmem_shared>>
    %dma_start3A_203 = tpu.memref_squeeze %dma_start3A_202 : memref<1x128xf32, #tpu.memory_space<vmem_shared>> -> memref<128xf32, #tpu.memory_space<vmem_shared>>
    %dma_start3A_204 = arith.constant 0 : i32
    %dma_start3A_205 = tpu.memref_slice %arg15[%dma_start3A_198, %dma_start3A_204] : memref<16x128xf32, #tpu.memory_space<vmem>> -> memref<1x128xf32, #tpu.memory_space<vmem>>
    %dma_start3A_206 = tpu.memref_squeeze %dma_start3A_205 : memref<1x128xf32, #tpu.memory_space<vmem>> -> memref<128xf32, #tpu.memory_space<vmem>>
    %dma_start3A_207 = tpu.memref_slice %arg16[%dma_start3A_197, %mul3A_196] : memref<16x2048xf32, #tpu.memory_space<vmem_shared>> -> memref<1x128xf32, #tpu.memory_space<vmem_shared>>
    %dma_start3A_208 = tpu.memref_squeeze %dma_start3A_207 : memref<1x128xf32, #tpu.memory_space<vmem_shared>> -> memref<128xf32, #tpu.memory_space<vmem_shared>>
    tpu.enqueue_dma source(%dma_start3A_208 : memref<128xf32, #tpu.memory_space<vmem_shared>>) target(%dma_start3A_206 : memref<128xf32, #tpu.memory_space<vmem>>) target_semaphore(%arg17 : memref<!tpu.dma_semaphore, #tpu.memory_space<semaphore_mem>>)
    %mul3A_209 = arith.constant 128 : i32
    %mul3A_210 = arith.muli %arg1, %mul3A_209 : i32
    %dma_start3A_211 = arith.constant 11 : i32
    %dma_start3A_212 = arith.constant 11 : i32
    %dma_start3A_213 = arith.constant 0 : i32
    %dma_start3A_214 = tpu.memref_slice %arg15[%dma_start3A_212, %dma_start3A_213] : memref<16x128xf32, #tpu.memory_space<vmem>> -> memref<1x128xf32, #tpu.memory_space<vmem>>
    %dma_start3A_215 = tpu.memref_squeeze %dma_start3A_214 : memref<1x128xf32, #tpu.memory_space<vmem>> -> memref<128xf32, #tpu.memory_space<vmem>>
    %dma_start3A_216 = tpu.memref_slice %arg16[%dma_start3A_211, %mul3A_210] : memref<16x2048xf32, #tpu.memory_space<vmem_shared>> -> memref<1x128xf32, #tpu.memory_space<vmem_shared>>
    %dma_start3A_217 = tpu.memref_squeeze %dma_start3A_216 : memref<1x128xf32, #tpu.memory_space<vmem_shared>> -> memref<128xf32, #tpu.memory_space<vmem_shared>>
    %dma_start3A_218 = arith.constant 0 : i32
    %dma_start3A_219 = tpu.memref_slice %arg15[%dma_start3A_212, %dma_start3A_218] : memref<16x128xf32, #tpu.memory_space<vmem>> -> memref<1x128xf32, #tpu.memory_space<vmem>>
    %dma_start3A_220 = tpu.memref_squeeze %dma_start3A_219 : memref<1x128xf32, #tpu.memory_space<vmem>> -> memref<128xf32, #tpu.memory_space<vmem>>
    %dma_start3A_221 = tpu.memref_slice %arg16[%dma_start3A_211, %mul3A_210] : memref<16x2048xf32, #tpu.memory_space<vmem_shared>> -> memref<1x128xf32, #tpu.memory_space<vmem_shared>>
    %dma_start3A_222 = tpu.memref_squeeze %dma_start3A_221 : memref<1x128xf32, #tpu.memory_space<vmem_shared>> -> memref<128xf32, #tpu.memory_space<vmem_shared>>
    tpu.enqueue_dma source(%dma_start3A_222 : memref<128xf32, #tpu.memory_space<vmem_shared>>) target(%dma_start3A_220 : memref<128xf32, #tpu.memory_space<vmem>>) target_semaphore(%arg17 : memref<!tpu.dma_semaphore, #tpu.memory_space<semaphore_mem>>)
    %mul3A_223 = arith.constant 128 : i32
    %mul3A_224 = arith.muli %arg1, %mul3A_223 : i32
    %dma_start3A_225 = arith.constant 12 : i32
    %dma_start3A_226 = arith.constant 12 : i32
    %dma_start3A_227 = arith.constant 0 : i32
    %dma_start3A_228 = tpu.memref_slice %arg15[%dma_start3A_226, %dma_start3A_227] : memref<16x128xf32, #tpu.memory_space<vmem>> -> memref<1x128xf32, #tpu.memory_space<vmem>>
    %dma_start3A_229 = tpu.memref_squeeze %dma_start3A_228 : memref<1x128xf32, #tpu.memory_space<vmem>> -> memref<128xf32, #tpu.memory_space<vmem>>
    %dma_start3A_230 = tpu.memref_slice %arg16[%dma_start3A_225, %mul3A_224] : memref<16x2048xf32, #tpu.memory_space<vmem_shared>> -> memref<1x128xf32, #tpu.memory_space<vmem_shared>>
    %dma_start3A_231 = tpu.memref_squeeze %dma_start3A_230 : memref<1x128xf32, #tpu.memory_space<vmem_shared>> -> memref<128xf32, #tpu.memory_space<vmem_shared>>
    %dma_start3A_232 = arith.constant 0 : i32
    %dma_start3A_233 = tpu.memref_slice %arg15[%dma_start3A_226, %dma_start3A_232] : memref<16x128xf32, #tpu.memory_space<vmem>> -> memref<1x128xf32, #tpu.memory_space<vmem>>
    %dma_start3A_234 = tpu.memref_squeeze %dma_start3A_233 : memref<1x128xf32, #tpu.memory_space<vmem>> -> memref<128xf32, #tpu.memory_space<vmem>>
    %dma_start3A_235 = tpu.memref_slice %arg16[%dma_start3A_225, %mul3A_224] : memref<16x2048xf32, #tpu.memory_space<vmem_shared>> -> memref<1x128xf32, #tpu.memory_space<vmem_shared>>
    %dma_start3A_236 = tpu.memref_squeeze %dma_start3A_235 : memref<1x128xf32, #tpu.memory_space<vmem_shared>> -> memref<128xf32, #tpu.memory_space<vmem_shared>>
    tpu.enqueue_dma source(%dma_start3A_236 : memref<128xf32, #tpu.memory_space<vmem_shared>>) target(%dma_start3A_234 : memref<128xf32, #tpu.memory_space<vmem>>) target_semaphore(%arg17 : memref<!tpu.dma_semaphore, #tpu.memory_space<semaphore_mem>>)
    %mul3A_237 = arith.constant 128 : i32
    %mul3A_238 = arith.muli %arg1, %mul3A_237 : i32
    %dma_start3A_239 = arith.constant 13 : i32
    %dma_start3A_240 = arith.constant 13 : i32
    %dma_start3A_241 = arith.constant 0 : i32
    %dma_start3A_242 = tpu.memref_slice %arg15[%dma_start3A_240, %dma_start3A_241] : memref<16x128xf32, #tpu.memory_space<vmem>> -> memref<1x128xf32, #tpu.memory_space<vmem>>
    %dma_start3A_243 = tpu.memref_squeeze %dma_start3A_242 : memref<1x128xf32, #tpu.memory_space<vmem>> -> memref<128xf32, #tpu.memory_space<vmem>>
    %dma_start3A_244 = tpu.memref_slice %arg16[%dma_start3A_239, %mul3A_238] : memref<16x2048xf32, #tpu.memory_space<vmem_shared>> -> memref<1x128xf32, #tpu.memory_space<vmem_shared>>
    %dma_start3A_245 = tpu.memref_squeeze %dma_start3A_244 : memref<1x128xf32, #tpu.memory_space<vmem_shared>> -> memref<128xf32, #tpu.memory_space<vmem_shared>>
    %dma_start3A_246 = arith.constant 0 : i32
    %dma_start3A_247 = tpu.memref_slice %arg15[%dma_start3A_240, %dma_start3A_246] : memref<16x128xf32, #tpu.memory_space<vmem>> -> memref<1x128xf32, #tpu.memory_space<vmem>>
    %dma_start3A_248 = tpu.memref_squeeze %dma_start3A_247 : memref<1x128xf32, #tpu.memory_space<vmem>> -> memref<128xf32, #tpu.memory_space<vmem>>
    %dma_start3A_249 = tpu.memref_slice %arg16[%dma_start3A_239, %mul3A_238] : memref<16x2048xf32, #tpu.memory_space<vmem_shared>> -> memref<1x128xf32, #tpu.memory_space<vmem_shared>>
    %dma_start3A_250 = tpu.memref_squeeze %dma_start3A_249 : memref<1x128xf32, #tpu.memory_space<vmem_shared>> -> memref<128xf32, #tpu.memory_space<vmem_shared>>
    tpu.enqueue_dma source(%dma_start3A_250 : memref<128xf32, #tpu.memory_space<vmem_shared>>) target(%dma_start3A_248 : memref<128xf32, #tpu.memory_space<vmem>>) target_semaphore(%arg17 : memref<!tpu.dma_semaphore, #tpu.memory_space<semaphore_mem>>)
    %mul3A_251 = arith.constant 128 : i32
    %mul3A_252 = arith.muli %arg1, %mul3A_251 : i32
    %dma_start3A_253 = arith.constant 14 : i32
    %dma_start3A_254 = arith.constant 14 : i32
    %dma_start3A_255 = arith.constant 0 : i32
    %dma_start3A_256 = tpu.memref_slice %arg15[%dma_start3A_254, %dma_start3A_255] : memref<16x128xf32, #tpu.memory_space<vmem>> -> memref<1x128xf32, #tpu.memory_space<vmem>>
    %dma_start3A_257 = tpu.memref_squeeze %dma_start3A_256 : memref<1x128xf32, #tpu.memory_space<vmem>> -> memref<128xf32, #tpu.memory_space<vmem>>
    %dma_start3A_258 = tpu.memref_slice %arg16[%dma_start3A_253, %mul3A_252] : memref<16x2048xf32, #tpu.memory_space<vmem_shared>> -> memref<1x128xf32, #tpu.memory_space<vmem_shared>>
    %dma_start3A_259 = tpu.memref_squeeze %dma_start3A_258 : memref<1x128xf32, #tpu.memory_space<vmem_shared>> -> memref<128xf32, #tpu.memory_space<vmem_shared>>
    %dma_start3A_260 = arith.constant 0 : i32
    %dma_start3A_261 = tpu.memref_slice %arg15[%dma_start3A_254, %dma_start3A_260] : memref<16x128xf32, #tpu.memory_space<vmem>> -> memref<1x128xf32, #tpu.memory_space<vmem>>
    %dma_start3A_262 = tpu.memref_squeeze %dma_start3A_261 : memref<1x128xf32, #tpu.memory_space<vmem>> -> memref<128xf32, #tpu.memory_space<vmem>>
    %dma_start3A_263 = tpu.memref_slice %arg16[%dma_start3A_253, %mul3A_252] : memref<16x2048xf32, #tpu.memory_space<vmem_shared>> -> memref<1x128xf32, #tpu.memory_space<vmem_shared>>
    %dma_start3A_264 = tpu.memref_squeeze %dma_start3A_263 : memref<1x128xf32, #tpu.memory_space<vmem_shared>> -> memref<128xf32, #tpu.memory_space<vmem_shared>>
    tpu.enqueue_dma source(%dma_start3A_264 : memref<128xf32, #tpu.memory_space<vmem_shared>>) target(%dma_start3A_262 : memref<128xf32, #tpu.memory_space<vmem>>) target_semaphore(%arg17 : memref<!tpu.dma_semaphore, #tpu.memory_space<semaphore_mem>>)
    %mul3A_265 = arith.constant 128 : i32
    %mul3A_266 = arith.muli %arg1, %mul3A_265 : i32
    %dma_start3A_267 = arith.constant 15 : i32
    %dma_start3A_268 = arith.constant 15 : i32
    %dma_start3A_269 = arith.constant 0 : i32
    %dma_start3A_270 = tpu.memref_slice %arg15[%dma_start3A_268, %dma_start3A_269] : memref<16x128xf32, #tpu.memory_space<vmem>> -> memref<1x128xf32, #tpu.memory_space<vmem>>
    %dma_start3A_271 = tpu.memref_squeeze %dma_start3A_270 : memref<1x128xf32, #tpu.memory_space<vmem>> -> memref<128xf32, #tpu.memory_space<vmem>>
    %dma_start3A_272 = tpu.memref_slice %arg16[%dma_start3A_267, %mul3A_266] : memref<16x2048xf32, #tpu.memory_space<vmem_shared>> -> memref<1x128xf32, #tpu.memory_space<vmem_shared>>
    %dma_start3A_273 = tpu.memref_squeeze %dma_start3A_272 : memref<1x128xf32, #tpu.memory_space<vmem_shared>> -> memref<128xf32, #tpu.memory_space<vmem_shared>>
    %dma_start3A_274 = arith.constant 0 : i32
    %dma_start3A_275 = tpu.memref_slice %arg15[%dma_start3A_268, %dma_start3A_274] : memref<16x128xf32, #tpu.memory_space<vmem>> -> memref<1x128xf32, #tpu.memory_space<vmem>>
    %dma_start3A_276 = tpu.memref_squeeze %dma_start3A_275 : memref<1x128xf32, #tpu.memory_space<vmem>> -> memref<128xf32, #tpu.memory_space<vmem>>
    %dma_start3A_277 = tpu.memref_slice %arg16[%dma_start3A_267, %mul3A_266] : memref<16x2048xf32, #tpu.memory_space<vmem_shared>> -> memref<1x128xf32, #tpu.memory_space<vmem_shared>>
    %dma_start3A_278 = tpu.memref_squeeze %dma_start3A_277 : memref<1x128xf32, #tpu.memory_space<vmem_shared>> -> memref<128xf32, #tpu.memory_space<vmem_shared>>
    tpu.enqueue_dma source(%dma_start3A_278 : memref<128xf32, #tpu.memory_space<vmem_shared>>) target(%dma_start3A_276 : memref<128xf32, #tpu.memory_space<vmem>>) target_semaphore(%arg17 : memref<!tpu.dma_semaphore, #tpu.memory_space<semaphore_mem>>)
    %swap3A = arith.constant 0 : index
    %swap3A_279 = tpu.vector_load %arg14[%swap3A] {strides = array<i32>} : memref<128xf32, #tpu.memory_space<vmem>>, vector<16xf32>,
    tpu.vector_store %arg14[%swap3A], %broadcast_in_dim3A_12 {strides = array<i32>} : memref<128xf32, #tpu.memory_space<vmem>>, vector<16xf32>,
    %swap3A_280 = arith.constant 16 : index
    %swap3A_281 = tpu.vector_load %arg14[%swap3A_280] {strides = array<i32>} : memref<128xf32, #tpu.memory_space<vmem>>, vector<16xf32>,
    tpu.vector_store %arg14[%swap3A_280], %broadcast_in_dim3A_12 {strides = array<i32>} : memref<128xf32, #tpu.memory_space<vmem>>, vector<16xf32>,
    %swap3A_282 = arith.constant 32 : index
    %swap3A_283 = tpu.vector_load %arg14[%swap3A_282] {strides = array<i32>} : memref<128xf32, #tpu.memory_space<vmem>>, vector<16xf32>,
    tpu.vector_store %arg14[%swap3A_282], %broadcast_in_dim3A_12 {strides = array<i32>} : memref<128xf32, #tpu.memory_space<vmem>>, vector<16xf32>,
    %swap3A_284 = arith.constant 48 : index
    %swap3A_285 = tpu.vector_load %arg14[%swap3A_284] {strides = array<i32>} : memref<128xf32, #tpu.memory_space<vmem>>, vector<16xf32>,
    tpu.vector_store %arg14[%swap3A_284], %broadcast_in_dim3A_12 {strides = array<i32>} : memref<128xf32, #tpu.memory_space<vmem>>, vector<16xf32>,
    %swap3A_286 = arith.constant 64 : index
    %swap3A_287 = tpu.vector_load %arg14[%swap3A_286] {strides = array<i32>} : memref<128xf32, #tpu.memory_space<vmem>>, vector<16xf32>,
    tpu.vector_store %arg14[%swap3A_286], %broadcast_in_dim3A_12 {strides = array<i32>} : memref<128xf32, #tpu.memory_space<vmem>>, vector<16xf32>,
    %swap3A_288 = arith.constant 80 : index
    %swap3A_289 = tpu.vector_load %arg14[%swap3A_288] {strides = array<i32>} : memref<128xf32, #tpu.memory_space<vmem>>, vector<16xf32>,
    tpu.vector_store %arg14[%swap3A_288], %broadcast_in_dim3A_12 {strides = array<i32>} : memref<128xf32, #tpu.memory_space<vmem>>, vector<16xf32>,
    %swap3A_290 = arith.constant 96 : index
    %swap3A_291 = tpu.vector_load %arg14[%swap3A_290] {strides = array<i32>} : memref<128xf32, #tpu.memory_space<vmem>>, vector<16xf32>,
    tpu.vector_store %arg14[%swap3A_290], %broadcast_in_dim3A_12 {strides = array<i32>} : memref<128xf32, #tpu.memory_space<vmem>>, vector<16xf32>,
    %swap3A_292 = arith.constant 112 : index
    %swap3A_293 = tpu.vector_load %arg14[%swap3A_292] {strides = array<i32>} : memref<128xf32, #tpu.memory_space<vmem>>, vector<16xf32>,
    tpu.vector_store %arg14[%swap3A_292], %broadcast_in_dim3A_12 {strides = array<i32>} : memref<128xf32, #tpu.memory_space<vmem>>, vector<16xf32>,
    %dma_wait3A_294 = arith.constant 0 : i32
    %dma_wait3A_295 = arith.constant 0 : i32
    %dma_wait3A_296 = arith.constant 0 : i32
    %dma_wait3A_297 = tpu.memref_slice %arg15[%dma_wait3A_295, %dma_wait3A_296] : memref<16x128xf32, #tpu.memory_space<vmem>> -> memref<1x128xf32, #tpu.memory_space<vmem>>
    %dma_wait3A_298 = tpu.memref_squeeze %dma_wait3A_297 : memref<1x128xf32, #tpu.memory_space<vmem>> -> memref<128xf32, #tpu.memory_space<vmem>>
    %dma_wait3A_299 = tpu.memref_slice %arg16[%dma_wait3A_294, %mul3A_56] : memref<16x2048xf32, #tpu.memory_space<vmem_shared>> -> memref<1x128xf32, #tpu.memory_space<vmem_shared>>
    %dma_wait3A_300 = tpu.memref_squeeze %dma_wait3A_299 : memref<1x128xf32, #tpu.memory_space<vmem_shared>> -> memref<128xf32, #tpu.memory_space<vmem_shared>>
    %dma_wait3A_301 = arith.constant 0 : i32
    %dma_wait3A_302 = tpu.memref_slice %arg15[%dma_wait3A_295, %dma_wait3A_301] : memref<16x128xf32, #tpu.memory_space<vmem>> -> memref<1x128xf32, #tpu.memory_space<vmem>>
    %dma_wait3A_303 = tpu.memref_squeeze %dma_wait3A_302 : memref<1x128xf32, #tpu.memory_space<vmem>> -> memref<128xf32, #tpu.memory_space<vmem>>
    %dma_wait3A_304 = tpu.memref_slice %arg16[%dma_wait3A_294, %mul3A_56] : memref<16x2048xf32, #tpu.memory_space<vmem_shared>> -> memref<1x128xf32, #tpu.memory_space<vmem_shared>>
    %dma_wait3A_305 = tpu.memref_squeeze %dma_wait3A_304 : memref<1x128xf32, #tpu.memory_space<vmem_shared>> -> memref<128xf32, #tpu.memory_space<vmem_shared>>
    tpu.wait_dma2 semaphore(%arg17 : memref<!tpu.dma_semaphore, #tpu.memory_space<semaphore_mem>>) src(%dma_wait3A_305 : memref<128xf32, #tpu.memory_space<vmem_shared>>) dst(%dma_wait3A_303 : memref<128xf32, #tpu.memory_space<vmem>>)
    %dma_wait3A_306 = arith.constant 1 : i32
    %dma_wait3A_307 = arith.constant 1 : i32
    %dma_wait3A_308 = arith.constant 0 : i32
    %dma_wait3A_309 = tpu.memref_slice %arg15[%dma_wait3A_307, %dma_wait3A_308] : memref<16x128xf32, #tpu.memory_space<vmem>> -> memref<1x128xf32, #tpu.memory_space<vmem>>
    %dma_wait3A_310 = tpu.memref_squeeze %dma_wait3A_309 : memref<1x128xf32, #tpu.memory_space<vmem>> -> memref<128xf32, #tpu.memory_space<vmem>>
    %dma_wait3A_311 = tpu.memref_slice %arg16[%dma_wait3A_306, %mul3A_70] : memref<16x2048xf32, #tpu.memory_space<vmem_shared>> -> memref<1x128xf32, #tpu.memory_space<vmem_shared>>
    %dma_wait3A_312 = tpu.memref_squeeze %dma_wait3A_311 : memref<1x128xf32, #tpu.memory_space<vmem_shared>> -> memref<128xf32, #tpu.memory_space<vmem_shared>>
    %dma_wait3A_313 = arith.constant 0 : i32
    %dma_wait3A_314 = tpu.memref_slice %arg15[%dma_wait3A_307, %dma_wait3A_313] : memref<16x128xf32, #tpu.memory_space<vmem>> -> memref<1x128xf32, #tpu.memory_space<vmem>>
    %dma_wait3A_315 = tpu.memref_squeeze %dma_wait3A_314 : memref<1x128xf32, #tpu.memory_space<vmem>> -> memref<128xf32, #tpu.memory_space<vmem>>
    %dma_wait3A_316 = tpu.memref_slice %arg16[%dma_wait3A_306, %mul3A_70] : memref<16x2048xf32, #tpu.memory_space<vmem_shared>> -> memref<1x128xf32, #tpu.memory_space<vmem_shared>>
    %dma_wait3A_317 = tpu.memref_squeeze %dma_wait3A_316 : memref<1x128xf32, #tpu.memory_space<vmem_shared>> -> memref<128xf32, #tpu.memory_space<vmem_shared>>
    tpu.wait_dma2 semaphore(%arg17 : memref<!tpu.dma_semaphore, #tpu.memory_space<semaphore_mem>>) src(%dma_wait3A_317 : memref<128xf32, #tpu.memory_space<vmem_shared>>) dst(%dma_wait3A_315 : memref<128xf32, #tpu.memory_space<vmem>>)
    %dma_wait3A_318 = arith.constant 2 : i32
    %dma_wait3A_319 = arith.constant 2 : i32
    %dma_wait3A_320 = arith.constant 0 : i32
    %dma_wait3A_321 = tpu.memref_slice %arg15[%dma_wait3A_319, %dma_wait3A_320] : memref<16x128xf32, #tpu.memory_space<vmem>> -> memref<1x128xf32, #tpu.memory_space<vmem>>
    %dma_wait3A_322 = tpu.memref_squeeze %dma_wait3A_321 : memref<1x128xf32, #tpu.memory_space<vmem>> -> memref<128xf32, #tpu.memory_space<vmem>>
    %dma_wait3A_323 = tpu.memref_slice %arg16[%dma_wait3A_318, %mul3A_84] : memref<16x2048xf32, #tpu.memory_space<vmem_shared>> -> memref<1x128xf32, #tpu.memory_space<vmem_shared>>
    %dma_wait3A_324 = tpu.memref_squeeze %dma_wait3A_323 : memref<1x128xf32, #tpu.memory_space<vmem_shared>> -> memref<128xf32, #tpu.memory_space<vmem_shared>>
    %dma_wait3A_325 = arith.constant 0 : i32
    %dma_wait3A_326 = tpu.memref_slice %arg15[%dma_wait3A_319, %dma_wait3A_325] : memref<16x128xf32, #tpu.memory_space<vmem>> -> memref<1x128xf32, #tpu.memory_space<vmem>>
    %dma_wait3A_327 = tpu.memref_squeeze %dma_wait3A_326 : memref<1x128xf32, #tpu.memory_space<vmem>> -> memref<128xf32, #tpu.memory_space<vmem>>
    %dma_wait3A_328 = tpu.memref_slice %arg16[%dma_wait3A_318, %mul3A_84] : memref<16x2048xf32, #tpu.memory_space<vmem_shared>> -> memref<1x128xf32, #tpu.memory_space<vmem_shared>>
    %dma_wait3A_329 = tpu.memref_squeeze %dma_wait3A_328 : memref<1x128xf32, #tpu.memory_space<vmem_shared>> -> memref<128xf32, #tpu.memory_space<vmem_shared>>
    tpu.wait_dma2 semaphore(%arg17 : memref<!tpu.dma_semaphore, #tpu.memory_space<semaphore_mem>>) src(%dma_wait3A_329 : memref<128xf32, #tpu.memory_space<vmem_shared>>) dst(%dma_wait3A_327 : memref<128xf32, #tpu.memory_space<vmem>>)
    %dma_wait3A_330 = arith.constant 3 : i32
    %dma_wait3A_331 = arith.constant 3 : i32
    %dma_wait3A_332 = arith.constant 0 : i32
    %dma_wait3A_333 = tpu.memref_slice %arg15[%dma_wait3A_331, %dma_wait3A_332] : memref<16x128xf32, #tpu.memory_space<vmem>> -> memref<1x128xf32, #tpu.memory_space<vmem>>
    %dma_wait3A_334 = tpu.memref_squeeze %dma_wait3A_333 : memref<1x128xf32, #tpu.memory_space<vmem>> -> memref<128xf32, #tpu.memory_space<vmem>>
    %dma_wait3A_335 = tpu.memref_slice %arg16[%dma_wait3A_330, %mul3A_98] : memref<16x2048xf32, #tpu.memory_space<vmem_shared>> -> memref<1x128xf32, #tpu.memory_space<vmem_shared>>
    %dma_wait3A_336 = tpu.memref_squeeze %dma_wait3A_335 : memref<1x128xf32, #tpu.memory_space<vmem_shared>> -> memref<128xf32, #tpu.memory_space<vmem_shared>>
    %dma_wait3A_337 = arith.constant 0 : i32
    %dma_wait3A_338 = tpu.memref_slice %arg15[%dma_wait3A_331, %dma_wait3A_337] : memref<16x128xf32, #tpu.memory_space<vmem>> -> memref<1x128xf32, #tpu.memory_space<vmem>>
    %dma_wait3A_339 = tpu.memref_squeeze %dma_wait3A_338 : memref<1x128xf32, #tpu.memory_space<vmem>> -> memref<128xf32, #tpu.memory_space<vmem>>
    %dma_wait3A_340 = tpu.memref_slice %arg16[%dma_wait3A_330, %mul3A_98] : memref<16x2048xf32, #tpu.memory_space<vmem_shared>> -> memref<1x128xf32, #tpu.memory_space<vmem_shared>>
    %dma_wait3A_341 = tpu.memref_squeeze %dma_wait3A_340 : memref<1x128xf32, #tpu.memory_space<vmem_shared>> -> memref<128xf32, #tpu.memory_space<vmem_shared>>
    tpu.wait_dma2 semaphore(%arg17 : memref<!tpu.dma_semaphore, #tpu.memory_space<semaphore_mem>>) src(%dma_wait3A_341 : memref<128xf32, #tpu.memory_space<vmem_shared>>) dst(%dma_wait3A_339 : memref<128xf32, #tpu.memory_space<vmem>>)
    %dma_wait3A_342 = arith.constant 4 : i32
    %dma_wait3A_343 = arith.constant 4 : i32
    %dma_wait3A_344 = arith.constant 0 : i32
    %dma_wait3A_345 = tpu.memref_slice %arg15[%dma_wait3A_343, %dma_wait3A_344] : memref<16x128xf32, #tpu.memory_space<vmem>> -> memref<1x128xf32, #tpu.memory_space<vmem>>
    %dma_wait3A_346 = tpu.memref_squeeze %dma_wait3A_345 : memref<1x128xf32, #tpu.memory_space<vmem>> -> memref<128xf32, #tpu.memory_space<vmem>>
    %dma_wait3A_347 = tpu.memref_slice %arg16[%dma_wait3A_342, %mul3A_112] : memref<16x2048xf32, #tpu.memory_space<vmem_shared>> -> memref<1x128xf32, #tpu.memory_space<vmem_shared>>
    %dma_wait3A_348 = tpu.memref_squeeze %dma_wait3A_347 : memref<1x128xf32, #tpu.memory_space<vmem_shared>> -> memref<128xf32, #tpu.memory_space<vmem_shared>>
    %dma_wait3A_349 = arith.constant 0 : i32
    %dma_wait3A_350 = tpu.memref_slice %arg15[%dma_wait3A_343, %dma_wait3A_349] : memref<16x128xf32, #tpu.memory_space<vmem>> -> memref<1x128xf32, #tpu.memory_space<vmem>>
    %dma_wait3A_351 = tpu.memref_squeeze %dma_wait3A_350 : memref<1x128xf32, #tpu.memory_space<vmem>> -> memref<128xf32, #tpu.memory_space<vmem>>
    %dma_wait3A_352 = tpu.memref_slice %arg16[%dma_wait3A_342, %mul3A_112] : memref<16x2048xf32, #tpu.memory_space<vmem_shared>> -> memref<1x128xf32, #tpu.memory_space<vmem_shared>>
    %dma_wait3A_353 = tpu.memref_squeeze %dma_wait3A_352 : memref<1x128xf32, #tpu.memory_space<vmem_shared>> -> memref<128xf32, #tpu.memory_space<vmem_shared>>
    tpu.wait_dma2 semaphore(%arg17 : memref<!tpu.dma_semaphore, #tpu.memory_space<semaphore_mem>>) src(%dma_wait3A_353 : memref<128xf32, #tpu.memory_space<vmem_shared>>) dst(%dma_wait3A_351 : memref<128xf32, #tpu.memory_space<vmem>>)
    %dma_wait3A_354 = arith.constant 5 : i32
    %dma_wait3A_355 = arith.constant 5 : i32
    %dma_wait3A_356 = arith.constant 0 : i32
    %dma_wait3A_357 = tpu.memref_slice %arg15[%dma_wait3A_355, %dma_wait3A_356] : memref<16x128xf32, #tpu.memory_space<vmem>> -> memref<1x128xf32, #tpu.memory_space<vmem>>
    %dma_wait3A_358 = tpu.memref_squeeze %dma_wait3A_357 : memref<1x128xf32, #tpu.memory_space<vmem>> -> memref<128xf32, #tpu.memory_space<vmem>>
    %dma_wait3A_359 = tpu.memref_slice %arg16[%dma_wait3A_354, %mul3A_126] : memref<16x2048xf32, #tpu.memory_space<vmem_shared>> -> memref<1x128xf32, #tpu.memory_space<vmem_shared>>
    %dma_wait3A_360 = tpu.memref_squeeze %dma_wait3A_359 : memref<1x128xf32, #tpu.memory_space<vmem_shared>> -> memref<128xf32, #tpu.memory_space<vmem_shared>>
    %dma_wait3A_361 = arith.constant 0 : i32
    %dma_wait3A_362 = tpu.memref_slice %arg15[%dma_wait3A_355, %dma_wait3A_361] : memref<16x128xf32, #tpu.memory_space<vmem>> -> memref<1x128xf32, #tpu.memory_space<vmem>>
    %dma_wait3A_363 = tpu.memref_squeeze %dma_wait3A_362 : memref<1x128xf32, #tpu.memory_space<vmem>> -> memref<128xf32, #tpu.memory_space<vmem>>
    %dma_wait3A_364 = tpu.memref_slice %arg16[%dma_wait3A_354, %mul3A_126] : memref<16x2048xf32, #tpu.memory_space<vmem_shared>> -> memref<1x128xf32, #tpu.memory_space<vmem_shared>>
    %dma_wait3A_365 = tpu.memref_squeeze %dma_wait3A_364 : memref<1x128xf32, #tpu.memory_space<vmem_shared>> -> memref<128xf32, #tpu.memory_space<vmem_shared>>
    tpu.wait_dma2 semaphore(%arg17 : memref<!tpu.dma_semaphore, #tpu.memory_space<semaphore_mem>>) src(%dma_wait3A_365 : memref<128xf32, #tpu.memory_space<vmem_shared>>) dst(%dma_wait3A_363 : memref<128xf32, #tpu.memory_space<vmem>>)
    %dma_wait3A_366 = arith.constant 6 : i32
    %dma_wait3A_367 = arith.constant 6 : i32
    %dma_wait3A_368 = arith.constant 0 : i32
    %dma_wait3A_369 = tpu.memref_slice %arg15[%dma_wait3A_367, %dma_wait3A_368] : memref<16x128xf32, #tpu.memory_space<vmem>> -> memref<1x128xf32, #tpu.memory_space<vmem>>
    %dma_wait3A_370 = tpu.memref_squeeze %dma_wait3A_369 : memref<1x128xf32, #tpu.memory_space<vmem>> -> memref<128xf32, #tpu.memory_space<vmem>>
    %dma_wait3A_371 = tpu.memref_slice %arg16[%dma_wait3A_366, %mul3A_140] : memref<16x2048xf32, #tpu.memory_space<vmem_shared>> -> memref<1x128xf32, #tpu.memory_space<vmem_shared>>
    %dma_wait3A_372 = tpu.memref_squeeze %dma_wait3A_371 : memref<1x128xf32, #tpu.memory_space<vmem_shared>> -> memref<128xf32, #tpu.memory_space<vmem_shared>>
    %dma_wait3A_373 = arith.constant 0 : i32
    %dma_wait3A_374 = tpu.memref_slice %arg15[%dma_wait3A_367, %dma_wait3A_373] : memref<16x128xf32, #tpu.memory_space<vmem>> -> memref<1x128xf32, #tpu.memory_space<vmem>>
    %dma_wait3A_375 = tpu.memref_squeeze %dma_wait3A_374 : memref<1x128xf32, #tpu.memory_space<vmem>> -> memref<128xf32, #tpu.memory_space<vmem>>
    %dma_wait3A_376 = tpu.memref_slice %arg16[%dma_wait3A_366, %mul3A_140] : memref<16x2048xf32, #tpu.memory_space<vmem_shared>> -> memref<1x128xf32, #tpu.memory_space<vmem_shared>>
    %dma_wait3A_377 = tpu.memref_squeeze %dma_wait3A_376 : memref<1x128xf32, #tpu.memory_space<vmem_shared>> -> memref<128xf32, #tpu.memory_space<vmem_shared>>
    tpu.wait_dma2 semaphore(%arg17 : memref<!tpu.dma_semaphore, #tpu.memory_space<semaphore_mem>>) src(%dma_wait3A_377 : memref<128xf32, #tpu.memory_space<vmem_shared>>) dst(%dma_wait3A_375 : memref<128xf32, #tpu.memory_space<vmem>>)
    %dma_wait3A_378 = arith.constant 7 : i32
    %dma_wait3A_379 = arith.constant 7 : i32
    %dma_wait3A_380 = arith.constant 0 : i32
    %dma_wait3A_381 = tpu.memref_slice %arg15[%dma_wait3A_379, %dma_wait3A_380] : memref<16x128xf32, #tpu.memory_space<vmem>> -> memref<1x128xf32, #tpu.memory_space<vmem>>
    %dma_wait3A_382 = tpu.memref_squeeze %dma_wait3A_381 : memref<1x128xf32, #tpu.memory_space<vmem>> -> memref<128xf32, #tpu.memory_space<vmem>>
    %dma_wait3A_383 = tpu.memref_slice %arg16[%dma_wait3A_378, %mul3A_154] : memref<16x2048xf32, #tpu.memory_space<vmem_shared>> -> memref<1x128xf32, #tpu.memory_space<vmem_shared>>
    %dma_wait3A_384 = tpu.memref_squeeze %dma_wait3A_383 : memref<1x128xf32, #tpu.memory_space<vmem_shared>> -> memref<128xf32, #tpu.memory_space<vmem_shared>>
    %dma_wait3A_385 = arith.constant 0 : i32
    %dma_wait3A_386 = tpu.memref_slice %arg15[%dma_wait3A_379, %dma_wait3A_385] : memref<16x128xf32, #tpu.memory_space<vmem>> -> memref<1x128xf32, #tpu.memory_space<vmem>>
    %dma_wait3A_387 = tpu.memref_squeeze %dma_wait3A_386 : memref<1x128xf32, #tpu.memory_space<vmem>> -> memref<128xf32, #tpu.memory_space<vmem>>
    %dma_wait3A_388 = tpu.memref_slice %arg16[%dma_wait3A_378, %mul3A_154] : memref<16x2048xf32, #tpu.memory_space<vmem_shared>> -> memref<1x128xf32, #tpu.memory_space<vmem_shared>>
    %dma_wait3A_389 = tpu.memref_squeeze %dma_wait3A_388 : memref<1x128xf32, #tpu.memory_space<vmem_shared>> -> memref<128xf32, #tpu.memory_space<vmem_shared>>
    tpu.wait_dma2 semaphore(%arg17 : memref<!tpu.dma_semaphore, #tpu.memory_space<semaphore_mem>>) src(%dma_wait3A_389 : memref<128xf32, #tpu.memory_space<vmem_shared>>) dst(%dma_wait3A_387 : memref<128xf32, #tpu.memory_space<vmem>>)
    %dma_wait3A_390 = arith.constant 8 : i32
    %dma_wait3A_391 = arith.constant 8 : i32
    %dma_wait3A_392 = arith.constant 0 : i32
    %dma_wait3A_393 = tpu.memref_slice %arg15[%dma_wait3A_391, %dma_wait3A_392] : memref<16x128xf32, #tpu.memory_space<vmem>> -> memref<1x128xf32, #tpu.memory_space<vmem>>
    %dma_wait3A_394 = tpu.memref_squeeze %dma_wait3A_393 : memref<1x128xf32, #tpu.memory_space<vmem>> -> memref<128xf32, #tpu.memory_space<vmem>>
    %dma_wait3A_395 = tpu.memref_slice %arg16[%dma_wait3A_390, %mul3A_168] : memref<16x2048xf32, #tpu.memory_space<vmem_shared>> -> memref<1x128xf32, #tpu.memory_space<vmem_shared>>
    %dma_wait3A_396 = tpu.memref_squeeze %dma_wait3A_395 : memref<1x128xf32, #tpu.memory_space<vmem_shared>> -> memref<128xf32, #tpu.memory_space<vmem_shared>>
    %dma_wait3A_397 = arith.constant 0 : i32
    %dma_wait3A_398 = tpu.memref_slice %arg15[%dma_wait3A_391, %dma_wait3A_397] : memref<16x128xf32, #tpu.memory_space<vmem>> -> memref<1x128xf32, #tpu.memory_space<vmem>>
    %dma_wait3A_399 = tpu.memref_squeeze %dma_wait3A_398 : memref<1x128xf32, #tpu.memory_space<vmem>> -> memref<128xf32, #tpu.memory_space<vmem>>
    %dma_wait3A_400 = tpu.memref_slice %arg16[%dma_wait3A_390, %mul3A_168] : memref<16x2048xf32, #tpu.memory_space<vmem_shared>> -> memref<1x128xf32, #tpu.memory_space<vmem_shared>>
    %dma_wait3A_401 = tpu.memref_squeeze %dma_wait3A_400 : memref<1x128xf32, #tpu.memory_space<vmem_shared>> -> memref<128xf32, #tpu.memory_space<vmem_shared>>
    tpu.wait_dma2 semaphore(%arg17 : memref<!tpu.dma_semaphore, #tpu.memory_space<semaphore_mem>>) src(%dma_wait3A_401 : memref<128xf32, #tpu.memory_space<vmem_shared>>) dst(%dma_wait3A_399 : memref<128xf32, #tpu.memory_space<vmem>>)
    %dma_wait3A_402 = arith.constant 9 : i32
    %dma_wait3A_403 = arith.constant 9 : i32
    %dma_wait3A_404 = arith.constant 0 : i32
    %dma_wait3A_405 = tpu.memref_slice %arg15[%dma_wait3A_403, %dma_wait3A_404] : memref<16x128xf32, #tpu.memory_space<vmem>> -> memref<1x128xf32, #tpu.memory_space<vmem>>
    %dma_wait3A_406 = tpu.memref_squeeze %dma_wait3A_405 : memref<1x128xf32, #tpu.memory_space<vmem>> -> memref<128xf32, #tpu.memory_space<vmem>>
    %dma_wait3A_407 = tpu.memref_slice %arg16[%dma_wait3A_402, %mul3A_182] : memref<16x2048xf32, #tpu.memory_space<vmem_shared>> -> memref<1x128xf32, #tpu.memory_space<vmem_shared>>
    %dma_wait3A_408 = tpu.memref_squeeze %dma_wait3A_407 : memref<1x128xf32, #tpu.memory_space<vmem_shared>> -> memref<128xf32, #tpu.memory_space<vmem_shared>>
    %dma_wait3A_409 = arith.constant 0 : i32
    %dma_wait3A_410 = tpu.memref_slice %arg15[%dma_wait3A_403, %dma_wait3A_409] : memref<16x128xf32, #tpu.memory_space<vmem>> -> memref<1x128xf32, #tpu.memory_space<vmem>>
    %dma_wait3A_411 = tpu.memref_squeeze %dma_wait3A_410 : memref<1x128xf32, #tpu.memory_space<vmem>> -> memref<128xf32, #tpu.memory_space<vmem>>
    %dma_wait3A_412 = tpu.memref_slice %arg16[%dma_wait3A_402, %mul3A_182] : memref<16x2048xf32, #tpu.memory_space<vmem_shared>> -> memref<1x128xf32, #tpu.memory_space<vmem_shared>>
    %dma_wait3A_413 = tpu.memref_squeeze %dma_wait3A_412 : memref<1x128xf32, #tpu.memory_space<vmem_shared>> -> memref<128xf32, #tpu.memory_space<vmem_shared>>
    tpu.wait_dma2 semaphore(%arg17 : memref<!tpu.dma_semaphore, #tpu.memory_space<semaphore_mem>>) src(%dma_wait3A_413 : memref<128xf32, #tpu.memory_space<vmem_shared>>) dst(%dma_wait3A_411 : memref<128xf32, #tpu.memory_space<vmem>>)
    %dma_wait3A_414 = arith.constant 10 : i32
    %dma_wait3A_415 = arith.constant 10 : i32
    %dma_wait3A_416 = arith.constant 0 : i32
    %dma_wait3A_417 = tpu.memref_slice %arg15[%dma_wait3A_415, %dma_wait3A_416] : memref<16x128xf32, #tpu.memory_space<vmem>> -> memref<1x128xf32, #tpu.memory_space<vmem>>
    %dma_wait3A_418 = tpu.memref_squeeze %dma_wait3A_417 : memref<1x128xf32, #tpu.memory_space<vmem>> -> memref<128xf32, #tpu.memory_space<vmem>>
    %dma_wait3A_419 = tpu.memref_slice %arg16[%dma_wait3A_414, %mul3A_196] : memref<16x2048xf32, #tpu.memory_space<vmem_shared>> -> memref<1x128xf32, #tpu.memory_space<vmem_shared>>
    %dma_wait3A_420 = tpu.memref_squeeze %dma_wait3A_419 : memref<1x128xf32, #tpu.memory_space<vmem_shared>> -> memref<128xf32, #tpu.memory_space<vmem_shared>>
    %dma_wait3A_421 = arith.constant 0 : i32
    %dma_wait3A_422 = tpu.memref_slice %arg15[%dma_wait3A_415, %dma_wait3A_421] : memref<16x128xf32, #tpu.memory_space<vmem>> -> memref<1x128xf32, #tpu.memory_space<vmem>>
    %dma_wait3A_423 = tpu.memref_squeeze %dma_wait3A_422 : memref<1x128xf32, #tpu.memory_space<vmem>> -> memref<128xf32, #tpu.memory_space<vmem>>
    %dma_wait3A_424 = tpu.memref_slice %arg16[%dma_wait3A_414, %mul3A_196] : memref<16x2048xf32, #tpu.memory_space<vmem_shared>> -> memref<1x128xf32, #tpu.memory_space<vmem_shared>>
    %dma_wait3A_425 = tpu.memref_squeeze %dma_wait3A_424 : memref<1x128xf32, #tpu.memory_space<vmem_shared>> -> memref<128xf32, #tpu.memory_space<vmem_shared>>
    tpu.wait_dma2 semaphore(%arg17 : memref<!tpu.dma_semaphore, #tpu.memory_space<semaphore_mem>>) src(%dma_wait3A_425 : memref<128xf32, #tpu.memory_space<vmem_shared>>) dst(%dma_wait3A_423 : memref<128xf32, #tpu.memory_space<vmem>>)
    %dma_wait3A_426 = arith.constant 11 : i32
    %dma_wait3A_427 = arith.constant 11 : i32
    %dma_wait3A_428 = arith.constant 0 : i32
    %dma_wait3A_429 = tpu.memref_slice %arg15[%dma_wait3A_427, %dma_wait3A_428] : memref<16x128xf32, #tpu.memory_space<vmem>> -> memref<1x128xf32, #tpu.memory_space<vmem>>
    %dma_wait3A_430 = tpu.memref_squeeze %dma_wait3A_429 : memref<1x128xf32, #tpu.memory_space<vmem>> -> memref<128xf32, #tpu.memory_space<vmem>>
    %dma_wait3A_431 = tpu.memref_slice %arg16[%dma_wait3A_426, %mul3A_210] : memref<16x2048xf32, #tpu.memory_space<vmem_shared>> -> memref<1x128xf32, #tpu.memory_space<vmem_shared>>
    %dma_wait3A_432 = tpu.memref_squeeze %dma_wait3A_431 : memref<1x128xf32, #tpu.memory_space<vmem_shared>> -> memref<128xf32, #tpu.memory_space<vmem_shared>>
    %dma_wait3A_433 = arith.constant 0 : i32
    %dma_wait3A_434 = tpu.memref_slice %arg15[%dma_wait3A_427, %dma_wait3A_433] : memref<16x128xf32, #tpu.memory_space<vmem>> -> memref<1x128xf32, #tpu.memory_space<vmem>>
    %dma_wait3A_435 = tpu.memref_squeeze %dma_wait3A_434 : memref<1x128xf32, #tpu.memory_space<vmem>> -> memref<128xf32, #tpu.memory_space<vmem>>
    %dma_wait3A_436 = tpu.memref_slice %arg16[%dma_wait3A_426, %mul3A_210] : memref<16x2048xf32, #tpu.memory_space<vmem_shared>> -> memref<1x128xf32, #tpu.memory_space<vmem_shared>>
    %dma_wait3A_437 = tpu.memref_squeeze %dma_wait3A_436 : memref<1x128xf32, #tpu.memory_space<vmem_shared>> -> memref<128xf32, #tpu.memory_space<vmem_shared>>
    tpu.wait_dma2 semaphore(%arg17 : memref<!tpu.dma_semaphore, #tpu.memory_space<semaphore_mem>>) src(%dma_wait3A_437 : memref<128xf32, #tpu.memory_space<vmem_shared>>) dst(%dma_wait3A_435 : memref<128xf32, #tpu.memory_space<vmem>>)
    %dma_wait3A_438 = arith.constant 12 : i32
    %dma_wait3A_439 = arith.constant 12 : i32
    %dma_wait3A_440 = arith.constant 0 : i32
    %dma_wait3A_441 = tpu.memref_slice %arg15[%dma_wait3A_439, %dma_wait3A_440] : memref<16x128xf32, #tpu.memory_space<vmem>> -> memref<1x128xf32, #tpu.memory_space<vmem>>
    %dma_wait3A_442 = tpu.memref_squeeze %dma_wait3A_441 : memref<1x128xf32, #tpu.memory_space<vmem>> -> memref<128xf32, #tpu.memory_space<vmem>>
    %dma_wait3A_443 = tpu.memref_slice %arg16[%dma_wait3A_438, %mul3A_224] : memref<16x2048xf32, #tpu.memory_space<vmem_shared>> -> memref<1x128xf32, #tpu.memory_space<vmem_shared>>
    %dma_wait3A_444 = tpu.memref_squeeze %dma_wait3A_443 : memref<1x128xf32, #tpu.memory_space<vmem_shared>> -> memref<128xf32, #tpu.memory_space<vmem_shared>>
    %dma_wait3A_445 = arith.constant 0 : i32
    %dma_wait3A_446 = tpu.memref_slice %arg15[%dma_wait3A_439, %dma_wait3A_445] : memref<16x128xf32, #tpu.memory_space<vmem>> -> memref<1x128xf32, #tpu.memory_space<vmem>>
    %dma_wait3A_447 = tpu.memref_squeeze %dma_wait3A_446 : memref<1x128xf32, #tpu.memory_space<vmem>> -> memref<128xf32, #tpu.memory_space<vmem>>
    %dma_wait3A_448 = tpu.memref_slice %arg16[%dma_wait3A_438, %mul3A_224] : memref<16x2048xf32, #tpu.memory_space<vmem_shared>> -> memref<1x128xf32, #tpu.memory_space<vmem_shared>>
    %dma_wait3A_449 = tpu.memref_squeeze %dma_wait3A_448 : memref<1x128xf32, #tpu.memory_space<vmem_shared>> -> memref<128xf32, #tpu.memory_space<vmem_shared>>
    tpu.wait_dma2 semaphore(%arg17 : memref<!tpu.dma_semaphore, #tpu.memory_space<semaphore_mem>>) src(%dma_wait3A_449 : memref<128xf32, #tpu.memory_space<vmem_shared>>) dst(%dma_wait3A_447 : memref<128xf32, #tpu.memory_space<vmem>>)
    %dma_wait3A_450 = arith.constant 13 : i32
    %dma_wait3A_451 = arith.constant 13 : i32
    %dma_wait3A_452 = arith.constant 0 : i32
    %dma_wait3A_453 = tpu.memref_slice %arg15[%dma_wait3A_451, %dma_wait3A_452] : memref<16x128xf32, #tpu.memory_space<vmem>> -> memref<1x128xf32, #tpu.memory_space<vmem>>
    %dma_wait3A_454 = tpu.memref_squeeze %dma_wait3A_453 : memref<1x128xf32, #tpu.memory_space<vmem>> -> memref<128xf32, #tpu.memory_space<vmem>>
    %dma_wait3A_455 = tpu.memref_slice %arg16[%dma_wait3A_450, %mul3A_238] : memref<16x2048xf32, #tpu.memory_space<vmem_shared>> -> memref<1x128xf32, #tpu.memory_space<vmem_shared>>
    %dma_wait3A_456 = tpu.memref_squeeze %dma_wait3A_455 : memref<1x128xf32, #tpu.memory_space<vmem_shared>> -> memref<128xf32, #tpu.memory_space<vmem_shared>>
    %dma_wait3A_457 = arith.constant 0 : i32
    %dma_wait3A_458 = tpu.memref_slice %arg15[%dma_wait3A_451, %dma_wait3A_457] : memref<16x128xf32, #tpu.memory_space<vmem>> -> memref<1x128xf32, #tpu.memory_space<vmem>>
    %dma_wait3A_459 = tpu.memref_squeeze %dma_wait3A_458 : memref<1x128xf32, #tpu.memory_space<vmem>> -> memref<128xf32, #tpu.memory_space<vmem>>
    %dma_wait3A_460 = tpu.memref_slice %arg16[%dma_wait3A_450, %mul3A_238] : memref<16x2048xf32, #tpu.memory_space<vmem_shared>> -> memref<1x128xf32, #tpu.memory_space<vmem_shared>>
    %dma_wait3A_461 = tpu.memref_squeeze %dma_wait3A_460 : memref<1x128xf32, #tpu.memory_space<vmem_shared>> -> memref<128xf32, #tpu.memory_space<vmem_shared>>
    tpu.wait_dma2 semaphore(%arg17 : memref<!tpu.dma_semaphore, #tpu.memory_space<semaphore_mem>>) src(%dma_wait3A_461 : memref<128xf32, #tpu.memory_space<vmem_shared>>) dst(%dma_wait3A_459 : memref<128xf32, #tpu.memory_space<vmem>>)
    %dma_wait3A_462 = arith.constant 14 : i32
    %dma_wait3A_463 = arith.constant 14 : i32
    %dma_wait3A_464 = arith.constant 0 : i32
    %dma_wait3A_465 = tpu.memref_slice %arg15[%dma_wait3A_463, %dma_wait3A_464] : memref<16x128xf32, #tpu.memory_space<vmem>> -> memref<1x128xf32, #tpu.memory_space<vmem>>
    %dma_wait3A_466 = tpu.memref_squeeze %dma_wait3A_465 : memref<1x128xf32, #tpu.memory_space<vmem>> -> memref<128xf32, #tpu.memory_space<vmem>>
    %dma_wait3A_467 = tpu.memref_slice %arg16[%dma_wait3A_462, %mul3A_252] : memref<16x2048xf32, #tpu.memory_space<vmem_shared>> -> memref<1x128xf32, #tpu.memory_space<vmem_shared>>
    %dma_wait3A_468 = tpu.memref_squeeze %dma_wait3A_467 : memref<1x128xf32, #tpu.memory_space<vmem_shared>> -> memref<128xf32, #tpu.memory_space<vmem_shared>>
    %dma_wait3A_469 = arith.constant 0 : i32
    %dma_wait3A_470 = tpu.memref_slice %arg15[%dma_wait3A_463, %dma_wait3A_469] : memref<16x128xf32, #tpu.memory_space<vmem>> -> memref<1x128xf32, #tpu.memory_space<vmem>>
    %dma_wait3A_471 = tpu.memref_squeeze %dma_wait3A_470 : memref<1x128xf32, #tpu.memory_space<vmem>> -> memref<128xf32, #tpu.memory_space<vmem>>
    %dma_wait3A_472 = tpu.memref_slice %arg16[%dma_wait3A_462, %mul3A_252] : memref<16x2048xf32, #tpu.memory_space<vmem_shared>> -> memref<1x128xf32, #tpu.memory_space<vmem_shared>>
    %dma_wait3A_473 = tpu.memref_squeeze %dma_wait3A_472 : memref<1x128xf32, #tpu.memory_space<vmem_shared>> -> memref<128xf32, #tpu.memory_space<vmem_shared>>
    tpu.wait_dma2 semaphore(%arg17 : memref<!tpu.dma_semaphore, #tpu.memory_space<semaphore_mem>>) src(%dma_wait3A_473 : memref<128xf32, #tpu.memory_space<vmem_shared>>) dst(%dma_wait3A_471 : memref<128xf32, #tpu.memory_space<vmem>>)
    %dma_wait3A_474 = arith.constant 15 : i32
    %dma_wait3A_475 = arith.constant 15 : i32
    %dma_wait3A_476 = arith.constant 0 : i32
    %dma_wait3A_477 = tpu.memref_slice %arg15[%dma_wait3A_475, %dma_wait3A_476] : memref<16x128xf32, #tpu.memory_space<vmem>> -> memref<1x128xf32, #tpu.memory_space<vmem>>
    %dma_wait3A_478 = tpu.memref_squeeze %dma_wait3A_477 : memref<1x128xf32, #tpu.memory_space<vmem>> -> memref<128xf32, #tpu.memory_space<vmem>>
    %dma_wait3A_479 = tpu.memref_slice %arg16[%dma_wait3A_474, %mul3A_266] : memref<16x2048xf32, #tpu.memory_space<vmem_shared>> -> memref<1x128xf32, #tpu.memory_space<vmem_shared>>
    %dma_wait3A_480 = tpu.memref_squeeze %dma_wait3A_479 : memref<1x128xf32, #tpu.memory_space<vmem_shared>> -> memref<128xf32, #tpu.memory_space<vmem_shared>>
    %dma_wait3A_481 = arith.constant 0 : i32
    %dma_wait3A_482 = tpu.memref_slice %arg15[%dma_wait3A_475, %dma_wait3A_481] : memref<16x128xf32, #tpu.memory_space<vmem>> -> memref<1x128xf32, #tpu.memory_space<vmem>>
    %dma_wait3A_483 = tpu.memref_squeeze %dma_wait3A_482 : memref<1x128xf32, #tpu.memory_space<vmem>> -> memref<128xf32, #tpu.memory_space<vmem>>
    %dma_wait3A_484 = tpu.memref_slice %arg16[%dma_wait3A_474, %mul3A_266] : memref<16x2048xf32, #tpu.memory_space<vmem_shared>> -> memref<1x128xf32, #tpu.memory_space<vmem_shared>>
    %dma_wait3A_485 = tpu.memref_squeeze %dma_wait3A_484 : memref<1x128xf32, #tpu.memory_space<vmem_shared>> -> memref<128xf32, #tpu.memory_space<vmem_shared>>
    tpu.wait_dma2 semaphore(%arg17 : memref<!tpu.dma_semaphore, #tpu.memory_space<semaphore_mem>>) src(%dma_wait3A_485 : memref<128xf32, #tpu.memory_space<vmem_shared>>) dst(%dma_wait3A_483 : memref<128xf32, #tpu.memory_space<vmem>>)
    %get3A = arith.constant 0 : index
    %get3A_486 = tpu.vector_load %arg14[%get3A] {strides = array<i32>} : memref<128xf32, #tpu.memory_space<vmem>>, vector<16xf32>,
    %get3A_487 = arith.constant 0 : i32
    %get3A_488 = arith.index_cast %get3A_487 : i32 to index
    %get3A_489 = arith.constant 0 : index
    %get3A_490 = tpu.vector_load %arg15[%get3A_488, %get3A_489] {strides = array<i32>} : memref<16x128xf32, #tpu.memory_space<vmem>>, vector<16xf32>,
    %add3A_491 = arith.addf %get3A_486, %get3A_490 : vector<16xf32>
    %swap3A_492 = arith.constant 0 : index
    %swap3A_493 = tpu.vector_load %arg14[%swap3A_492] {strides = array<i32>} : memref<128xf32, #tpu.memory_space<vmem>>, vector<16xf32>,
    tpu.vector_store %arg14[%swap3A_492], %add3A_491 {strides = array<i32>} : memref<128xf32, #tpu.memory_space<vmem>>, vector<16xf32>,
    %get3A_494 = arith.constant 16 : index
    %get3A_495 = tpu.vector_load %arg14[%get3A_494] {strides = array<i32>} : memref<128xf32, #tpu.memory_space<vmem>>, vector<16xf32>,
    %get3A_496 = arith.constant 0 : i32
    %get3A_497 = arith.index_cast %get3A_496 : i32 to index
    %get3A_498 = arith.constant 16 : index
    %get3A_499 = tpu.vector_load %arg15[%get3A_497, %get3A_498] {strides = array<i32>} : memref<16x128xf32, #tpu.memory_space<vmem>>, vector<16xf32>,
    %add3A_500 = arith.addf %get3A_495, %get3A_499 : vector<16xf32>
    %swap3A_501 = arith.constant 16 : index
    %swap3A_502 = tpu.vector_load %arg14[%swap3A_501] {strides = array<i32>} : memref<128xf32, #tpu.memory_space<vmem>>, vector<16xf32>,
    tpu.vector_store %arg14[%swap3A_501], %add3A_500 {strides = array<i32>} : memref<128xf32, #tpu.memory_space<vmem>>, vector<16xf32>,
    %get3A_503 = arith.constant 32 : index
    %get3A_504 = tpu.vector_load %arg14[%get3A_503] {strides = array<i32>} : memref<128xf32, #tpu.memory_space<vmem>>, vector<16xf32>,
    %get3A_505 = arith.constant 0 : i32
    %get3A_506 = arith.index_cast %get3A_505 : i32 to index
    %get3A_507 = arith.constant 32 : index
    %get3A_508 = tpu.vector_load %arg15[%get3A_506, %get3A_507] {strides = array<i32>} : memref<16x128xf32, #tpu.memory_space<vmem>>, vector<16xf32>,
    %add3A_509 = arith.addf %get3A_504, %get3A_508 : vector<16xf32>
    %swap3A_510 = arith.constant 32 : index
    %swap3A_511 = tpu.vector_load %arg14[%swap3A_510] {strides = array<i32>} : memref<128xf32, #tpu.memory_space<vmem>>, vector<16xf32>,
    tpu.vector_store %arg14[%swap3A_510], %add3A_509 {strides = array<i32>} : memref<128xf32, #tpu.memory_space<vmem>>, vector<16xf32>,
    %get3A_512 = arith.constant 48 : index
    %get3A_513 = tpu.vector_load %arg14[%get3A_512] {strides = array<i32>} : memref<128xf32, #tpu.memory_space<vmem>>, vector<16xf32>,
    %get3A_514 = arith.constant 0 : i32
    %get3A_515 = arith.index_cast %get3A_514 : i32 to index
    %get3A_516 = arith.constant 48 : index
    %get3A_517 = tpu.vector_load %arg15[%get3A_515, %get3A_516] {strides = array<i32>} : memref<16x128xf32, #tpu.memory_space<vmem>>, vector<16xf32>,
    %add3A_518 = arith.addf %get3A_513, %get3A_517 : vector<16xf32>
    %swap3A_519 = arith.constant 48 : index
    %swap3A_520 = tpu.vector_load %arg14[%swap3A_519] {strides = array<i32>} : memref<128xf32, #tpu.memory_space<vmem>>, vector<16xf32>,
    tpu.vector_store %arg14[%swap3A_519], %add3A_518 {strides = array<i32>} : memref<128xf32, #tpu.memory_space<vmem>>, vector<16xf32>,
    %get3A_521 = arith.constant 64 : index
    %get3A_522 = tpu.vector_load %arg14[%get3A_521] {strides = array<i32>} : memref<128xf32, #tpu.memory_space<vmem>>, vector<16xf32>,
    %get3A_523 = arith.constant 0 : i32
    %get3A_524 = arith.index_cast %get3A_523 : i32 to index
    %get3A_525 = arith.constant 64 : index
    %get3A_526 = tpu.vector_load %arg15[%get3A_524, %get3A_525] {strides = array<i32>} : memref<16x128xf32, #tpu.memory_space<vmem>>, vector<16xf32>,
    %add3A_527 = arith.addf %get3A_522, %get3A_526 : vector<16xf32>
    %swap3A_528 = arith.constant 64 : index
    %swap3A_529 = tpu.vector_load %arg14[%swap3A_528] {strides = array<i32>} : memref<128xf32, #tpu.memory_space<vmem>>, vector<16xf32>,
    tpu.vector_store %arg14[%swap3A_528], %add3A_527 {strides = array<i32>} : memref<128xf32, #tpu.memory_space<vmem>>, vector<16xf32>,
    %get3A_530 = arith.constant 80 : index
    %get3A_531 = tpu.vector_load %arg14[%get3A_530] {strides = array<i32>} : memref<128xf32, #tpu.memory_space<vmem>>, vector<16xf32>,
    %get3A_532 = arith.constant 0 : i32
    %get3A_533 = arith.index_cast %get3A_532 : i32 to index
    %get3A_534 = arith.constant 80 : index
    %get3A_535 = tpu.vector_load %arg15[%get3A_533, %get3A_534] {strides = array<i32>} : memref<16x128xf32, #tpu.memory_space<vmem>>, vector<16xf32>,
    %add3A_536 = arith.addf %get3A_531, %get3A_535 : vector<16xf32>
    %swap3A_537 = arith.constant 80 : index
    %swap3A_538 = tpu.vector_load %arg14[%swap3A_537] {strides = array<i32>} : memref<128xf32, #tpu.memory_space<vmem>>, vector<16xf32>,
    tpu.vector_store %arg14[%swap3A_537], %add3A_536 {strides = array<i32>} : memref<128xf32, #tpu.memory_space<vmem>>, vector<16xf32>,
    %get3A_539 = arith.constant 96 : index
    %get3A_540 = tpu.vector_load %arg14[%get3A_539] {strides = array<i32>} : memref<128xf32, #tpu.memory_space<vmem>>, vector<16xf32>,
    %get3A_541 = arith.constant 0 : i32
    %get3A_542 = arith.index_cast %get3A_541 : i32 to index
    %get3A_543 = arith.constant 96 : index
    %get3A_544 = tpu.vector_load %arg15[%get3A_542, %get3A_543] {strides = array<i32>} : memref<16x128xf32, #tpu.memory_space<vmem>>, vector<16xf32>,
    %add3A_545 = arith.addf %get3A_540, %get3A_544 : vector<16xf32>
    %swap3A_546 = arith.constant 96 : index
    %swap3A_547 = tpu.vector_load %arg14[%swap3A_546] {strides = array<i32>} : memref<128xf32, #tpu.memory_space<vmem>>, vector<16xf32>,
    tpu.vector_store %arg14[%swap3A_546], %add3A_545 {strides = array<i32>} : memref<128xf32, #tpu.memory_space<vmem>>, vector<16xf32>,
    %get3A_548 = arith.constant 112 : index
    %get3A_549 = tpu.vector_load %arg14[%get3A_548] {strides = array<i32>} : memref<128xf32, #tpu.memory_space<vmem>>, vector<16xf32>,
    %get3A_550 = arith.constant 0 : i32
    %get3A_551 = arith.index_cast %get3A_550 : i32 to index
    %get3A_552 = arith.constant 112 : index
    %get3A_553 = tpu.vector_load %arg15[%get3A_551, %get3A_552] {strides = array<i32>} : memref<16x128xf32, #tpu.memory_space<vmem>>, vector<16xf32>,
    %add3A_554 = arith.addf %get3A_549, %get3A_553 : vector<16xf32>
    %swap3A_555 = arith.constant 112 : index
    %swap3A_556 = tpu.vector_load %arg14[%swap3A_555] {strides = array<i32>} : memref<128xf32, #tpu.memory_space<vmem>>, vector<16xf32>,
    tpu.vector_store %arg14[%swap3A_555], %add3A_554 {strides = array<i32>} : memref<128xf32, #tpu.memory_space<vmem>>, vector<16xf32>,
    %get3A_557 = arith.constant 0 : index
    %get3A_558 = tpu.vector_load %arg14[%get3A_557] {strides = array<i32>} : memref<128xf32, #tpu.memory_space<vmem>>, vector<16xf32>,
    %get3A_559 = arith.constant 1 : i32
    %get3A_560 = arith.index_cast %get3A_559 : i32 to index
    %get3A_561 = arith.constant 0 : index
    %get3A_562 = tpu.vector_load %arg15[%get3A_560, %get3A_561] {strides = array<i32>} : memref<16x128xf32, #tpu.memory_space<vmem>>, vector<16xf32>,
    %add3A_563 = arith.addf %get3A_558, %get3A_562 : vector<16xf32>
    %swap3A_564 = arith.constant 0 : index
    %swap3A_565 = tpu.vector_load %arg14[%swap3A_564] {strides = array<i32>} : memref<128xf32, #tpu.memory_space<vmem>>, vector<16xf32>,
    tpu.vector_store %arg14[%swap3A_564], %add3A_563 {strides = array<i32>} : memref<128xf32, #tpu.memory_space<vmem>>, vector<16xf32>,
    %get3A_566 = arith.constant 16 : index
    %get3A_567 = tpu.vector_load %arg14[%get3A_566] {strides = array<i32>} : memref<128xf32, #tpu.memory_space<vmem>>, vector<16xf32>,
    %get3A_568 = arith.constant 1 : i32
    %get3A_569 = arith.index_cast %get3A_568 : i32 to index
    %get3A_570 = arith.constant 16 : index
    %get3A_571 = tpu.vector_load %arg15[%get3A_569, %get3A_570] {strides = array<i32>} : memref<16x128xf32, #tpu.memory_space<vmem>>, vector<16xf32>,
    %add3A_572 = arith.addf %get3A_567, %get3A_571 : vector<16xf32>
    %swap3A_573 = arith.constant 16 : index
    %swap3A_574 = tpu.vector_load %arg14[%swap3A_573] {strides = array<i32>} : memref<128xf32, #tpu.memory_space<vmem>>, vector<16xf32>,
    tpu.vector_store %arg14[%swap3A_573], %add3A_572 {strides = array<i32>} : memref<128xf32, #tpu.memory_space<vmem>>, vector<16xf32>,
    %get3A_575 = arith.constant 32 : index
    %get3A_576 = tpu.vector_load %arg14[%get3A_575] {strides = array<i32>} : memref<128xf32, #tpu.memory_space<vmem>>, vector<16xf32>,
    %get3A_577 = arith.constant 1 : i32
    %get3A_578 = arith.index_cast %get3A_577 : i32 to index
    %get3A_579 = arith.constant 32 : index
    %get3A_580 = tpu.vector_load %arg15[%get3A_578, %get3A_579] {strides = array<i32>} : memref<16x128xf32, #tpu.memory_space<vmem>>, vector<16xf32>,
    %add3A_581 = arith.addf %get3A_576, %get3A_580 : vector<16xf32>
    %swap3A_582 = arith.constant 32 : index
    %swap3A_583 = tpu.vector_load %arg14[%swap3A_582] {strides = array<i32>} : memref<128xf32, #tpu.memory_space<vmem>>, vector<16xf32>,
    tpu.vector_store %arg14[%swap3A_582], %add3A_581 {strides = array<i32>} : memref<128xf32, #tpu.memory_space<vmem>>, vector<16xf32>,
    %get3A_584 = arith.constant 48 : index
    %get3A_585 = tpu.vector_load %arg14[%get3A_584] {strides = array<i32>} : memref<128xf32, #tpu.memory_space<vmem>>, vector<16xf32>,
    %get3A_586 = arith.constant 1 : i32
    %get3A_587 = arith.index_cast %get3A_586 : i32 to index
    %get3A_588 = arith.constant 48 : index
    %get3A_589 = tpu.vector_load %arg15[%get3A_587, %get3A_588] {strides = array<i32>} : memref<16x128xf32, #tpu.memory_space<vmem>>, vector<16xf32>,
    %add3A_590 = arith.addf %get3A_585, %get3A_589 : vector<16xf32>
    %swap3A_591 = arith.constant 48 : index
    %swap3A_592 = tpu.vector_load %arg14[%swap3A_591] {strides = array<i32>} : memref<128xf32, #tpu.memory_space<vmem>>, vector<16xf32>,
    tpu.vector_store %arg14[%swap3A_591], %add3A_590 {strides = array<i32>} : memref<128xf32, #tpu.memory_space<vmem>>, vector<16xf32>,
    %get3A_593 = arith.constant 64 : index
    %get3A_594 = tpu.vector_load %arg14[%get3A_593] {strides = array<i32>} : memref<128xf32, #tpu.memory_space<vmem>>, vector<16xf32>,
    %get3A_595 = arith.constant 1 : i32
    %get3A_596 = arith.index_cast %get3A_595 : i32 to index
    %get3A_597 = arith.constant 64 : index
    %get3A_598 = tpu.vector_load %arg15[%get3A_596, %get3A_597] {strides = array<i32>} : memref<16x128xf32, #tpu.memory_space<vmem>>, vector<16xf32>,
    %add3A_599 = arith.addf %get3A_594, %get3A_598 : vector<16xf32>
    %swap3A_600 = arith.constant 64 : index
    %swap3A_601 = tpu.vector_load %arg14[%swap3A_600] {strides = array<i32>} : memref<128xf32, #tpu.memory_space<vmem>>, vector<16xf32>,
    tpu.vector_store %arg14[%swap3A_600], %add3A_599 {strides = array<i32>} : memref<128xf32, #tpu.memory_space<vmem>>, vector<16xf32>,
    %get3A_602 = arith.constant 80 : index
    %get3A_603 = tpu.vector_load %arg14[%get3A_602] {strides = array<i32>} : memref<128xf32, #tpu.memory_space<vmem>>, vector<16xf32>,
    %get3A_604 = arith.constant 1 : i32
    %get3A_605 = arith.index_cast %get3A_604 : i32 to index
    %get3A_606 = arith.constant 80 : index
    %get3A_607 = tpu.vector_load %arg15[%get3A_605, %get3A_606] {strides = array<i32>} : memref<16x128xf32, #tpu.memory_space<vmem>>, vector<16xf32>,
    %add3A_608 = arith.addf %get3A_603, %get3A_607 : vector<16xf32>
    %swap3A_609 = arith.constant 80 : index
    %swap3A_610 = tpu.vector_load %arg14[%swap3A_609] {strides = array<i32>} : memref<128xf32, #tpu.memory_space<vmem>>, vector<16xf32>,
    tpu.vector_store %arg14[%swap3A_609], %add3A_608 {strides = array<i32>} : memref<128xf32, #tpu.memory_space<vmem>>, vector<16xf32>,
    %get3A_611 = arith.constant 96 : index
    %get3A_612 = tpu.vector_load %arg14[%get3A_611] {strides = array<i32>} : memref<128xf32, #tpu.memory_space<vmem>>, vector<16xf32>,
    %get3A_613 = arith.constant 1 : i32
    %get3A_614 = arith.index_cast %get3A_613 : i32 to index
    %get3A_615 = arith.constant 96 : index
    %get3A_616 = tpu.vector_load %arg15[%get3A_614, %get3A_615] {strides = array<i32>} : memref<16x128xf32, #tpu.memory_space<vmem>>, vector<16xf32>,
    %add3A_617 = arith.addf %get3A_612, %get3A_616 : vector<16xf32>
    %swap3A_618 = arith.constant 96 : index
    %swap3A_619 = tpu.vector_load %arg14[%swap3A_618] {strides = array<i32>} : memref<128xf32, #tpu.memory_space<vmem>>, vector<16xf32>,
    tpu.vector_store %arg14[%swap3A_618], %add3A_617 {strides = array<i32>} : memref<128xf32, #tpu.memory_space<vmem>>, vector<16xf32>,
    %get3A_620 = arith.constant 112 : index
    %get3A_621 = tpu.vector_load %arg14[%get3A_620] {strides = array<i32>} : memref<128xf32, #tpu.memory_space<vmem>>, vector<16xf32>,
    %get3A_622 = arith.constant 1 : i32
    %get3A_623 = arith.index_cast %get3A_622 : i32 to index
    %get3A_624 = arith.constant 112 : index
    %get3A_625 = tpu.vector_load %arg15[%get3A_623, %get3A_624] {strides = array<i32>} : memref<16x128xf32, #tpu.memory_space<vmem>>, vector<16xf32>,
    %add3A_626 = arith.addf %get3A_621, %get3A_625 : vector<16xf32>
    %swap3A_627 = arith.constant 112 : index
    %swap3A_628 = tpu.vector_load %arg14[%swap3A_627] {strides = array<i32>} : memref<128xf32, #tpu.memory_space<vmem>>, vector<16xf32>,
    tpu.vector_store %arg14[%swap3A_627], %add3A_626 {strides = array<i32>} : memref<128xf32, #tpu.memory_space<vmem>>, vector<16xf32>,
    %get3A_629 = arith.constant 0 : index
    %get3A_630 = tpu.vector_load %arg14[%get3A_629] {strides = array<i32>} : memref<128xf32, #tpu.memory_space<vmem>>, vector<16xf32>,
    %get3A_631 = arith.constant 2 : i32
    %get3A_632 = arith.index_cast %get3A_631 : i32 to index
    %get3A_633 = arith.constant 0 : index
    %get3A_634 = tpu.vector_load %arg15[%get3A_632, %get3A_633] {strides = array<i32>} : memref<16x128xf32, #tpu.memory_space<vmem>>, vector<16xf32>,
    %add3A_635 = arith.addf %get3A_630, %get3A_634 : vector<16xf32>
    %swap3A_636 = arith.constant 0 : index
    %swap3A_637 = tpu.vector_load %arg14[%swap3A_636] {strides = array<i32>} : memref<128xf32, #tpu.memory_space<vmem>>, vector<16xf32>,
    tpu.vector_store %arg14[%swap3A_636], %add3A_635 {strides = array<i32>} : memref<128xf32, #tpu.memory_space<vmem>>, vector<16xf32>,
    %get3A_638 = arith.constant 16 : index
    %get3A_639 = tpu.vector_load %arg14[%get3A_638] {strides = array<i32>} : memref<128xf32, #tpu.memory_space<vmem>>, vector<16xf32>,
    %get3A_640 = arith.constant 2 : i32
    %get3A_641 = arith.index_cast %get3A_640 : i32 to index
    %get3A_642 = arith.constant 16 : index
    %get3A_643 = tpu.vector_load %arg15[%get3A_641, %get3A_642] {strides = array<i32>} : memref<16x128xf32, #tpu.memory_space<vmem>>, vector<16xf32>,
    %add3A_644 = arith.addf %get3A_639, %get3A_643 : vector<16xf32>
    %swap3A_645 = arith.constant 16 : index
    %swap3A_646 = tpu.vector_load %arg14[%swap3A_645] {strides = array<i32>} : memref<128xf32, #tpu.memory_space<vmem>>, vector<16xf32>,
    tpu.vector_store %arg14[%swap3A_645], %add3A_644 {strides = array<i32>} : memref<128xf32, #tpu.memory_space<vmem>>, vector<16xf32>,
    %get3A_647 = arith.constant 32 : index
    %get3A_648 = tpu.vector_load %arg14[%get3A_647] {strides = array<i32>} : memref<128xf32, #tpu.memory_space<vmem>>, vector<16xf32>,
    %get3A_649 = arith.constant 2 : i32
    %get3A_650 = arith.index_cast %get3A_649 : i32 to index
    %get3A_651 = arith.constant 32 : index
    %get3A_652 = tpu.vector_load %arg15[%get3A_650, %get3A_651] {strides = array<i32>} : memref<16x128xf32, #tpu.memory_space<vmem>>, vector<16xf32>,
    %add3A_653 = arith.addf %get3A_648, %get3A_652 : vector<16xf32>
    %swap3A_654 = arith.constant 32 : index
    %swap3A_655 = tpu.vector_load %arg14[%swap3A_654] {strides = array<i32>} : memref<128xf32, #tpu.memory_space<vmem>>, vector<16xf32>,
    tpu.vector_store %arg14[%swap3A_654], %add3A_653 {strides = array<i32>} : memref<128xf32, #tpu.memory_space<vmem>>, vector<16xf32>,
    %get3A_656 = arith.constant 48 : index
    %get3A_657 = tpu.vector_load %arg14[%get3A_656] {strides = array<i32>} : memref<128xf32, #tpu.memory_space<vmem>>, vector<16xf32>,
    %get3A_658 = arith.constant 2 : i32
    %get3A_659 = arith.index_cast %get3A_658 : i32 to index
    %get3A_660 = arith.constant 48 : index
    %get3A_661 = tpu.vector_load %arg15[%get3A_659, %get3A_660] {strides = array<i32>} : memref<16x128xf32, #tpu.memory_space<vmem>>, vector<16xf32>,
    %add3A_662 = arith.addf %get3A_657, %get3A_661 : vector<16xf32>
    %swap3A_663 = arith.constant 48 : index
    %swap3A_664 = tpu.vector_load %arg14[%swap3A_663] {strides = array<i32>} : memref<128xf32, #tpu.memory_space<vmem>>, vector<16xf32>,
    tpu.vector_store %arg14[%swap3A_663], %add3A_662 {strides = array<i32>} : memref<128xf32, #tpu.memory_space<vmem>>, vector<16xf32>,
    %get3A_665 = arith.constant 64 : index
    %get3A_666 = tpu.vector_load %arg14[%get3A_665] {strides = array<i32>} : memref<128xf32, #tpu.memory_space<vmem>>, vector<16xf32>,
    %get3A_667 = arith.constant 2 : i32
    %get3A_668 = arith.index_cast %get3A_667 : i32 to index
    %get3A_669 = arith.constant 64 : index
    %get3A_670 = tpu.vector_load %arg15[%get3A_668, %get3A_669] {strides = array<i32>} : memref<16x128xf32, #tpu.memory_space<vmem>>, vector<16xf32>,
    %add3A_671 = arith.addf %get3A_666, %get3A_670 : vector<16xf32>
    %swap3A_672 = arith.constant 64 : index
    %swap3A_673 = tpu.vector_load %arg14[%swap3A_672] {strides = array<i32>} : memref<128xf32, #tpu.memory_space<vmem>>, vector<16xf32>,
    tpu.vector_store %arg14[%swap3A_672], %add3A_671 {strides = array<i32>} : memref<128xf32, #tpu.memory_space<vmem>>, vector<16xf32>,
    %get3A_674 = arith.constant 80 : index
    %get3A_675 = tpu.vector_load %arg14[%get3A_674] {strides = array<i32>} : memref<128xf32, #tpu.memory_space<vmem>>, vector<16xf32>,
    %get3A_676 = arith.constant 2 : i32
    %get3A_677 = arith.index_cast %get3A_676 : i32 to index
    %get3A_678 = arith.constant 80 : index
    %get3A_679 = tpu.vector_load %arg15[%get3A_677, %get3A_678] {strides = array<i32>} : memref<16x128xf32, #tpu.memory_space<vmem>>, vector<16xf32>,
    %add3A_680 = arith.addf %get3A_675, %get3A_679 : vector<16xf32>
    %swap3A_681 = arith.constant 80 : index
    %swap3A_682 = tpu.vector_load %arg14[%swap3A_681] {strides = array<i32>} : memref<128xf32, #tpu.memory_space<vmem>>, vector<16xf32>,
    tpu.vector_store %arg14[%swap3A_681], %add3A_680 {strides = array<i32>} : memref<128xf32, #tpu.memory_space<vmem>>, vector<16xf32>,
    %get3A_683 = arith.constant 96 : index
    %get3A_684 = tpu.vector_load %arg14[%get3A_683] {strides = array<i32>} : memref<128xf32, #tpu.memory_space<vmem>>, vector<16xf32>,
    %get3A_685 = arith.constant 2 : i32
    %get3A_686 = arith.index_cast %get3A_685 : i32 to index
    %get3A_687 = arith.constant 96 : index
    %get3A_688 = tpu.vector_load %arg15[%get3A_686, %get3A_687] {strides = array<i32>} : memref<16x128xf32, #tpu.memory_space<vmem>>, vector<16xf32>,
    %add3A_689 = arith.addf %get3A_684, %get3A_688 : vector<16xf32>
    %swap3A_690 = arith.constant 96 : index
    %swap3A_691 = tpu.vector_load %arg14[%swap3A_690] {strides = array<i32>} : memref<128xf32, #tpu.memory_space<vmem>>, vector<16xf32>,
    tpu.vector_store %arg14[%swap3A_690], %add3A_689 {strides = array<i32>} : memref<128xf32, #tpu.memory_space<vmem>>, vector<16xf32>,
    %get3A_692 = arith.constant 112 : index
    %get3A_693 = tpu.vector_load %arg14[%get3A_692] {strides = array<i32>} : memref<128xf32, #tpu.memory_space<vmem>>, vector<16xf32>,
    %get3A_694 = arith.constant 2 : i32
    %get3A_695 = arith.index_cast %get3A_694 : i32 to index
    %get3A_696 = arith.constant 112 : index
    %get3A_697 = tpu.vector_load %arg15[%get3A_695, %get3A_696] {strides = array<i32>} : memref<16x128xf32, #tpu.memory_space<vmem>>, vector<16xf32>,
    %add3A_698 = arith.addf %get3A_693, %get3A_697 : vector<16xf32>
    %swap3A_699 = arith.constant 112 : index
    %swap3A_700 = tpu.vector_load %arg14[%swap3A_699] {strides = array<i32>} : memref<128xf32, #tpu.memory_space<vmem>>, vector<16xf32>,
    tpu.vector_store %arg14[%swap3A_699], %add3A_698 {strides = array<i32>} : memref<128xf32, #tpu.memory_space<vmem>>, vector<16xf32>,
    %get3A_701 = arith.constant 0 : index
    %get3A_702 = tpu.vector_load %arg14[%get3A_701] {strides = array<i32>} : memref<128xf32, #tpu.memory_space<vmem>>, vector<16xf32>,
    %get3A_703 = arith.constant 3 : i32
    %get3A_704 = arith.index_cast %get3A_703 : i32 to index
    %get3A_705 = arith.constant 0 : index
    %get3A_706 = tpu.vector_load %arg15[%get3A_704, %get3A_705] {strides = array<i32>} : memref<16x128xf32, #tpu.memory_space<vmem>>, vector<16xf32>,
    %add3A_707 = arith.addf %get3A_702, %get3A_706 : vector<16xf32>
    %swap3A_708 = arith.constant 0 : index
    %swap3A_709 = tpu.vector_load %arg14[%swap3A_708] {strides = array<i32>} : memref<128xf32, #tpu.memory_space<vmem>>, vector<16xf32>,
    tpu.vector_store %arg14[%swap3A_708], %add3A_707 {strides = array<i32>} : memref<128xf32, #tpu.memory_space<vmem>>, vector<16xf32>,
    %get3A_710 = arith.constant 16 : index
    %get3A_711 = tpu.vector_load %arg14[%get3A_710] {strides = array<i32>} : memref<128xf32, #tpu.memory_space<vmem>>, vector<16xf32>,
    %get3A_712 = arith.constant 3 : i32
    %get3A_713 = arith.index_cast %get3A_712 : i32 to index
    %get3A_714 = arith.constant 16 : index
    %get3A_715 = tpu.vector_load %arg15[%get3A_713, %get3A_714] {strides = array<i32>} : memref<16x128xf32, #tpu.memory_space<vmem>>, vector<16xf32>,
    %add3A_716 = arith.addf %get3A_711, %get3A_715 : vector<16xf32>
    %swap3A_717 = arith.constant 16 : index
    %swap3A_718 = tpu.vector_load %arg14[%swap3A_717] {strides = array<i32>} : memref<128xf32, #tpu.memory_space<vmem>>, vector<16xf32>,
    tpu.vector_store %arg14[%swap3A_717], %add3A_716 {strides = array<i32>} : memref<128xf32, #tpu.memory_space<vmem>>, vector<16xf32>,
    %get3A_719 = arith.constant 32 : index
    %get3A_720 = tpu.vector_load %arg14[%get3A_719] {strides = array<i32>} : memref<128xf32, #tpu.memory_space<vmem>>, vector<16xf32>,
    %get3A_721 = arith.constant 3 : i32
    %get3A_722 = arith.index_cast %get3A_721 : i32 to index
    %get3A_723 = arith.constant 32 : index
    %get3A_724 = tpu.vector_load %arg15[%get3A_722, %get3A_723] {strides = array<i32>} : memref<16x128xf32, #tpu.memory_space<vmem>>, vector<16xf32>,
    %add3A_725 = arith.addf %get3A_720, %get3A_724 : vector<16xf32>
    %swap3A_726 = arith.constant 32 : index
    %swap3A_727 = tpu.vector_load %arg14[%swap3A_726] {strides = array<i32>} : memref<128xf32, #tpu.memory_space<vmem>>, vector<16xf32>,
    tpu.vector_store %arg14[%swap3A_726], %add3A_725 {strides = array<i32>} : memref<128xf32, #tpu.memory_space<vmem>>, vector<16xf32>,
    %get3A_728 = arith.constant 48 : index
    %get3A_729 = tpu.vector_load %arg14[%get3A_728] {strides = array<i32>} : memref<128xf32, #tpu.memory_space<vmem>>, vector<16xf32>,
    %get3A_730 = arith.constant 3 : i32
    %get3A_731 = arith.index_cast %get3A_730 : i32 to index
    %get3A_732 = arith.constant 48 : index
    %get3A_733 = tpu.vector_load %arg15[%get3A_731, %get3A_732] {strides = array<i32>} : memref<16x128xf32, #tpu.memory_space<vmem>>, vector<16xf32>,
    %add3A_734 = arith.addf %get3A_729, %get3A_733 : vector<16xf32>
    %swap3A_735 = arith.constant 48 : index
    %swap3A_736 = tpu.vector_load %arg14[%swap3A_735] {strides = array<i32>} : memref<128xf32, #tpu.memory_space<vmem>>, vector<16xf32>,
    tpu.vector_store %arg14[%swap3A_735], %add3A_734 {strides = array<i32>} : memref<128xf32, #tpu.memory_space<vmem>>, vector<16xf32>,
    %get3A_737 = arith.constant 64 : index
    %get3A_738 = tpu.vector_load %arg14[%get3A_737] {strides = array<i32>} : memref<128xf32, #tpu.memory_space<vmem>>, vector<16xf32>,
    %get3A_739 = arith.constant 3 : i32
    %get3A_740 = arith.index_cast %get3A_739 : i32 to index
    %get3A_741 = arith.constant 64 : index
    %get3A_742 = tpu.vector_load %arg15[%get3A_740, %get3A_741] {strides = array<i32>} : memref<16x128xf32, #tpu.memory_space<vmem>>, vector<16xf32>,
    %add3A_743 = arith.addf %get3A_738, %get3A_742 : vector<16xf32>
    %swap3A_744 = arith.constant 64 : index
    %swap3A_745 = tpu.vector_load %arg14[%swap3A_744] {strides = array<i32>} : memref<128xf32, #tpu.memory_space<vmem>>, vector<16xf32>,
    tpu.vector_store %arg14[%swap3A_744], %add3A_743 {strides = array<i32>} : memref<128xf32, #tpu.memory_space<vmem>>, vector<16xf32>,
    %get3A_746 = arith.constant 80 : index
    %get3A_747 = tpu.vector_load %arg14[%get3A_746] {strides = array<i32>} : memref<128xf32, #tpu.memory_space<vmem>>, vector<16xf32>,
    %get3A_748 = arith.constant 3 : i32
    %get3A_749 = arith.index_cast %get3A_748 : i32 to index
    %get3A_750 = arith.constant 80 : index
    %get3A_751 = tpu.vector_load %arg15[%get3A_749, %get3A_750] {strides = array<i32>} : memref<16x128xf32, #tpu.memory_space<vmem>>, vector<16xf32>,
    %add3A_752 = arith.addf %get3A_747, %get3A_751 : vector<16xf32>
    %swap3A_753 = arith.constant 80 : index
    %swap3A_754 = tpu.vector_load %arg14[%swap3A_753] {strides = array<i32>} : memref<128xf32, #tpu.memory_space<vmem>>, vector<16xf32>,
    tpu.vector_store %arg14[%swap3A_753], %add3A_752 {strides = array<i32>} : memref<128xf32, #tpu.memory_space<vmem>>, vector<16xf32>,
    %get3A_755 = arith.constant 96 : index
    %get3A_756 = tpu.vector_load %arg14[%get3A_755] {strides = array<i32>} : memref<128xf32, #tpu.memory_space<vmem>>, vector<16xf32>,
    %get3A_757 = arith.constant 3 : i32
    %get3A_758 = arith.index_cast %get3A_757 : i32 to index
    %get3A_759 = arith.constant 96 : index
    %get3A_760 = tpu.vector_load %arg15[%get3A_758, %get3A_759] {strides = array<i32>} : memref<16x128xf32, #tpu.memory_space<vmem>>, vector<16xf32>,
    %add3A_761 = arith.addf %get3A_756, %get3A_760 : vector<16xf32>
    %swap3A_762 = arith.constant 96 : index
    %swap3A_763 = tpu.vector_load %arg14[%swap3A_762] {strides = array<i32>} : memref<128xf32, #tpu.memory_space<vmem>>, vector<16xf32>,
    tpu.vector_store %arg14[%swap3A_762], %add3A_761 {strides = array<i32>} : memref<128xf32, #tpu.memory_space<vmem>>, vector<16xf32>,
    %get3A_764 = arith.constant 112 : index
    %get3A_765 = tpu.vector_load %arg14[%get3A_764] {strides = array<i32>} : memref<128xf32, #tpu.memory_space<vmem>>, vector<16xf32>,
    %get3A_766 = arith.constant 3 : i32
    %get3A_767 = arith.index_cast %get3A_766 : i32 to index
    %get3A_768 = arith.constant 112 : index
    %get3A_769 = tpu.vector_load %arg15[%get3A_767, %get3A_768] {strides = array<i32>} : memref<16x128xf32, #tpu.memory_space<vmem>>, vector<16xf32>,
    %add3A_770 = arith.addf %get3A_765, %get3A_769 : vector<16xf32>
    %swap3A_771 = arith.constant 112 : index
    %swap3A_772 = tpu.vector_load %arg14[%swap3A_771] {strides = array<i32>} : memref<128xf32, #tpu.memory_space<vmem>>, vector<16xf32>,
    tpu.vector_store %arg14[%swap3A_771], %add3A_770 {strides = array<i32>} : memref<128xf32, #tpu.memory_space<vmem>>, vector<16xf32>,
    %get3A_773 = arith.constant 0 : index
    %get3A_774 = tpu.vector_load %arg14[%get3A_773] {strides = array<i32>} : memref<128xf32, #tpu.memory_space<vmem>>, vector<16xf32>,
    %get3A_775 = arith.constant 4 : i32
    %get3A_776 = arith.index_cast %get3A_775 : i32 to index
    %get3A_777 = arith.constant 0 : index
    %get3A_778 = tpu.vector_load %arg15[%get3A_776, %get3A_777] {strides = array<i32>} : memref<16x128xf32, #tpu.memory_space<vmem>>, vector<16xf32>,
    %add3A_779 = arith.addf %get3A_774, %get3A_778 : vector<16xf32>
    %swap3A_780 = arith.constant 0 : index
    %swap3A_781 = tpu.vector_load %arg14[%swap3A_780] {strides = array<i32>} : memref<128xf32, #tpu.memory_space<vmem>>, vector<16xf32>,
    tpu.vector_store %arg14[%swap3A_780], %add3A_779 {strides = array<i32>} : memref<128xf32, #tpu.memory_space<vmem>>, vector<16xf32>,
    %get3A_782 = arith.constant 16 : index
    %get3A_783 = tpu.vector_load %arg14[%get3A_782] {strides = array<i32>} : memref<128xf32, #tpu.memory_space<vmem>>, vector<16xf32>,
    %get3A_784 = arith.constant 4 : i32
    %get3A_785 = arith.index_cast %get3A_784 : i32 to index
    %get3A_786 = arith.constant 16 : index
    %get3A_787 = tpu.vector_load %arg15[%get3A_785, %get3A_786] {strides = array<i32>} : memref<16x128xf32, #tpu.memory_space<vmem>>, vector<16xf32>,
    %add3A_788 = arith.addf %get3A_783, %get3A_787 : vector<16xf32>
    %swap3A_789 = arith.constant 16 : index
    %swap3A_790 = tpu.vector_load %arg14[%swap3A_789] {strides = array<i32>} : memref<128xf32, #tpu.memory_space<vmem>>, vector<16xf32>,
    tpu.vector_store %arg14[%swap3A_789], %add3A_788 {strides = array<i32>} : memref<128xf32, #tpu.memory_space<vmem>>, vector<16xf32>,
    %get3A_791 = arith.constant 32 : index
    %get3A_792 = tpu.vector_load %arg14[%get3A_791] {strides = array<i32>} : memref<128xf32, #tpu.memory_space<vmem>>, vector<16xf32>,
    %get3A_793 = arith.constant 4 : i32
    %get3A_794 = arith.index_cast %get3A_793 : i32 to index
    %get3A_795 = arith.constant 32 : index
    %get3A_796 = tpu.vector_load %arg15[%get3A_794, %get3A_795] {strides = array<i32>} : memref<16x128xf32, #tpu.memory_space<vmem>>, vector<16xf32>,
    %add3A_797 = arith.addf %get3A_792, %get3A_796 : vector<16xf32>
    %swap3A_798 = arith.constant 32 : index
    %swap3A_799 = tpu.vector_load %arg14[%swap3A_798] {strides = array<i32>} : memref<128xf32, #tpu.memory_space<vmem>>, vector<16xf32>,
    tpu.vector_store %arg14[%swap3A_798], %add3A_797 {strides = array<i32>} : memref<128xf32, #tpu.memory_space<vmem>>, vector<16xf32>,
    %get3A_800 = arith.constant 48 : index
    %get3A_801 = tpu.vector_load %arg14[%get3A_800] {strides = array<i32>} : memref<128xf32, #tpu.memory_space<vmem>>, vector<16xf32>,
    %get3A_802 = arith.constant 4 : i32
    %get3A_803 = arith.index_cast %get3A_802 : i32 to index
    %get3A_804 = arith.constant 48 : index
    %get3A_805 = tpu.vector_load %arg15[%get3A_803, %get3A_804] {strides = array<i32>} : memref<16x128xf32, #tpu.memory_space<vmem>>, vector<16xf32>,
    %add3A_806 = arith.addf %get3A_801, %get3A_805 : vector<16xf32>
    %swap3A_807 = arith.constant 48 : index
    %swap3A_808 = tpu.vector_load %arg14[%swap3A_807] {strides = array<i32>} : memref<128xf32, #tpu.memory_space<vmem>>, vector<16xf32>,
    tpu.vector_store %arg14[%swap3A_807], %add3A_806 {strides = array<i32>} : memref<128xf32, #tpu.memory_space<vmem>>, vector<16xf32>,
    %get3A_809 = arith.constant 64 : index
    %get3A_810 = tpu.vector_load %arg14[%get3A_809] {strides = array<i32>} : memref<128xf32, #tpu.memory_space<vmem>>, vector<16xf32>,
    %get3A_811 = arith.constant 4 : i32
    %get3A_812 = arith.index_cast %get3A_811 : i32 to index
    %get3A_813 = arith.constant 64 : index
    %get3A_814 = tpu.vector_load %arg15[%get3A_812, %get3A_813] {strides = array<i32>} : memref<16x128xf32, #tpu.memory_space<vmem>>, vector<16xf32>,
    %add3A_815 = arith.addf %get3A_810, %get3A_814 : vector<16xf32>
    %swap3A_816 = arith.constant 64 : index
    %swap3A_817 = tpu.vector_load %arg14[%swap3A_816] {strides = array<i32>} : memref<128xf32, #tpu.memory_space<vmem>>, vector<16xf32>,
    tpu.vector_store %arg14[%swap3A_816], %add3A_815 {strides = array<i32>} : memref<128xf32, #tpu.memory_space<vmem>>, vector<16xf32>,
    %get3A_818 = arith.constant 80 : index
    %get3A_819 = tpu.vector_load %arg14[%get3A_818] {strides = array<i32>} : memref<128xf32, #tpu.memory_space<vmem>>, vector<16xf32>,
    %get3A_820 = arith.constant 4 : i32
    %get3A_821 = arith.index_cast %get3A_820 : i32 to index
    %get3A_822 = arith.constant 80 : index
    %get3A_823 = tpu.vector_load %arg15[%get3A_821, %get3A_822] {strides = array<i32>} : memref<16x128xf32, #tpu.memory_space<vmem>>, vector<16xf32>,
    %add3A_824 = arith.addf %get3A_819, %get3A_823 : vector<16xf32>
    %swap3A_825 = arith.constant 80 : index
    %swap3A_826 = tpu.vector_load %arg14[%swap3A_825] {strides = array<i32>} : memref<128xf32, #tpu.memory_space<vmem>>, vector<16xf32>,
    tpu.vector_store %arg14[%swap3A_825], %add3A_824 {strides = array<i32>} : memref<128xf32, #tpu.memory_space<vmem>>, vector<16xf32>,
    %get3A_827 = arith.constant 96 : index
    %get3A_828 = tpu.vector_load %arg14[%get3A_827] {strides = array<i32>} : memref<128xf32, #tpu.memory_space<vmem>>, vector<16xf32>,
    %get3A_829 = arith.constant 4 : i32
    %get3A_830 = arith.index_cast %get3A_829 : i32 to index
    %get3A_831 = arith.constant 96 : index
    %get3A_832 = tpu.vector_load %arg15[%get3A_830, %get3A_831] {strides = array<i32>} : memref<16x128xf32, #tpu.memory_space<vmem>>, vector<16xf32>,
    %add3A_833 = arith.addf %get3A_828, %get3A_832 : vector<16xf32>
    %swap3A_834 = arith.constant 96 : index
    %swap3A_835 = tpu.vector_load %arg14[%swap3A_834] {strides = array<i32>} : memref<128xf32, #tpu.memory_space<vmem>>, vector<16xf32>,
    tpu.vector_store %arg14[%swap3A_834], %add3A_833 {strides = array<i32>} : memref<128xf32, #tpu.memory_space<vmem>>, vector<16xf32>,
    %get3A_836 = arith.constant 112 : index
    %get3A_837 = tpu.vector_load %arg14[%get3A_836] {strides = array<i32>} : memref<128xf32, #tpu.memory_space<vmem>>, vector<16xf32>,
    %get3A_838 = arith.constant 4 : i32
    %get3A_839 = arith.index_cast %get3A_838 : i32 to index
    %get3A_840 = arith.constant 112 : index
    %get3A_841 = tpu.vector_load %arg15[%get3A_839, %get3A_840] {strides = array<i32>} : memref<16x128xf32, #tpu.memory_space<vmem>>, vector<16xf32>,
    %add3A_842 = arith.addf %get3A_837, %get3A_841 : vector<16xf32>
    %swap3A_843 = arith.constant 112 : index
    %swap3A_844 = tpu.vector_load %arg14[%swap3A_843] {strides = array<i32>} : memref<128xf32, #tpu.memory_space<vmem>>, vector<16xf32>,
    tpu.vector_store %arg14[%swap3A_843], %add3A_842 {strides = array<i32>} : memref<128xf32, #tpu.memory_space<vmem>>, vector<16xf32>,
    %get3A_845 = arith.constant 0 : index
    %get3A_846 = tpu.vector_load %arg14[%get3A_845] {strides = array<i32>} : memref<128xf32, #tpu.memory_space<vmem>>, vector<16xf32>,
    %get3A_847 = arith.constant 5 : i32
    %get3A_848 = arith.index_cast %get3A_847 : i32 to index
    %get3A_849 = arith.constant 0 : index
    %get3A_850 = tpu.vector_load %arg15[%get3A_848, %get3A_849] {strides = array<i32>} : memref<16x128xf32, #tpu.memory_space<vmem>>, vector<16xf32>,
    %add3A_851 = arith.addf %get3A_846, %get3A_850 : vector<16xf32>
    %swap3A_852 = arith.constant 0 : index
    %swap3A_853 = tpu.vector_load %arg14[%swap3A_852] {strides = array<i32>} : memref<128xf32, #tpu.memory_space<vmem>>, vector<16xf32>,
    tpu.vector_store %arg14[%swap3A_852], %add3A_851 {strides = array<i32>} : memref<128xf32, #tpu.memory_space<vmem>>, vector<16xf32>,
    %get3A_854 = arith.constant 16 : index
    %get3A_855 = tpu.vector_load %arg14[%get3A_854] {strides = array<i32>} : memref<128xf32, #tpu.memory_space<vmem>>, vector<16xf32>,
    %get3A_856 = arith.constant 5 : i32
    %get3A_857 = arith.index_cast %get3A_856 : i32 to index
    %get3A_858 = arith.constant 16 : index
    %get3A_859 = tpu.vector_load %arg15[%get3A_857, %get3A_858] {strides = array<i32>} : memref<16x128xf32, #tpu.memory_space<vmem>>, vector<16xf32>,
    %add3A_860 = arith.addf %get3A_855, %get3A_859 : vector<16xf32>
    %swap3A_861 = arith.constant 16 : index
    %swap3A_862 = tpu.vector_load %arg14[%swap3A_861] {strides = array<i32>} : memref<128xf32, #tpu.memory_space<vmem>>, vector<16xf32>,
    tpu.vector_store %arg14[%swap3A_861], %add3A_860 {strides = array<i32>} : memref<128xf32, #tpu.memory_space<vmem>>, vector<16xf32>,
    %get3A_863 = arith.constant 32 : index
    %get3A_864 = tpu.vector_load %arg14[%get3A_863] {strides = array<i32>} : memref<128xf32, #tpu.memory_space<vmem>>, vector<16xf32>,
    %get3A_865 = arith.constant 5 : i32
    %get3A_866 = arith.index_cast %get3A_865 : i32 to index
    %get3A_867 = arith.constant 32 : index
    %get3A_868 = tpu.vector_load %arg15[%get3A_866, %get3A_867] {strides = array<i32>} : memref<16x128xf32, #tpu.memory_space<vmem>>, vector<16xf32>,
    %add3A_869 = arith.addf %get3A_864, %get3A_868 : vector<16xf32>
    %swap3A_870 = arith.constant 32 : index
    %swap3A_871 = tpu.vector_load %arg14[%swap3A_870] {strides = array<i32>} : memref<128xf32, #tpu.memory_space<vmem>>, vector<16xf32>,
    tpu.vector_store %arg14[%swap3A_870], %add3A_869 {strides = array<i32>} : memref<128xf32, #tpu.memory_space<vmem>>, vector<16xf32>,
    %get3A_872 = arith.constant 48 : index
    %get3A_873 = tpu.vector_load %arg14[%get3A_872] {strides = array<i32>} : memref<128xf32, #tpu.memory_space<vmem>>, vector<16xf32>,
    %get3A_874 = arith.constant 5 : i32
    %get3A_875 = arith.index_cast %get3A_874 : i32 to index
    %get3A_876 = arith.constant 48 : index
    %get3A_877 = tpu.vector_load %arg15[%get3A_875, %get3A_876] {strides = array<i32>} : memref<16x128xf32, #tpu.memory_space<vmem>>, vector<16xf32>,
    %add3A_878 = arith.addf %get3A_873, %get3A_877 : vector<16xf32>
    %swap3A_879 = arith.constant 48 : index
    %swap3A_880 = tpu.vector_load %arg14[%swap3A_879] {strides = array<i32>} : memref<128xf32, #tpu.memory_space<vmem>>, vector<16xf32>,
    tpu.vector_store %arg14[%swap3A_879], %add3A_878 {strides = array<i32>} : memref<128xf32, #tpu.memory_space<vmem>>, vector<16xf32>,
    %get3A_881 = arith.constant 64 : index
    %get3A_882 = tpu.vector_load %arg14[%get3A_881] {strides = array<i32>} : memref<128xf32, #tpu.memory_space<vmem>>, vector<16xf32>,
    %get3A_883 = arith.constant 5 : i32
    %get3A_884 = arith.index_cast %get3A_883 : i32 to index
    %get3A_885 = arith.constant 64 : index
    %get3A_886 = tpu.vector_load %arg15[%get3A_884, %get3A_885] {strides = array<i32>} : memref<16x128xf32, #tpu.memory_space<vmem>>, vector<16xf32>,
    %add3A_887 = arith.addf %get3A_882, %get3A_886 : vector<16xf32>
    %swap3A_888 = arith.constant 64 : index
    %swap3A_889 = tpu.vector_load %arg14[%swap3A_888] {strides = array<i32>} : memref<128xf32, #tpu.memory_space<vmem>>, vector<16xf32>,
    tpu.vector_store %arg14[%swap3A_888], %add3A_887 {strides = array<i32>} : memref<128xf32, #tpu.memory_space<vmem>>, vector<16xf32>,
    %get3A_890 = arith.constant 80 : index
    %get3A_891 = tpu.vector_load %arg14[%get3A_890] {strides = array<i32>} : memref<128xf32, #tpu.memory_space<vmem>>, vector<16xf32>,
    %get3A_892 = arith.constant 5 : i32
    %get3A_893 = arith.index_cast %get3A_892 : i32 to index
    %get3A_894 = arith.constant 80 : index
    %get3A_895 = tpu.vector_load %arg15[%get3A_893, %get3A_894] {strides = array<i32>} : memref<16x128xf32, #tpu.memory_space<vmem>>, vector<16xf32>,
    %add3A_896 = arith.addf %get3A_891, %get3A_895 : vector<16xf32>
    %swap3A_897 = arith.constant 80 : index
    %swap3A_898 = tpu.vector_load %arg14[%swap3A_897] {strides = array<i32>} : memref<128xf32, #tpu.memory_space<vmem>>, vector<16xf32>,
    tpu.vector_store %arg14[%swap3A_897], %add3A_896 {strides = array<i32>} : memref<128xf32, #tpu.memory_space<vmem>>, vector<16xf32>,
    %get3A_899 = arith.constant 96 : index
    %get3A_900 = tpu.vector_load %arg14[%get3A_899] {strides = array<i32>} : memref<128xf32, #tpu.memory_space<vmem>>, vector<16xf32>,
    %get3A_901 = arith.constant 5 : i32
    %get3A_902 = arith.index_cast %get3A_901 : i32 to index
    %get3A_903 = arith.constant 96 : index
    %get3A_904 = tpu.vector_load %arg15[%get3A_902, %get3A_903] {strides = array<i32>} : memref<16x128xf32, #tpu.memory_space<vmem>>, vector<16xf32>,
    %add3A_905 = arith.addf %get3A_900, %get3A_904 : vector<16xf32>
    %swap3A_906 = arith.constant 96 : index
    %swap3A_907 = tpu.vector_load %arg14[%swap3A_906] {strides = array<i32>} : memref<128xf32, #tpu.memory_space<vmem>>, vector<16xf32>,
    tpu.vector_store %arg14[%swap3A_906], %add3A_905 {strides = array<i32>} : memref<128xf32, #tpu.memory_space<vmem>>, vector<16xf32>,
    %get3A_908 = arith.constant 112 : index
    %get3A_909 = tpu.vector_load %arg14[%get3A_908] {strides = array<i32>} : memref<128xf32, #tpu.memory_space<vmem>>, vector<16xf32>,
    %get3A_910 = arith.constant 5 : i32
    %get3A_911 = arith.index_cast %get3A_910 : i32 to index
    %get3A_912 = arith.constant 112 : index
    %get3A_913 = tpu.vector_load %arg15[%get3A_911, %get3A_912] {strides = array<i32>} : memref<16x128xf32, #tpu.memory_space<vmem>>, vector<16xf32>,
    %add3A_914 = arith.addf %get3A_909, %get3A_913 : vector<16xf32>
    %swap3A_915 = arith.constant 112 : index
    %swap3A_916 = tpu.vector_load %arg14[%swap3A_915] {strides = array<i32>} : memref<128xf32, #tpu.memory_space<vmem>>, vector<16xf32>,
    tpu.vector_store %arg14[%swap3A_915], %add3A_914 {strides = array<i32>} : memref<128xf32, #tpu.memory_space<vmem>>, vector<16xf32>,
    %get3A_917 = arith.constant 0 : index
    %get3A_918 = tpu.vector_load %arg14[%get3A_917] {strides = array<i32>} : memref<128xf32, #tpu.memory_space<vmem>>, vector<16xf32>,
    %get3A_919 = arith.constant 6 : i32
    %get3A_920 = arith.index_cast %get3A_919 : i32 to index
    %get3A_921 = arith.constant 0 : index
    %get3A_922 = tpu.vector_load %arg15[%get3A_920, %get3A_921] {strides = array<i32>} : memref<16x128xf32, #tpu.memory_space<vmem>>, vector<16xf32>,
    %add3A_923 = arith.addf %get3A_918, %get3A_922 : vector<16xf32>
    %swap3A_924 = arith.constant 0 : index
    %swap3A_925 = tpu.vector_load %arg14[%swap3A_924] {strides = array<i32>} : memref<128xf32, #tpu.memory_space<vmem>>, vector<16xf32>,
    tpu.vector_store %arg14[%swap3A_924], %add3A_923 {strides = array<i32>} : memref<128xf32, #tpu.memory_space<vmem>>, vector<16xf32>,
    %get3A_926 = arith.constant 16 : index
    %get3A_927 = tpu.vector_load %arg14[%get3A_926] {strides = array<i32>} : memref<128xf32, #tpu.memory_space<vmem>>, vector<16xf32>,
    %get3A_928 = arith.constant 6 : i32
    %get3A_929 = arith.index_cast %get3A_928 : i32 to index
    %get3A_930 = arith.constant 16 : index
    %get3A_931 = tpu.vector_load %arg15[%get3A_929, %get3A_930] {strides = array<i32>} : memref<16x128xf32, #tpu.memory_space<vmem>>, vector<16xf32>,
    %add3A_932 = arith.addf %get3A_927, %get3A_931 : vector<16xf32>
    %swap3A_933 = arith.constant 16 : index
    %swap3A_934 = tpu.vector_load %arg14[%swap3A_933] {strides = array<i32>} : memref<128xf32, #tpu.memory_space<vmem>>, vector<16xf32>,
    tpu.vector_store %arg14[%swap3A_933], %add3A_932 {strides = array<i32>} : memref<128xf32, #tpu.memory_space<vmem>>, vector<16xf32>,
    %get3A_935 = arith.constant 32 : index
    %get3A_936 = tpu.vector_load %arg14[%get3A_935] {strides = array<i32>} : memref<128xf32, #tpu.memory_space<vmem>>, vector<16xf32>,
    %get3A_937 = arith.constant 6 : i32
    %get3A_938 = arith.index_cast %get3A_937 : i32 to index
    %get3A_939 = arith.constant 32 : index
    %get3A_940 = tpu.vector_load %arg15[%get3A_938, %get3A_939] {strides = array<i32>} : memref<16x128xf32, #tpu.memory_space<vmem>>, vector<16xf32>,
    %add3A_941 = arith.addf %get3A_936, %get3A_940 : vector<16xf32>
    %swap3A_942 = arith.constant 32 : index
    %swap3A_943 = tpu.vector_load %arg14[%swap3A_942] {strides = array<i32>} : memref<128xf32, #tpu.memory_space<vmem>>, vector<16xf32>,
    tpu.vector_store %arg14[%swap3A_942], %add3A_941 {strides = array<i32>} : memref<128xf32, #tpu.memory_space<vmem>>, vector<16xf32>,
    %get3A_944 = arith.constant 48 : index
    %get3A_945 = tpu.vector_load %arg14[%get3A_944] {strides = array<i32>} : memref<128xf32, #tpu.memory_space<vmem>>, vector<16xf32>,
    %get3A_946 = arith.constant 6 : i32
    %get3A_947 = arith.index_cast %get3A_946 : i32 to index
    %get3A_948 = arith.constant 48 : index
    %get3A_949 = tpu.vector_load %arg15[%get3A_947, %get3A_948] {strides = array<i32>} : memref<16x128xf32, #tpu.memory_space<vmem>>, vector<16xf32>,
    %add3A_950 = arith.addf %get3A_945, %get3A_949 : vector<16xf32>
    %swap3A_951 = arith.constant 48 : index
    %swap3A_952 = tpu.vector_load %arg14[%swap3A_951] {strides = array<i32>} : memref<128xf32, #tpu.memory_space<vmem>>, vector<16xf32>,
    tpu.vector_store %arg14[%swap3A_951], %add3A_950 {strides = array<i32>} : memref<128xf32, #tpu.memory_space<vmem>>, vector<16xf32>,
    %get3A_953 = arith.constant 64 : index
    %get3A_954 = tpu.vector_load %arg14[%get3A_953] {strides = array<i32>} : memref<128xf32, #tpu.memory_space<vmem>>, vector<16xf32>,
    %get3A_955 = arith.constant 6 : i32
    %get3A_956 = arith.index_cast %get3A_955 : i32 to index
    %get3A_957 = arith.constant 64 : index
    %get3A_958 = tpu.vector_load %arg15[%get3A_956, %get3A_957] {strides = array<i32>} : memref<16x128xf32, #tpu.memory_space<vmem>>, vector<16xf32>,
    %add3A_959 = arith.addf %get3A_954, %get3A_958 : vector<16xf32>
    %swap3A_960 = arith.constant 64 : index
    %swap3A_961 = tpu.vector_load %arg14[%swap3A_960] {strides = array<i32>} : memref<128xf32, #tpu.memory_space<vmem>>, vector<16xf32>,
    tpu.vector_store %arg14[%swap3A_960], %add3A_959 {strides = array<i32>} : memref<128xf32, #tpu.memory_space<vmem>>, vector<16xf32>,
    %get3A_962 = arith.constant 80 : index
    %get3A_963 = tpu.vector_load %arg14[%get3A_962] {strides = array<i32>} : memref<128xf32, #tpu.memory_space<vmem>>, vector<16xf32>,
    %get3A_964 = arith.constant 6 : i32
    %get3A_965 = arith.index_cast %get3A_964 : i32 to index
    %get3A_966 = arith.constant 80 : index
    %get3A_967 = tpu.vector_load %arg15[%get3A_965, %get3A_966] {strides = array<i32>} : memref<16x128xf32, #tpu.memory_space<vmem>>, vector<16xf32>,
    %add3A_968 = arith.addf %get3A_963, %get3A_967 : vector<16xf32>
    %swap3A_969 = arith.constant 80 : index
    %swap3A_970 = tpu.vector_load %arg14[%swap3A_969] {strides = array<i32>} : memref<128xf32, #tpu.memory_space<vmem>>, vector<16xf32>,
    tpu.vector_store %arg14[%swap3A_969], %add3A_968 {strides = array<i32>} : memref<128xf32, #tpu.memory_space<vmem>>, vector<16xf32>,
    %get3A_971 = arith.constant 96 : index
    %get3A_972 = tpu.vector_load %arg14[%get3A_971] {strides = array<i32>} : memref<128xf32, #tpu.memory_space<vmem>>, vector<16xf32>,
    %get3A_973 = arith.constant 6 : i32
    %get3A_974 = arith.index_cast %get3A_973 : i32 to index
    %get3A_975 = arith.constant 96 : index
    %get3A_976 = tpu.vector_load %arg15[%get3A_974, %get3A_975] {strides = array<i32>} : memref<16x128xf32, #tpu.memory_space<vmem>>, vector<16xf32>,
    %add3A_977 = arith.addf %get3A_972, %get3A_976 : vector<16xf32>
    %swap3A_978 = arith.constant 96 : index
    %swap3A_979 = tpu.vector_load %arg14[%swap3A_978] {strides = array<i32>} : memref<128xf32, #tpu.memory_space<vmem>>, vector<16xf32>,
    tpu.vector_store %arg14[%swap3A_978], %add3A_977 {strides = array<i32>} : memref<128xf32, #tpu.memory_space<vmem>>, vector<16xf32>,
    %get3A_980 = arith.constant 112 : index
    %get3A_981 = tpu.vector_load %arg14[%get3A_980] {strides = array<i32>} : memref<128xf32, #tpu.memory_space<vmem>>, vector<16xf32>,
    %get3A_982 = arith.constant 6 : i32
    %get3A_983 = arith.index_cast %get3A_982 : i32 to index
    %get3A_984 = arith.constant 112 : index
    %get3A_985 = tpu.vector_load %arg15[%get3A_983, %get3A_984] {strides = array<i32>} : memref<16x128xf32, #tpu.memory_space<vmem>>, vector<16xf32>,
    %add3A_986 = arith.addf %get3A_981, %get3A_985 : vector<16xf32>
    %swap3A_987 = arith.constant 112 : index
    %swap3A_988 = tpu.vector_load %arg14[%swap3A_987] {strides = array<i32>} : memref<128xf32, #tpu.memory_space<vmem>>, vector<16xf32>,
    tpu.vector_store %arg14[%swap3A_987], %add3A_986 {strides = array<i32>} : memref<128xf32, #tpu.memory_space<vmem>>, vector<16xf32>,
    %get3A_989 = arith.constant 0 : index
    %get3A_990 = tpu.vector_load %arg14[%get3A_989] {strides = array<i32>} : memref<128xf32, #tpu.memory_space<vmem>>, vector<16xf32>,
    %get3A_991 = arith.constant 7 : i32
    %get3A_992 = arith.index_cast %get3A_991 : i32 to index
    %get3A_993 = arith.constant 0 : index
    %get3A_994 = tpu.vector_load %arg15[%get3A_992, %get3A_993] {strides = array<i32>} : memref<16x128xf32, #tpu.memory_space<vmem>>, vector<16xf32>,
    %add3A_995 = arith.addf %get3A_990, %get3A_994 : vector<16xf32>
    %swap3A_996 = arith.constant 0 : index
    %swap3A_997 = tpu.vector_load %arg14[%swap3A_996] {strides = array<i32>} : memref<128xf32, #tpu.memory_space<vmem>>, vector<16xf32>,
    tpu.vector_store %arg14[%swap3A_996], %add3A_995 {strides = array<i32>} : memref<128xf32, #tpu.memory_space<vmem>>, vector<16xf32>,
    %get3A_998 = arith.constant 16 : index
    %get3A_999 = tpu.vector_load %arg14[%get3A_998] {strides = array<i32>} : memref<128xf32, #tpu.memory_space<vmem>>, vector<16xf32>,
    %get3A_1000 = arith.constant 7 : i32
    %get3A_1001 = arith.index_cast %get3A_1000 : i32 to index
    %get3A_1002 = arith.constant 16 : index
    %get3A_1003 = tpu.vector_load %arg15[%get3A_1001, %get3A_1002] {strides = array<i32>} : memref<16x128xf32, #tpu.memory_space<vmem>>, vector<16xf32>,
    %add3A_1004 = arith.addf %get3A_999, %get3A_1003 : vector<16xf32>
    %swap3A_1005 = arith.constant 16 : index
    %swap3A_1006 = tpu.vector_load %arg14[%swap3A_1005] {strides = array<i32>} : memref<128xf32, #tpu.memory_space<vmem>>, vector<16xf32>,
    tpu.vector_store %arg14[%swap3A_1005], %add3A_1004 {strides = array<i32>} : memref<128xf32, #tpu.memory_space<vmem>>, vector<16xf32>,
    %get3A_1007 = arith.constant 32 : index
    %get3A_1008 = tpu.vector_load %arg14[%get3A_1007] {strides = array<i32>} : memref<128xf32, #tpu.memory_space<vmem>>, vector<16xf32>,
    %get3A_1009 = arith.constant 7 : i32
    %get3A_1010 = arith.index_cast %get3A_1009 : i32 to index
    %get3A_1011 = arith.constant 32 : index
    %get3A_1012 = tpu.vector_load %arg15[%get3A_1010, %get3A_1011] {strides = array<i32>} : memref<16x128xf32, #tpu.memory_space<vmem>>, vector<16xf32>,
    %add3A_1013 = arith.addf %get3A_1008, %get3A_1012 : vector<16xf32>
    %swap3A_1014 = arith.constant 32 : index
    %swap3A_1015 = tpu.vector_load %arg14[%swap3A_1014] {strides = array<i32>} : memref<128xf32, #tpu.memory_space<vmem>>, vector<16xf32>,
    tpu.vector_store %arg14[%swap3A_1014], %add3A_1013 {strides = array<i32>} : memref<128xf32, #tpu.memory_space<vmem>>, vector<16xf32>,
    %get3A_1016 = arith.constant 48 : index
    %get3A_1017 = tpu.vector_load %arg14[%get3A_1016] {strides = array<i32>} : memref<128xf32, #tpu.memory_space<vmem>>, vector<16xf32>,
    %get3A_1018 = arith.constant 7 : i32
    %get3A_1019 = arith.index_cast %get3A_1018 : i32 to index
    %get3A_1020 = arith.constant 48 : index
    %get3A_1021 = tpu.vector_load %arg15[%get3A_1019, %get3A_1020] {strides = array<i32>} : memref<16x128xf32, #tpu.memory_space<vmem>>, vector<16xf32>,
    %add3A_1022 = arith.addf %get3A_1017, %get3A_1021 : vector<16xf32>
    %swap3A_1023 = arith.constant 48 : index
    %swap3A_1024 = tpu.vector_load %arg14[%swap3A_1023] {strides = array<i32>} : memref<128xf32, #tpu.memory_space<vmem>>, vector<16xf32>,
    tpu.vector_store %arg14[%swap3A_1023], %add3A_1022 {strides = array<i32>} : memref<128xf32, #tpu.memory_space<vmem>>, vector<16xf32>,
    %get3A_1025 = arith.constant 64 : index
    %get3A_1026 = tpu.vector_load %arg14[%get3A_1025] {strides = array<i32>} : memref<128xf32, #tpu.memory_space<vmem>>, vector<16xf32>,
    %get3A_1027 = arith.constant 7 : i32
    %get3A_1028 = arith.index_cast %get3A_1027 : i32 to index
    %get3A_1029 = arith.constant 64 : index
    %get3A_1030 = tpu.vector_load %arg15[%get3A_1028, %get3A_1029] {strides = array<i32>} : memref<16x128xf32, #tpu.memory_space<vmem>>, vector<16xf32>,
    %add3A_1031 = arith.addf %get3A_1026, %get3A_1030 : vector<16xf32>
    %swap3A_1032 = arith.constant 64 : index
    %swap3A_1033 = tpu.vector_load %arg14[%swap3A_1032] {strides = array<i32>} : memref<128xf32, #tpu.memory_space<vmem>>, vector<16xf32>,
    tpu.vector_store %arg14[%swap3A_1032], %add3A_1031 {strides = array<i32>} : memref<128xf32, #tpu.memory_space<vmem>>, vector<16xf32>,
    %get3A_1034 = arith.constant 80 : index
    %get3A_1035 = tpu.vector_load %arg14[%get3A_1034] {strides = array<i32>} : memref<128xf32, #tpu.memory_space<vmem>>, vector<16xf32>,
    %get3A_1036 = arith.constant 7 : i32
    %get3A_1037 = arith.index_cast %get3A_1036 : i32 to index
    %get3A_1038 = arith.constant 80 : index
    %get3A_1039 = tpu.vector_load %arg15[%get3A_1037, %get3A_1038] {strides = array<i32>} : memref<16x128xf32, #tpu.memory_space<vmem>>, vector<16xf32>,
    %add3A_1040 = arith.addf %get3A_1035, %get3A_1039 : vector<16xf32>
    %swap3A_1041 = arith.constant 80 : index
    %swap3A_1042 = tpu.vector_load %arg14[%swap3A_1041] {strides = array<i32>} : memref<128xf32, #tpu.memory_space<vmem>>, vector<16xf32>,
    tpu.vector_store %arg14[%swap3A_1041], %add3A_1040 {strides = array<i32>} : memref<128xf32, #tpu.memory_space<vmem>>, vector<16xf32>,
    %get3A_1043 = arith.constant 96 : index
    %get3A_1044 = tpu.vector_load %arg14[%get3A_1043] {strides = array<i32>} : memref<128xf32, #tpu.memory_space<vmem>>, vector<16xf32>,
    %get3A_1045 = arith.constant 7 : i32
    %get3A_1046 = arith.index_cast %get3A_1045 : i32 to index
    %get3A_1047 = arith.constant 96 : index
    %get3A_1048 = tpu.vector_load %arg15[%get3A_1046, %get3A_1047] {strides = array<i32>} : memref<16x128xf32, #tpu.memory_space<vmem>>, vector<16xf32>,
    %add3A_1049 = arith.addf %get3A_1044, %get3A_1048 : vector<16xf32>
    %swap3A_1050 = arith.constant 96 : index
    %swap3A_1051 = tpu.vector_load %arg14[%swap3A_1050] {strides = array<i32>} : memref<128xf32, #tpu.memory_space<vmem>>, vector<16xf32>,
    tpu.vector_store %arg14[%swap3A_1050], %add3A_1049 {strides = array<i32>} : memref<128xf32, #tpu.memory_space<vmem>>, vector<16xf32>,
    %get3A_1052 = arith.constant 112 : index
    %get3A_1053 = tpu.vector_load %arg14[%get3A_1052] {strides = array<i32>} : memref<128xf32, #tpu.memory_space<vmem>>, vector<16xf32>,
    %get3A_1054 = arith.constant 7 : i32
    %get3A_1055 = arith.index_cast %get3A_1054 : i32 to index
    %get3A_1056 = arith.constant 112 : index
    %get3A_1057 = tpu.vector_load %arg15[%get3A_1055, %get3A_1056] {strides = array<i32>} : memref<16x128xf32, #tpu.memory_space<vmem>>, vector<16xf32>,
    %add3A_1058 = arith.addf %get3A_1053, %get3A_1057 : vector<16xf32>
    %swap3A_1059 = arith.constant 112 : index
    %swap3A_1060 = tpu.vector_load %arg14[%swap3A_1059] {strides = array<i32>} : memref<128xf32, #tpu.memory_space<vmem>>, vector<16xf32>,
    tpu.vector_store %arg14[%swap3A_1059], %add3A_1058 {strides = array<i32>} : memref<128xf32, #tpu.memory_space<vmem>>, vector<16xf32>,
    %get3A_1061 = arith.constant 0 : index
    %get3A_1062 = tpu.vector_load %arg14[%get3A_1061] {strides = array<i32>} : memref<128xf32, #tpu.memory_space<vmem>>, vector<16xf32>,
    %get3A_1063 = arith.constant 8 : i32
    %get3A_1064 = arith.index_cast %get3A_1063 : i32 to index
    %get3A_1065 = arith.constant 0 : index
    %get3A_1066 = tpu.vector_load %arg15[%get3A_1064, %get3A_1065] {strides = array<i32>} : memref<16x128xf32, #tpu.memory_space<vmem>>, vector<16xf32>,
    %add3A_1067 = arith.addf %get3A_1062, %get3A_1066 : vector<16xf32>
    %swap3A_1068 = arith.constant 0 : index
    %swap3A_1069 = tpu.vector_load %arg14[%swap3A_1068] {strides = array<i32>} : memref<128xf32, #tpu.memory_space<vmem>>, vector<16xf32>,
    tpu.vector_store %arg14[%swap3A_1068], %add3A_1067 {strides = array<i32>} : memref<128xf32, #tpu.memory_space<vmem>>, vector<16xf32>,
    %get3A_1070 = arith.constant 16 : index
    %get3A_1071 = tpu.vector_load %arg14[%get3A_1070] {strides = array<i32>} : memref<128xf32, #tpu.memory_space<vmem>>, vector<16xf32>,
    %get3A_1072 = arith.constant 8 : i32
    %get3A_1073 = arith.index_cast %get3A_1072 : i32 to index
    %get3A_1074 = arith.constant 16 : index
    %get3A_1075 = tpu.vector_load %arg15[%get3A_1073, %get3A_1074] {strides = array<i32>} : memref<16x128xf32, #tpu.memory_space<vmem>>, vector<16xf32>,
    %add3A_1076 = arith.addf %get3A_1071, %get3A_1075 : vector<16xf32>
    %swap3A_1077 = arith.constant 16 : index
    %swap3A_1078 = tpu.vector_load %arg14[%swap3A_1077] {strides = array<i32>} : memref<128xf32, #tpu.memory_space<vmem>>, vector<16xf32>,
    tpu.vector_store %arg14[%swap3A_1077], %add3A_1076 {strides = array<i32>} : memref<128xf32, #tpu.memory_space<vmem>>, vector<16xf32>,
    %get3A_1079 = arith.constant 32 : index
    %get3A_1080 = tpu.vector_load %arg14[%get3A_1079] {strides = array<i32>} : memref<128xf32, #tpu.memory_space<vmem>>, vector<16xf32>,
    %get3A_1081 = arith.constant 8 : i32
    %get3A_1082 = arith.index_cast %get3A_1081 : i32 to index
    %get3A_1083 = arith.constant 32 : index
    %get3A_1084 = tpu.vector_load %arg15[%get3A_1082, %get3A_1083] {strides = array<i32>} : memref<16x128xf32, #tpu.memory_space<vmem>>, vector<16xf32>,
    %add3A_1085 = arith.addf %get3A_1080, %get3A_1084 : vector<16xf32>
    %swap3A_1086 = arith.constant 32 : index
    %swap3A_1087 = tpu.vector_load %arg14[%swap3A_1086] {strides = array<i32>} : memref<128xf32, #tpu.memory_space<vmem>>, vector<16xf32>,
    tpu.vector_store %arg14[%swap3A_1086], %add3A_1085 {strides = array<i32>} : memref<128xf32, #tpu.memory_space<vmem>>, vector<16xf32>,
    %get3A_1088 = arith.constant 48 : index
    %get3A_1089 = tpu.vector_load %arg14[%get3A_1088] {strides = array<i32>} : memref<128xf32, #tpu.memory_space<vmem>>, vector<16xf32>,
    %get3A_1090 = arith.constant 8 : i32
    %get3A_1091 = arith.index_cast %get3A_1090 : i32 to index
    %get3A_1092 = arith.constant 48 : index
    %get3A_1093 = tpu.vector_load %arg15[%get3A_1091, %get3A_1092] {strides = array<i32>} : memref<16x128xf32, #tpu.memory_space<vmem>>, vector<16xf32>,
    %add3A_1094 = arith.addf %get3A_1089, %get3A_1093 : vector<16xf32>
    %swap3A_1095 = arith.constant 48 : index
    %swap3A_1096 = tpu.vector_load %arg14[%swap3A_1095] {strides = array<i32>} : memref<128xf32, #tpu.memory_space<vmem>>, vector<16xf32>,
    tpu.vector_store %arg14[%swap3A_1095], %add3A_1094 {strides = array<i32>} : memref<128xf32, #tpu.memory_space<vmem>>, vector<16xf32>,
    %get3A_1097 = arith.constant 64 : index
    %get3A_1098 = tpu.vector_load %arg14[%get3A_1097] {strides = array<i32>} : memref<128xf32, #tpu.memory_space<vmem>>, vector<16xf32>,
    %get3A_1099 = arith.constant 8 : i32
    %get3A_1100 = arith.index_cast %get3A_1099 : i32 to index
    %get3A_1101 = arith.constant 64 : index
    %get3A_1102 = tpu.vector_load %arg15[%get3A_1100, %get3A_1101] {strides = array<i32>} : memref<16x128xf32, #tpu.memory_space<vmem>>, vector<16xf32>,
    %add3A_1103 = arith.addf %get3A_1098, %get3A_1102 : vector<16xf32>
    %swap3A_1104 = arith.constant 64 : index
    %swap3A_1105 = tpu.vector_load %arg14[%swap3A_1104] {strides = array<i32>} : memref<128xf32, #tpu.memory_space<vmem>>, vector<16xf32>,
    tpu.vector_store %arg14[%swap3A_1104], %add3A_1103 {strides = array<i32>} : memref<128xf32, #tpu.memory_space<vmem>>, vector<16xf32>,
    %get3A_1106 = arith.constant 80 : index
    %get3A_1107 = tpu.vector_load %arg14[%get3A_1106] {strides = array<i32>} : memref<128xf32, #tpu.memory_space<vmem>>, vector<16xf32>,
    %get3A_1108 = arith.constant 8 : i32
    %get3A_1109 = arith.index_cast %get3A_1108 : i32 to index
    %get3A_1110 = arith.constant 80 : index
    %get3A_1111 = tpu.vector_load %arg15[%get3A_1109, %get3A_1110] {strides = array<i32>} : memref<16x128xf32, #tpu.memory_space<vmem>>, vector<16xf32>,
    %add3A_1112 = arith.addf %get3A_1107, %get3A_1111 : vector<16xf32>
    %swap3A_1113 = arith.constant 80 : index
    %swap3A_1114 = tpu.vector_load %arg14[%swap3A_1113] {strides = array<i32>} : memref<128xf32, #tpu.memory_space<vmem>>, vector<16xf32>,
    tpu.vector_store %arg14[%swap3A_1113], %add3A_1112 {strides = array<i32>} : memref<128xf32, #tpu.memory_space<vmem>>, vector<16xf32>,
    %get3A_1115 = arith.constant 96 : index
    %get3A_1116 = tpu.vector_load %arg14[%get3A_1115] {strides = array<i32>} : memref<128xf32, #tpu.memory_space<vmem>>, vector<16xf32>,
    %get3A_1117 = arith.constant 8 : i32
    %get3A_1118 = arith.index_cast %get3A_1117 : i32 to index
    %get3A_1119 = arith.constant 96 : index
    %get3A_1120 = tpu.vector_load %arg15[%get3A_1118, %get3A_1119] {strides = array<i32>} : memref<16x128xf32, #tpu.memory_space<vmem>>, vector<16xf32>,
    %add3A_1121 = arith.addf %get3A_1116, %get3A_1120 : vector<16xf32>
    %swap3A_1122 = arith.constant 96 : index
    %swap3A_1123 = tpu.vector_load %arg14[%swap3A_1122] {strides = array<i32>} : memref<128xf32, #tpu.memory_space<vmem>>, vector<16xf32>,
    tpu.vector_store %arg14[%swap3A_1122], %add3A_1121 {strides = array<i32>} : memref<128xf32, #tpu.memory_space<vmem>>, vector<16xf32>,
    %get3A_1124 = arith.constant 112 : index
    %get3A_1125 = tpu.vector_load %arg14[%get3A_1124] {strides = array<i32>} : memref<128xf32, #tpu.memory_space<vmem>>, vector<16xf32>,
    %get3A_1126 = arith.constant 8 : i32
    %get3A_1127 = arith.index_cast %get3A_1126 : i32 to index
    %get3A_1128 = arith.constant 112 : index
    %get3A_1129 = tpu.vector_load %arg15[%get3A_1127, %get3A_1128] {strides = array<i32>} : memref<16x128xf32, #tpu.memory_space<vmem>>, vector<16xf32>,
    %add3A_1130 = arith.addf %get3A_1125, %get3A_1129 : vector<16xf32>
    %swap3A_1131 = arith.constant 112 : index
    %swap3A_1132 = tpu.vector_load %arg14[%swap3A_1131] {strides = array<i32>} : memref<128xf32, #tpu.memory_space<vmem>>, vector<16xf32>,
    tpu.vector_store %arg14[%swap3A_1131], %add3A_1130 {strides = array<i32>} : memref<128xf32, #tpu.memory_space<vmem>>, vector<16xf32>,
    %get3A_1133 = arith.constant 0 : index
    %get3A_1134 = tpu.vector_load %arg14[%get3A_1133] {strides = array<i32>} : memref<128xf32, #tpu.memory_space<vmem>>, vector<16xf32>,
    %get3A_1135 = arith.constant 9 : i32
    %get3A_1136 = arith.index_cast %get3A_1135 : i32 to index
    %get3A_1137 = arith.constant 0 : index
    %get3A_1138 = tpu.vector_load %arg15[%get3A_1136, %get3A_1137] {strides = array<i32>} : memref<16x128xf32, #tpu.memory_space<vmem>>, vector<16xf32>,
    %add3A_1139 = arith.addf %get3A_1134, %get3A_1138 : vector<16xf32>
    %swap3A_1140 = arith.constant 0 : index
    %swap3A_1141 = tpu.vector_load %arg14[%swap3A_1140] {strides = array<i32>} : memref<128xf32, #tpu.memory_space<vmem>>, vector<16xf32>,
    tpu.vector_store %arg14[%swap3A_1140], %add3A_1139 {strides = array<i32>} : memref<128xf32, #tpu.memory_space<vmem>>, vector<16xf32>,
    %get3A_1142 = arith.constant 16 : index
    %get3A_1143 = tpu.vector_load %arg14[%get3A_1142] {strides = array<i32>} : memref<128xf32, #tpu.memory_space<vmem>>, vector<16xf32>,
    %get3A_1144 = arith.constant 9 : i32
    %get3A_1145 = arith.index_cast %get3A_1144 : i32 to index
    %get3A_1146 = arith.constant 16 : index
    %get3A_1147 = tpu.vector_load %arg15[%get3A_1145, %get3A_1146] {strides = array<i32>} : memref<16x128xf32, #tpu.memory_space<vmem>>, vector<16xf32>,
    %add3A_1148 = arith.addf %get3A_1143, %get3A_1147 : vector<16xf32>
    %swap3A_1149 = arith.constant 16 : index
    %swap3A_1150 = tpu.vector_load %arg14[%swap3A_1149] {strides = array<i32>} : memref<128xf32, #tpu.memory_space<vmem>>, vector<16xf32>,
    tpu.vector_store %arg14[%swap3A_1149], %add3A_1148 {strides = array<i32>} : memref<128xf32, #tpu.memory_space<vmem>>, vector<16xf32>,
    %get3A_1151 = arith.constant 32 : index
    %get3A_1152 = tpu.vector_load %arg14[%get3A_1151] {strides = array<i32>} : memref<128xf32, #tpu.memory_space<vmem>>, vector<16xf32>,
    %get3A_1153 = arith.constant 9 : i32
    %get3A_1154 = arith.index_cast %get3A_1153 : i32 to index
    %get3A_1155 = arith.constant 32 : index
    %get3A_1156 = tpu.vector_load %arg15[%get3A_1154, %get3A_1155] {strides = array<i32>} : memref<16x128xf32, #tpu.memory_space<vmem>>, vector<16xf32>,
    %add3A_1157 = arith.addf %get3A_1152, %get3A_1156 : vector<16xf32>
    %swap3A_1158 = arith.constant 32 : index
    %swap3A_1159 = tpu.vector_load %arg14[%swap3A_1158] {strides = array<i32>} : memref<128xf32, #tpu.memory_space<vmem>>, vector<16xf32>,
    tpu.vector_store %arg14[%swap3A_1158], %add3A_1157 {strides = array<i32>} : memref<128xf32, #tpu.memory_space<vmem>>, vector<16xf32>,
    %get3A_1160 = arith.constant 48 : index
    %get3A_1161 = tpu.vector_load %arg14[%get3A_1160] {strides = array<i32>} : memref<128xf32, #tpu.memory_space<vmem>>, vector<16xf32>,
    %get3A_1162 = arith.constant 9 : i32
    %get3A_1163 = arith.index_cast %get3A_1162 : i32 to index
    %get3A_1164 = arith.constant 48 : index
    %get3A_1165 = tpu.vector_load %arg15[%get3A_1163, %get3A_1164] {strides = array<i32>} : memref<16x128xf32, #tpu.memory_space<vmem>>, vector<16xf32>,
    %add3A_1166 = arith.addf %get3A_1161, %get3A_1165 : vector<16xf32>
    %swap3A_1167 = arith.constant 48 : index
    %swap3A_1168 = tpu.vector_load %arg14[%swap3A_1167] {strides = array<i32>} : memref<128xf32, #tpu.memory_space<vmem>>, vector<16xf32>,
    tpu.vector_store %arg14[%swap3A_1167], %add3A_1166 {strides = array<i32>} : memref<128xf32, #tpu.memory_space<vmem>>, vector<16xf32>,
    %get3A_1169 = arith.constant 64 : index
    %get3A_1170 = tpu.vector_load %arg14[%get3A_1169] {strides = array<i32>} : memref<128xf32, #tpu.memory_space<vmem>>, vector<16xf32>,
    %get3A_1171 = arith.constant 9 : i32
    %get3A_1172 = arith.index_cast %get3A_1171 : i32 to index
    %get3A_1173 = arith.constant 64 : index
    %get3A_1174 = tpu.vector_load %arg15[%get3A_1172, %get3A_1173] {strides = array<i32>} : memref<16x128xf32, #tpu.memory_space<vmem>>, vector<16xf32>,
    %add3A_1175 = arith.addf %get3A_1170, %get3A_1174 : vector<16xf32>
    %swap3A_1176 = arith.constant 64 : index
    %swap3A_1177 = tpu.vector_load %arg14[%swap3A_1176] {strides = array<i32>} : memref<128xf32, #tpu.memory_space<vmem>>, vector<16xf32>,
    tpu.vector_store %arg14[%swap3A_1176], %add3A_1175 {strides = array<i32>} : memref<128xf32, #tpu.memory_space<vmem>>, vector<16xf32>,
    %get3A_1178 = arith.constant 80 : index
    %get3A_1179 = tpu.vector_load %arg14[%get3A_1178] {strides = array<i32>} : memref<128xf32, #tpu.memory_space<vmem>>, vector<16xf32>,
    %get3A_1180 = arith.constant 9 : i32
    %get3A_1181 = arith.index_cast %get3A_1180 : i32 to index
    %get3A_1182 = arith.constant 80 : index
    %get3A_1183 = tpu.vector_load %arg15[%get3A_1181, %get3A_1182] {strides = array<i32>} : memref<16x128xf32, #tpu.memory_space<vmem>>, vector<16xf32>,
    %add3A_1184 = arith.addf %get3A_1179, %get3A_1183 : vector<16xf32>
    %swap3A_1185 = arith.constant 80 : index
    %swap3A_1186 = tpu.vector_load %arg14[%swap3A_1185] {strides = array<i32>} : memref<128xf32, #tpu.memory_space<vmem>>, vector<16xf32>,
    tpu.vector_store %arg14[%swap3A_1185], %add3A_1184 {strides = array<i32>} : memref<128xf32, #tpu.memory_space<vmem>>, vector<16xf32>,
    %get3A_1187 = arith.constant 96 : index
    %get3A_1188 = tpu.vector_load %arg14[%get3A_1187] {strides = array<i32>} : memref<128xf32, #tpu.memory_space<vmem>>, vector<16xf32>,
    %get3A_1189 = arith.constant 9 : i32
    %get3A_1190 = arith.index_cast %get3A_1189 : i32 to index
    %get3A_1191 = arith.constant 96 : index
    %get3A_1192 = tpu.vector_load %arg15[%get3A_1190, %get3A_1191] {strides = array<i32>} : memref<16x128xf32, #tpu.memory_space<vmem>>, vector<16xf32>,
    %add3A_1193 = arith.addf %get3A_1188, %get3A_1192 : vector<16xf32>
    %swap3A_1194 = arith.constant 96 : index
    %swap3A_1195 = tpu.vector_load %arg14[%swap3A_1194] {strides = array<i32>} : memref<128xf32, #tpu.memory_space<vmem>>, vector<16xf32>,
    tpu.vector_store %arg14[%swap3A_1194], %add3A_1193 {strides = array<i32>} : memref<128xf32, #tpu.memory_space<vmem>>, vector<16xf32>,
    %get3A_1196 = arith.constant 112 : index
    %get3A_1197 = tpu.vector_load %arg14[%get3A_1196] {strides = array<i32>} : memref<128xf32, #tpu.memory_space<vmem>>, vector<16xf32>,
    %get3A_1198 = arith.constant 9 : i32
    %get3A_1199 = arith.index_cast %get3A_1198 : i32 to index
    %get3A_1200 = arith.constant 112 : index
    %get3A_1201 = tpu.vector_load %arg15[%get3A_1199, %get3A_1200] {strides = array<i32>} : memref<16x128xf32, #tpu.memory_space<vmem>>, vector<16xf32>,
    %add3A_1202 = arith.addf %get3A_1197, %get3A_1201 : vector<16xf32>
    %swap3A_1203 = arith.constant 112 : index
    %swap3A_1204 = tpu.vector_load %arg14[%swap3A_1203] {strides = array<i32>} : memref<128xf32, #tpu.memory_space<vmem>>, vector<16xf32>,
    tpu.vector_store %arg14[%swap3A_1203], %add3A_1202 {strides = array<i32>} : memref<128xf32, #tpu.memory_space<vmem>>, vector<16xf32>,
    %get3A_1205 = arith.constant 0 : index
    %get3A_1206 = tpu.vector_load %arg14[%get3A_1205] {strides = array<i32>} : memref<128xf32, #tpu.memory_space<vmem>>, vector<16xf32>,
    %get3A_1207 = arith.constant 10 : i32
    %get3A_1208 = arith.index_cast %get3A_1207 : i32 to index
    %get3A_1209 = arith.constant 0 : index
    %get3A_1210 = tpu.vector_load %arg15[%get3A_1208, %get3A_1209] {strides = array<i32>} : memref<16x128xf32, #tpu.memory_space<vmem>>, vector<16xf32>,
    %add3A_1211 = arith.addf %get3A_1206, %get3A_1210 : vector<16xf32>
    %swap3A_1212 = arith.constant 0 : index
    %swap3A_1213 = tpu.vector_load %arg14[%swap3A_1212] {strides = array<i32>} : memref<128xf32, #tpu.memory_space<vmem>>, vector<16xf32>,
    tpu.vector_store %arg14[%swap3A_1212], %add3A_1211 {strides = array<i32>} : memref<128xf32, #tpu.memory_space<vmem>>, vector<16xf32>,
    %get3A_1214 = arith.constant 16 : index
    %get3A_1215 = tpu.vector_load %arg14[%get3A_1214] {strides = array<i32>} : memref<128xf32, #tpu.memory_space<vmem>>, vector<16xf32>,
    %get3A_1216 = arith.constant 10 : i32
    %get3A_1217 = arith.index_cast %get3A_1216 : i32 to index
    %get3A_1218 = arith.constant 16 : index
    %get3A_1219 = tpu.vector_load %arg15[%get3A_1217, %get3A_1218] {strides = array<i32>} : memref<16x128xf32, #tpu.memory_space<vmem>>, vector<16xf32>,
    %add3A_1220 = arith.addf %get3A_1215, %get3A_1219 : vector<16xf32>
    %swap3A_1221 = arith.constant 16 : index
    %swap3A_1222 = tpu.vector_load %arg14[%swap3A_1221] {strides = array<i32>} : memref<128xf32, #tpu.memory_space<vmem>>, vector<16xf32>,
    tpu.vector_store %arg14[%swap3A_1221], %add3A_1220 {strides = array<i32>} : memref<128xf32, #tpu.memory_space<vmem>>, vector<16xf32>,
    %get3A_1223 = arith.constant 32 : index
    %get3A_1224 = tpu.vector_load %arg14[%get3A_1223] {strides = array<i32>} : memref<128xf32, #tpu.memory_space<vmem>>, vector<16xf32>,
    %get3A_1225 = arith.constant 10 : i32
    %get3A_1226 = arith.index_cast %get3A_1225 : i32 to index
    %get3A_1227 = arith.constant 32 : index
    %get3A_1228 = tpu.vector_load %arg15[%get3A_1226, %get3A_1227] {strides = array<i32>} : memref<16x128xf32, #tpu.memory_space<vmem>>, vector<16xf32>,
    %add3A_1229 = arith.addf %get3A_1224, %get3A_1228 : vector<16xf32>
    %swap3A_1230 = arith.constant 32 : index
    %swap3A_1231 = tpu.vector_load %arg14[%swap3A_1230] {strides = array<i32>} : memref<128xf32, #tpu.memory_space<vmem>>, vector<16xf32>,
    tpu.vector_store %arg14[%swap3A_1230], %add3A_1229 {strides = array<i32>} : memref<128xf32, #tpu.memory_space<vmem>>, vector<16xf32>,
    %get3A_1232 = arith.constant 48 : index
    %get3A_1233 = tpu.vector_load %arg14[%get3A_1232] {strides = array<i32>} : memref<128xf32, #tpu.memory_space<vmem>>, vector<16xf32>,
    %get3A_1234 = arith.constant 10 : i32
    %get3A_1235 = arith.index_cast %get3A_1234 : i32 to index
    %get3A_1236 = arith.constant 48 : index
    %get3A_1237 = tpu.vector_load %arg15[%get3A_1235, %get3A_1236] {strides = array<i32>} : memref<16x128xf32, #tpu.memory_space<vmem>>, vector<16xf32>,
    %add3A_1238 = arith.addf %get3A_1233, %get3A_1237 : vector<16xf32>
    %swap3A_1239 = arith.constant 48 : index
    %swap3A_1240 = tpu.vector_load %arg14[%swap3A_1239] {strides = array<i32>} : memref<128xf32, #tpu.memory_space<vmem>>, vector<16xf32>,
    tpu.vector_store %arg14[%swap3A_1239], %add3A_1238 {strides = array<i32>} : memref<128xf32, #tpu.memory_space<vmem>>, vector<16xf32>,
    %get3A_1241 = arith.constant 64 : index
    %get3A_1242 = tpu.vector_load %arg14[%get3A_1241] {strides = array<i32>} : memref<128xf32, #tpu.memory_space<vmem>>, vector<16xf32>,
    %get3A_1243 = arith.constant 10 : i32
    %get3A_1244 = arith.index_cast %get3A_1243 : i32 to index
    %get3A_1245 = arith.constant 64 : index
    %get3A_1246 = tpu.vector_load %arg15[%get3A_1244, %get3A_1245] {strides = array<i32>} : memref<16x128xf32, #tpu.memory_space<vmem>>, vector<16xf32>,
    %add3A_1247 = arith.addf %get3A_1242, %get3A_1246 : vector<16xf32>
    %swap3A_1248 = arith.constant 64 : index
    %swap3A_1249 = tpu.vector_load %arg14[%swap3A_1248] {strides = array<i32>} : memref<128xf32, #tpu.memory_space<vmem>>, vector<16xf32>,
    tpu.vector_store %arg14[%swap3A_1248], %add3A_1247 {strides = array<i32>} : memref<128xf32, #tpu.memory_space<vmem>>, vector<16xf32>,
    %get3A_1250 = arith.constant 80 : index
    %get3A_1251 = tpu.vector_load %arg14[%get3A_1250] {strides = array<i32>} : memref<128xf32, #tpu.memory_space<vmem>>, vector<16xf32>,
    %get3A_1252 = arith.constant 10 : i32
    %get3A_1253 = arith.index_cast %get3A_1252 : i32 to index
    %get3A_1254 = arith.constant 80 : index
    %get3A_1255 = tpu.vector_load %arg15[%get3A_1253, %get3A_1254] {strides = array<i32>} : memref<16x128xf32, #tpu.memory_space<vmem>>, vector<16xf32>,
    %add3A_1256 = arith.addf %get3A_1251, %get3A_1255 : vector<16xf32>
    %swap3A_1257 = arith.constant 80 : index
    %swap3A_1258 = tpu.vector_load %arg14[%swap3A_1257] {strides = array<i32>} : memref<128xf32, #tpu.memory_space<vmem>>, vector<16xf32>,
    tpu.vector_store %arg14[%swap3A_1257], %add3A_1256 {strides = array<i32>} : memref<128xf32, #tpu.memory_space<vmem>>, vector<16xf32>,
    %get3A_1259 = arith.constant 96 : index
    %get3A_1260 = tpu.vector_load %arg14[%get3A_1259] {strides = array<i32>} : memref<128xf32, #tpu.memory_space<vmem>>, vector<16xf32>,
    %get3A_1261 = arith.constant 10 : i32
    %get3A_1262 = arith.index_cast %get3A_1261 : i32 to index
    %get3A_1263 = arith.constant 96 : index
    %get3A_1264 = tpu.vector_load %arg15[%get3A_1262, %get3A_1263] {strides = array<i32>} : memref<16x128xf32, #tpu.memory_space<vmem>>, vector<16xf32>,
    %add3A_1265 = arith.addf %get3A_1260, %get3A_1264 : vector<16xf32>
    %swap3A_1266 = arith.constant 96 : index
    %swap3A_1267 = tpu.vector_load %arg14[%swap3A_1266] {strides = array<i32>} : memref<128xf32, #tpu.memory_space<vmem>>, vector<16xf32>,
    tpu.vector_store %arg14[%swap3A_1266], %add3A_1265 {strides = array<i32>} : memref<128xf32, #tpu.memory_space<vmem>>, vector<16xf32>,
    %get3A_1268 = arith.constant 112 : index
    %get3A_1269 = tpu.vector_load %arg14[%get3A_1268] {strides = array<i32>} : memref<128xf32, #tpu.memory_space<vmem>>, vector<16xf32>,
    %get3A_1270 = arith.constant 10 : i32
    %get3A_1271 = arith.index_cast %get3A_1270 : i32 to index
    %get3A_1272 = arith.constant 112 : index
    %get3A_1273 = tpu.vector_load %arg15[%get3A_1271, %get3A_1272] {strides = array<i32>} : memref<16x128xf32, #tpu.memory_space<vmem>>, vector<16xf32>,
    %add3A_1274 = arith.addf %get3A_1269, %get3A_1273 : vector<16xf32>
    %swap3A_1275 = arith.constant 112 : index
    %swap3A_1276 = tpu.vector_load %arg14[%swap3A_1275] {strides = array<i32>} : memref<128xf32, #tpu.memory_space<vmem>>, vector<16xf32>,
    tpu.vector_store %arg14[%swap3A_1275], %add3A_1274 {strides = array<i32>} : memref<128xf32, #tpu.memory_space<vmem>>, vector<16xf32>,
    %get3A_1277 = arith.constant 0 : index
    %get3A_1278 = tpu.vector_load %arg14[%get3A_1277] {strides = array<i32>} : memref<128xf32, #tpu.memory_space<vmem>>, vector<16xf32>,
    %get3A_1279 = arith.constant 11 : i32
    %get3A_1280 = arith.index_cast %get3A_1279 : i32 to index
    %get3A_1281 = arith.constant 0 : index
    %get3A_1282 = tpu.vector_load %arg15[%get3A_1280, %get3A_1281] {strides = array<i32>} : memref<16x128xf32, #tpu.memory_space<vmem>>, vector<16xf32>,
    %add3A_1283 = arith.addf %get3A_1278, %get3A_1282 : vector<16xf32>
    %swap3A_1284 = arith.constant 0 : index
    %swap3A_1285 = tpu.vector_load %arg14[%swap3A_1284] {strides = array<i32>} : memref<128xf32, #tpu.memory_space<vmem>>, vector<16xf32>,
    tpu.vector_store %arg14[%swap3A_1284], %add3A_1283 {strides = array<i32>} : memref<128xf32, #tpu.memory_space<vmem>>, vector<16xf32>,
    %get3A_1286 = arith.constant 16 : index
    %get3A_1287 = tpu.vector_load %arg14[%get3A_1286] {strides = array<i32>} : memref<128xf32, #tpu.memory_space<vmem>>, vector<16xf32>,
    %get3A_1288 = arith.constant 11 : i32
    %get3A_1289 = arith.index_cast %get3A_1288 : i32 to index
    %get3A_1290 = arith.constant 16 : index
    %get3A_1291 = tpu.vector_load %arg15[%get3A_1289, %get3A_1290] {strides = array<i32>} : memref<16x128xf32, #tpu.memory_space<vmem>>, vector<16xf32>,
    %add3A_1292 = arith.addf %get3A_1287, %get3A_1291 : vector<16xf32>
    %swap3A_1293 = arith.constant 16 : index
    %swap3A_1294 = tpu.vector_load %arg14[%swap3A_1293] {strides = array<i32>} : memref<128xf32, #tpu.memory_space<vmem>>, vector<16xf32>,
    tpu.vector_store %arg14[%swap3A_1293], %add3A_1292 {strides = array<i32>} : memref<128xf32, #tpu.memory_space<vmem>>, vector<16xf32>,
    %get3A_1295 = arith.constant 32 : index
    %get3A_1296 = tpu.vector_load %arg14[%get3A_1295] {strides = array<i32>} : memref<128xf32, #tpu.memory_space<vmem>>, vector<16xf32>,
    %get3A_1297 = arith.constant 11 : i32
    %get3A_1298 = arith.index_cast %get3A_1297 : i32 to index
    %get3A_1299 = arith.constant 32 : index
    %get3A_1300 = tpu.vector_load %arg15[%get3A_1298, %get3A_1299] {strides = array<i32>} : memref<16x128xf32, #tpu.memory_space<vmem>>, vector<16xf32>,
    %add3A_1301 = arith.addf %get3A_1296, %get3A_1300 : vector<16xf32>
    %swap3A_1302 = arith.constant 32 : index
    %swap3A_1303 = tpu.vector_load %arg14[%swap3A_1302] {strides = array<i32>} : memref<128xf32, #tpu.memory_space<vmem>>, vector<16xf32>,
    tpu.vector_store %arg14[%swap3A_1302], %add3A_1301 {strides = array<i32>} : memref<128xf32, #tpu.memory_space<vmem>>, vector<16xf32>,
    %get3A_1304 = arith.constant 48 : index
    %get3A_1305 = tpu.vector_load %arg14[%get3A_1304] {strides = array<i32>} : memref<128xf32, #tpu.memory_space<vmem>>, vector<16xf32>,
    %get3A_1306 = arith.constant 11 : i32
    %get3A_1307 = arith.index_cast %get3A_1306 : i32 to index
    %get3A_1308 = arith.constant 48 : index
    %get3A_1309 = tpu.vector_load %arg15[%get3A_1307, %get3A_1308] {strides = array<i32>} : memref<16x128xf32, #tpu.memory_space<vmem>>, vector<16xf32>,
    %add3A_1310 = arith.addf %get3A_1305, %get3A_1309 : vector<16xf32>
    %swap3A_1311 = arith.constant 48 : index
    %swap3A_1312 = tpu.vector_load %arg14[%swap3A_1311] {strides = array<i32>} : memref<128xf32, #tpu.memory_space<vmem>>, vector<16xf32>,
    tpu.vector_store %arg14[%swap3A_1311], %add3A_1310 {strides = array<i32>} : memref<128xf32, #tpu.memory_space<vmem>>, vector<16xf32>,
    %get3A_1313 = arith.constant 64 : index
    %get3A_1314 = tpu.vector_load %arg14[%get3A_1313] {strides = array<i32>} : memref<128xf32, #tpu.memory_space<vmem>>, vector<16xf32>,
    %get3A_1315 = arith.constant 11 : i32
    %get3A_1316 = arith.index_cast %get3A_1315 : i32 to index
    %get3A_1317 = arith.constant 64 : index
    %get3A_1318 = tpu.vector_load %arg15[%get3A_1316, %get3A_1317] {strides = array<i32>} : memref<16x128xf32, #tpu.memory_space<vmem>>, vector<16xf32>,
    %add3A_1319 = arith.addf %get3A_1314, %get3A_1318 : vector<16xf32>
    %swap3A_1320 = arith.constant 64 : index
    %swap3A_1321 = tpu.vector_load %arg14[%swap3A_1320] {strides = array<i32>} : memref<128xf32, #tpu.memory_space<vmem>>, vector<16xf32>,
    tpu.vector_store %arg14[%swap3A_1320], %add3A_1319 {strides = array<i32>} : memref<128xf32, #tpu.memory_space<vmem>>, vector<16xf32>,
    %get3A_1322 = arith.constant 80 : index
    %get3A_1323 = tpu.vector_load %arg14[%get3A_1322] {strides = array<i32>} : memref<128xf32, #tpu.memory_space<vmem>>, vector<16xf32>,
    %get3A_1324 = arith.constant 11 : i32
    %get3A_1325 = arith.index_cast %get3A_1324 : i32 to index
    %get3A_1326 = arith.constant 80 : index
    %get3A_1327 = tpu.vector_load %arg15[%get3A_1325, %get3A_1326] {strides = array<i32>} : memref<16x128xf32, #tpu.memory_space<vmem>>, vector<16xf32>,
    %add3A_1328 = arith.addf %get3A_1323, %get3A_1327 : vector<16xf32>
    %swap3A_1329 = arith.constant 80 : index
    %swap3A_1330 = tpu.vector_load %arg14[%swap3A_1329] {strides = array<i32>} : memref<128xf32, #tpu.memory_space<vmem>>, vector<16xf32>,
    tpu.vector_store %arg14[%swap3A_1329], %add3A_1328 {strides = array<i32>} : memref<128xf32, #tpu.memory_space<vmem>>, vector<16xf32>,
    %get3A_1331 = arith.constant 96 : index
    %get3A_1332 = tpu.vector_load %arg14[%get3A_1331] {strides = array<i32>} : memref<128xf32, #tpu.memory_space<vmem>>, vector<16xf32>,
    %get3A_1333 = arith.constant 11 : i32
    %get3A_1334 = arith.index_cast %get3A_1333 : i32 to index
    %get3A_1335 = arith.constant 96 : index
    %get3A_1336 = tpu.vector_load %arg15[%get3A_1334, %get3A_1335] {strides = array<i32>} : memref<16x128xf32, #tpu.memory_space<vmem>>, vector<16xf32>,
    %add3A_1337 = arith.addf %get3A_1332, %get3A_1336 : vector<16xf32>
    %swap3A_1338 = arith.constant 96 : index
    %swap3A_1339 = tpu.vector_load %arg14[%swap3A_1338] {strides = array<i32>} : memref<128xf32, #tpu.memory_space<vmem>>, vector<16xf32>,
    tpu.vector_store %arg14[%swap3A_1338], %add3A_1337 {strides = array<i32>} : memref<128xf32, #tpu.memory_space<vmem>>, vector<16xf32>,
    %get3A_1340 = arith.constant 112 : index
    %get3A_1341 = tpu.vector_load %arg14[%get3A_1340] {strides = array<i32>} : memref<128xf32, #tpu.memory_space<vmem>>, vector<16xf32>,
    %get3A_1342 = arith.constant 11 : i32
    %get3A_1343 = arith.index_cast %get3A_1342 : i32 to index
    %get3A_1344 = arith.constant 112 : index
    %get3A_1345 = tpu.vector_load %arg15[%get3A_1343, %get3A_1344] {strides = array<i32>} : memref<16x128xf32, #tpu.memory_space<vmem>>, vector<16xf32>,
    %add3A_1346 = arith.addf %get3A_1341, %get3A_1345 : vector<16xf32>
    %swap3A_1347 = arith.constant 112 : index
    %swap3A_1348 = tpu.vector_load %arg14[%swap3A_1347] {strides = array<i32>} : memref<128xf32, #tpu.memory_space<vmem>>, vector<16xf32>,
    tpu.vector_store %arg14[%swap3A_1347], %add3A_1346 {strides = array<i32>} : memref<128xf32, #tpu.memory_space<vmem>>, vector<16xf32>,
    %get3A_1349 = arith.constant 0 : index
    %get3A_1350 = tpu.vector_load %arg14[%get3A_1349] {strides = array<i32>} : memref<128xf32, #tpu.memory_space<vmem>>, vector<16xf32>,
    %get3A_1351 = arith.constant 12 : i32
    %get3A_1352 = arith.index_cast %get3A_1351 : i32 to index
    %get3A_1353 = arith.constant 0 : index
    %get3A_1354 = tpu.vector_load %arg15[%get3A_1352, %get3A_1353] {strides = array<i32>} : memref<16x128xf32, #tpu.memory_space<vmem>>, vector<16xf32>,
    %add3A_1355 = arith.addf %get3A_1350, %get3A_1354 : vector<16xf32>
    %swap3A_1356 = arith.constant 0 : index
    %swap3A_1357 = tpu.vector_load %arg14[%swap3A_1356] {strides = array<i32>} : memref<128xf32, #tpu.memory_space<vmem>>, vector<16xf32>,
    tpu.vector_store %arg14[%swap3A_1356], %add3A_1355 {strides = array<i32>} : memref<128xf32, #tpu.memory_space<vmem>>, vector<16xf32>,
    %get3A_1358 = arith.constant 16 : index
    %get3A_1359 = tpu.vector_load %arg14[%get3A_1358] {strides = array<i32>} : memref<128xf32, #tpu.memory_space<vmem>>, vector<16xf32>,
    %get3A_1360 = arith.constant 12 : i32
    %get3A_1361 = arith.index_cast %get3A_1360 : i32 to index
    %get3A_1362 = arith.constant 16 : index
    %get3A_1363 = tpu.vector_load %arg15[%get3A_1361, %get3A_1362] {strides = array<i32>} : memref<16x128xf32, #tpu.memory_space<vmem>>, vector<16xf32>,
    %add3A_1364 = arith.addf %get3A_1359, %get3A_1363 : vector<16xf32>
    %swap3A_1365 = arith.constant 16 : index
    %swap3A_1366 = tpu.vector_load %arg14[%swap3A_1365] {strides = array<i32>} : memref<128xf32, #tpu.memory_space<vmem>>, vector<16xf32>,
    tpu.vector_store %arg14[%swap3A_1365], %add3A_1364 {strides = array<i32>} : memref<128xf32, #tpu.memory_space<vmem>>, vector<16xf32>,
    %get3A_1367 = arith.constant 32 : index
    %get3A_1368 = tpu.vector_load %arg14[%get3A_1367] {strides = array<i32>} : memref<128xf32, #tpu.memory_space<vmem>>, vector<16xf32>,
    %get3A_1369 = arith.constant 12 : i32
    %get3A_1370 = arith.index_cast %get3A_1369 : i32 to index
    %get3A_1371 = arith.constant 32 : index
    %get3A_1372 = tpu.vector_load %arg15[%get3A_1370, %get3A_1371] {strides = array<i32>} : memref<16x128xf32, #tpu.memory_space<vmem>>, vector<16xf32>,
    %add3A_1373 = arith.addf %get3A_1368, %get3A_1372 : vector<16xf32>
    %swap3A_1374 = arith.constant 32 : index
    %swap3A_1375 = tpu.vector_load %arg14[%swap3A_1374] {strides = array<i32>} : memref<128xf32, #tpu.memory_space<vmem>>, vector<16xf32>,
    tpu.vector_store %arg14[%swap3A_1374], %add3A_1373 {strides = array<i32>} : memref<128xf32, #tpu.memory_space<vmem>>, vector<16xf32>,
    %get3A_1376 = arith.constant 48 : index
    %get3A_1377 = tpu.vector_load %arg14[%get3A_1376] {strides = array<i32>} : memref<128xf32, #tpu.memory_space<vmem>>, vector<16xf32>,
    %get3A_1378 = arith.constant 12 : i32
    %get3A_1379 = arith.index_cast %get3A_1378 : i32 to index
    %get3A_1380 = arith.constant 48 : index
    %get3A_1381 = tpu.vector_load %arg15[%get3A_1379, %get3A_1380] {strides = array<i32>} : memref<16x128xf32, #tpu.memory_space<vmem>>, vector<16xf32>,
    %add3A_1382 = arith.addf %get3A_1377, %get3A_1381 : vector<16xf32>
    %swap3A_1383 = arith.constant 48 : index
    %swap3A_1384 = tpu.vector_load %arg14[%swap3A_1383] {strides = array<i32>} : memref<128xf32, #tpu.memory_space<vmem>>, vector<16xf32>,
    tpu.vector_store %arg14[%swap3A_1383], %add3A_1382 {strides = array<i32>} : memref<128xf32, #tpu.memory_space<vmem>>, vector<16xf32>,
    %get3A_1385 = arith.constant 64 : index
    %get3A_1386 = tpu.vector_load %arg14[%get3A_1385] {strides = array<i32>} : memref<128xf32, #tpu.memory_space<vmem>>, vector<16xf32>,
    %get3A_1387 = arith.constant 12 : i32
    %get3A_1388 = arith.index_cast %get3A_1387 : i32 to index
    %get3A_1389 = arith.constant 64 : index
    %get3A_1390 = tpu.vector_load %arg15[%get3A_1388, %get3A_1389] {strides = array<i32>} : memref<16x128xf32, #tpu.memory_space<vmem>>, vector<16xf32>,
    %add3A_1391 = arith.addf %get3A_1386, %get3A_1390 : vector<16xf32>
    %swap3A_1392 = arith.constant 64 : index
    %swap3A_1393 = tpu.vector_load %arg14[%swap3A_1392] {strides = array<i32>} : memref<128xf32, #tpu.memory_space<vmem>>, vector<16xf32>,
    tpu.vector_store %arg14[%swap3A_1392], %add3A_1391 {strides = array<i32>} : memref<128xf32, #tpu.memory_space<vmem>>, vector<16xf32>,
    %get3A_1394 = arith.constant 80 : index
    %get3A_1395 = tpu.vector_load %arg14[%get3A_1394] {strides = array<i32>} : memref<128xf32, #tpu.memory_space<vmem>>, vector<16xf32>,
    %get3A_1396 = arith.constant 12 : i32
    %get3A_1397 = arith.index_cast %get3A_1396 : i32 to index
    %get3A_1398 = arith.constant 80 : index
    %get3A_1399 = tpu.vector_load %arg15[%get3A_1397, %get3A_1398] {strides = array<i32>} : memref<16x128xf32, #tpu.memory_space<vmem>>, vector<16xf32>,
    %add3A_1400 = arith.addf %get3A_1395, %get3A_1399 : vector<16xf32>
    %swap3A_1401 = arith.constant 80 : index
    %swap3A_1402 = tpu.vector_load %arg14[%swap3A_1401] {strides = array<i32>} : memref<128xf32, #tpu.memory_space<vmem>>, vector<16xf32>,
    tpu.vector_store %arg14[%swap3A_1401], %add3A_1400 {strides = array<i32>} : memref<128xf32, #tpu.memory_space<vmem>>, vector<16xf32>,
    %get3A_1403 = arith.constant 96 : index
    %get3A_1404 = tpu.vector_load %arg14[%get3A_1403] {strides = array<i32>} : memref<128xf32, #tpu.memory_space<vmem>>, vector<16xf32>,
    %get3A_1405 = arith.constant 12 : i32
    %get3A_1406 = arith.index_cast %get3A_1405 : i32 to index
    %get3A_1407 = arith.constant 96 : index
    %get3A_1408 = tpu.vector_load %arg15[%get3A_1406, %get3A_1407] {strides = array<i32>} : memref<16x128xf32, #tpu.memory_space<vmem>>, vector<16xf32>,
    %add3A_1409 = arith.addf %get3A_1404, %get3A_1408 : vector<16xf32>
    %swap3A_1410 = arith.constant 96 : index
    %swap3A_1411 = tpu.vector_load %arg14[%swap3A_1410] {strides = array<i32>} : memref<128xf32, #tpu.memory_space<vmem>>, vector<16xf32>,
    tpu.vector_store %arg14[%swap3A_1410], %add3A_1409 {strides = array<i32>} : memref<128xf32, #tpu.memory_space<vmem>>, vector<16xf32>,
    %get3A_1412 = arith.constant 112 : index
    %get3A_1413 = tpu.vector_load %arg14[%get3A_1412] {strides = array<i32>} : memref<128xf32, #tpu.memory_space<vmem>>, vector<16xf32>,
    %get3A_1414 = arith.constant 12 : i32
    %get3A_1415 = arith.index_cast %get3A_1414 : i32 to index
    %get3A_1416 = arith.constant 112 : index
    %get3A_1417 = tpu.vector_load %arg15[%get3A_1415, %get3A_1416] {strides = array<i32>} : memref<16x128xf32, #tpu.memory_space<vmem>>, vector<16xf32>,
    %add3A_1418 = arith.addf %get3A_1413, %get3A_1417 : vector<16xf32>
    %swap3A_1419 = arith.constant 112 : index
    %swap3A_1420 = tpu.vector_load %arg14[%swap3A_1419] {strides = array<i32>} : memref<128xf32, #tpu.memory_space<vmem>>, vector<16xf32>,
    tpu.vector_store %arg14[%swap3A_1419], %add3A_1418 {strides = array<i32>} : memref<128xf32, #tpu.memory_space<vmem>>, vector<16xf32>,
    %get3A_1421 = arith.constant 0 : index
    %get3A_1422 = tpu.vector_load %arg14[%get3A_1421] {strides = array<i32>} : memref<128xf32, #tpu.memory_space<vmem>>, vector<16xf32>,
    %get3A_1423 = arith.constant 13 : i32
    %get3A_1424 = arith.index_cast %get3A_1423 : i32 to index
    %get3A_1425 = arith.constant 0 : index
    %get3A_1426 = tpu.vector_load %arg15[%get3A_1424, %get3A_1425] {strides = array<i32>} : memref<16x128xf32, #tpu.memory_space<vmem>>, vector<16xf32>,
    %add3A_1427 = arith.addf %get3A_1422, %get3A_1426 : vector<16xf32>
    %swap3A_1428 = arith.constant 0 : index
    %swap3A_1429 = tpu.vector_load %arg14[%swap3A_1428] {strides = array<i32>} : memref<128xf32, #tpu.memory_space<vmem>>, vector<16xf32>,
    tpu.vector_store %arg14[%swap3A_1428], %add3A_1427 {strides = array<i32>} : memref<128xf32, #tpu.memory_space<vmem>>, vector<16xf32>,
    %get3A_1430 = arith.constant 16 : index
    %get3A_1431 = tpu.vector_load %arg14[%get3A_1430] {strides = array<i32>} : memref<128xf32, #tpu.memory_space<vmem>>, vector<16xf32>,
    %get3A_1432 = arith.constant 13 : i32
    %get3A_1433 = arith.index_cast %get3A_1432 : i32 to index
    %get3A_1434 = arith.constant 16 : index
    %get3A_1435 = tpu.vector_load %arg15[%get3A_1433, %get3A_1434] {strides = array<i32>} : memref<16x128xf32, #tpu.memory_space<vmem>>, vector<16xf32>,
    %add3A_1436 = arith.addf %get3A_1431, %get3A_1435 : vector<16xf32>
    %swap3A_1437 = arith.constant 16 : index
    %swap3A_1438 = tpu.vector_load %arg14[%swap3A_1437] {strides = array<i32>} : memref<128xf32, #tpu.memory_space<vmem>>, vector<16xf32>,
    tpu.vector_store %arg14[%swap3A_1437], %add3A_1436 {strides = array<i32>} : memref<128xf32, #tpu.memory_space<vmem>>, vector<16xf32>,
    %get3A_1439 = arith.constant 32 : index
    %get3A_1440 = tpu.vector_load %arg14[%get3A_1439] {strides = array<i32>} : memref<128xf32, #tpu.memory_space<vmem>>, vector<16xf32>,
    %get3A_1441 = arith.constant 13 : i32
    %get3A_1442 = arith.index_cast %get3A_1441 : i32 to index
    %get3A_1443 = arith.constant 32 : index
    %get3A_1444 = tpu.vector_load %arg15[%get3A_1442, %get3A_1443] {strides = array<i32>} : memref<16x128xf32, #tpu.memory_space<vmem>>, vector<16xf32>,
    %add3A_1445 = arith.addf %get3A_1440, %get3A_1444 : vector<16xf32>
    %swap3A_1446 = arith.constant 32 : index
    %swap3A_1447 = tpu.vector_load %arg14[%swap3A_1446] {strides = array<i32>} : memref<128xf32, #tpu.memory_space<vmem>>, vector<16xf32>,
    tpu.vector_store %arg14[%swap3A_1446], %add3A_1445 {strides = array<i32>} : memref<128xf32, #tpu.memory_space<vmem>>, vector<16xf32>,
    %get3A_1448 = arith.constant 48 : index
    %get3A_1449 = tpu.vector_load %arg14[%get3A_1448] {strides = array<i32>} : memref<128xf32, #tpu.memory_space<vmem>>, vector<16xf32>,
    %get3A_1450 = arith.constant 13 : i32
    %get3A_1451 = arith.index_cast %get3A_1450 : i32 to index
    %get3A_1452 = arith.constant 48 : index
    %get3A_1453 = tpu.vector_load %arg15[%get3A_1451, %get3A_1452] {strides = array<i32>} : memref<16x128xf32, #tpu.memory_space<vmem>>, vector<16xf32>,
    %add3A_1454 = arith.addf %get3A_1449, %get3A_1453 : vector<16xf32>
    %swap3A_1455 = arith.constant 48 : index
    %swap3A_1456 = tpu.vector_load %arg14[%swap3A_1455] {strides = array<i32>} : memref<128xf32, #tpu.memory_space<vmem>>, vector<16xf32>,
    tpu.vector_store %arg14[%swap3A_1455], %add3A_1454 {strides = array<i32>} : memref<128xf32, #tpu.memory_space<vmem>>, vector<16xf32>,
    %get3A_1457 = arith.constant 64 : index
    %get3A_1458 = tpu.vector_load %arg14[%get3A_1457] {strides = array<i32>} : memref<128xf32, #tpu.memory_space<vmem>>, vector<16xf32>,
    %get3A_1459 = arith.constant 13 : i32
    %get3A_1460 = arith.index_cast %get3A_1459 : i32 to index
    %get3A_1461 = arith.constant 64 : index
    %get3A_1462 = tpu.vector_load %arg15[%get3A_1460, %get3A_1461] {strides = array<i32>} : memref<16x128xf32, #tpu.memory_space<vmem>>, vector<16xf32>,
    %add3A_1463 = arith.addf %get3A_1458, %get3A_1462 : vector<16xf32>
    %swap3A_1464 = arith.constant 64 : index
    %swap3A_1465 = tpu.vector_load %arg14[%swap3A_1464] {strides = array<i32>} : memref<128xf32, #tpu.memory_space<vmem>>, vector<16xf32>,
    tpu.vector_store %arg14[%swap3A_1464], %add3A_1463 {strides = array<i32>} : memref<128xf32, #tpu.memory_space<vmem>>, vector<16xf32>,
    %get3A_1466 = arith.constant 80 : index
    %get3A_1467 = tpu.vector_load %arg14[%get3A_1466] {strides = array<i32>} : memref<128xf32, #tpu.memory_space<vmem>>, vector<16xf32>,
    %get3A_1468 = arith.constant 13 : i32
    %get3A_1469 = arith.index_cast %get3A_1468 : i32 to index
    %get3A_1470 = arith.constant 80 : index
    %get3A_1471 = tpu.vector_load %arg15[%get3A_1469, %get3A_1470] {strides = array<i32>} : memref<16x128xf32, #tpu.memory_space<vmem>>, vector<16xf32>,
    %add3A_1472 = arith.addf %get3A_1467, %get3A_1471 : vector<16xf32>
    %swap3A_1473 = arith.constant 80 : index
    %swap3A_1474 = tpu.vector_load %arg14[%swap3A_1473] {strides = array<i32>} : memref<128xf32, #tpu.memory_space<vmem>>, vector<16xf32>,
    tpu.vector_store %arg14[%swap3A_1473], %add3A_1472 {strides = array<i32>} : memref<128xf32, #tpu.memory_space<vmem>>, vector<16xf32>,
    %get3A_1475 = arith.constant 96 : index
    %get3A_1476 = tpu.vector_load %arg14[%get3A_1475] {strides = array<i32>} : memref<128xf32, #tpu.memory_space<vmem>>, vector<16xf32>,
    %get3A_1477 = arith.constant 13 : i32
    %get3A_1478 = arith.index_cast %get3A_1477 : i32 to index
    %get3A_1479 = arith.constant 96 : index
    %get3A_1480 = tpu.vector_load %arg15[%get3A_1478, %get3A_1479] {strides = array<i32>} : memref<16x128xf32, #tpu.memory_space<vmem>>, vector<16xf32>,
    %add3A_1481 = arith.addf %get3A_1476, %get3A_1480 : vector<16xf32>
    %swap3A_1482 = arith.constant 96 : index
    %swap3A_1483 = tpu.vector_load %arg14[%swap3A_1482] {strides = array<i32>} : memref<128xf32, #tpu.memory_space<vmem>>, vector<16xf32>,
    tpu.vector_store %arg14[%swap3A_1482], %add3A_1481 {strides = array<i32>} : memref<128xf32, #tpu.memory_space<vmem>>, vector<16xf32>,
    %get3A_1484 = arith.constant 112 : index
    %get3A_1485 = tpu.vector_load %arg14[%get3A_1484] {strides = array<i32>} : memref<128xf32, #tpu.memory_space<vmem>>, vector<16xf32>,
    %get3A_1486 = arith.constant 13 : i32
    %get3A_1487 = arith.index_cast %get3A_1486 : i32 to index
    %get3A_1488 = arith.constant 112 : index
    %get3A_1489 = tpu.vector_load %arg15[%get3A_1487, %get3A_1488] {strides = array<i32>} : memref<16x128xf32, #tpu.memory_space<vmem>>, vector<16xf32>,
    %add3A_1490 = arith.addf %get3A_1485, %get3A_1489 : vector<16xf32>
    %swap3A_1491 = arith.constant 112 : index
    %swap3A_1492 = tpu.vector_load %arg14[%swap3A_1491] {strides = array<i32>} : memref<128xf32, #tpu.memory_space<vmem>>, vector<16xf32>,
    tpu.vector_store %arg14[%swap3A_1491], %add3A_1490 {strides = array<i32>} : memref<128xf32, #tpu.memory_space<vmem>>, vector<16xf32>,
    %get3A_1493 = arith.constant 0 : index
    %get3A_1494 = tpu.vector_load %arg14[%get3A_1493] {strides = array<i32>} : memref<128xf32, #tpu.memory_space<vmem>>, vector<16xf32>,
    %get3A_1495 = arith.constant 14 : i32
    %get3A_1496 = arith.index_cast %get3A_1495 : i32 to index
    %get3A_1497 = arith.constant 0 : index
    %get3A_1498 = tpu.vector_load %arg15[%get3A_1496, %get3A_1497] {strides = array<i32>} : memref<16x128xf32, #tpu.memory_space<vmem>>, vector<16xf32>,
    %add3A_1499 = arith.addf %get3A_1494, %get3A_1498 : vector<16xf32>
    %swap3A_1500 = arith.constant 0 : index
    %swap3A_1501 = tpu.vector_load %arg14[%swap3A_1500] {strides = array<i32>} : memref<128xf32, #tpu.memory_space<vmem>>, vector<16xf32>,
    tpu.vector_store %arg14[%swap3A_1500], %add3A_1499 {strides = array<i32>} : memref<128xf32, #tpu.memory_space<vmem>>, vector<16xf32>,
    %get3A_1502 = arith.constant 16 : index
    %get3A_1503 = tpu.vector_load %arg14[%get3A_1502] {strides = array<i32>} : memref<128xf32, #tpu.memory_space<vmem>>, vector<16xf32>,
    %get3A_1504 = arith.constant 14 : i32
    %get3A_1505 = arith.index_cast %get3A_1504 : i32 to index
    %get3A_1506 = arith.constant 16 : index
    %get3A_1507 = tpu.vector_load %arg15[%get3A_1505, %get3A_1506] {strides = array<i32>} : memref<16x128xf32, #tpu.memory_space<vmem>>, vector<16xf32>,
    %add3A_1508 = arith.addf %get3A_1503, %get3A_1507 : vector<16xf32>
    %swap3A_1509 = arith.constant 16 : index
    %swap3A_1510 = tpu.vector_load %arg14[%swap3A_1509] {strides = array<i32>} : memref<128xf32, #tpu.memory_space<vmem>>, vector<16xf32>,
    tpu.vector_store %arg14[%swap3A_1509], %add3A_1508 {strides = array<i32>} : memref<128xf32, #tpu.memory_space<vmem>>, vector<16xf32>,
    %get3A_1511 = arith.constant 32 : index
    %get3A_1512 = tpu.vector_load %arg14[%get3A_1511] {strides = array<i32>} : memref<128xf32, #tpu.memory_space<vmem>>, vector<16xf32>,
    %get3A_1513 = arith.constant 14 : i32
    %get3A_1514 = arith.index_cast %get3A_1513 : i32 to index
    %get3A_1515 = arith.constant 32 : index
    %get3A_1516 = tpu.vector_load %arg15[%get3A_1514, %get3A_1515] {strides = array<i32>} : memref<16x128xf32, #tpu.memory_space<vmem>>, vector<16xf32>,
    %add3A_1517 = arith.addf %get3A_1512, %get3A_1516 : vector<16xf32>
    %swap3A_1518 = arith.constant 32 : index
    %swap3A_1519 = tpu.vector_load %arg14[%swap3A_1518] {strides = array<i32>} : memref<128xf32, #tpu.memory_space<vmem>>, vector<16xf32>,
    tpu.vector_store %arg14[%swap3A_1518], %add3A_1517 {strides = array<i32>} : memref<128xf32, #tpu.memory_space<vmem>>, vector<16xf32>,
    %get3A_1520 = arith.constant 48 : index
    %get3A_1521 = tpu.vector_load %arg14[%get3A_1520] {strides = array<i32>} : memref<128xf32, #tpu.memory_space<vmem>>, vector<16xf32>,
    %get3A_1522 = arith.constant 14 : i32
    %get3A_1523 = arith.index_cast %get3A_1522 : i32 to index
    %get3A_1524 = arith.constant 48 : index
    %get3A_1525 = tpu.vector_load %arg15[%get3A_1523, %get3A_1524] {strides = array<i32>} : memref<16x128xf32, #tpu.memory_space<vmem>>, vector<16xf32>,
    %add3A_1526 = arith.addf %get3A_1521, %get3A_1525 : vector<16xf32>
    %swap3A_1527 = arith.constant 48 : index
    %swap3A_1528 = tpu.vector_load %arg14[%swap3A_1527] {strides = array<i32>} : memref<128xf32, #tpu.memory_space<vmem>>, vector<16xf32>,
    tpu.vector_store %arg14[%swap3A_1527], %add3A_1526 {strides = array<i32>} : memref<128xf32, #tpu.memory_space<vmem>>, vector<16xf32>,
    %get3A_1529 = arith.constant 64 : index
    %get3A_1530 = tpu.vector_load %arg14[%get3A_1529] {strides = array<i32>} : memref<128xf32, #tpu.memory_space<vmem>>, vector<16xf32>,
    %get3A_1531 = arith.constant 14 : i32
    %get3A_1532 = arith.index_cast %get3A_1531 : i32 to index
    %get3A_1533 = arith.constant 64 : index
    %get3A_1534 = tpu.vector_load %arg15[%get3A_1532, %get3A_1533] {strides = array<i32>} : memref<16x128xf32, #tpu.memory_space<vmem>>, vector<16xf32>,
    %add3A_1535 = arith.addf %get3A_1530, %get3A_1534 : vector<16xf32>
    %swap3A_1536 = arith.constant 64 : index
    %swap3A_1537 = tpu.vector_load %arg14[%swap3A_1536] {strides = array<i32>} : memref<128xf32, #tpu.memory_space<vmem>>, vector<16xf32>,
    tpu.vector_store %arg14[%swap3A_1536], %add3A_1535 {strides = array<i32>} : memref<128xf32, #tpu.memory_space<vmem>>, vector<16xf32>,
    %get3A_1538 = arith.constant 80 : index
    %get3A_1539 = tpu.vector_load %arg14[%get3A_1538] {strides = array<i32>} : memref<128xf32, #tpu.memory_space<vmem>>, vector<16xf32>,
    %get3A_1540 = arith.constant 14 : i32
    %get3A_1541 = arith.index_cast %get3A_1540 : i32 to index
    %get3A_1542 = arith.constant 80 : index
    %get3A_1543 = tpu.vector_load %arg15[%get3A_1541, %get3A_1542] {strides = array<i32>} : memref<16x128xf32, #tpu.memory_space<vmem>>, vector<16xf32>,
    %add3A_1544 = arith.addf %get3A_1539, %get3A_1543 : vector<16xf32>
    %swap3A_1545 = arith.constant 80 : index
    %swap3A_1546 = tpu.vector_load %arg14[%swap3A_1545] {strides = array<i32>} : memref<128xf32, #tpu.memory_space<vmem>>, vector<16xf32>,
    tpu.vector_store %arg14[%swap3A_1545], %add3A_1544 {strides = array<i32>} : memref<128xf32, #tpu.memory_space<vmem>>, vector<16xf32>,
    %get3A_1547 = arith.constant 96 : index
    %get3A_1548 = tpu.vector_load %arg14[%get3A_1547] {strides = array<i32>} : memref<128xf32, #tpu.memory_space<vmem>>, vector<16xf32>,
    %get3A_1549 = arith.constant 14 : i32
    %get3A_1550 = arith.index_cast %get3A_1549 : i32 to index
    %get3A_1551 = arith.constant 96 : index
    %get3A_1552 = tpu.vector_load %arg15[%get3A_1550, %get3A_1551] {strides = array<i32>} : memref<16x128xf32, #tpu.memory_space<vmem>>, vector<16xf32>,
    %add3A_1553 = arith.addf %get3A_1548, %get3A_1552 : vector<16xf32>
    %swap3A_1554 = arith.constant 96 : index
    %swap3A_1555 = tpu.vector_load %arg14[%swap3A_1554] {strides = array<i32>} : memref<128xf32, #tpu.memory_space<vmem>>, vector<16xf32>,
    tpu.vector_store %arg14[%swap3A_1554], %add3A_1553 {strides = array<i32>} : memref<128xf32, #tpu.memory_space<vmem>>, vector<16xf32>,
    %get3A_1556 = arith.constant 112 : index
    %get3A_1557 = tpu.vector_load %arg14[%get3A_1556] {strides = array<i32>} : memref<128xf32, #tpu.memory_space<vmem>>, vector<16xf32>,
    %get3A_1558 = arith.constant 14 : i32
    %get3A_1559 = arith.index_cast %get3A_1558 : i32 to index
    %get3A_1560 = arith.constant 112 : index
    %get3A_1561 = tpu.vector_load %arg15[%get3A_1559, %get3A_1560] {strides = array<i32>} : memref<16x128xf32, #tpu.memory_space<vmem>>, vector<16xf32>,
    %add3A_1562 = arith.addf %get3A_1557, %get3A_1561 : vector<16xf32>
    %swap3A_1563 = arith.constant 112 : index
    %swap3A_1564 = tpu.vector_load %arg14[%swap3A_1563] {strides = array<i32>} : memref<128xf32, #tpu.memory_space<vmem>>, vector<16xf32>,
    tpu.vector_store %arg14[%swap3A_1563], %add3A_1562 {strides = array<i32>} : memref<128xf32, #tpu.memory_space<vmem>>, vector<16xf32>,
    %get3A_1565 = arith.constant 0 : index
    %get3A_1566 = tpu.vector_load %arg14[%get3A_1565] {strides = array<i32>} : memref<128xf32, #tpu.memory_space<vmem>>, vector<16xf32>,
    %get3A_1567 = arith.constant 15 : i32
    %get3A_1568 = arith.index_cast %get3A_1567 : i32 to index
    %get3A_1569 = arith.constant 0 : index
    %get3A_1570 = tpu.vector_load %arg15[%get3A_1568, %get3A_1569] {strides = array<i32>} : memref<16x128xf32, #tpu.memory_space<vmem>>, vector<16xf32>,
    %add3A_1571 = arith.addf %get3A_1566, %get3A_1570 : vector<16xf32>
    %swap3A_1572 = arith.constant 0 : index
    %swap3A_1573 = tpu.vector_load %arg14[%swap3A_1572] {strides = array<i32>} : memref<128xf32, #tpu.memory_space<vmem>>, vector<16xf32>,
    tpu.vector_store %arg14[%swap3A_1572], %add3A_1571 {strides = array<i32>} : memref<128xf32, #tpu.memory_space<vmem>>, vector<16xf32>,
    %get3A_1574 = arith.constant 16 : index
    %get3A_1575 = tpu.vector_load %arg14[%get3A_1574] {strides = array<i32>} : memref<128xf32, #tpu.memory_space<vmem>>, vector<16xf32>,
    %get3A_1576 = arith.constant 15 : i32
    %get3A_1577 = arith.index_cast %get3A_1576 : i32 to index
    %get3A_1578 = arith.constant 16 : index
    %get3A_1579 = tpu.vector_load %arg15[%get3A_1577, %get3A_1578] {strides = array<i32>} : memref<16x128xf32, #tpu.memory_space<vmem>>, vector<16xf32>,
    %add3A_1580 = arith.addf %get3A_1575, %get3A_1579 : vector<16xf32>
    %swap3A_1581 = arith.constant 16 : index
    %swap3A_1582 = tpu.vector_load %arg14[%swap3A_1581] {strides = array<i32>} : memref<128xf32, #tpu.memory_space<vmem>>, vector<16xf32>,
    tpu.vector_store %arg14[%swap3A_1581], %add3A_1580 {strides = array<i32>} : memref<128xf32, #tpu.memory_space<vmem>>, vector<16xf32>,
    %get3A_1583 = arith.constant 32 : index
    %get3A_1584 = tpu.vector_load %arg14[%get3A_1583] {strides = array<i32>} : memref<128xf32, #tpu.memory_space<vmem>>, vector<16xf32>,
    %get3A_1585 = arith.constant 15 : i32
    %get3A_1586 = arith.index_cast %get3A_1585 : i32 to index
    %get3A_1587 = arith.constant 32 : index
    %get3A_1588 = tpu.vector_load %arg15[%get3A_1586, %get3A_1587] {strides = array<i32>} : memref<16x128xf32, #tpu.memory_space<vmem>>, vector<16xf32>,
    %add3A_1589 = arith.addf %get3A_1584, %get3A_1588 : vector<16xf32>
    %swap3A_1590 = arith.constant 32 : index
    %swap3A_1591 = tpu.vector_load %arg14[%swap3A_1590] {strides = array<i32>} : memref<128xf32, #tpu.memory_space<vmem>>, vector<16xf32>,
    tpu.vector_store %arg14[%swap3A_1590], %add3A_1589 {strides = array<i32>} : memref<128xf32, #tpu.memory_space<vmem>>, vector<16xf32>,
    %get3A_1592 = arith.constant 48 : index
    %get3A_1593 = tpu.vector_load %arg14[%get3A_1592] {strides = array<i32>} : memref<128xf32, #tpu.memory_space<vmem>>, vector<16xf32>,
    %get3A_1594 = arith.constant 15 : i32
    %get3A_1595 = arith.index_cast %get3A_1594 : i32 to index
    %get3A_1596 = arith.constant 48 : index
    %get3A_1597 = tpu.vector_load %arg15[%get3A_1595, %get3A_1596] {strides = array<i32>} : memref<16x128xf32, #tpu.memory_space<vmem>>, vector<16xf32>,
    %add3A_1598 = arith.addf %get3A_1593, %get3A_1597 : vector<16xf32>
    %swap3A_1599 = arith.constant 48 : index
    %swap3A_1600 = tpu.vector_load %arg14[%swap3A_1599] {strides = array<i32>} : memref<128xf32, #tpu.memory_space<vmem>>, vector<16xf32>,
    tpu.vector_store %arg14[%swap3A_1599], %add3A_1598 {strides = array<i32>} : memref<128xf32, #tpu.memory_space<vmem>>, vector<16xf32>,
    %get3A_1601 = arith.constant 64 : index
    %get3A_1602 = tpu.vector_load %arg14[%get3A_1601] {strides = array<i32>} : memref<128xf32, #tpu.memory_space<vmem>>, vector<16xf32>,
    %get3A_1603 = arith.constant 15 : i32
    %get3A_1604 = arith.index_cast %get3A_1603 : i32 to index
    %get3A_1605 = arith.constant 64 : index
    %get3A_1606 = tpu.vector_load %arg15[%get3A_1604, %get3A_1605] {strides = array<i32>} : memref<16x128xf32, #tpu.memory_space<vmem>>, vector<16xf32>,
    %add3A_1607 = arith.addf %get3A_1602, %get3A_1606 : vector<16xf32>
    %swap3A_1608 = arith.constant 64 : index
    %swap3A_1609 = tpu.vector_load %arg14[%swap3A_1608] {strides = array<i32>} : memref<128xf32, #tpu.memory_space<vmem>>, vector<16xf32>,
    tpu.vector_store %arg14[%swap3A_1608], %add3A_1607 {strides = array<i32>} : memref<128xf32, #tpu.memory_space<vmem>>, vector<16xf32>,
    %get3A_1610 = arith.constant 80 : index
    %get3A_1611 = tpu.vector_load %arg14[%get3A_1610] {strides = array<i32>} : memref<128xf32, #tpu.memory_space<vmem>>, vector<16xf32>,
    %get3A_1612 = arith.constant 15 : i32
    %get3A_1613 = arith.index_cast %get3A_1612 : i32 to index
    %get3A_1614 = arith.constant 80 : index
    %get3A_1615 = tpu.vector_load %arg15[%get3A_1613, %get3A_1614] {strides = array<i32>} : memref<16x128xf32, #tpu.memory_space<vmem>>, vector<16xf32>,
    %add3A_1616 = arith.addf %get3A_1611, %get3A_1615 : vector<16xf32>
    %swap3A_1617 = arith.constant 80 : index
    %swap3A_1618 = tpu.vector_load %arg14[%swap3A_1617] {strides = array<i32>} : memref<128xf32, #tpu.memory_space<vmem>>, vector<16xf32>,
    tpu.vector_store %arg14[%swap3A_1617], %add3A_1616 {strides = array<i32>} : memref<128xf32, #tpu.memory_space<vmem>>, vector<16xf32>,
    %get3A_1619 = arith.constant 96 : index
    %get3A_1620 = tpu.vector_load %arg14[%get3A_1619] {strides = array<i32>} : memref<128xf32, #tpu.memory_space<vmem>>, vector<16xf32>,
    %get3A_1621 = arith.constant 15 : i32
    %get3A_1622 = arith.index_cast %get3A_1621 : i32 to index
    %get3A_1623 = arith.constant 96 : index
    %get3A_1624 = tpu.vector_load %arg15[%get3A_1622, %get3A_1623] {strides = array<i32>} : memref<16x128xf32, #tpu.memory_space<vmem>>, vector<16xf32>,
    %add3A_1625 = arith.addf %get3A_1620, %get3A_1624 : vector<16xf32>
    %swap3A_1626 = arith.constant 96 : index
    %swap3A_1627 = tpu.vector_load %arg14[%swap3A_1626] {strides = array<i32>} : memref<128xf32, #tpu.memory_space<vmem>>, vector<16xf32>,
    tpu.vector_store %arg14[%swap3A_1626], %add3A_1625 {strides = array<i32>} : memref<128xf32, #tpu.memory_space<vmem>>, vector<16xf32>,
    %get3A_1628 = arith.constant 112 : index
    %get3A_1629 = tpu.vector_load %arg14[%get3A_1628] {strides = array<i32>} : memref<128xf32, #tpu.memory_space<vmem>>, vector<16xf32>,
    %get3A_1630 = arith.constant 15 : i32
    %get3A_1631 = arith.index_cast %get3A_1630 : i32 to index
    %get3A_1632 = arith.constant 112 : index
    %get3A_1633 = tpu.vector_load %arg15[%get3A_1631, %get3A_1632] {strides = array<i32>} : memref<16x128xf32, #tpu.memory_space<vmem>>, vector<16xf32>,
    %add3A_1634 = arith.addf %get3A_1629, %get3A_1633 : vector<16xf32>
    %swap3A_1635 = arith.constant 112 : index
    %swap3A_1636 = tpu.vector_load %arg14[%swap3A_1635] {strides = array<i32>} : memref<128xf32, #tpu.memory_space<vmem>>, vector<16xf32>,
    tpu.vector_store %arg14[%swap3A_1635], %add3A_1634 {strides = array<i32>} : memref<128xf32, #tpu.memory_space<vmem>>, vector<16xf32>,
    %mul3A_1637 = arith.constant 2048 : i32
    %mul3A_1638 = arith.muli %arg0, %mul3A_1637 : i32
    %mul3A_1639 = arith.constant 128 : i32
    %mul3A_1640 = arith.muli %arg1, %mul3A_1639 : i32
    %add3A_1641 = arith.addi %mul3A_1638, %mul3A_1640 : i32
    "tpu.region"() ({
      %run_scoped3A = tpu.sem_alloc : memref<!tpu.dma_semaphore, #tpu.memory_space<semaphore_mem>>
      %dma_start3A_1642 = tpu.memref_slice %arg6[%add3A_1641] : memref<4096xf32, #tpu.memory_space<hbm>> -> memref<128xf32, #tpu.memory_space<hbm>>
      %dma_start3A_1643 = tpu.memref_slice %arg6[%add3A_1641] : memref<4096xf32, #tpu.memory_space<hbm>> -> memref<128xf32, #tpu.memory_space<hbm>>
      tpu.enqueue_dma source(%arg14 : memref<128xf32, #tpu.memory_space<vmem>>) target(%dma_start3A_1643 : memref<128xf32, #tpu.memory_space<hbm>>) target_semaphore(%run_scoped3A : memref<!tpu.dma_semaphore, #tpu.memory_space<semaphore_mem>>)
      %dma_wait3A_1644 = tpu.memref_slice %arg6[%add3A_1641] : memref<4096xf32, #tpu.memory_space<hbm>> -> memref<128xf32, #tpu.memory_space<hbm>>
      %dma_wait3A_1645 = tpu.memref_slice %arg6[%add3A_1641] : memref<4096xf32, #tpu.memory_space<hbm>> -> memref<128xf32, #tpu.memory_space<hbm>>
      tpu.wait_dma2 semaphore(%run_scoped3A : memref<!tpu.dma_semaphore, #tpu.memory_space<semaphore_mem>>) src(%arg14 : memref<128xf32, #tpu.memory_space<vmem>>) dst(%dma_wait3A_1645 : memref<128xf32, #tpu.memory_space<hbm>>)
      tpu.yield
    }) : () -> ()
    return
  }
}

module attributes {stable_mosaic.version = 14 : i64} {
  func.func @_mlp_body(%arg0: i32, %arg1: memref<16000x128xf32, #tpu.memory_space<vmem>>, %arg2: memref<128x128xf32, #tpu.memory_space<vmem>>, %arg3: memref<1x128xf32, #tpu.memory_space<vmem>>, %arg4: memref<128x128xf32, #tpu.memory_space<vmem>>, %arg5: memref<128x1xf32, #tpu.memory_space<vmem>>, %arg6: memref<1x128xf32, #tpu.memory_space<vmem>>, %arg7: memref<1x1xf32, #tpu.memory_space<vmem>>, %arg8: memref<192000xf32, #tpu.memory_space<vmem>>) attributes {dimension_semantics = [#tpu.dimension_semantics<arbitrary>], iteration_bounds = array<i64: 12>, scalar_prefetch = 0 : i64, scratch_operands = 0 : i64, tpu.core_type = #tpu.core_type<tc>, window_params = [{transform_indices = @transform_0, window_bounds = array<i64: 16000, 128>}, {pipeline_mode = #tpu.pipeline_mode<synchronous>, transform_indices = @transform_1, window_bounds = array<i64: 128, 128>}, {pipeline_mode = #tpu.pipeline_mode<synchronous>, transform_indices = @transform_2, window_bounds = array<i64: 1, 128>}, {pipeline_mode = #tpu.pipeline_mode<synchronous>, transform_indices = @transform_3, window_bounds = array<i64: 128, 128>}, {pipeline_mode = #tpu.pipeline_mode<synchronous>, transform_indices = @transform_4, window_bounds = array<i64: 128, 1>}, {pipeline_mode = #tpu.pipeline_mode<synchronous>, transform_indices = @transform_5, window_bounds = array<i64: 1, 128>}, {pipeline_mode = #tpu.pipeline_mode<synchronous>, transform_indices = @transform_6, window_bounds = array<i64: 1, 1>}, {pipeline_mode = #tpu.pipeline_mode<synchronous>, transform_indices = @transform_7, window_bounds = array<i64: 192000>}]} {
    %get3A = arith.constant 0 : index
    %get3A_0 = arith.constant 0 : index
    %get3A_1 = vector.load %arg1[%get3A, %get3A_0] : memref<16000x128xf32, #tpu.memory_space<vmem>>, vector<16000x128xf32>
    %get3A_2 = arith.constant 0 : index
    %get3A_3 = arith.constant 0 : index
    %get3A_4 = vector.load %arg2[%get3A_2, %get3A_3] : memref<128x128xf32, #tpu.memory_space<vmem>>, vector<128x128xf32>
    %dot_general3A = arith.constant dense<0.000000e+00> : vector<16000x128xf32>
    %dot_general3A_5 = tpu.matmul %get3A_1, %get3A_4, %dot_general3A {dimension_numbers = #tpu.dot_dimension_numbers<[1], [0], [0], [1], [0, 0, 1, 1], [], []>, transpose_lhs_hint = false} : vector<16000x128xf32>, vector<128x128xf32>, vector<16000x128xf32> -> vector<16000x128xf32>
    %get3A_6 = arith.constant 0 : index
    %get3A_7 = arith.constant 0 : index
    %get3A_8 = vector.load %arg3[%get3A_6, %get3A_7] : memref<1x128xf32, #tpu.memory_space<vmem>>, vector<1x128xf32>
    %add3A = vector.broadcast %get3A_8 : vector<1x128xf32> to vector<16000x128xf32>
    %add3A_9 = arith.addf %dot_general3A_5, %add3A : vector<16000x128xf32>
    %mul3A = arith.constant 5.000000e-01 : f32
    %mul3A_10 = vector.broadcast %mul3A : f32 to vector<16000x128xf32>
    %mul3A_11 = arith.mulf %mul3A_10, %add3A_9 : vector<16000x128xf32>
    %tanh3A = math.tanh %mul3A_11 : vector<16000x128xf32>
    %mul3A_12 = arith.constant 5.000000e-01 : f32
    %mul3A_13 = vector.broadcast %mul3A_12 : f32 to vector<16000x128xf32>
    %mul3A_14 = arith.mulf %mul3A_13, %tanh3A : vector<16000x128xf32>
    %add3A_15 = arith.constant 5.000000e-01 : f32
    %add3A_16 = vector.broadcast %add3A_15 : f32 to vector<16000x128xf32>
    %add3A_17 = arith.addf %mul3A_14, %add3A_16 : vector<16000x128xf32>
    %mul3A_18 = arith.mulf %add3A_9, %add3A_17 : vector<16000x128xf32>
    %transpose3A = tpu.transpose %mul3A_18, [1, 0] : vector<16000x128xf32> -> vector<128x16000xf32>
    %get3A_19 = arith.constant 0 : index
    %get3A_20 = arith.constant 0 : index
    %get3A_21 = vector.load %arg4[%get3A_19, %get3A_20] : memref<128x128xf32, #tpu.memory_space<vmem>>, vector<128x128xf32>
    %dot_general3A_22 = arith.constant dense<0.000000e+00> : vector<128x16000xf32>
    %dot_general3A_23 = tpu.matmul %get3A_21, %transpose3A, %dot_general3A_22 {dimension_numbers = #tpu.dot_dimension_numbers<[1], [0], [0], [1], [0, 0, 1, 1], [], []>, transpose_lhs_hint = false} : vector<128x128xf32>, vector<128x16000xf32>, vector<128x16000xf32> -> vector<128x16000xf32>
    %get3A_24 = arith.constant 0 : index
    %get3A_25 = arith.constant 0 : index
    %get3A_26 = vector.load %arg5[%get3A_24, %get3A_25] : memref<128x1xf32, #tpu.memory_space<vmem>>, vector<128x1xf32>
    %add3A_27 = vector.broadcast %get3A_26 : vector<128x1xf32> to vector<128x16000xf32>
    %add3A_28 = arith.addf %dot_general3A_23, %add3A_27 : vector<128x16000xf32>
    %mul3A_29 = arith.constant 5.000000e-01 : f32
    %mul3A_30 = vector.broadcast %mul3A_29 : f32 to vector<128x16000xf32>
    %mul3A_31 = arith.mulf %mul3A_30, %add3A_28 : vector<128x16000xf32>
    %tanh3A_32 = math.tanh %mul3A_31 : vector<128x16000xf32>
    %mul3A_33 = arith.constant 5.000000e-01 : f32
    %mul3A_34 = vector.broadcast %mul3A_33 : f32 to vector<128x16000xf32>
    %mul3A_35 = arith.mulf %mul3A_34, %tanh3A_32 : vector<128x16000xf32>
    %add3A_36 = arith.constant 5.000000e-01 : f32
    %add3A_37 = vector.broadcast %add3A_36 : f32 to vector<128x16000xf32>
    %add3A_38 = arith.addf %mul3A_35, %add3A_37 : vector<128x16000xf32>
    %mul3A_39 = arith.mulf %add3A_28, %add3A_38 : vector<128x16000xf32>
    %get3A_40 = arith.constant 0 : index
    %get3A_41 = arith.constant 0 : index
    %get3A_42 = vector.load %arg6[%get3A_40, %get3A_41] : memref<1x128xf32, #tpu.memory_space<vmem>>, vector<1x128xf32>
    %dot_general3A_43 = arith.constant dense<0.000000e+00> : vector<1x16000xf32>
    %dot_general3A_44 = tpu.matmul %get3A_42, %mul3A_39, %dot_general3A_43 {dimension_numbers = #tpu.dot_dimension_numbers<[1], [0], [0], [1], [0, 0, 1, 1], [], []>, transpose_lhs_hint = false} : vector<1x128xf32>, vector<128x16000xf32>, vector<1x16000xf32> -> vector<1x16000xf32>
    %get3A_45 = arith.constant 0 : index
    %get3A_46 = arith.constant 0 : index
    %get3A_47 = vector.load %arg7[%get3A_45, %get3A_46] : memref<1x1xf32, #tpu.memory_space<vmem>>, vector<1x1xf32>
    %add3A_48 = vector.broadcast %get3A_47 : vector<1x1xf32> to vector<1x16000xf32>
    %add3A_49 = arith.addf %dot_general3A_44, %add3A_48 : vector<1x16000xf32>
    %reshape3A = vector.shape_cast %add3A_49 : vector<1x16000xf32> to vector<16000xf32>
    %mul3A_50 = arith.constant 16000 : i32
    %mul3A_51 = arith.muli %arg0, %mul3A_50 : i32
    %swap3A = arith.index_cast %mul3A_51 : i32 to index
    %swap3A_52 = vector.load %arg8[%swap3A] : memref<192000xf32, #tpu.memory_space<vmem>>, vector<16000xf32>
    tpu.vector_store %arg8[%swap3A], %reshape3A {strides = array<i32>} : memref<192000xf32, #tpu.memory_space<vmem>>, vector<16000xf32>,
    return
  }
  func.func @transform_0(%arg0: i32) -> (i32, i32) {
    %add3A = arith.constant 0 : i32
    %add3A_0 = arith.addi %arg0, %add3A : i32
    %c0_i32 = arith.constant 0 : i32
    %c0_i32_1 = arith.constant 0 : i32
    return %add3A_0, %c0_i32 : i32, i32
  }
  func.func @transform_1(%arg0: i32) -> (i32, i32) {
    %c0_i32 = arith.constant 0 : i32
    %c0_i32_0 = arith.constant 0 : i32
    %c0_i32_1 = arith.constant 0 : i32
    return %c0_i32, %c0_i32_0 : i32, i32
  }
  func.func @transform_2(%arg0: i32) -> (i32, i32) {
    %c0_i32 = arith.constant 0 : i32
    %c0_i32_0 = arith.constant 0 : i32
    %c0_i32_1 = arith.constant 0 : i32
    return %c0_i32, %c0_i32_0 : i32, i32
  }
  func.func @transform_3(%arg0: i32) -> (i32, i32) {
    %c0_i32 = arith.constant 0 : i32
    %c0_i32_0 = arith.constant 0 : i32
    %c0_i32_1 = arith.constant 0 : i32
    return %c0_i32, %c0_i32_0 : i32, i32
  }
  func.func @transform_4(%arg0: i32) -> (i32, i32) {
    %c0_i32 = arith.constant 0 : i32
    %c0_i32_0 = arith.constant 0 : i32
    %c0_i32_1 = arith.constant 0 : i32
    return %c0_i32, %c0_i32_0 : i32, i32
  }
  func.func @transform_5(%arg0: i32) -> (i32, i32) {
    %c0_i32 = arith.constant 0 : i32
    %c0_i32_0 = arith.constant 0 : i32
    %c0_i32_1 = arith.constant 0 : i32
    return %c0_i32, %c0_i32_0 : i32, i32
  }
  func.func @transform_6(%arg0: i32) -> (i32, i32) {
    %c0_i32 = arith.constant 0 : i32
    %c0_i32_0 = arith.constant 0 : i32
    %c0_i32_1 = arith.constant 0 : i32
    return %c0_i32, %c0_i32_0 : i32, i32
  }
  func.func @transform_7(%arg0: i32) -> i32 {
    %c0_i32 = arith.constant 0 : i32
    %c0_i32_0 = arith.constant 0 : i32
    return %c0_i32 : i32
  }
}

module attributes {stable_mosaic.version = 14 : i64} {
  func.func @_mlp_body(%arg0: i32, %arg1: memref<16000x128xf32, #tpu.memory_space<vmem>>, %arg2: memref<128x128xf32, #tpu.memory_space<vmem>>, %arg3: memref<1x128xf32, #tpu.memory_space<vmem>>, %arg4: memref<128x128xf32, #tpu.memory_space<vmem>>, %arg5: memref<128x1xf32, #tpu.memory_space<vmem>>, %arg6: memref<1x128xf32, #tpu.memory_space<vmem>>, %arg7: memref<1x1xf32, #tpu.memory_space<vmem>>, %arg8: memref<128000xf32, #tpu.memory_space<vmem>>) attributes {dimension_semantics = [#tpu.dimension_semantics<arbitrary>], iteration_bounds = array<i64: 8>, scalar_prefetch = 0 : i64, scratch_operands = 0 : i64, tpu.core_type = #tpu.core_type<tc>, window_params = [{transform_indices = @transform_0, window_bounds = array<i64: 16000, 128>}, {pipeline_mode = #tpu.pipeline_mode<synchronous>, transform_indices = @transform_1, window_bounds = array<i64: 128, 128>}, {pipeline_mode = #tpu.pipeline_mode<synchronous>, transform_indices = @transform_2, window_bounds = array<i64: 1, 128>}, {pipeline_mode = #tpu.pipeline_mode<synchronous>, transform_indices = @transform_3, window_bounds = array<i64: 128, 128>}, {pipeline_mode = #tpu.pipeline_mode<synchronous>, transform_indices = @transform_4, window_bounds = array<i64: 128, 1>}, {pipeline_mode = #tpu.pipeline_mode<synchronous>, transform_indices = @transform_5, window_bounds = array<i64: 1, 128>}, {pipeline_mode = #tpu.pipeline_mode<synchronous>, transform_indices = @transform_6, window_bounds = array<i64: 1, 1>}, {pipeline_mode = #tpu.pipeline_mode<synchronous>, transform_indices = @transform_7, window_bounds = array<i64: 128000>}]} {
    %get3A = arith.constant 0 : index
    %get3A_0 = arith.constant 0 : index
    %get3A_1 = vector.load %arg1[%get3A, %get3A_0] : memref<16000x128xf32, #tpu.memory_space<vmem>>, vector<16000x128xf32>
    %get3A_2 = arith.constant 0 : index
    %get3A_3 = arith.constant 0 : index
    %get3A_4 = vector.load %arg2[%get3A_2, %get3A_3] : memref<128x128xf32, #tpu.memory_space<vmem>>, vector<128x128xf32>
    %dot_general3A = arith.constant dense<0.000000e+00> : vector<16000x128xf32>
    %dot_general3A_5 = tpu.matmul %get3A_1, %get3A_4, %dot_general3A {dimension_numbers = #tpu.dot_dimension_numbers<[1], [0], [0], [1], [0, 0, 1, 1], [], []>, transpose_lhs_hint = false} : vector<16000x128xf32>, vector<128x128xf32>, vector<16000x128xf32> -> vector<16000x128xf32>
    %get3A_6 = arith.constant 0 : index
    %get3A_7 = arith.constant 0 : index
    %get3A_8 = vector.load %arg3[%get3A_6, %get3A_7] : memref<1x128xf32, #tpu.memory_space<vmem>>, vector<1x128xf32>
    %add3A = vector.broadcast %get3A_8 : vector<1x128xf32> to vector<16000x128xf32>
    %add3A_9 = arith.addf %dot_general3A_5, %add3A : vector<16000x128xf32>
    %mul3A = arith.constant 5.000000e-01 : f32
    %mul3A_10 = vector.broadcast %mul3A : f32 to vector<16000x128xf32>
    %mul3A_11 = arith.mulf %mul3A_10, %add3A_9 : vector<16000x128xf32>
    %tanh3A = math.tanh %mul3A_11 : vector<16000x128xf32>
    %mul3A_12 = arith.constant 5.000000e-01 : f32
    %mul3A_13 = vector.broadcast %mul3A_12 : f32 to vector<16000x128xf32>
    %mul3A_14 = arith.mulf %mul3A_13, %tanh3A : vector<16000x128xf32>
    %add3A_15 = arith.constant 5.000000e-01 : f32
    %add3A_16 = vector.broadcast %add3A_15 : f32 to vector<16000x128xf32>
    %add3A_17 = arith.addf %mul3A_14, %add3A_16 : vector<16000x128xf32>
    %mul3A_18 = arith.mulf %add3A_9, %add3A_17 : vector<16000x128xf32>
    %transpose3A = tpu.transpose %mul3A_18, [1, 0] : vector<16000x128xf32> -> vector<128x16000xf32>
    %get3A_19 = arith.constant 0 : index
    %get3A_20 = arith.constant 0 : index
    %get3A_21 = vector.load %arg4[%get3A_19, %get3A_20] : memref<128x128xf32, #tpu.memory_space<vmem>>, vector<128x128xf32>
    %dot_general3A_22 = arith.constant dense<0.000000e+00> : vector<128x16000xf32>
    %dot_general3A_23 = tpu.matmul %get3A_21, %transpose3A, %dot_general3A_22 {dimension_numbers = #tpu.dot_dimension_numbers<[1], [0], [0], [1], [0, 0, 1, 1], [], []>, transpose_lhs_hint = false} : vector<128x128xf32>, vector<128x16000xf32>, vector<128x16000xf32> -> vector<128x16000xf32>
    %get3A_24 = arith.constant 0 : index
    %get3A_25 = arith.constant 0 : index
    %get3A_26 = vector.load %arg5[%get3A_24, %get3A_25] : memref<128x1xf32, #tpu.memory_space<vmem>>, vector<128x1xf32>
    %add3A_27 = vector.broadcast %get3A_26 : vector<128x1xf32> to vector<128x16000xf32>
    %add3A_28 = arith.addf %dot_general3A_23, %add3A_27 : vector<128x16000xf32>
    %mul3A_29 = arith.constant 5.000000e-01 : f32
    %mul3A_30 = vector.broadcast %mul3A_29 : f32 to vector<128x16000xf32>
    %mul3A_31 = arith.mulf %mul3A_30, %add3A_28 : vector<128x16000xf32>
    %tanh3A_32 = math.tanh %mul3A_31 : vector<128x16000xf32>
    %mul3A_33 = arith.constant 5.000000e-01 : f32
    %mul3A_34 = vector.broadcast %mul3A_33 : f32 to vector<128x16000xf32>
    %mul3A_35 = arith.mulf %mul3A_34, %tanh3A_32 : vector<128x16000xf32>
    %add3A_36 = arith.constant 5.000000e-01 : f32
    %add3A_37 = vector.broadcast %add3A_36 : f32 to vector<128x16000xf32>
    %add3A_38 = arith.addf %mul3A_35, %add3A_37 : vector<128x16000xf32>
    %mul3A_39 = arith.mulf %add3A_28, %add3A_38 : vector<128x16000xf32>
    %get3A_40 = arith.constant 0 : index
    %get3A_41 = arith.constant 0 : index
    %get3A_42 = vector.load %arg6[%get3A_40, %get3A_41] : memref<1x128xf32, #tpu.memory_space<vmem>>, vector<1x128xf32>
    %dot_general3A_43 = arith.constant dense<0.000000e+00> : vector<1x16000xf32>
    %dot_general3A_44 = tpu.matmul %get3A_42, %mul3A_39, %dot_general3A_43 {dimension_numbers = #tpu.dot_dimension_numbers<[1], [0], [0], [1], [0, 0, 1, 1], [], []>, transpose_lhs_hint = false} : vector<1x128xf32>, vector<128x16000xf32>, vector<1x16000xf32> -> vector<1x16000xf32>
    %get3A_45 = arith.constant 0 : index
    %get3A_46 = arith.constant 0 : index
    %get3A_47 = vector.load %arg7[%get3A_45, %get3A_46] : memref<1x1xf32, #tpu.memory_space<vmem>>, vector<1x1xf32>
    %add3A_48 = vector.broadcast %get3A_47 : vector<1x1xf32> to vector<1x16000xf32>
    %add3A_49 = arith.addf %dot_general3A_44, %add3A_48 : vector<1x16000xf32>
    %reshape3A = vector.shape_cast %add3A_49 : vector<1x16000xf32> to vector<16000xf32>
    %mul3A_50 = arith.constant 16000 : i32
    %mul3A_51 = arith.muli %arg0, %mul3A_50 : i32
    %swap3A = arith.index_cast %mul3A_51 : i32 to index
    %swap3A_52 = vector.load %arg8[%swap3A] : memref<128000xf32, #tpu.memory_space<vmem>>, vector<16000xf32>
    tpu.vector_store %arg8[%swap3A], %reshape3A {strides = array<i32>} : memref<128000xf32, #tpu.memory_space<vmem>>, vector<16000xf32>,
    return
  }
  func.func @transform_0(%arg0: i32) -> (i32, i32) {
    %add3A = arith.constant 12 : i32
    %add3A_0 = arith.addi %arg0, %add3A : i32
    %c0_i32 = arith.constant 0 : i32
    %c0_i32_1 = arith.constant 0 : i32
    return %add3A_0, %c0_i32 : i32, i32
  }
  func.func @transform_1(%arg0: i32) -> (i32, i32) {
    %c0_i32 = arith.constant 0 : i32
    %c0_i32_0 = arith.constant 0 : i32
    %c0_i32_1 = arith.constant 0 : i32
    return %c0_i32, %c0_i32_0 : i32, i32
  }
  func.func @transform_2(%arg0: i32) -> (i32, i32) {
    %c0_i32 = arith.constant 0 : i32
    %c0_i32_0 = arith.constant 0 : i32
    %c0_i32_1 = arith.constant 0 : i32
    return %c0_i32, %c0_i32_0 : i32, i32
  }
  func.func @transform_3(%arg0: i32) -> (i32, i32) {
    %c0_i32 = arith.constant 0 : i32
    %c0_i32_0 = arith.constant 0 : i32
    %c0_i32_1 = arith.constant 0 : i32
    return %c0_i32, %c0_i32_0 : i32, i32
  }
  func.func @transform_4(%arg0: i32) -> (i32, i32) {
    %c0_i32 = arith.constant 0 : i32
    %c0_i32_0 = arith.constant 0 : i32
    %c0_i32_1 = arith.constant 0 : i32
    return %c0_i32, %c0_i32_0 : i32, i32
  }
  func.func @transform_5(%arg0: i32) -> (i32, i32) {
    %c0_i32 = arith.constant 0 : i32
    %c0_i32_0 = arith.constant 0 : i32
    %c0_i32_1 = arith.constant 0 : i32
    return %c0_i32, %c0_i32_0 : i32, i32
  }
  func.func @transform_6(%arg0: i32) -> (i32, i32) {
    %c0_i32 = arith.constant 0 : i32
    %c0_i32_0 = arith.constant 0 : i32
    %c0_i32_1 = arith.constant 0 : i32
    return %c0_i32, %c0_i32_0 : i32, i32
  }
  func.func @transform_7(%arg0: i32) -> i32 {
    %c0_i32 = arith.constant 0 : i32
    %c0_i32_0 = arith.constant 0 : i32
    return %c0_i32 : i32
  }
}

module attributes {stable_mosaic.version = 14 : i64} {
  func.func @_comb_body(%arg0: memref<4x2048xf32, #tpu.memory_space<vmem>>, %arg1: memref<1x2048xf32, #tpu.memory_space<vmem>>) attributes {dimension_semantics = [], scalar_prefetch = 0 : i64, scratch_operands = 0 : i64, tpu.core_type = #tpu.core_type<tc>} {
    %get3A = arith.constant 0 : index
    %get3A_0 = arith.constant 0 : index
    %get3A_1 = vector.load %arg0[%get3A, %get3A_0] : memref<4x2048xf32, #tpu.memory_space<vmem>>, vector<4x2048xf32>
    %reduce_sum3A = arith.constant dense<0.000000e+00> : vector<2048xf32>
    %reduce_sum3A_2 = vector.multi_reduction <add>, %get3A_1, %reduce_sum3A [0] : vector<4x2048xf32> to vector<2048xf32>
    %broadcast_in_dim3A = vector.shape_cast %reduce_sum3A_2 : vector<2048xf32> to vector<1x2048xf32>
    %swap3A = arith.constant 0 : index
    %swap3A_3 = arith.constant 0 : index
    %swap3A_4 = vector.load %arg1[%swap3A, %swap3A_3] : memref<1x2048xf32, #tpu.memory_space<vmem>>, vector<1x2048xf32>
    tpu.vector_store %arg1[%swap3A, %swap3A_3], %broadcast_in_dim3A {strides = array<i32>} : memref<1x2048xf32, #tpu.memory_space<vmem>>, vector<1x2048xf32>,
    return
  }
}

</mosaic_0001>

<sc_bundles>
// kernel: kernel.10.cloned.1.call-start
scs
__scs_entry_jumppad:
0x0: {  	(pc) =	sbr.rel $0x88, $3  }
0x1: {  	(tag) =	ssettag $0x0;
	lr =	simm.s32 $0x1  }
0x2: {  	[smem:$0x3F97] =	sst lr;
	_ =	strace $0xD0000000  }
0x3: {  	_ = 	snop  }
0x4: {  	_ = 	snop  }
0x5: {  	_ = 	snop  }
0x6: {  	_ = 	snop  }
0x7: {  	_ = 	snop  }
__scs_overlays_trampoline_lowered:
0x8: {  	[smem:$0x3FA6] =	sst s0  }
0x9: {  	[smem:$0x3FA7] =	sst s1  }
0xa: {  	[smem:$0x3FA8] =	sst s2  }
0xb: {  	[smem:$0x3FA9] =	sst s3  }
0xc: {  	[smem:$0x3FAA] =	sst s4  }
0xd: {  	[smem:$0x3FAB] =	sst s5  }
0xe: {  	[smem:$0x3FAC] =	sst s6  }
0xf: {  	[smem:$0x3FAD] =	sst s7  }
0x10: {  	[smem:$0x3FAE] =	sst s8  }
0x11: {  	[smem:$0x3FAF] =	sst s9;
	s0 =	simm.s32 @!p0 $0x0  }
0x12: {  	s1 =	sld [smem:$0x3F95];
	s0 =	simm.s32 @p0 $0x1  }
0x13: {  	[smem:$0x3FB0] =	sst s0;
	s0 =	simm.s32 @!p1 $0x0  }
0x14: {  	s2 =	sld [smem:$0x3F94];
	s0 =	simm.s32 @p1 $0x1  }
0x15: {  	[smem:$0x3FB1] =	sst s0;
	s0 =	simm.s32 @!p2 $0x0  }
0x16: {  	s3 =	sld [smem:$0x3FDB];
	s0 =	simm.s32 @p2 $0x1  }
0x17: {  	s4 =	simm.s32 $0x1BF5;
	[smem:$0x3FB3] =	sst s0  }
0x18: {  	s0 =	sld [smem:$0x3F96];
	_ =	swait.ge [sflag:s4], $0x0  }
0x19: {  	s7 =	sld [smem:$0x3F97]  }
0x1a: {  	s8 =	sadd.s32 $0xFFFFE003, lr  }
0x1b: {  	s9 =	sadd.s32 $0xFFFFFEF7, lr;
	s5 =	simm.s32 $0xFFFFFFFF;
	p2 =	slt.u32 s8, $0xFFFFF086  }
0x1c: {  	p1 =	slt.u32 s9, $0xF7A;
	s5 =	simm.s32 @!p2 $0x0  }
0x1d: {  	s5 =	simm.s32 @p1 $0x1;
	p0 =	seq.s32 s7, s2  }
0x1e: {  	s7 =	smul.u32 @!p0 $0xF7A, s2;
	p2 =	seq.s32 @!p0 s5, $0x0  }
0x1f: {  	s9 =	smul.u32 $0xF7A, s1;
	s8 =	simm.s32 @!p0 $0x1BF5;
	p2 =	por !p2, p0  }
0x20: {  	[sflag:s8] =	ssyncset.s32 @!p0 $0xFFFFF086;
	s6 =	sadd.s32 @!p0 s3, s7;
	s7 =	simm.s32 @!p0 $0x108  }
0x21: {  	s3 =	sadd.s32 s3, s9;
	s6 =	sadd.s32 @!p0 $0x88, s6;
	s7 =	simm.s32 @p2 $0x1082  }
0x22: {  	[simem:s7], [sflag:s8] =	dma.local @!p0 [hbm:s6], $0xF7A  }
0x23: {  	s9 =	sor.u32 $0xD0000000, s2;
	s6 =	simm.s32 $0x108;
	_ =	swait.ge @!p0 [sflag:s8], $0x0  }
0x24: {  	s3 =	sadd.s32 $0x88, s3;
	s6 =	simm.s32 @!p1 $0x1082;
	[sflag:s4] =	ssyncset.s32 $0xFFFFF086  }
0x25: {  	[simem:s6], [sflag:s4] =	dma.local [hbm:s3], $0xF7A  }
0x26: {  	[smem:$0x3F97] =	sst s1;
	(tag) =	ssettag s2;
	_ =	strace s9  }
0x27: {  	s1 =	sld [smem:$0x3FA7]  }
0x28: {  	s2 =	sld [smem:$0x3FA8]  }
0x29: {  	s4 =	sld [smem:$0x3FAA]  }
0x2a: {  	p0 =	seq.s32 s5, $0x0;
	s5 =	sld [smem:$0x3FAB]  }
0x2b: {  	s6 =	sld [smem:$0x3FAC]  }
0x2c: {  	s7 =	sld [smem:$0x3FAD]  }
0x2d: {  	s3 =	simm.s32 $0x108;
	s8 =	sld [smem:$0x3FAE]  }
0x2e: {  	s3 =	simm.s32 @!p0 $0x1082;
	s9 =	sld [smem:$0x3FAF]  }
0x2f: {  	lr =	sadd.s32 s0, s3;
	s0 =	sld [smem:$0x3FA6]  }
0x30: {  	s3 =	sld [smem:$0x3FA9]  }
0x31: {  	[smem:$0x3FB2] =	sst s10  }
0x32: {  	s10 =	sld [smem:$0x3FB0];
	_ =	sdelay $0x3  }
0x33: {  	p0 =	seq.s32 s10, $0x1;
	s10 =	sld [smem:$0x3FB2];
	_ =	sdelay $0x3  }
0x34: {  	[smem:$0x3FB2] =	sst s10  }
0x35: {  	s10 =	sld [smem:$0x3FB1];
	_ =	sdelay $0x3  }
0x36: {  	p1 =	seq.s32 s10, $0x1;
	s10 =	sld [smem:$0x3FB2];
	_ =	sdelay $0x3  }
0x37: {  	[smem:$0x3FB2] =	sst s10  }
0x38: {  	s10 =	sld [smem:$0x3FB3]  }
0x39: {  	_ = 	snop;
	(pc) =	sbr.ind lr, $3  }
0x3a: {  	_ = 	snop  }
0x3b: {  	_ = 	snop  }
0x3c: {  	p2 =	seq.s32 s10, $0x1;
	s10 =	sld [smem:$0x3FB2]  }
0x3d: {  	_ =	shalt  }
0x3e: {  	_ =	shalt  }
0x3f: {  	_ =	shalt  }
0x40: {  	_ =	shalt  }
0x41: {  	_ =	shalt  }
0x42: {  	_ =	shalt  }
0x43: {  	_ =	shalt  }
0x44: {  	_ =	shalt  }
0x45: {  	_ =	shalt  }
0x46: {  	_ =	shalt  }
0x47: {  	_ =	shalt  }
0x48: {  	_ =	shalt  }
0x49: {  	_ =	shalt  }
0x4a: {  	_ =	shalt  }
0x4b: {  	_ =	shalt  }
0x4c: {  	_ =	shalt  }
0x4d: {  	_ =	shalt  }
0x4e: {  	_ =	shalt  }
0x4f: {  	_ =	shalt  }
0x50: {  	_ =	shalt  }
0x51: {  	_ =	shalt  }
0x52: {  	_ =	shalt  }
0x53: {  	_ =	shalt  }
0x54: {  	_ =	shalt  }
0x55: {  	_ =	shalt  }
0x56: {  	_ =	shalt  }
0x57: {  	_ =	shalt  }
0x58: {  	_ =	shalt  }
0x59: {  	_ =	shalt  }
0x5a: {  	_ =	shalt  }
0x5b: {  	_ =	shalt  }
0x5c: {  	_ =	shalt  }
0x5d: {  	_ =	shalt  }
0x5e: {  	_ =	shalt  }
0x5f: {  	_ =	shalt  }
0x60: {  	_ =	shalt  }
0x61: {  	_ =	shalt  }
0x62: {  	_ =	shalt  }
0x63: {  	_ =	shalt  }
0x64: {  	_ =	shalt  }
0x65: {  	_ =	shalt  }
0x66: {  	_ =	shalt  }
0x67: {  	_ =	shalt  }
0x68: {  	_ =	shalt  }
0x69: {  	_ =	shalt  }
0x6a: {  	_ =	shalt  }
0x6b: {  	_ =	shalt  }
0x6c: {  	_ =	shalt  }
0x6d: {  	_ =	shalt  }
0x6e: {  	_ =	shalt  }
0x6f: {  	_ =	shalt  }
0x70: {  	_ =	shalt  }
0x71: {  	_ =	shalt  }
0x72: {  	_ =	shalt  }
0x73: {  	_ =	shalt  }
0x74: {  	_ =	shalt  }
0x75: {  	_ =	shalt  }
0x76: {  	_ =	shalt  }
0x77: {  	_ =	shalt  }
0x78: {  	_ =	shalt  }
0x79: {  	_ =	shalt  }
0x7a: {  	_ =	shalt  }
0x7b: {  	_ =	shalt  }
0x7c: {  	_ =	shalt  }
0x7d: {  	_ =	shalt  }
0x7e: {  	_ =	shalt  }
0x7f: {  	_ =	shalt  }
0x80: {  	_ =	shalt  }
0x81: {  	_ =	shalt  }
0x82: {  	_ =	shalt  }
0x83: {  	_ =	shalt  }
0x84: {  	_ =	shalt  }
0x85: {  	_ =	shalt  }
0x86: {  	_ =	shalt  }
0x87: {  	_ =	shalt  }
.Lfunc_end0:
.L_simem_size_0:
called_computation.1_lowered:
.L_overlay_start_0:
0x88: {  	s2 =	sld [smem:$0x3FD9]  }
0x89: {  	s3 =	sld [smem:$0x3FFE];
	_ =	sdelay $0x1  }
0x8a: {  	s1 =	srdreg.scid  }
0x8b: {  	s0 =	sand.u32 $0x1, s1  }
0x8c: {  	s17 =	sshll.u32 s0, $0xA;
	s2 =	sadd.s32 s3, s2  }
0x8d: {  	s2 =	sadd.s32 s2, s17  }
0x8e: {  	[smem:$0x3FBE] =	sst s2  }
0x8f: {  	_ = 	snop  }
0x90: {  	s2 =	sld [smem:$0x3FC8]  }
0x91: {  	s18 =	sld [smem:$0x3FC7];
	(tm) =	ssettm $0x1  }
0x92: {  	s4 =	sld [smem:$0x3FFB];
	_ =	sdelay $0x3  }
0x93: {  	_ =	strace s4  }
0x94: {  	s4 =	sld [smem:$0x3FFC];
	_ =	sdelay $0x3  }
0x95: {  	_ =	strace s4  }
0x96: {  	s4 =	sld [smem:$0x3FFD];
	_ =	sdelay $0x3  }
0x97: {  	_ =	strace s4  }
0x98: {  	_ =	strace $0x8FFFFFFF  }
0x99: {  	s19 =	sld [smem:$0x3FDB];
	_ =	sdelay $0x1  }
0x9a: {  	s5 =	simm.s32 $_scs_section_size  }
0x9b: {  	s6 =	simm.s32 $_size__tile_overlayer_lowered;
	s7 =	simm.s32 $_tile_overlayer_lowered  }
0x9c: {  	s22 =	simm.s32 $0x1BFF;
	s21 =	sshll.u32 s7, $0x1;
	s4 =	sadd.s32 s5, s19  }
0x9d: {  	s8 =	simm.s32 $0x0;
	s20 =	sshll.u32 s6, $0x1;
	s6 =	sadd.s32 s21, s4  }
0x9e: {  	[timem:s8], [sflag:s22] =	dma.local [hbm:s6], s20  }
0x9f: {  	_ =	swait.ge [sflag:s22], s20  }
0xa0: {  	s5 =	ssub.s32 $0x0, s20;
	[sflag:s22] =	ssyncset.done $0x0  }
0xa1: {  	[sflag:s22] =	ssyncadd.s32 s5;
	_ =	sdelay $0x1  }
0xa2: {  	s23 =	simm.s32 $0x1B8B  }
0xa3: {  	_ =	swait.ge [sflag:s23], $0x1  }
0xa4: {  	[sflag:s23] =	ssyncset.done $0x0  }
0xa5: {  	s25 =	simm.s32 $0x1B8E;
	s24 =	sld [smem:$0x3FFE];
	[sflag:s23] =	ssyncadd.s32 $0xFFFFFFFF  }
0xa6: {  	s26 =	simm.s32 $execute0_lowered;
	[smem:$0x3FD2] =	sst s25  }
0xa7: {  	s6 =	sshll.u32 s26, $0x1;
	_ =	strace $0x80000046;
	[dreg:$0x1] =	wrdreg $0xFFFFFFFF  }
0xa8: {  	s28 =	simm.s32 $_size_execute0_lowered;
	s4 =	sadd.s32 s4, s6;
	[dreg:$0x0] =	wrdreg $0x0  }
0xa9: {  	s6 =	sshll.u32 s28, $0x1;
	[dreg:$0x2] =	wrdreg s4  }
0xaa: {  	[dreg:$0x3] =	wrdreg s6  }
0xab: {  	[dreg:$0x4] =	wrdreg $0xC0  }
0xac: {  	_ =	task [dreg:s8], $0x5FFFF  }
0xad: {  	[dreg:$0x1] =	wrdreg $0xFFFFFFFF  }
0xae: {  	[dreg:$0x0] =	wrdreg $0x60  }
0xaf: {  	[dreg:$0x2] =	wrdreg s24  }
0xb0: {  	[dreg:$0x3] =	wrdreg s2  }
0xb1: {  	[dreg:$0x4] =	wrdreg s18  }
0xb2: {  	[dreg:$0x5] =	wrdreg $0x51000  }
0xb3: {  	[dreg:$0x6] =	wrdreg $0xA  }
0xb4: {  	_ =	task.clear_ibuf [dreg:s8], $0x7FFFF;
	_ =	strace $0x90000046  }
0xb5: {  	s29 =	simm.s32 $0xA;
	_ =	strace $0x80000048  }
0xb6: {  	_ =	swait.ge [sflag:s29], $0x1  }
0xb7: {  	[sflag:s29] =	ssyncadd.s32 $0xFFFFFFFF  }
0xb8: {  	_ =	strace $0x90000048  }
0xb9: {  	_ =	sfence  }
0xba: {  	s30 =	sld [smem:$0x0];
	_ =	sdelay $0x2  }
0xbb: {  	s31 =	sshll.u32 s1, $0xD;
	s1 =	sshrl.u32 s1, $0x2  }
0xbc: {  	s3 =	sand.u32 $0x4000, s31;
	s1 =	sadd.s32 s1, s30  }
0xbd: {  	s0 =	sor.u32 s3, s0;
	s1 =	sshll.u32 s1, $0x11  }
0xbe: {  	s0 =	sor.u32 s1, s0  }
0xbf: {  	s0 =	sadd.s32 $0x8F2B, s0  }
0xc0: {  	[sflag:s0] =	ssyncadd.remote.s32 $0x1  }
0xc1: {  	_ =	sfence.sel $0xFFFF  }
0xc2: {  	[dreg:$0x0] =	wrdreg $0xFFFFFFFF;
	(pc) =	sbr.abs _section_cstart, $3  }
0xc3: {  	[dreg:$0x1] =	wrdreg $0xFFFFFFFF  }
0xc4: {  	_ =	task.clear_ibuf [dreg:s8], $0x2FFFF;
	_ =	strace $0x9FFFFFFF  }
0xc5: {  	(tm) =	ssettm $0x7FFFFFFF  }
tec
execute0_lowered:
.L_overlay_start_1:
0x0: {  	(tag) =	ssettag $0x1  }
0x1: {  	s0 =	rddreg [dreg:$0x0]  }
0x2: {  	s1 =	rddreg [dreg:$0x1]  }
0x3: {  	s2 =	srdreg.scid;
	s3 =	rddreg [dreg:$0x2]  }
0x4: {  	s11 =	stileid.u32;
	s8 =	rddreg [dreg:$0x3]  }
0x5: {  	s29 =	simm.s32 $0x3000;
	s30 =	simm.s32 $0x1;
	s31 =	simm.s32 $0x3080  }
0x6: {  	s28 =	simm.s32 $0x0;
	s4 =	sand.u32 $0x1, s2;
	s18 =	sshll.u32 s11, $0x1  }
0x7: {  	s2 =	simm.s32 $0x0;
	s6 =	sshll.u32 s11, $0x7;
	s10 =	sadd.s32 $0x1800, s0  }
0x8: {  	s21 =	sshll.u32 s11, $0xB;
	s26 =	sshll.u32 s11, $0xA;
	s5 =	sor.u32 s4, s18  }
0x9: {  	[smem:$0x7FF] =	sst s2;
	s7 =	sshll.u32 s4, $0xB;
	s4 =	ssub.s32 $0x2, s4  }
0xa: {  	s23 =	sand.u32 $0x4000, s21;
	s24 =	sand.u32 $0x380, s6;
	s5 =	smul.u32 $0xFA0, s5  }
0xb: {  	_ =	strace $0x80000047;
	s7 =	sor.u32 s6, s7;
	s19 =	sshrl.u32 s4, $0x1  }
0xc: {  	[dreg:$0x5] =	wrdreg s10;
	s25 =	ssub.s32 s4, s19;
	s5 =	sshrl.u32 s5, $0x3  }
0xd: {  	s7 =	sshrl.u32 s7, $0x3;
	s25 =	smax.u32 s25, $0x1;
	s9 =	sadd.s32 s5, s0  }
0xe: {  	s0 =	sadd.s32 s7, s0;
	s20 =	sadd.s32 $0x5DC0, s5;
	s22 =	sadd.s32 $0x1A00, s9  }
0xf: {  	v0 =	vimm.s32 $0xEDCBA987;
	s5 =	sadd.s32 s1, s20;
	s1 =	sadd.s32 s23, s8;
	s6 =	sadd.s32 s3, s20  }
0x10: {  	v1 =	vimm.s32 $0x65432100;
	v2 =	vimm.s32 $0xFFEDCBA9;
	v3 =	vimm.s32 $0x87654321;
	s8 =	sadd.s32 s26, s8;
	[dreg:$0x6] =	wrdreg s22;
	s7 =	sadd.s32 s24, s1  }
0x11: {  	v0 =	vunpack.c.l.s4.s8 v0;
	v2 =	vunpack.c.l.s4.s8 v2;
	v3 =	vunpack.c.l.s4.s8 v3;
	s9 =	sadd.s32 $0x80, s8;
	s10 =	sadd.s32 $0x100, s8;
	s11 =	sadd.s32 $0x180, s8  }
0x12: {  	v1 =	vunpack.c.l.s4.s8 v1;
	s12 =	sadd.s32 $0x200, s8;
	s13 =	sadd.s32 $0x280, s8;
	s14 =	sadd.s32 $0x300, s8  }
0x13: {  	v0 =	vunpack.c.0.s8.s32 v0;
	v2 =	vunpack.c.0.s8.s32 v2;
	v3 =	vunpack.c.0.s8.s32 v3;
	s15 =	sadd.s32 $0x380, s8;
	s16 =	sadd.s32 $0x4000, s8;
	s17 =	sadd.s32 $0x4080, s8  }
0x14: {  	vm0 =	vmmov $0x1;
	v1 =	vunpack.c.0.s8.s32 v1;
	s18 =	sadd.s32 $0x4100, s8;
	s19 =	sadd.s32 $0x4180, s8;
	s20 =	sadd.s32 $0x4200, s8  }
0x15: {  	vm1 =	vcmask $0x3F3C;
	v0 =	vand.u32 $0xF, v0;
	v2 =	vcombine.low v3, v2;
	s21 =	sadd.s32 $0x4280, s8;
	s22 =	sadd.s32 $0x4300, s8;
	s23 =	sadd.s32 $0x4380, s8  }
0x16: {  	v3 =	vimm.s32 $0xF;
	v0 =	vcombine.low v1, v0;
	v1 =	vimm.f32 $0.0e+00;
	s24 =	sadd.s32 $0x5A00, s0;
	s1 =	simm.s32 $0x3880;
	s0 =	simm.s32 $0x2  }
.LBB2_1:
0x17: {  	s3 =	rddreg [dreg:$0x6]  }
0x18: {  	[tilespmem:s2], [sflag:$0x1] =	stream.linear.gather [hbm4b:s3+s2], $0xFA0, $0x38;
	[tilespmem:$0x5900] =	vst v63  }
0x19: {  	s26 =	simm.s32 $0x1000  }
0x1a: {  	[tilespmem:s26], [sflag:$0x1] =	stream.linear.gather [hbm4b:s5+s2], $0xFA0, $0x38;
	[tilespmem:$0x5900] =	vst v63  }
0x1b: {  	s4 =	simm.s32 $0x2000  }
0x1c: {  	[tilespmem:s4], [sflag:$0x1] =	stream.linear.gather [hbm4b:s6+s2], $0xFA0, $0x38;
	[tilespmem:$0x5900] =	vst v63  }
0x1d: {  	s26 =	rddreg [dreg:$0x5]  }
0x1e: {  	[tilespmem:s29], [sflag:$0x1] =	stream.linear.gather [hbm4b:s26+s2], $0x80, $0x38;
	[tilespmem:$0x5900] =	vst v63  }
0x1f: {  	s3 =	simm.s32 $0x40;
	s26 =	simm.s32 $0x0  }
.LBB2_2:
0x20: {  	p0 =	sne.s32 s3, $0x1FC0;
	[tilespmem:s26+$0x3080] =	vst v1;
	s4 =	smov.u32 s3;
	s3 =	sadd.s32 $0x40, s3  }
.Ltmp0:
0x21: {  	[tilespmem:s26+$0x3880] =	vst v1;
	(pc) =	sbr.rel @p0 .LBB2_2-.Ltmp0, $2  }
0x22: {  	_ =	sdelay $0x2  }
0x23: {  	s26 =	sshra.s32 s4, $0x2  }
0x24: {  	[tilespmem:s26+$0x3080] =	vst v1  }
0x25: {  	[tilespmem:s26+$0x3880] =	vst v1  }
0x26: {  	_ =	swait.ge [sflag:s30], $0xFA0  }
0x27: {  	[sflag:s30] =	ssyncset.done $0x0  }
0x28: {  	[sflag:s30] =	ssyncadd.s32 $0xFFFFF060  }
0x29: {  	_ =	swait.ge [sflag:s30], $0xFA0  }
0x2a: {  	[sflag:s30] =	ssyncset.done $0x0  }
0x2b: {  	[sflag:s30] =	ssyncadd.s32 $0xFFFFF060  }
0x2c: {  	_ =	swait.ge [sflag:s30], $0xFA0  }
0x2d: {  	[sflag:s30] =	ssyncset.done $0x0  }
0x2e: {  	[sflag:s30] =	ssyncadd.s32 $0xFFFFF060  }
0x2f: {  	_ =	swait.ge [sflag:s30], $0x80  }
0x30: {  	[sflag:s30] =	ssyncset.done $0x0  }
0x31: {  	s3 =	simm.s32 $0x0;
	[sflag:s30] =	ssyncadd.s32 $0xFFFFFF80  }
0x32: {  	v4 =	vimm.f32 $0.0e+00;
	v5 =	vimm.s32 $0xFFFFFFFF;
	s26 =	simm.s32 $0x40;
	v6 =	vld [tilespmem:s3+$0x1000]  }
.LBB2_4:
0x33: {  	p0 =	sne.s32 s26, $0x3E40;
	_ =	sdelay $0x6  }
0x34: {  	v6 =	vld.idx.msk [tilespmem:v6+s29+$0x0], $0xffff  }
0x35: {  	v7 =	vld [tilespmem:s3+$0x0];
	_ =	sdelay $0x4  }
0x36: {  	v6 =	vadd.f32 v6, v7;
	_ =	sdelay $0x1  }
0x37: {  	(xrf2) =	vadd.scan.msk.f32 $0xffff, v6  }
0x38: {  	v7 =	vld [tilespmem:s3+$0x2000];
	_ =	sdelay $0x4  }
0x39: {  	v8 =	vperm.xlane v7, v0;
	v9 =	vperm.xlane v7, v3  }
0x3a: {  	v10 =	vperm.xlane v7, v2  }
0x3b: {  	v11 =	vsel vm0, v5, v8;
	v5 =	vmov v9  }
0x3c: {  	vm3 =	vne.s32 v7, v10;
	vm2 =	vne.s32 v7, v11  }
0x3d: {  	vm3 =	vmor vm3, vm1;
	v8, _, _ =	vpop (xrf2)  }
0x3e: {  	v8 =	vadd.f32 v8, v4;
	_ =	sdelay $0x1  }
.Ltmp1:
0x3f: {  	v6 =	vsub.f32 v8, v6;
	v4 =	vperm.xlane v8, v3;
	(pc) =	sbr.rel @p0 .LBB2_4-.Ltmp1, $4  }
0x40: {  	_ = 	snop  }
0x41: {  	[tilespmem:v7+s31+$0x0] =	vst.idx.msk vm2, v6  }
0x42: {  	s3 =	sshra.s32 s26, $0x2;
	[tilespmem:v7+s1+$0x0] =	vst.idx.msk vm3, v8  }
0x43: {  	s26 =	sadd.s32 $0x40, s26;
	v6 =	vld [tilespmem:s3+$0x1000]  }
0x44: {  	_ =	sdelay $0x6  }
0x45: {  	v7 =	vld [tilespmem:s3+$0x0]  }
0x46: {  	v6 =	vld.idx.msk [tilespmem:v6+s29+$0x0], $0xffff;
	_ =	sdelay $0x4  }
0x47: {  	v6 =	vadd.f32 v6, v7;
	_ =	sdelay $0x1  }
0x48: {  	v7 =	vld [tilespmem:s3+$0x2000];
	(xrf2) =	vadd.scan.msk.f32 $0xffff, v6;
	_ =	sdelay $0x4  }
0x49: {  	v8 =	vperm.xlane v7, v0;
	_ =	sdelay $0x1  }
0x4a: {  	v9 =	vperm.xlane v7, v2;
	v5 =	vsel vm0, v5, v8;
	_ =	sdelay $0x1  }
0x4b: {  	vm3 =	vne.s32 v7, v9;
	vm2 =	vne.s32 v7, v5  }
0x4c: {  	vm3 =	vmor vm3, vm1;
	v5, _, _ =	vpop (xrf2)  }
0x4d: {  	v4 =	vadd.f32 v5, v4;
	_ =	sdelay $0x1  }
0x4e: {  	v5 =	vsub.f32 v4, v6;
	_ =	sdelay $0x1  }
0x4f: {  	[tilespmem:v7+s31+$0x0] =	vst.idx.msk vm2, v5  }
0x50: {  	s3 =	simm.s32 $0x0;
	[tilespmem:v7+s1+$0x0] =	vst.idx.msk vm3, v4  }
0x51: {  	v4 =	vld [tilespmem:s3+$0x3880]  }
0x52: {  	s26 =	simm.s32 $0x40;
	v5 =	vld [tilespmem:s3+$0x3080]  }
.LBB2_6:
0x53: {  	_ = 	snop  }
0x54: {  	p0 =	sne.s32 s26, $0x1FC0  }
.Ltmp2:
0x55: {  	_ = 	snop;
	(pc) =	sbr.rel @p0 .LBB2_6-.Ltmp2, $4  }
0x56: {  	_ = 	snop  }
0x57: {  	s4 =	sshra.s32 s26, $0x2;
	v6 =	vsub.f32 v4, v5  }
0x58: {  	v4 =	vld [tilespmem:s4+$0x3880]  }
0x59: {  	s26 =	sadd.s32 $0x40, s26;
	v5 =	vld [tilespmem:s4+$0x3080];
	[tilespmem:s3+$0x4080] =	vst v6;
	s3 =	smov.u32 s4  }
0x5a: {  	_ =	sdelay $0x3  }
0x5b: {  	v4 =	vsub.f32 v4, v5;
	_ =	sdelay $0x1  }
0x5c: {  	s4 =	simm.s32 $0x400;
	s26 =	simm.s32 $0x4080;
	[tilespmem:s3+$0x4080] =	vst v4;
	s3 =	simm.s32 $0x80  }
0x5d: {  	[spmem:s7] =	stream.strided.scatter [tilespmem:s26], [sflag:$0x2], $0x800, s4, s3, $0x38;
	[tilespmem:$0x5900] =	vst v63  }
0x5e: {  	_ =	swait.ge [sflag:s0], $0x800  }
0x5f: {  	[sflag:s0] =	ssyncset.done $0x0  }
0x60: {  	[sflag:s0] =	ssyncadd.s32 $0xFFFFF800  }
0x61: {  	s26 =	simm.s32 $0x4900;
	[bflag:$0x0] =	sbarrier.arrive $0xFFFF  }
0x62: {  	[tilespmem:s26], [sflag:$0x1] =	stream.linear.gather [spmem:s8], $0x80, $0x38;
	[tilespmem:$0x5900] =	vst v63  }
0x63: {  	s4 =	simm.s32 $0x4980  }
0x64: {  	[tilespmem:s4], [sflag:$0x1] =	stream.linear.gather [spmem:s9], $0x80, $0x38;
	[tilespmem:$0x5900] =	vst v63  }
0x65: {  	s26 =	simm.s32 $0x4A00  }
0x66: {  	[tilespmem:s26], [sflag:$0x1] =	stream.linear.gather [spmem:s10], $0x80, $0x38;
	[tilespmem:$0x5900] =	vst v63  }
0x67: {  	s4 =	simm.s32 $0x4A80  }
0x68: {  	[tilespmem:s4], [sflag:$0x1] =	stream.linear.gather [spmem:s11], $0x80, $0x38;
	[tilespmem:$0x5900] =	vst v63  }
0x69: {  	s26 =	simm.s32 $0x4B00  }
0x6a: {  	[tilespmem:s26], [sflag:$0x1] =	stream.linear.gather [spmem:s12], $0x80, $0x38;
	[tilespmem:$0x5900] =	vst v63  }
0x6b: {  	s4 =	simm.s32 $0x4B80  }
0x6c: {  	[tilespmem:s4], [sflag:$0x1] =	stream.linear.gather [spmem:s13], $0x80, $0x38;
	[tilespmem:$0x5900] =	vst v63  }
0x6d: {  	s26 =	simm.s32 $0x4C00  }
0x6e: {  	[tilespmem:s26], [sflag:$0x1] =	stream.linear.gather [spmem:s14], $0x80, $0x38;
	[tilespmem:$0x5900] =	vst v63  }
0x6f: {  	s4 =	simm.s32 $0x4C80  }
0x70: {  	[tilespmem:s4], [sflag:$0x1] =	stream.linear.gather [spmem:s15], $0x80, $0x38;
	[tilespmem:$0x5900] =	vst v63  }
0x71: {  	s26 =	simm.s32 $0x4D00  }
0x72: {  	[tilespmem:s26], [sflag:$0x1] =	stream.linear.gather [spmem:s16], $0x80, $0x38;
	[tilespmem:$0x5900] =	vst v63  }
0x73: {  	s4 =	simm.s32 $0x4D80  }
0x74: {  	[tilespmem:s4], [sflag:$0x1] =	stream.linear.gather [spmem:s17], $0x80, $0x38;
	[tilespmem:$0x5900] =	vst v63  }
0x75: {  	s26 =	simm.s32 $0x4E00  }
0x76: {  	[tilespmem:s26], [sflag:$0x1] =	stream.linear.gather [spmem:s18], $0x80, $0x38;
	[tilespmem:$0x5900] =	vst v63  }
0x77: {  	s4 =	simm.s32 $0x4E80  }
0x78: {  	[tilespmem:s4], [sflag:$0x1] =	stream.linear.gather [spmem:s19], $0x80, $0x38;
	[tilespmem:$0x5900] =	vst v63  }
0x79: {  	s26 =	simm.s32 $0x4F00  }
0x7a: {  	[tilespmem:s26], [sflag:$0x1] =	stream.linear.gather [spmem:s20], $0x80, $0x38;
	[tilespmem:$0x5900] =	vst v63  }
0x7b: {  	s4 =	simm.s32 $0x4F80  }
0x7c: {  	[tilespmem:s4], [sflag:$0x1] =	stream.linear.gather [spmem:s21], $0x80, $0x38;
	[tilespmem:$0x5900] =	vst v63  }
0x7d: {  	s26 =	simm.s32 $0x5000  }
0x7e: {  	[tilespmem:s26], [sflag:$0x1] =	stream.linear.gather [spmem:s22], $0x80, $0x38;
	[tilespmem:$0x5900] =	vst v63  }
0x7f: {  	s4 =	simm.s32 $0x5080  }
0x80: {  	[tilespmem:s4], [sflag:$0x1] =	stream.linear.gather [spmem:s23], $0x80, $0x38;
	[tilespmem:$0x5900] =	vst v63  }
0x81: {  	[tilespmem:$0x4880] =	vst v1  }
0x82: {  	[tilespmem:$0x4890] =	vst v1  }
0x83: {  	[tilespmem:$0x48A0] =	vst v1  }
0x84: {  	[tilespmem:$0x48B0] =	vst v1  }
0x85: {  	[tilespmem:$0x48C0] =	vst v1  }
0x86: {  	[tilespmem:$0x48D0] =	vst v1  }
0x87: {  	[tilespmem:$0x48E0] =	vst v1  }
0x88: {  	[tilespmem:$0x48F0] =	vst v1  }
0x89: {  	_ =	swait.ge [sflag:s30], $0x80  }
0x8a: {  	[sflag:s30] =	ssyncset.done $0x0  }
0x8b: {  	[sflag:s30] =	ssyncadd.s32 $0xFFFFFF80  }
0x8c: {  	_ =	swait.ge [sflag:s30], $0x80  }
0x8d: {  	[sflag:s30] =	ssyncset.done $0x0  }
0x8e: {  	[sflag:s30] =	ssyncadd.s32 $0xFFFFFF80  }
0x8f: {  	_ =	swait.ge [sflag:s30], $0x80  }
0x90: {  	[sflag:s30] =	ssyncset.done $0x0  }
0x91: {  	[sflag:s30] =	ssyncadd.s32 $0xFFFFFF80  }
0x92: {  	_ =	swait.ge [sflag:s30], $0x80  }
0x93: {  	[sflag:s30] =	ssyncset.done $0x0  }
0x94: {  	[sflag:s30] =	ssyncadd.s32 $0xFFFFFF80  }
0x95: {  	_ =	swait.ge [sflag:s30], $0x80  }
0x96: {  	[sflag:s30] =	ssyncset.done $0x0  }
0x97: {  	[sflag:s30] =	ssyncadd.s32 $0xFFFFFF80  }
0x98: {  	_ =	swait.ge [sflag:s30], $0x80  }
0x99: {  	[sflag:s30] =	ssyncset.done $0x0  }
0x9a: {  	[sflag:s30] =	ssyncadd.s32 $0xFFFFFF80  }
0x9b: {  	_ =	swait.ge [sflag:s30], $0x80  }
0x9c: {  	[sflag:s30] =	ssyncset.done $0x0  }
0x9d: {  	[sflag:s30] =	ssyncadd.s32 $0xFFFFFF80  }
0x9e: {  	_ =	swait.ge [sflag:s30], $0x80  }
0x9f: {  	[sflag:s30] =	ssyncset.done $0x0  }
0xa0: {  	[sflag:s30] =	ssyncadd.s32 $0xFFFFFF80  }
0xa1: {  	_ =	swait.ge [sflag:s30], $0x80  }
0xa2: {  	[sflag:s30] =	ssyncset.done $0x0  }
0xa3: {  	[sflag:s30] =	ssyncadd.s32 $0xFFFFFF80  }
0xa4: {  	_ =	swait.ge [sflag:s30], $0x80  }
0xa5: {  	[sflag:s30] =	ssyncset.done $0x0  }
0xa6: {  	[sflag:s30] =	ssyncadd.s32 $0xFFFFFF80  }
0xa7: {  	_ =	swait.ge [sflag:s30], $0x80  }
0xa8: {  	[sflag:s30] =	ssyncset.done $0x0  }
0xa9: {  	[sflag:s30] =	ssyncadd.s32 $0xFFFFFF80  }
0xaa: {  	_ =	swait.ge [sflag:s30], $0x80  }
0xab: {  	[sflag:s30] =	ssyncset.done $0x0  }
0xac: {  	[sflag:s30] =	ssyncadd.s32 $0xFFFFFF80  }
0xad: {  	_ =	swait.ge [sflag:s30], $0x80  }
0xae: {  	[sflag:s30] =	ssyncset.done $0x0  }
0xaf: {  	[sflag:s30] =	ssyncadd.s32 $0xFFFFFF80  }
0xb0: {  	_ =	swait.ge [sflag:s30], $0x80  }
0xb1: {  	[sflag:s30] =	ssyncset.done $0x0  }
0xb2: {  	[sflag:s30] =	ssyncadd.s32 $0xFFFFFF80  }
0xb3: {  	_ =	swait.ge [sflag:s30], $0x80  }
0xb4: {  	[sflag:s30] =	ssyncset.done $0x0  }
0xb5: {  	[sflag:s30] =	ssyncadd.s32 $0xFFFFFF80  }
0xb6: {  	_ =	swait.ge [sflag:s30], $0x80  }
0xb7: {  	[sflag:s30] =	ssyncset.done $0x0  }
0xb8: {  	[sflag:s30] =	ssyncadd.s32 $0xFFFFFF80  }
0xb9: {  	v4 =	vld [tilespmem:$0x4900]  }
0xba: {  	v5 =	vld [tilespmem:$0x4910]  }
0xbb: {  	v6 =	vld [tilespmem:$0x4920]  }
0xbc: {  	v7 =	vld [tilespmem:$0x4930]  }
0xbd: {  	v8 =	vld [tilespmem:$0x4940]  }
0xbe: {  	v9 =	vld [tilespmem:$0x4950];
	v4 =	vadd.f32 $0.0e+00, v4  }
0xbf: {  	v10 =	vld [tilespmem:$0x4960];
	v5 =	vadd.f32 $0.0e+00, v5  }
0xc0: {  	v11 =	vld [tilespmem:$0x4970];
	v6 =	vadd.f32 $0.0e+00, v6;
	[tilespmem:$0x4880] =	vst v4  }
0xc1: {  	v12 =	vld [tilespmem:$0x4980];
	v7 =	vadd.f32 $0.0e+00, v7;
	[tilespmem:$0x4890] =	vst v5  }
0xc2: {  	v13 =	vld [tilespmem:$0x4990];
	v8 =	vadd.f32 $0.0e+00, v8;
	[tilespmem:$0x48A0] =	vst v6  }
0xc3: {  	v14 =	vld [tilespmem:$0x49A0];
	v9 =	vadd.f32 $0.0e+00, v9;
	[tilespmem:$0x48B0] =	vst v7  }
0xc4: {  	v15 =	vld [tilespmem:$0x49B0];
	v10 =	vadd.f32 $0.0e+00, v10;
	[tilespmem:$0x48C0] =	vst v8  }
0xc5: {  	v16 =	vld [tilespmem:$0x49C0];
	v11 =	vadd.f32 $0.0e+00, v11;
	[tilespmem:$0x48D0] =	vst v9  }
0xc6: {  	v38 =	vld [tilespmem:$0x49D0];
	[tilespmem:$0x48E0] =	vst v10;
	v4 =	vadd.f32 v12, v4  }
0xc7: {  	v39 =	vld [tilespmem:$0x49E0];
	[tilespmem:$0x48F0] =	vst v11;
	v5 =	vadd.f32 v13, v5  }
0xc8: {  	v40 =	vld [tilespmem:$0x49F0];
	v6 =	vadd.f32 v14, v6;
	[tilespmem:$0x4880] =	vst v4  }
0xc9: {  	v41 =	vld [tilespmem:$0x4A00];
	v7 =	vadd.f32 v15, v7;
	[tilespmem:$0x4890] =	vst v5  }
0xca: {  	v42 =	vld [tilespmem:$0x4A10];
	v8 =	vadd.f32 v16, v8;
	[tilespmem:$0x48A0] =	vst v6  }
0xcb: {  	v43 =	vld [tilespmem:$0x4A20];
	v9 =	vadd.f32 v38, v9;
	[tilespmem:$0x48B0] =	vst v7  }
0xcc: {  	v44 =	vld [tilespmem:$0x4A30];
	v10 =	vadd.f32 v39, v10;
	[tilespmem:$0x48C0] =	vst v8  }
0xcd: {  	v45 =	vld [tilespmem:$0x4A40];
	v11 =	vadd.f32 v40, v11;
	[tilespmem:$0x48D0] =	vst v9  }
0xce: {  	v46 =	vld [tilespmem:$0x4A50];
	[tilespmem:$0x48E0] =	vst v10;
	v4 =	vadd.f32 v41, v4  }
0xcf: {  	v47 =	vld [tilespmem:$0x4A60];
	[tilespmem:$0x48F0] =	vst v11;
	v5 =	vadd.f32 v42, v5  }
0xd0: {  	v48 =	vld [tilespmem:$0x4A70];
	v6 =	vadd.f32 v43, v6;
	[tilespmem:$0x4880] =	vst v4  }
0xd1: {  	v49 =	vld [tilespmem:$0x4A80];
	v7 =	vadd.f32 v44, v7;
	[tilespmem:$0x4890] =	vst v5  }
0xd2: {  	v50 =	vld [tilespmem:$0x4A90];
	v8 =	vadd.f32 v45, v8;
	[tilespmem:$0x48A0] =	vst v6  }
0xd3: {  	v51 =	vld [tilespmem:$0x4AA0];
	v9 =	vadd.f32 v46, v9;
	[tilespmem:$0x48B0] =	vst v7  }
0xd4: {  	v52 =	vld [tilespmem:$0x4AB0];
	v10 =	vadd.f32 v47, v10;
	[tilespmem:$0x48C0] =	vst v8  }
0xd5: {  	v53 =	vld [tilespmem:$0x4AC0];
	v11 =	vadd.f32 v48, v11;
	[tilespmem:$0x48D0] =	vst v9  }
0xd6: {  	v54 =	vld [tilespmem:$0x4AD0];
	[tilespmem:$0x48E0] =	vst v10;
	v4 =	vadd.f32 v49, v4  }
0xd7: {  	v55 =	vld [tilespmem:$0x4AE0];
	[tilespmem:$0x48F0] =	vst v11;
	v5 =	vadd.f32 v50, v5  }
0xd8: {  	v56 =	vld [tilespmem:$0x4AF0];
	v6 =	vadd.f32 v51, v6;
	[tilespmem:$0x4880] =	vst v4  }
0xd9: {  	v57 =	vld [tilespmem:$0x4B00];
	v7 =	vadd.f32 v52, v7;
	[tilespmem:$0x4890] =	vst v5  }
0xda: {  	v58 =	vld [tilespmem:$0x4B10];
	v8 =	vadd.f32 v53, v8;
	[tilespmem:$0x48A0] =	vst v6  }
0xdb: {  	v59 =	vld [tilespmem:$0x4B20];
	v9 =	vadd.f32 v54, v9;
	[tilespmem:$0x48B0] =	vst v7  }
0xdc: {  	v60 =	vld [tilespmem:$0x4B30];
	v10 =	vadd.f32 v55, v10;
	[tilespmem:$0x48C0] =	vst v8  }
0xdd: {  	v61 =	vld [tilespmem:$0x4B40];
	v11 =	vadd.f32 v56, v11;
	[tilespmem:$0x48D0] =	vst v9  }
0xde: {  	v62 =	vld [tilespmem:$0x4B50];
	[tilespmem:$0x48E0] =	vst v10;
	v4 =	vadd.f32 v57, v4  }
0xdf: {  	v63 =	vld [tilespmem:$0x4B60];
	[tilespmem:$0x48F0] =	vst v11;
	v5 =	vadd.f32 v58, v5  }
0xe0: {  	v20 =	vld [tilespmem:$0x4B70];
	v6 =	vadd.f32 v59, v6;
	[tilespmem:$0x4880] =	vst v4  }
0xe1: {  	v21 =	vld [tilespmem:$0x4B80];
	v7 =	vadd.f32 v60, v7;
	[tilespmem:$0x4890] =	vst v5  }
0xe2: {  	v22 =	vld [tilespmem:$0x4B90];
	v8 =	vadd.f32 v61, v8;
	[tilespmem:$0x48A0] =	vst v6  }
0xe3: {  	v23 =	vld [tilespmem:$0x4BA0];
	v9 =	vadd.f32 v62, v9;
	[tilespmem:$0x48B0] =	vst v7  }
0xe4: {  	v24 =	vld [tilespmem:$0x4BB0];
	v10 =	vadd.f32 v63, v10;
	[tilespmem:$0x48C0] =	vst v8  }
0xe5: {  	v25 =	vld [tilespmem:$0x4BC0];
	v11 =	vadd.f32 v20, v11;
	[tilespmem:$0x48D0] =	vst v9  }
0xe6: {  	v26 =	vld [tilespmem:$0x4BD0];
	[tilespmem:$0x48E0] =	vst v10;
	v4 =	vadd.f32 v21, v4  }
0xe7: {  	v27 =	vld [tilespmem:$0x4BE0];
	[tilespmem:$0x48F0] =	vst v11;
	v5 =	vadd.f32 v22, v5  }
0xe8: {  	v28 =	vld [tilespmem:$0x4BF0];
	v6 =	vadd.f32 v23, v6;
	[tilespmem:$0x4880] =	vst v4  }
0xe9: {  	v29 =	vld [tilespmem:$0x4C00];
	v7 =	vadd.f32 v24, v7;
	[tilespmem:$0x4890] =	vst v5  }
0xea: {  	v30 =	vld [tilespmem:$0x4C10];
	v8 =	vadd.f32 v25, v8;
	[tilespmem:$0x48A0] =	vst v6  }
0xeb: {  	v31 =	vld [tilespmem:$0x4C20];
	v9 =	vadd.f32 v26, v9;
	[tilespmem:$0x48B0] =	vst v7  }
0xec: {  	v32 =	vld [tilespmem:$0x4C30];
	v10 =	vadd.f32 v27, v10;
	[tilespmem:$0x48C0] =	vst v8  }
0xed: {  	v33 =	vld [tilespmem:$0x4C40];
	v11 =	vadd.f32 v28, v11;
	[tilespmem:$0x48D0] =	vst v9  }
0xee: {  	v34 =	vld [tilespmem:$0x4C50];
	[tilespmem:$0x48E0] =	vst v10;
	v4 =	vadd.f32 v29, v4  }
0xef: {  	v35 =	vld [tilespmem:$0x4C60];
	[tilespmem:$0x48F0] =	vst v11;
	v5 =	vadd.f32 v30, v5  }
0xf0: {  	v36 =	vld [tilespmem:$0x4C70];
	v6 =	vadd.f32 v31, v6;
	[tilespmem:$0x4880] =	vst v4  }
0xf1: {  	v37 =	vld [tilespmem:$0x4C80];
	v7 =	vadd.f32 v32, v7;
	[tilespmem:$0x4890] =	vst v5  }
0xf2: {  	v38 =	vld [tilespmem:$0x4C90];
	v8 =	vadd.f32 v33, v8;
	[tilespmem:$0x48A0] =	vst v6  }
0xf3: {  	v39 =	vld [tilespmem:$0x4CA0];
	v9 =	vadd.f32 v34, v9;
	[tilespmem:$0x48B0] =	vst v7  }
0xf4: {  	v40 =	vld [tilespmem:$0x4CB0];
	v10 =	vadd.f32 v35, v10;
	[tilespmem:$0x48C0] =	vst v8  }
0xf5: {  	v41 =	vld [tilespmem:$0x4CC0];
	v11 =	vadd.f32 v36, v11;
	[tilespmem:$0x48D0] =	vst v9  }
0xf6: {  	v42 =	vld [tilespmem:$0x4CD0];
	[tilespmem:$0x48E0] =	vst v10;
	v4 =	vadd.f32 v37, v4  }
0xf7: {  	v43 =	vld [tilespmem:$0x4CE0];
	[tilespmem:$0x48F0] =	vst v11;
	v5 =	vadd.f32 v38, v5  }
0xf8: {  	v44 =	vld [tilespmem:$0x4CF0];
	v6 =	vadd.f32 v39, v6;
	[tilespmem:$0x4880] =	vst v4  }
0xf9: {  	v45 =	vld [tilespmem:$0x4D00];
	v7 =	vadd.f32 v40, v7;
	[tilespmem:$0x4890] =	vst v5  }
0xfa: {  	v46 =	vld [tilespmem:$0x4D10];
	v8 =	vadd.f32 v41, v8;
	[tilespmem:$0x48A0] =	vst v6  }
0xfb: {  	v47 =	vld [tilespmem:$0x4D20];
	v9 =	vadd.f32 v42, v9;
	[tilespmem:$0x48B0] =	vst v7  }
0xfc: {  	v48 =	vld [tilespmem:$0x4D30];
	v10 =	vadd.f32 v43, v10;
	[tilespmem:$0x48C0] =	vst v8  }
0xfd: {  	v49 =	vld [tilespmem:$0x4D40];
	v11 =	vadd.f32 v44, v11;
	[tilespmem:$0x48D0] =	vst v9  }
0xfe: {  	v50 =	vld [tilespmem:$0x4D50];
	[tilespmem:$0x48E0] =	vst v10;
	v4 =	vadd.f32 v45, v4  }
0xff: {  	v51 =	vld [tilespmem:$0x4D60];
	[tilespmem:$0x48F0] =	vst v11;
	v5 =	vadd.f32 v46, v5  }
0x100: {  	v52 =	vld [tilespmem:$0x4D70];
	v6 =	vadd.f32 v47, v6;
	[tilespmem:$0x4880] =	vst v4  }
0x101: {  	v53 =	vld [tilespmem:$0x4D80];
	v7 =	vadd.f32 v48, v7;
	[tilespmem:$0x4890] =	vst v5  }
0x102: {  	v54 =	vld [tilespmem:$0x4D90];
	v8 =	vadd.f32 v49, v8;
	[tilespmem:$0x48A0] =	vst v6  }
0x103: {  	v55 =	vld [tilespmem:$0x4DA0];
	v9 =	vadd.f32 v50, v9;
	[tilespmem:$0x48B0] =	vst v7  }
0x104: {  	v56 =	vld [tilespmem:$0x4DB0];
	v10 =	vadd.f32 v51, v10;
	[tilespmem:$0x48C0] =	vst v8  }
0x105: {  	v57 =	vld [tilespmem:$0x4DC0];
	v11 =	vadd.f32 v52, v11;
	[tilespmem:$0x48D0] =	vst v9  }
0x106: {  	v58 =	vld [tilespmem:$0x4DD0];
	[tilespmem:$0x48E0] =	vst v10;
	v4 =	vadd.f32 v53, v4  }
0x107: {  	v59 =	vld [tilespmem:$0x4DE0];
	[tilespmem:$0x48F0] =	vst v11;
	v5 =	vadd.f32 v54, v5  }
0x108: {  	v60 =	vld [tilespmem:$0x4DF0];
	v6 =	vadd.f32 v55, v6;
	[tilespmem:$0x4880] =	vst v4  }
0x109: {  	v61 =	vld [tilespmem:$0x4E00];
	v7 =	vadd.f32 v56, v7;
	[tilespmem:$0x4890] =	vst v5  }
0x10a: {  	v62 =	vld [tilespmem:$0x4E10];
	v8 =	vadd.f32 v57, v8;
	[tilespmem:$0x48A0] =	vst v6  }
0x10b: {  	v63 =	vld [tilespmem:$0x4E20];
	v9 =	vadd.f32 v58, v9;
	[tilespmem:$0x48B0] =	vst v7  }
0x10c: {  	v20 =	vld [tilespmem:$0x4E30];
	v10 =	vadd.f32 v59, v10;
	[tilespmem:$0x48C0] =	vst v8  }
0x10d: {  	v21 =	vld [tilespmem:$0x4E40];
	v11 =	vadd.f32 v60, v11;
	[tilespmem:$0x48D0] =	vst v9  }
0x10e: {  	v22 =	vld [tilespmem:$0x4E50];
	[tilespmem:$0x48E0] =	vst v10;
	v4 =	vadd.f32 v61, v4  }
0x10f: {  	v23 =	vld [tilespmem:$0x4E60];
	[tilespmem:$0x48F0] =	vst v11;
	v5 =	vadd.f32 v62, v5  }
0x110: {  	v24 =	vld [tilespmem:$0x4E70];
	v6 =	vadd.f32 v63, v6;
	[tilespmem:$0x4880] =	vst v4  }
0x111: {  	v25 =	vld [tilespmem:$0x4E80];
	v7 =	vadd.f32 v20, v7;
	[tilespmem:$0x4890] =	vst v5  }
0x112: {  	v26 =	vld [tilespmem:$0x4E90];
	v8 =	vadd.f32 v21, v8;
	[tilespmem:$0x48A0] =	vst v6  }
0x113: {  	v27 =	vld [tilespmem:$0x4EA0];
	v9 =	vadd.f32 v22, v9;
	[tilespmem:$0x48B0] =	vst v7  }
0x114: {  	v28 =	vld [tilespmem:$0x4EB0];
	v10 =	vadd.f32 v23, v10;
	[tilespmem:$0x48C0] =	vst v8  }
0x115: {  	v29 =	vld [tilespmem:$0x4EC0];
	v11 =	vadd.f32 v24, v11;
	[tilespmem:$0x48D0] =	vst v9  }
0x116: {  	v30 =	vld [tilespmem:$0x4ED0];
	[tilespmem:$0x48E0] =	vst v10;
	v4 =	vadd.f32 v25, v4  }
0x117: {  	v31 =	vld [tilespmem:$0x4EE0];
	[tilespmem:$0x48F0] =	vst v11;
	v5 =	vadd.f32 v26, v5  }
0x118: {  	v32 =	vld [tilespmem:$0x4EF0];
	v6 =	vadd.f32 v27, v6;
	[tilespmem:$0x4880] =	vst v4  }
0x119: {  	v33 =	vld [tilespmem:$0x4F00];
	v7 =	vadd.f32 v28, v7;
	[tilespmem:$0x4890] =	vst v5  }
0x11a: {  	v34 =	vld [tilespmem:$0x4F10];
	v8 =	vadd.f32 v29, v8;
	[tilespmem:$0x48A0] =	vst v6  }
0x11b: {  	v35 =	vld [tilespmem:$0x4F20];
	v9 =	vadd.f32 v30, v9;
	[tilespmem:$0x48B0] =	vst v7  }
0x11c: {  	v36 =	vld [tilespmem:$0x4F30];
	v10 =	vadd.f32 v31, v10;
	[tilespmem:$0x48C0] =	vst v8  }
0x11d: {  	v37 =	vld [tilespmem:$0x4F40];
	v11 =	vadd.f32 v32, v11;
	[tilespmem:$0x48D0] =	vst v9  }
0x11e: {  	v38 =	vld [tilespmem:$0x4F50];
	[tilespmem:$0x48E0] =	vst v10;
	v4 =	vadd.f32 v33, v4  }
0x11f: {  	v39 =	vld [tilespmem:$0x4F60];
	[tilespmem:$0x48F0] =	vst v11;
	v5 =	vadd.f32 v34, v5  }
0x120: {  	v40 =	vld [tilespmem:$0x4F70];
	v6 =	vadd.f32 v35, v6;
	[tilespmem:$0x4880] =	vst v4  }
0x121: {  	v41 =	vld [tilespmem:$0x4F80];
	v7 =	vadd.f32 v36, v7;
	[tilespmem:$0x4890] =	vst v5  }
0x122: {  	v42 =	vld [tilespmem:$0x4F90];
	v8 =	vadd.f32 v37, v8;
	[tilespmem:$0x48A0] =	vst v6  }
0x123: {  	v43 =	vld [tilespmem:$0x4FA0];
	v9 =	vadd.f32 v38, v9;
	[tilespmem:$0x48B0] =	vst v7  }
0x124: {  	v44 =	vld [tilespmem:$0x4FB0];
	v10 =	vadd.f32 v39, v10;
	[tilespmem:$0x48C0] =	vst v8  }
0x125: {  	v45 =	vld [tilespmem:$0x4FC0];
	v11 =	vadd.f32 v40, v11;
	[tilespmem:$0x48D0] =	vst v9  }
0x126: {  	v46 =	vld [tilespmem:$0x4FD0];
	[tilespmem:$0x48E0] =	vst v10;
	v4 =	vadd.f32 v41, v4  }
0x127: {  	v47 =	vld [tilespmem:$0x4FE0];
	[tilespmem:$0x48F0] =	vst v11;
	v5 =	vadd.f32 v42, v5  }
0x128: {  	v48 =	vld [tilespmem:$0x4FF0];
	v6 =	vadd.f32 v43, v6;
	[tilespmem:$0x4880] =	vst v4  }
0x129: {  	v49 =	vld [tilespmem:$0x5000];
	v7 =	vadd.f32 v44, v7;
	[tilespmem:$0x4890] =	vst v5  }
0x12a: {  	v50 =	vld [tilespmem:$0x5010];
	v8 =	vadd.f32 v45, v8;
	[tilespmem:$0x48A0] =	vst v6  }
0x12b: {  	v51 =	vld [tilespmem:$0x5020];
	v9 =	vadd.f32 v46, v9;
	[tilespmem:$0x48B0] =	vst v7  }
0x12c: {  	v52 =	vld [tilespmem:$0x5030];
	v10 =	vadd.f32 v47, v10;
	[tilespmem:$0x48C0] =	vst v8  }
0x12d: {  	v53 =	vld [tilespmem:$0x5080];
	v11 =	vadd.f32 v48, v11;
	[tilespmem:$0x48D0] =	vst v9  }
0x12e: {  	v54 =	vld [tilespmem:$0x5040];
	[tilespmem:$0x48E0] =	vst v10;
	v4 =	vadd.f32 v49, v4  }
0x12f: {  	v55 =	vld [tilespmem:$0x5050];
	[tilespmem:$0x48F0] =	vst v11;
	v5 =	vadd.f32 v50, v5  }
0x130: {  	v56 =	vld [tilespmem:$0x5090];
	v6 =	vadd.f32 v51, v6;
	[tilespmem:$0x4880] =	vst v4  }
0x131: {  	v58 =	vld [tilespmem:$0x5060];
	v7 =	vadd.f32 v52, v7;
	[tilespmem:$0x4890] =	vst v5  }
0x132: {  	v59 =	vld [tilespmem:$0x5070];
	[tilespmem:$0x48A0] =	vst v6;
	v4 =	vadd.f32 v53, v4  }
0x133: {  	v57 =	vld [tilespmem:$0x50A0];
	v8 =	vadd.f32 v54, v8;
	[tilespmem:$0x48B0] =	vst v7  }
0x134: {  	v9 =	vadd.f32 v55, v9;
	[tilespmem:$0x4880] =	vst v4;
	v4 =	vld [tilespmem:$0x50B0]  }
0x135: {  	v60 =	vld [tilespmem:$0x50C0];
	[tilespmem:$0x48C0] =	vst v8;
	v5 =	vadd.f32 v56, v5  }
0x136: {  	v61 =	vld [tilespmem:$0x50D0];
	v10 =	vadd.f32 v58, v10;
	[tilespmem:$0x48D0] =	vst v9  }
0x137: {  	v11 =	vadd.f32 v59, v11;
	[tilespmem:$0x4890] =	vst v5;
	v5 =	vld [tilespmem:$0x50E0]  }
0x138: {  	v62 =	vld [tilespmem:$0x50F0];
	v6 =	vadd.f32 v57, v6;
	[tilespmem:$0x48E0] =	vst v10  }
0x139: {  	[tilespmem:$0x48F0] =	vst v11;
	v4 =	vadd.f32 v4, v7  }
0x13a: {  	v63 =	vadd.f32 v60, v8;
	[tilespmem:$0x48A0] =	vst v6  }
0x13b: {  	[tilespmem:$0x48B0] =	vst v4;
	v4 =	vadd.f32 v61, v9  }
0x13c: {  	[tilespmem:$0x48C0] =	vst v63;
	v5 =	vadd.f32 v5, v10  }
0x13d: {  	s28 =	sadd.s32 $0x1, s28;
	[tilespmem:$0x48D0] =	vst v4;
	v4 =	vadd.f32 v62, v11  }
0x13e: {  	p0 =	sne.s32 s28, s25;
	[tilespmem:$0x48E0] =	vst v5  }
.Ltmp3:
0x13f: {  	s26 =	simm.s32 $0x4880;
	[tilespmem:$0x48F0] =	vst v4;
	(pc) =	sbr.rel @p0 .LBB2_1-.Ltmp3, $4  }
0x140: {  	[hbm4b:s24+s2] =	stream.linear.scatter [tilespmem:s26], [sflag:$0x2], $0x80, $0x38;
	[tilespmem:$0x5900] =	vst v63  }
0x141: {  	_ =	swait.ge [sflag:s0], $0x80  }
0x142: {  	[sflag:s0] =	ssyncset.done $0x0  }
0x143: {  	[sflag:s0] =	ssyncadd.s32 $0xFFFFFF80  }
0x144: {  	_ =	sfence.sel $0x180000  }
0x145: {  	[bflag:$0x0] =	sbarrier.arrive $0xFFFF  }
0x146: {  	_ =	strace $0x90000047  }
0x147: {  	s0 =	stileid.u32;
	[bflag:$0x2] =	sbarrier.arrive $0xFFFF  }
0x148: {  	p0 =	sne.s32 s0, $0x0;
	s0 =	rddreg [dreg:$0x4]  }
0x149: {  	s0 =	sadd.s32 @!p0 $0x100000, s0  }
0x14a: {  	[sflag:s0] =	ssyncadd.tile.s32 @!p0 $0x1;
	_ =	shalt  }
.Lfunc_end2:
_tile_overlayer_lowered:
.L_overlay_start_2:
0x14b: {  	(tag) =	ssettag $0x2  }
0x14c: {  	s0 =	rddreg [dreg:$0x0];
	s2 =	stileid.u32  }
0x14d: {  	s1 =	rddreg [dreg:$0x1];
	p0 =	sne.s32 s2, $0x0  }
0x14e: {  	s3 =	rddreg [dreg:$0x2];
	[bflag:$0x3] =	sbarrier.arrive $0xFFFF;
	s2 =	simm.s32 @!p0 $0x1C02  }
0x14f: {  	[timem:s3], [sflag:s2] =	dma.local @!p0 [hbm:s0], s1  }
0x150: {  	s0 =	simm.s32 @!p0 $0x2  }
0x151: {  	_ =	swait.ge @!p0 [sflag:s0], s1  }
0x152: {  	s1 =	ssub.s32 @!p0 $0x0, s1;
	[sflag:s0] =	ssyncset.done @!p0 $0x0  }
0x153: {  	[sflag:s0] =	ssyncadd.s32 @!p0 s1  }
0x154: {  	[bflag:$0x3] =	sbarrier.arrive $0xFFFF  }
0x155: {  	_ =	shalt  }

// kernel: kernel.7.cloned.1.call-start
scs
__scs_entry_jumppad:
0x0: {  	(pc) =	sbr.rel $0x88, $3  }
0x1: {  	(tag) =	ssettag $0x0;
	lr =	simm.s32 $0x1  }
0x2: {  	[smem:$0x3F97] =	sst lr;
	_ =	strace $0xD0000000  }
0x3: {  	_ = 	snop  }
0x4: {  	_ = 	snop  }
0x5: {  	_ = 	snop  }
0x6: {  	_ = 	snop  }
0x7: {  	_ = 	snop  }
__scs_overlays_trampoline_lowered:
0x8: {  	[smem:$0x3FA6] =	sst s0  }
0x9: {  	[smem:$0x3FA7] =	sst s1  }
0xa: {  	[smem:$0x3FA8] =	sst s2  }
0xb: {  	[smem:$0x3FA9] =	sst s3  }
0xc: {  	[smem:$0x3FAA] =	sst s4  }
0xd: {  	[smem:$0x3FAB] =	sst s5  }
0xe: {  	[smem:$0x3FAC] =	sst s6  }
0xf: {  	[smem:$0x3FAD] =	sst s7  }
0x10: {  	[smem:$0x3FAE] =	sst s8  }
0x11: {  	[smem:$0x3FAF] =	sst s9;
	s0 =	simm.s32 @!p0 $0x0  }
0x12: {  	s1 =	sld [smem:$0x3F95];
	s0 =	simm.s32 @p0 $0x1  }
0x13: {  	[smem:$0x3FB0] =	sst s0;
	s0 =	simm.s32 @!p1 $0x0  }
0x14: {  	s2 =	sld [smem:$0x3F94];
	s0 =	simm.s32 @p1 $0x1  }
0x15: {  	[smem:$0x3FB1] =	sst s0;
	s0 =	simm.s32 @!p2 $0x0  }
0x16: {  	s3 =	sld [smem:$0x3FDB];
	s0 =	simm.s32 @p2 $0x1  }
0x17: {  	s4 =	simm.s32 $0x1BF5;
	[smem:$0x3FB3] =	sst s0  }
0x18: {  	s0 =	sld [smem:$0x3F96];
	_ =	swait.ge [sflag:s4], $0x0  }
0x19: {  	s7 =	sld [smem:$0x3F97]  }
0x1a: {  	s8 =	sadd.s32 $0xFFFFE003, lr  }
0x1b: {  	s9 =	sadd.s32 $0xFFFFFEF7, lr;
	s5 =	simm.s32 $0xFFFFFFFF;
	p2 =	slt.u32 s8, $0xFFFFF086  }
0x1c: {  	p1 =	slt.u32 s9, $0xF7A;
	s5 =	simm.s32 @!p2 $0x0  }
0x1d: {  	s5 =	simm.s32 @p1 $0x1;
	p0 =	seq.s32 s7, s2  }
0x1e: {  	s7 =	smul.u32 @!p0 $0xF7A, s2;
	p2 =	seq.s32 @!p0 s5, $0x0  }
0x1f: {  	s9 =	smul.u32 $0xF7A, s1;
	s8 =	simm.s32 @!p0 $0x1BF5;
	p2 =	por !p2, p0  }
0x20: {  	[sflag:s8] =	ssyncset.s32 @!p0 $0xFFFFF086;
	s6 =	sadd.s32 @!p0 s3, s7;
	s7 =	simm.s32 @!p0 $0x108  }
0x21: {  	s3 =	sadd.s32 s3, s9;
	s6 =	sadd.s32 @!p0 $0x88, s6;
	s7 =	simm.s32 @p2 $0x1082  }
0x22: {  	[simem:s7], [sflag:s8] =	dma.local @!p0 [hbm:s6], $0xF7A  }
0x23: {  	s9 =	sor.u32 $0xD0000000, s2;
	s6 =	simm.s32 $0x108;
	_ =	swait.ge @!p0 [sflag:s8], $0x0  }
0x24: {  	s3 =	sadd.s32 $0x88, s3;
	s6 =	simm.s32 @!p1 $0x1082;
	[sflag:s4] =	ssyncset.s32 $0xFFFFF086  }
0x25: {  	[simem:s6], [sflag:s4] =	dma.local [hbm:s3], $0xF7A  }
0x26: {  	[smem:$0x3F97] =	sst s1;
	(tag) =	ssettag s2;
	_ =	strace s9  }
0x27: {  	s1 =	sld [smem:$0x3FA7]  }
0x28: {  	s2 =	sld [smem:$0x3FA8]  }
0x29: {  	s4 =	sld [smem:$0x3FAA]  }
0x2a: {  	p0 =	seq.s32 s5, $0x0;
	s5 =	sld [smem:$0x3FAB]  }
0x2b: {  	s6 =	sld [smem:$0x3FAC]  }
0x2c: {  	s7 =	sld [smem:$0x3FAD]  }
0x2d: {  	s3 =	simm.s32 $0x108;
	s8 =	sld [smem:$0x3FAE]  }
0x2e: {  	s3 =	simm.s32 @!p0 $0x1082;
	s9 =	sld [smem:$0x3FAF]  }
0x2f: {  	lr =	sadd.s32 s0, s3;
	s0 =	sld [smem:$0x3FA6]  }
0x30: {  	s3 =	sld [smem:$0x3FA9]  }
0x31: {  	[smem:$0x3FB2] =	sst s10  }
0x32: {  	s10 =	sld [smem:$0x3FB0];
	_ =	sdelay $0x3  }
0x33: {  	p0 =	seq.s32 s10, $0x1;
	s10 =	sld [smem:$0x3FB2];
	_ =	sdelay $0x3  }
0x34: {  	[smem:$0x3FB2] =	sst s10  }
0x35: {  	s10 =	sld [smem:$0x3FB1];
	_ =	sdelay $0x3  }
0x36: {  	p1 =	seq.s32 s10, $0x1;
	s10 =	sld [smem:$0x3FB2];
	_ =	sdelay $0x3  }
0x37: {  	[smem:$0x3FB2] =	sst s10  }
0x38: {  	s10 =	sld [smem:$0x3FB3]  }
0x39: {  	_ = 	snop;
	(pc) =	sbr.ind lr, $3  }
0x3a: {  	_ = 	snop  }
0x3b: {  	_ = 	snop  }
0x3c: {  	p2 =	seq.s32 s10, $0x1;
	s10 =	sld [smem:$0x3FB2]  }
0x3d: {  	_ =	shalt  }
0x3e: {  	_ =	shalt  }
0x3f: {  	_ =	shalt  }
0x40: {  	_ =	shalt  }
0x41: {  	_ =	shalt  }
0x42: {  	_ =	shalt  }
0x43: {  	_ =	shalt  }
0x44: {  	_ =	shalt  }
0x45: {  	_ =	shalt  }
0x46: {  	_ =	shalt  }
0x47: {  	_ =	shalt  }
0x48: {  	_ =	shalt  }
0x49: {  	_ =	shalt  }
0x4a: {  	_ =	shalt  }
0x4b: {  	_ =	shalt  }
0x4c: {  	_ =	shalt  }
0x4d: {  	_ =	shalt  }
0x4e: {  	_ =	shalt  }
0x4f: {  	_ =	shalt  }
0x50: {  	_ =	shalt  }
0x51: {  	_ =	shalt  }
0x52: {  	_ =	shalt  }
0x53: {  	_ =	shalt  }
0x54: {  	_ =	shalt  }
0x55: {  	_ =	shalt  }
0x56: {  	_ =	shalt  }
0x57: {  	_ =	shalt  }
0x58: {  	_ =	shalt  }
0x59: {  	_ =	shalt  }
0x5a: {  	_ =	shalt  }
0x5b: {  	_ =	shalt  }
0x5c: {  	_ =	shalt  }
0x5d: {  	_ =	shalt  }
0x5e: {  	_ =	shalt  }
0x5f: {  	_ =	shalt  }
0x60: {  	_ =	shalt  }
0x61: {  	_ =	shalt  }
0x62: {  	_ =	shalt  }
0x63: {  	_ =	shalt  }
0x64: {  	_ =	shalt  }
0x65: {  	_ =	shalt  }
0x66: {  	_ =	shalt  }
0x67: {  	_ =	shalt  }
0x68: {  	_ =	shalt  }
0x69: {  	_ =	shalt  }
0x6a: {  	_ =	shalt  }
0x6b: {  	_ =	shalt  }
0x6c: {  	_ =	shalt  }
0x6d: {  	_ =	shalt  }
0x6e: {  	_ =	shalt  }
0x6f: {  	_ =	shalt  }
0x70: {  	_ =	shalt  }
0x71: {  	_ =	shalt  }
0x72: {  	_ =	shalt  }
0x73: {  	_ =	shalt  }
0x74: {  	_ =	shalt  }
0x75: {  	_ =	shalt  }
0x76: {  	_ =	shalt  }
0x77: {  	_ =	shalt  }
0x78: {  	_ =	shalt  }
0x79: {  	_ =	shalt  }
0x7a: {  	_ =	shalt  }
0x7b: {  	_ =	shalt  }
0x7c: {  	_ =	shalt  }
0x7d: {  	_ =	shalt  }
0x7e: {  	_ =	shalt  }
0x7f: {  	_ =	shalt  }
0x80: {  	_ =	shalt  }
0x81: {  	_ =	shalt  }
0x82: {  	_ =	shalt  }
0x83: {  	_ =	shalt  }
0x84: {  	_ =	shalt  }
0x85: {  	_ =	shalt  }
0x86: {  	_ =	shalt  }
0x87: {  	_ =	shalt  }
.Lfunc_end0:
.L_simem_size_0:
called_computation_lowered:
.L_overlay_start_0:
0x88: {  	s2 =	sld [smem:$0x3FD9]  }
0x89: {  	s3 =	sld [smem:$0x3FFE];
	_ =	sdelay $0x1  }
0x8a: {  	s1 =	srdreg.scid  }
0x8b: {  	s0 =	sand.u32 $0x1, s1  }
0x8c: {  	s17 =	sshll.u32 s0, $0xA;
	s2 =	sadd.s32 s3, s2  }
0x8d: {  	s2 =	sadd.s32 s2, s17  }
0x8e: {  	[smem:$0x3FBE] =	sst s2  }
0x8f: {  	_ = 	snop  }
0x90: {  	s18 =	sld [smem:$0x3FC8]  }
0x91: {  	s4 =	sld [smem:$0x3FC7];
	(tm) =	ssettm $0x1  }
0x92: {  	s19 =	sld [smem:$0x3FFB];
	_ =	sdelay $0x3  }
0x93: {  	_ =	strace s19  }
0x94: {  	s2 =	sld [smem:$0x3FFC];
	_ =	sdelay $0x3  }
0x95: {  	_ =	strace s2  }
0x96: {  	s2 =	sld [smem:$0x3FFD];
	_ =	sdelay $0x3  }
0x97: {  	_ =	strace s2  }
0x98: {  	_ =	strace $0x8FFFFFFF  }
0x99: {  	s20 =	sld [smem:$0x3FDB];
	_ =	sdelay $0x1  }
0x9a: {  	s5 =	simm.s32 $_scs_section_size  }
0x9b: {  	s6 =	simm.s32 $_size__tile_overlayer_lowered;
	s7 =	simm.s32 $_tile_overlayer_lowered  }
0x9c: {  	s8 =	simm.s32 $0x1BFF;
	s21 =	sshll.u32 s7, $0x1;
	s5 =	sadd.s32 s5, s20  }
0x9d: {  	s22 =	simm.s32 $0x0;
	s6 =	sshll.u32 s6, $0x1;
	s7 =	sadd.s32 s21, s5  }
0x9e: {  	[timem:s22], [sflag:s8] =	dma.local [hbm:s7], s6  }
0x9f: {  	_ =	swait.ge [sflag:s8], s6  }
0xa0: {  	s6 =	ssub.s32 $0x0, s6;
	[sflag:s8] =	ssyncset.done $0x0  }
0xa1: {  	[sflag:s8] =	ssyncadd.s32 s6;
	_ =	sdelay $0x1  }
0xa2: {  	s23 =	simm.s32 $0x1B8B  }
0xa3: {  	_ =	swait.ge [sflag:s23], $0x1  }
0xa4: {  	[sflag:s23] =	ssyncset.done $0x0  }
0xa5: {  	[sflag:s23] =	ssyncadd.s32 $0xFFFFFFFF  }
0xa6: {  	s6 =	sld [smem:$0x0]  }
0xa7: {  	s7 =	sand.u32 $0xFFFFFFFE, s1  }
0xa8: {  	p0 =	sne.s32 s1, s7  }
0xa9: {  	s7 =	sshll.u32 @p0 s7, $0xE  }
0xaa: {  	s7 =	sadd.s32 @p0 $0x11B8D, s7;
	s8 =	sshll.u32 @p0 s6, $0x11  }
0xab: {  	s7 =	sor.u32 @p0 s8, s7  }
0xac: {  	[sflag:s7] =	ssyncadd.remote.s32 @p0 $0x1;
	_ =	sdelay $0x1  }
0xad: {  	s7 =	simm.s32 @p0 $0x1B8D  }
0xae: {  	_ =	swait.eq @p0 [sflag:s7], $0x1  }
0xaf: {  	[sflag:s7] =	ssyncadd.s32 @p0 $0xFFFFFFFF  }
0xb0: {  	s8 =	sshll.u32 @!p0 s1, $0xE  }
0xb1: {  	s8 =	sor.u32 @!p0 $0x4000, s8;
	s7 =	simm.s32 @!p0 $0x1B8D  }
0xb2: {  	s6 =	sshll.u32 @!p0 s6, $0x11;
	s8 =	sadd.s32 @!p0 $0x11B8D, s8;
	_ =	swait.eq @!p0 [sflag:s7], $0x1  }
0xb3: {  	s6 =	sor.u32 @!p0 s6, s8;
	[sflag:s7] =	ssyncadd.s32 @!p0 $0xFFFFFFFF  }
0xb4: {  	s25 =	simm.s32 $0x1B8E;
	s24 =	sld [smem:$0x3FFE];
	[sflag:s6] =	ssyncadd.remote.s32 @!p0 $0x1  }
0xb5: {  	s26 =	simm.s32 $execute0_lowered;
	[smem:$0x3FD2] =	sst s25  }
0xb6: {  	s7 =	sshll.u32 s26, $0x1;
	_ =	strace $0x80000049;
	[dreg:$0x1] =	wrdreg $0xFFFFFFFF  }
0xb7: {  	s28 =	simm.s32 $_size_execute0_lowered;
	s5 =	sadd.s32 s5, s7;
	[dreg:$0x0] =	wrdreg $0x0  }
0xb8: {  	s7 =	sshll.u32 s28, $0x1;
	[dreg:$0x2] =	wrdreg s5  }
0xb9: {  	[dreg:$0x3] =	wrdreg s7  }
0xba: {  	[dreg:$0x4] =	wrdreg $0xC0  }
0xbb: {  	_ =	task [dreg:s22], $0x5FFFF  }
0xbc: {  	[dreg:$0x1] =	wrdreg $0xFFFFFFFF  }
0xbd: {  	[dreg:$0x0] =	wrdreg $0x60  }
0xbe: {  	[dreg:$0x2] =	wrdreg s24  }
0xbf: {  	[dreg:$0x3] =	wrdreg s18  }
0xc0: {  	[dreg:$0x4] =	wrdreg s4  }
0xc1: {  	[dreg:$0x5] =	wrdreg $0x67800  }
0xc2: {  	[dreg:$0x6] =	wrdreg $0x9  }
0xc3: {  	_ =	task.clear_ibuf [dreg:s22], $0x7FFFF;
	_ =	strace $0x90000049  }
0xc4: {  	s29 =	simm.s32 $0x9;
	_ =	strace $0x8000004B  }
0xc5: {  	_ =	swait.ge [sflag:s29], $0x1  }
0xc6: {  	[sflag:s29] =	ssyncadd.s32 $0xFFFFFFFF  }
0xc7: {  	_ =	strace $0x9000004B  }
0xc8: {  	_ =	sfence  }
0xc9: {  	s30 =	sld [smem:$0x0];
	_ =	sdelay $0x2  }
0xca: {  	s31 =	sshll.u32 s1, $0xD;
	s1 =	sshrl.u32 s1, $0x2  }
0xcb: {  	s4 =	sand.u32 $0x4000, s31;
	s1 =	sadd.s32 s1, s30  }
0xcc: {  	s0 =	sor.u32 s4, s0;
	s1 =	sshll.u32 s1, $0x11  }
0xcd: {  	s0 =	sor.u32 s1, s0  }
0xce: {  	s0 =	sadd.s32 $0x8F2B, s0  }
0xcf: {  	[sflag:s0] =	ssyncadd.remote.s32 $0x1  }
0xd0: {  	_ =	sfence.sel $0xFFFF  }
0xd1: {  	[dreg:$0x0] =	wrdreg $0xFFFFFFFF;
	(pc) =	sbr.abs _section_cstart, $3  }
0xd2: {  	[dreg:$0x1] =	wrdreg $0xFFFFFFFF  }
0xd3: {  	_ =	task.clear_ibuf [dreg:s22], $0x2FFFF;
	_ =	strace $0x9FFFFFFF  }
0xd4: {  	(tm) =	ssettm $0x7FFFFFFF  }
0xd5: {  	_ =	shalt  }
tec
execute0_lowered:
.L_overlay_start_1:
0x0: {  	(tag) =	ssettag $0x1  }
0x1: {  	s0 =	rddreg [dreg:$0x0]  }
0x2: {  	s1 =	rddreg [dreg:$0x1]  }
0x3: {  	s3 =	rddreg [dreg:$0x2];
	s2 =	srdreg.scid  }
0x4: {  	s11 =	stileid.u32;
	s8 =	rddreg [dreg:$0x3];
	s29 =	simm.s32 $0x4680  }
0x5: {  	s30 =	simm.s32 $0x1;
	s31 =	simm.s32 $0x4700;
	s28 =	simm.s32 $0x0  }
0x6: {  	s4 =	sand.u32 $0x1, s2;
	s5 =	sshll.u32 s11, $0x1;
	s2 =	simm.s32 $0x0  }
0x7: {  	s7 =	sshll.u32 s11, $0x7;
	s10 =	sadd.s32 $0x1800, s0;
	s22 =	sshll.u32 s11, $0xB  }
0x8: {  	s26 =	sshll.u32 s11, $0xA;
	s5 =	sor.u32 s4, s5;
	[smem:$0x7FF] =	sst s2  }
0x9: {  	s20 =	sshll.u32 s4, $0xB;
	s4 =	ssub.s32 $0x2, s4;
	s24 =	sand.u32 $0x4000, s22  }
0xa: {  	s6 =	smul.u32 $0x2EE, s5;
	_ =	strace $0x8000004A;
	s5 =	sor.u32 s7, s20  }
0xb: {  	[dreg:$0x5] =	wrdreg s10;
	s21 =	sshrl.u32 s4, $0x1;
	s7 =	sand.u32 $0x380, s7  }
0xc: {  	s5 =	sshrl.u32 s5, $0x3;
	s25 =	ssub.s32 s4, s21;
	s9 =	sadd.s32 s6, s0  }
0xd: {  	s0 =	sadd.s32 s5, s0;
	s5 =	sadd.s32 s1, s6;
	s1 =	sadd.s32 s24, s8  }
0xe: {  	v0 =	vimm.s32 $0xEDCBA987;
	v1 =	vimm.s32 $0x65432100;
	s6 =	sadd.s32 s3, s6;
	s8 =	sadd.s32 s26, s8;
	s25 =	smax.u32 s25, $0x1  }
0xf: {  	v2 =	vimm.s32 $0xFFEDCBA9;
	v3 =	vimm.s32 $0x87654321;
	s23 =	sadd.s32 $0x5C00, s9;
	s7 =	sadd.s32 s7, s1;
	s9 =	sadd.s32 $0x80, s8  }
0x10: {  	v0 =	vunpack.c.l.s4.s8 v0;
	v2 =	vunpack.c.l.s4.s8 v2;
	v3 =	vunpack.c.l.s4.s8 v3;
	s10 =	sadd.s32 $0x100, s8;
	s11 =	sadd.s32 $0x180, s8;
	s12 =	sadd.s32 $0x200, s8  }
0x11: {  	v1 =	vunpack.c.l.s4.s8 v1;
	s13 =	sadd.s32 $0x280, s8;
	s14 =	sadd.s32 $0x300, s8;
	s15 =	sadd.s32 $0x380, s8  }
0x12: {  	v0 =	vunpack.c.0.s8.s32 v0;
	v2 =	vunpack.c.0.s8.s32 v2;
	v3 =	vunpack.c.0.s8.s32 v3;
	s16 =	sadd.s32 $0x4000, s8;
	s17 =	sadd.s32 $0x4080, s8;
	s18 =	sadd.s32 $0x4100, s8  }
0x13: {  	vm0 =	vmmov $0x1;
	v1 =	vunpack.c.0.s8.s32 v1;
	s19 =	sadd.s32 $0x4180, s8;
	s20 =	sadd.s32 $0x4200, s8;
	s21 =	sadd.s32 $0x4280, s8  }
0x14: {  	vm1 =	vcmask $0x3F3C;
	v0 =	vand.u32 $0xF, v0;
	v2 =	vcombine.low v3, v2;
	s22 =	sadd.s32 $0x4300, s8;
	s24 =	sadd.s32 $0xBA00, s0;
	s1 =	simm.s32 $0x4F00  }
0x15: {  	v3 =	vimm.s32 $0xF;
	s0 =	simm.s32 $0x2;
	v0 =	vcombine.low v1, v0;
	v1 =	vimm.f32 $0.0e+00;
	[dreg:$0x6] =	wrdreg s23;
	s23 =	sadd.s32 $0x4380, s8  }
.LBB2_1:
0x16: {  	s3 =	rddreg [dreg:$0x6]  }
0x17: {  	[tilespmem:s2], [sflag:$0x1] =	stream.linear.gather [hbm4b:s3+s2], $0x1770, $0x38;
	[tilespmem:$0x6F80] =	vst v63  }
0x18: {  	s26 =	simm.s32 $0x1780  }
0x19: {  	[tilespmem:s26], [sflag:$0x1] =	stream.linear.gather [hbm4b:s5+s2], $0x1770, $0x38;
	[tilespmem:$0x6F80] =	vst v63  }
0x1a: {  	s4 =	simm.s32 $0x2F00  }
0x1b: {  	[tilespmem:s4], [sflag:$0x1] =	stream.linear.gather [hbm4b:s6+s2], $0x1770, $0x38;
	[tilespmem:$0x6F80] =	vst v63  }
0x1c: {  	s26 =	rddreg [dreg:$0x5]  }
0x1d: {  	[tilespmem:s29], [sflag:$0x1] =	stream.linear.gather [hbm4b:s26+s2], $0x80, $0x38;
	[tilespmem:$0x6F80] =	vst v63  }
0x1e: {  	s3 =	simm.s32 $0x40;
	s26 =	simm.s32 $0x0  }
.LBB2_2:
0x1f: {  	p0 =	sne.s32 s3, $0x1FC0;
	[tilespmem:s26+$0x4700] =	vst v1;
	s4 =	smov.u32 s3;
	s3 =	sadd.s32 $0x40, s3  }
.Ltmp0:
0x20: {  	[tilespmem:s26+$0x4F00] =	vst v1;
	(pc) =	sbr.rel @p0 .LBB2_2-.Ltmp0, $2  }
0x21: {  	_ =	sdelay $0x2  }
0x22: {  	s26 =	sshra.s32 s4, $0x2  }
0x23: {  	[tilespmem:s26+$0x4700] =	vst v1  }
0x24: {  	[tilespmem:s26+$0x4F00] =	vst v1  }
0x25: {  	_ =	swait.ge [sflag:s30], $0x1770  }
0x26: {  	[sflag:s30] =	ssyncset.done $0x0  }
0x27: {  	[sflag:s30] =	ssyncadd.s32 $0xFFFFE890  }
0x28: {  	_ =	swait.ge [sflag:s30], $0x1770  }
0x29: {  	[sflag:s30] =	ssyncset.done $0x0  }
0x2a: {  	[sflag:s30] =	ssyncadd.s32 $0xFFFFE890  }
0x2b: {  	_ =	swait.ge [sflag:s30], $0x1770  }
0x2c: {  	[sflag:s30] =	ssyncset.done $0x0  }
0x2d: {  	[sflag:s30] =	ssyncadd.s32 $0xFFFFE890  }
0x2e: {  	_ =	swait.ge [sflag:s30], $0x80  }
0x2f: {  	[sflag:s30] =	ssyncset.done $0x0  }
0x30: {  	s3 =	simm.s32 $0x0;
	[sflag:s30] =	ssyncadd.s32 $0xFFFFFF80  }
0x31: {  	v4 =	vimm.f32 $0.0e+00;
	v5 =	vimm.s32 $0xFFFFFFFF;
	s26 =	simm.s32 $0x40;
	v6 =	vld [tilespmem:s3+$0x1780]  }
.LBB2_4:
0x32: {  	p0 =	sne.s32 s26, $0x5D80;
	_ =	sdelay $0x6  }
0x33: {  	v6 =	vld.idx.msk [tilespmem:v6+s29+$0x0], $0xffff  }
0x34: {  	v7 =	vld [tilespmem:s3+$0x0];
	_ =	sdelay $0x4  }
0x35: {  	v6 =	vadd.f32 v6, v7;
	_ =	sdelay $0x1  }
0x36: {  	(xrf2) =	vadd.scan.msk.f32 $0xffff, v6  }
0x37: {  	v7 =	vld [tilespmem:s3+$0x2F00];
	_ =	sdelay $0x4  }
0x38: {  	v8 =	vperm.xlane v7, v0;
	v9 =	vperm.xlane v7, v3  }
0x39: {  	v10 =	vperm.xlane v7, v2  }
0x3a: {  	v11 =	vsel vm0, v5, v8;
	v5 =	vmov v9  }
0x3b: {  	vm3 =	vne.s32 v7, v10;
	vm2 =	vne.s32 v7, v11  }
0x3c: {  	vm3 =	vmor vm3, vm1;
	v8, _, _ =	vpop (xrf2)  }
0x3d: {  	v8 =	vadd.f32 v8, v4;
	_ =	sdelay $0x1  }
.Ltmp1:
0x3e: {  	v6 =	vsub.f32 v8, v6;
	v4 =	vperm.xlane v8, v3;
	(pc) =	sbr.rel @p0 .LBB2_4-.Ltmp1, $4  }
0x3f: {  	_ = 	snop  }
0x40: {  	[tilespmem:v7+s31+$0x0] =	vst.idx.msk vm2, v6  }
0x41: {  	s3 =	sshra.s32 s26, $0x2;
	[tilespmem:v7+s1+$0x0] =	vst.idx.msk vm3, v8  }
0x42: {  	s26 =	sadd.s32 $0x40, s26;
	v6 =	vld [tilespmem:s3+$0x1780]  }
0x43: {  	_ =	sdelay $0x6  }
0x44: {  	v7 =	vld [tilespmem:s3+$0x0]  }
0x45: {  	v6 =	vld.idx.msk [tilespmem:v6+s29+$0x0], $0xffff;
	_ =	sdelay $0x4  }
0x46: {  	v6 =	vadd.f32 v6, v7;
	_ =	sdelay $0x1  }
0x47: {  	v7 =	vld [tilespmem:s3+$0x2F00];
	(xrf2) =	vadd.scan.msk.f32 $0xffff, v6;
	_ =	sdelay $0x4  }
0x48: {  	v8 =	vperm.xlane v7, v0;
	_ =	sdelay $0x1  }
0x49: {  	v9 =	vperm.xlane v7, v2;
	v5 =	vsel vm0, v5, v8;
	_ =	sdelay $0x1  }
0x4a: {  	vm3 =	vne.s32 v7, v9;
	vm2 =	vne.s32 v7, v5  }
0x4b: {  	vm3 =	vmor vm3, vm1;
	v5, _, _ =	vpop (xrf2)  }
0x4c: {  	v4 =	vadd.f32 v5, v4;
	_ =	sdelay $0x1  }
0x4d: {  	v5 =	vsub.f32 v4, v6;
	_ =	sdelay $0x1  }
0x4e: {  	[tilespmem:v7+s31+$0x0] =	vst.idx.msk vm2, v5  }
0x4f: {  	s3 =	simm.s32 $0x0;
	[tilespmem:v7+s1+$0x0] =	vst.idx.msk vm3, v4  }
0x50: {  	v4 =	vld [tilespmem:s3+$0x4F00]  }
0x51: {  	s26 =	simm.s32 $0x40;
	v5 =	vld [tilespmem:s3+$0x4700]  }
.LBB2_6:
0x52: {  	_ = 	snop  }
0x53: {  	p0 =	sne.s32 s26, $0x1FC0  }
.Ltmp2:
0x54: {  	_ = 	snop;
	(pc) =	sbr.rel @p0 .LBB2_6-.Ltmp2, $4  }
0x55: {  	_ = 	snop  }
0x56: {  	s4 =	sshra.s32 s26, $0x2;
	v6 =	vsub.f32 v4, v5  }
0x57: {  	v4 =	vld [tilespmem:s4+$0x4F00]  }
0x58: {  	s26 =	sadd.s32 $0x40, s26;
	v5 =	vld [tilespmem:s4+$0x4700];
	[tilespmem:s3+$0x5700] =	vst v6;
	s3 =	smov.u32 s4  }
0x59: {  	_ =	sdelay $0x3  }
0x5a: {  	v4 =	vsub.f32 v4, v5;
	_ =	sdelay $0x1  }
0x5b: {  	s4 =	simm.s32 $0x400;
	s26 =	simm.s32 $0x5700;
	[tilespmem:s3+$0x5700] =	vst v4;
	s3 =	simm.s32 $0x80  }
0x5c: {  	[spmem:s7] =	stream.strided.scatter [tilespmem:s26], [sflag:$0x2], $0x800, s4, s3, $0x38;
	[tilespmem:$0x6F80] =	vst v63  }
0x5d: {  	_ =	swait.ge [sflag:s0], $0x800  }
0x5e: {  	[sflag:s0] =	ssyncset.done $0x0  }
0x5f: {  	[sflag:s0] =	ssyncadd.s32 $0xFFFFF800  }
0x60: {  	s26 =	simm.s32 $0x5F80;
	[bflag:$0x0] =	sbarrier.arrive $0xFFFF  }
0x61: {  	[tilespmem:s26], [sflag:$0x1] =	stream.linear.gather [spmem:s8], $0x80, $0x38;
	[tilespmem:$0x6F80] =	vst v63  }
0x62: {  	s4 =	simm.s32 $0x6000  }
0x63: {  	[tilespmem:s4], [sflag:$0x1] =	stream.linear.gather [spmem:s9], $0x80, $0x38;
	[tilespmem:$0x6F80] =	vst v63  }
0x64: {  	s26 =	simm.s32 $0x6080  }
0x65: {  	[tilespmem:s26], [sflag:$0x1] =	stream.linear.gather [spmem:s10], $0x80, $0x38;
	[tilespmem:$0x6F80] =	vst v63  }
0x66: {  	s4 =	simm.s32 $0x6100  }
0x67: {  	[tilespmem:s4], [sflag:$0x1] =	stream.linear.gather [spmem:s11], $0x80, $0x38;
	[tilespmem:$0x6F80] =	vst v63  }
0x68: {  	s26 =	simm.s32 $0x6180  }
0x69: {  	[tilespmem:s26], [sflag:$0x1] =	stream.linear.gather [spmem:s12], $0x80, $0x38;
	[tilespmem:$0x6F80] =	vst v63  }
0x6a: {  	s4 =	simm.s32 $0x6200  }
0x6b: {  	[tilespmem:s4], [sflag:$0x1] =	stream.linear.gather [spmem:s13], $0x80, $0x38;
	[tilespmem:$0x6F80] =	vst v63  }
0x6c: {  	s26 =	simm.s32 $0x6280  }
0x6d: {  	[tilespmem:s26], [sflag:$0x1] =	stream.linear.gather [spmem:s14], $0x80, $0x38;
	[tilespmem:$0x6F80] =	vst v63  }
0x6e: {  	s4 =	simm.s32 $0x6300  }
0x6f: {  	[tilespmem:s4], [sflag:$0x1] =	stream.linear.gather [spmem:s15], $0x80, $0x38;
	[tilespmem:$0x6F80] =	vst v63  }
0x70: {  	s26 =	simm.s32 $0x6380  }
0x71: {  	[tilespmem:s26], [sflag:$0x1] =	stream.linear.gather [spmem:s16], $0x80, $0x38;
	[tilespmem:$0x6F80] =	vst v63  }
0x72: {  	s4 =	simm.s32 $0x6400  }
0x73: {  	[tilespmem:s4], [sflag:$0x1] =	stream.linear.gather [spmem:s17], $0x80, $0x38;
	[tilespmem:$0x6F80] =	vst v63  }
0x74: {  	s26 =	simm.s32 $0x6480  }
0x75: {  	[tilespmem:s26], [sflag:$0x1] =	stream.linear.gather [spmem:s18], $0x80, $0x38;
	[tilespmem:$0x6F80] =	vst v63  }
0x76: {  	s4 =	simm.s32 $0x6500  }
0x77: {  	[tilespmem:s4], [sflag:$0x1] =	stream.linear.gather [spmem:s19], $0x80, $0x38;
	[tilespmem:$0x6F80] =	vst v63  }
0x78: {  	s26 =	simm.s32 $0x6580  }
0x79: {  	[tilespmem:s26], [sflag:$0x1] =	stream.linear.gather [spmem:s20], $0x80, $0x38;
	[tilespmem:$0x6F80] =	vst v63  }
0x7a: {  	s4 =	simm.s32 $0x6600  }
0x7b: {  	[tilespmem:s4], [sflag:$0x1] =	stream.linear.gather [spmem:s21], $0x80, $0x38;
	[tilespmem:$0x6F80] =	vst v63  }
0x7c: {  	s26 =	simm.s32 $0x6680  }
0x7d: {  	[tilespmem:s26], [sflag:$0x1] =	stream.linear.gather [spmem:s22], $0x80, $0x38;
	[tilespmem:$0x6F80] =	vst v63  }
0x7e: {  	s4 =	simm.s32 $0x6700  }
0x7f: {  	[tilespmem:s4], [sflag:$0x1] =	stream.linear.gather [spmem:s23], $0x80, $0x38;
	[tilespmem:$0x6F80] =	vst v63  }
0x80: {  	[tilespmem:$0x5F00] =	vst v1  }
0x81: {  	[tilespmem:$0x5F10] =	vst v1  }
0x82: {  	[tilespmem:$0x5F20] =	vst v1  }
0x83: {  	[tilespmem:$0x5F30] =	vst v1  }
0x84: {  	[tilespmem:$0x5F40] =	vst v1  }
0x85: {  	[tilespmem:$0x5F50] =	vst v1  }
0x86: {  	[tilespmem:$0x5F60] =	vst v1  }
0x87: {  	[tilespmem:$0x5F70] =	vst v1  }
0x88: {  	_ =	swait.ge [sflag:s30], $0x80  }
0x89: {  	[sflag:s30] =	ssyncset.done $0x0  }
0x8a: {  	[sflag:s30] =	ssyncadd.s32 $0xFFFFFF80  }
0x8b: {  	_ =	swait.ge [sflag:s30], $0x80  }
0x8c: {  	[sflag:s30] =	ssyncset.done $0x0  }
0x8d: {  	[sflag:s30] =	ssyncadd.s32 $0xFFFFFF80  }
0x8e: {  	_ =	swait.ge [sflag:s30], $0x80  }
0x8f: {  	[sflag:s30] =	ssyncset.done $0x0  }
0x90: {  	[sflag:s30] =	ssyncadd.s32 $0xFFFFFF80  }
0x91: {  	_ =	swait.ge [sflag:s30], $0x80  }
0x92: {  	[sflag:s30] =	ssyncset.done $0x0  }
0x93: {  	[sflag:s30] =	ssyncadd.s32 $0xFFFFFF80  }
0x94: {  	_ =	swait.ge [sflag:s30], $0x80  }
0x95: {  	[sflag:s30] =	ssyncset.done $0x0  }
0x96: {  	[sflag:s30] =	ssyncadd.s32 $0xFFFFFF80  }
0x97: {  	_ =	swait.ge [sflag:s30], $0x80  }
0x98: {  	[sflag:s30] =	ssyncset.done $0x0  }
0x99: {  	[sflag:s30] =	ssyncadd.s32 $0xFFFFFF80  }
0x9a: {  	_ =	swait.ge [sflag:s30], $0x80  }
0x9b: {  	[sflag:s30] =	ssyncset.done $0x0  }
0x9c: {  	[sflag:s30] =	ssyncadd.s32 $0xFFFFFF80  }
0x9d: {  	_ =	swait.ge [sflag:s30], $0x80  }
0x9e: {  	[sflag:s30] =	ssyncset.done $0x0  }
0x9f: {  	[sflag:s30] =	ssyncadd.s32 $0xFFFFFF80  }
0xa0: {  	_ =	swait.ge [sflag:s30], $0x80  }
0xa1: {  	[sflag:s30] =	ssyncset.done $0x0  }
0xa2: {  	[sflag:s30] =	ssyncadd.s32 $0xFFFFFF80  }
0xa3: {  	_ =	swait.ge [sflag:s30], $0x80  }
0xa4: {  	[sflag:s30] =	ssyncset.done $0x0  }
0xa5: {  	[sflag:s30] =	ssyncadd.s32 $0xFFFFFF80  }
0xa6: {  	_ =	swait.ge [sflag:s30], $0x80  }
0xa7: {  	[sflag:s30] =	ssyncset.done $0x0  }
0xa8: {  	[sflag:s30] =	ssyncadd.s32 $0xFFFFFF80  }
0xa9: {  	_ =	swait.ge [sflag:s30], $0x80  }
0xaa: {  	[sflag:s30] =	ssyncset.done $0x0  }
0xab: {  	[sflag:s30] =	ssyncadd.s32 $0xFFFFFF80  }
0xac: {  	_ =	swait.ge [sflag:s30], $0x80  }
0xad: {  	[sflag:s30] =	ssyncset.done $0x0  }
0xae: {  	[sflag:s30] =	ssyncadd.s32 $0xFFFFFF80  }
0xaf: {  	_ =	swait.ge [sflag:s30], $0x80  }
0xb0: {  	[sflag:s30] =	ssyncset.done $0x0  }
0xb1: {  	[sflag:s30] =	ssyncadd.s32 $0xFFFFFF80  }
0xb2: {  	_ =	swait.ge [sflag:s30], $0x80  }
0xb3: {  	[sflag:s30] =	ssyncset.done $0x0  }
0xb4: {  	[sflag:s30] =	ssyncadd.s32 $0xFFFFFF80  }
0xb5: {  	_ =	swait.ge [sflag:s30], $0x80  }
0xb6: {  	[sflag:s30] =	ssyncset.done $0x0  }
0xb7: {  	[sflag:s30] =	ssyncadd.s32 $0xFFFFFF80  }
0xb8: {  	v4 =	vld [tilespmem:$0x5F80]  }
0xb9: {  	v5 =	vld [tilespmem:$0x5F90]  }
0xba: {  	v6 =	vld [tilespmem:$0x5FA0]  }
0xbb: {  	v7 =	vld [tilespmem:$0x5FB0]  }
0xbc: {  	v8 =	vld [tilespmem:$0x5FC0]  }
0xbd: {  	v9 =	vld [tilespmem:$0x5FD0];
	v4 =	vadd.f32 $0.0e+00, v4  }
0xbe: {  	v10 =	vld [tilespmem:$0x5FE0];
	v5 =	vadd.f32 $0.0e+00, v5  }
0xbf: {  	v11 =	vld [tilespmem:$0x5FF0];
	v6 =	vadd.f32 $0.0e+00, v6;
	[tilespmem:$0x5F00] =	vst v4  }
0xc0: {  	v12 =	vld [tilespmem:$0x6000];
	v7 =	vadd.f32 $0.0e+00, v7;
	[tilespmem:$0x5F10] =	vst v5  }
0xc1: {  	v13 =	vld [tilespmem:$0x6010];
	v8 =	vadd.f32 $0.0e+00, v8;
	[tilespmem:$0x5F20] =	vst v6  }
0xc2: {  	v14 =	vld [tilespmem:$0x6020];
	v9 =	vadd.f32 $0.0e+00, v9;
	[tilespmem:$0x5F30] =	vst v7  }
0xc3: {  	v15 =	vld [tilespmem:$0x6030];
	v10 =	vadd.f32 $0.0e+00, v10;
	[tilespmem:$0x5F40] =	vst v8  }
0xc4: {  	v16 =	vld [tilespmem:$0x6040];
	v11 =	vadd.f32 $0.0e+00, v11;
	[tilespmem:$0x5F50] =	vst v9  }
0xc5: {  	v38 =	vld [tilespmem:$0x6050];
	[tilespmem:$0x5F60] =	vst v10;
	v4 =	vadd.f32 v12, v4  }
0xc6: {  	v39 =	vld [tilespmem:$0x6060];
	[tilespmem:$0x5F70] =	vst v11;
	v5 =	vadd.f32 v13, v5  }
0xc7: {  	v40 =	vld [tilespmem:$0x6070];
	v6 =	vadd.f32 v14, v6;
	[tilespmem:$0x5F00] =	vst v4  }
0xc8: {  	v41 =	vld [tilespmem:$0x6080];
	v7 =	vadd.f32 v15, v7;
	[tilespmem:$0x5F10] =	vst v5  }
0xc9: {  	v42 =	vld [tilespmem:$0x6090];
	v8 =	vadd.f32 v16, v8;
	[tilespmem:$0x5F20] =	vst v6  }
0xca: {  	v43 =	vld [tilespmem:$0x60A0];
	v9 =	vadd.f32 v38, v9;
	[tilespmem:$0x5F30] =	vst v7  }
0xcb: {  	v44 =	vld [tilespmem:$0x60B0];
	v10 =	vadd.f32 v39, v10;
	[tilespmem:$0x5F40] =	vst v8  }
0xcc: {  	v45 =	vld [tilespmem:$0x60C0];
	v11 =	vadd.f32 v40, v11;
	[tilespmem:$0x5F50] =	vst v9  }
0xcd: {  	v46 =	vld [tilespmem:$0x60D0];
	[tilespmem:$0x5F60] =	vst v10;
	v4 =	vadd.f32 v41, v4  }
0xce: {  	v47 =	vld [tilespmem:$0x60E0];
	[tilespmem:$0x5F70] =	vst v11;
	v5 =	vadd.f32 v42, v5  }
0xcf: {  	v48 =	vld [tilespmem:$0x60F0];
	v6 =	vadd.f32 v43, v6;
	[tilespmem:$0x5F00] =	vst v4  }
0xd0: {  	v49 =	vld [tilespmem:$0x6100];
	v7 =	vadd.f32 v44, v7;
	[tilespmem:$0x5F10] =	vst v5  }
0xd1: {  	v50 =	vld [tilespmem:$0x6110];
	v8 =	vadd.f32 v45, v8;
	[tilespmem:$0x5F20] =	vst v6  }
0xd2: {  	v51 =	vld [tilespmem:$0x6120];
	v9 =	vadd.f32 v46, v9;
	[tilespmem:$0x5F30] =	vst v7  }
0xd3: {  	v52 =	vld [tilespmem:$0x6130];
	v10 =	vadd.f32 v47, v10;
	[tilespmem:$0x5F40] =	vst v8  }
0xd4: {  	v53 =	vld [tilespmem:$0x6140];
	v11 =	vadd.f32 v48, v11;
	[tilespmem:$0x5F50] =	vst v9  }
0xd5: {  	v54 =	vld [tilespmem:$0x6150];
	[tilespmem:$0x5F60] =	vst v10;
	v4 =	vadd.f32 v49, v4  }
0xd6: {  	v55 =	vld [tilespmem:$0x6160];
	[tilespmem:$0x5F70] =	vst v11;
	v5 =	vadd.f32 v50, v5  }
0xd7: {  	v56 =	vld [tilespmem:$0x6170];
	v6 =	vadd.f32 v51, v6;
	[tilespmem:$0x5F00] =	vst v4  }
0xd8: {  	v57 =	vld [tilespmem:$0x6180];
	v7 =	vadd.f32 v52, v7;
	[tilespmem:$0x5F10] =	vst v5  }
0xd9: {  	v58 =	vld [tilespmem:$0x6190];
	v8 =	vadd.f32 v53, v8;
	[tilespmem:$0x5F20] =	vst v6  }
0xda: {  	v59 =	vld [tilespmem:$0x61A0];
	v9 =	vadd.f32 v54, v9;
	[tilespmem:$0x5F30] =	vst v7  }
0xdb: {  	v60 =	vld [tilespmem:$0x61B0];
	v10 =	vadd.f32 v55, v10;
	[tilespmem:$0x5F40] =	vst v8  }
0xdc: {  	v61 =	vld [tilespmem:$0x61C0];
	v11 =	vadd.f32 v56, v11;
	[tilespmem:$0x5F50] =	vst v9  }
0xdd: {  	v62 =	vld [tilespmem:$0x61D0];
	[tilespmem:$0x5F60] =	vst v10;
	v4 =	vadd.f32 v57, v4  }
0xde: {  	v63 =	vld [tilespmem:$0x61E0];
	[tilespmem:$0x5F70] =	vst v11;
	v5 =	vadd.f32 v58, v5  }
0xdf: {  	v20 =	vld [tilespmem:$0x61F0];
	v6 =	vadd.f32 v59, v6;
	[tilespmem:$0x5F00] =	vst v4  }
0xe0: {  	v21 =	vld [tilespmem:$0x6200];
	v7 =	vadd.f32 v60, v7;
	[tilespmem:$0x5F10] =	vst v5  }
0xe1: {  	v22 =	vld [tilespmem:$0x6210];
	v8 =	vadd.f32 v61, v8;
	[tilespmem:$0x5F20] =	vst v6  }
0xe2: {  	v23 =	vld [tilespmem:$0x6220];
	v9 =	vadd.f32 v62, v9;
	[tilespmem:$0x5F30] =	vst v7  }
0xe3: {  	v24 =	vld [tilespmem:$0x6230];
	v10 =	vadd.f32 v63, v10;
	[tilespmem:$0x5F40] =	vst v8  }
0xe4: {  	v25 =	vld [tilespmem:$0x6240];
	v11 =	vadd.f32 v20, v11;
	[tilespmem:$0x5F50] =	vst v9  }
0xe5: {  	v26 =	vld [tilespmem:$0x6250];
	[tilespmem:$0x5F60] =	vst v10;
	v4 =	vadd.f32 v21, v4  }
0xe6: {  	v27 =	vld [tilespmem:$0x6260];
	[tilespmem:$0x5F70] =	vst v11;
	v5 =	vadd.f32 v22, v5  }
0xe7: {  	v28 =	vld [tilespmem:$0x6270];
	v6 =	vadd.f32 v23, v6;
	[tilespmem:$0x5F00] =	vst v4  }
0xe8: {  	v29 =	vld [tilespmem:$0x6280];
	v7 =	vadd.f32 v24, v7;
	[tilespmem:$0x5F10] =	vst v5  }
0xe9: {  	v30 =	vld [tilespmem:$0x6290];
	v8 =	vadd.f32 v25, v8;
	[tilespmem:$0x5F20] =	vst v6  }
0xea: {  	v31 =	vld [tilespmem:$0x62A0];
	v9 =	vadd.f32 v26, v9;
	[tilespmem:$0x5F30] =	vst v7  }
0xeb: {  	v32 =	vld [tilespmem:$0x62B0];
	v10 =	vadd.f32 v27, v10;
	[tilespmem:$0x5F40] =	vst v8  }
0xec: {  	v33 =	vld [tilespmem:$0x62C0];
	v11 =	vadd.f32 v28, v11;
	[tilespmem:$0x5F50] =	vst v9  }
0xed: {  	v34 =	vld [tilespmem:$0x62D0];
	[tilespmem:$0x5F60] =	vst v10;
	v4 =	vadd.f32 v29, v4  }
0xee: {  	v35 =	vld [tilespmem:$0x62E0];
	[tilespmem:$0x5F70] =	vst v11;
	v5 =	vadd.f32 v30, v5  }
0xef: {  	v36 =	vld [tilespmem:$0x62F0];
	v6 =	vadd.f32 v31, v6;
	[tilespmem:$0x5F00] =	vst v4  }
0xf0: {  	v37 =	vld [tilespmem:$0x6300];
	v7 =	vadd.f32 v32, v7;
	[tilespmem:$0x5F10] =	vst v5  }
0xf1: {  	v38 =	vld [tilespmem:$0x6310];
	v8 =	vadd.f32 v33, v8;
	[tilespmem:$0x5F20] =	vst v6  }
0xf2: {  	v39 =	vld [tilespmem:$0x6320];
	v9 =	vadd.f32 v34, v9;
	[tilespmem:$0x5F30] =	vst v7  }
0xf3: {  	v40 =	vld [tilespmem:$0x6330];
	v10 =	vadd.f32 v35, v10;
	[tilespmem:$0x5F40] =	vst v8  }
0xf4: {  	v41 =	vld [tilespmem:$0x6340];
	v11 =	vadd.f32 v36, v11;
	[tilespmem:$0x5F50] =	vst v9  }
0xf5: {  	v42 =	vld [tilespmem:$0x6350];
	[tilespmem:$0x5F60] =	vst v10;
	v4 =	vadd.f32 v37, v4  }
0xf6: {  	v43 =	vld [tilespmem:$0x6360];
	[tilespmem:$0x5F70] =	vst v11;
	v5 =	vadd.f32 v38, v5  }
0xf7: {  	v44 =	vld [tilespmem:$0x6370];
	v6 =	vadd.f32 v39, v6;
	[tilespmem:$0x5F00] =	vst v4  }
0xf8: {  	v45 =	vld [tilespmem:$0x6380];
	v7 =	vadd.f32 v40, v7;
	[tilespmem:$0x5F10] =	vst v5  }
0xf9: {  	v46 =	vld [tilespmem:$0x6390];
	v8 =	vadd.f32 v41, v8;
	[tilespmem:$0x5F20] =	vst v6  }
0xfa: {  	v47 =	vld [tilespmem:$0x63A0];
	v9 =	vadd.f32 v42, v9;
	[tilespmem:$0x5F30] =	vst v7  }
0xfb: {  	v48 =	vld [tilespmem:$0x63B0];
	v10 =	vadd.f32 v43, v10;
	[tilespmem:$0x5F40] =	vst v8  }
0xfc: {  	v49 =	vld [tilespmem:$0x63C0];
	v11 =	vadd.f32 v44, v11;
	[tilespmem:$0x5F50] =	vst v9  }
0xfd: {  	v50 =	vld [tilespmem:$0x63D0];
	[tilespmem:$0x5F60] =	vst v10;
	v4 =	vadd.f32 v45, v4  }
0xfe: {  	v51 =	vld [tilespmem:$0x63E0];
	[tilespmem:$0x5F70] =	vst v11;
	v5 =	vadd.f32 v46, v5  }
0xff: {  	v52 =	vld [tilespmem:$0x63F0];
	v6 =	vadd.f32 v47, v6;
	[tilespmem:$0x5F00] =	vst v4  }
0x100: {  	v53 =	vld [tilespmem:$0x6400];
	v7 =	vadd.f32 v48, v7;
	[tilespmem:$0x5F10] =	vst v5  }
0x101: {  	v54 =	vld [tilespmem:$0x6410];
	v8 =	vadd.f32 v49, v8;
	[tilespmem:$0x5F20] =	vst v6  }
0x102: {  	v55 =	vld [tilespmem:$0x6420];
	v9 =	vadd.f32 v50, v9;
	[tilespmem:$0x5F30] =	vst v7  }
0x103: {  	v56 =	vld [tilespmem:$0x6430];
	v10 =	vadd.f32 v51, v10;
	[tilespmem:$0x5F40] =	vst v8  }
0x104: {  	v57 =	vld [tilespmem:$0x6440];
	v11 =	vadd.f32 v52, v11;
	[tilespmem:$0x5F50] =	vst v9  }
0x105: {  	v58 =	vld [tilespmem:$0x6450];
	[tilespmem:$0x5F60] =	vst v10;
	v4 =	vadd.f32 v53, v4  }
0x106: {  	v59 =	vld [tilespmem:$0x6460];
	[tilespmem:$0x5F70] =	vst v11;
	v5 =	vadd.f32 v54, v5  }
0x107: {  	v60 =	vld [tilespmem:$0x6470];
	v6 =	vadd.f32 v55, v6;
	[tilespmem:$0x5F00] =	vst v4  }
0x108: {  	v61 =	vld [tilespmem:$0x6480];
	v7 =	vadd.f32 v56, v7;
	[tilespmem:$0x5F10] =	vst v5  }
0x109: {  	v62 =	vld [tilespmem:$0x6490];
	v8 =	vadd.f32 v57, v8;
	[tilespmem:$0x5F20] =	vst v6  }
0x10a: {  	v63 =	vld [tilespmem:$0x64A0];
	v9 =	vadd.f32 v58, v9;
	[tilespmem:$0x5F30] =	vst v7  }
0x10b: {  	v20 =	vld [tilespmem:$0x64B0];
	v10 =	vadd.f32 v59, v10;
	[tilespmem:$0x5F40] =	vst v8  }
0x10c: {  	v21 =	vld [tilespmem:$0x64C0];
	v11 =	vadd.f32 v60, v11;
	[tilespmem:$0x5F50] =	vst v9  }
0x10d: {  	v22 =	vld [tilespmem:$0x64D0];
	[tilespmem:$0x5F60] =	vst v10;
	v4 =	vadd.f32 v61, v4  }
0x10e: {  	v23 =	vld [tilespmem:$0x64E0];
	[tilespmem:$0x5F70] =	vst v11;
	v5 =	vadd.f32 v62, v5  }
0x10f: {  	v24 =	vld [tilespmem:$0x64F0];
	v6 =	vadd.f32 v63, v6;
	[tilespmem:$0x5F00] =	vst v4  }
0x110: {  	v25 =	vld [tilespmem:$0x6500];
	v7 =	vadd.f32 v20, v7;
	[tilespmem:$0x5F10] =	vst v5  }
0x111: {  	v26 =	vld [tilespmem:$0x6510];
	v8 =	vadd.f32 v21, v8;
	[tilespmem:$0x5F20] =	vst v6  }
0x112: {  	v27 =	vld [tilespmem:$0x6520];
	v9 =	vadd.f32 v22, v9;
	[tilespmem:$0x5F30] =	vst v7  }
0x113: {  	v28 =	vld [tilespmem:$0x6530];
	v10 =	vadd.f32 v23, v10;
	[tilespmem:$0x5F40] =	vst v8  }
0x114: {  	v29 =	vld [tilespmem:$0x6540];
	v11 =	vadd.f32 v24, v11;
	[tilespmem:$0x5F50] =	vst v9  }
0x115: {  	v30 =	vld [tilespmem:$0x6550];
	[tilespmem:$0x5F60] =	vst v10;
	v4 =	vadd.f32 v25, v4  }
0x116: {  	v31 =	vld [tilespmem:$0x6560];
	[tilespmem:$0x5F70] =	vst v11;
	v5 =	vadd.f32 v26, v5  }
0x117: {  	v32 =	vld [tilespmem:$0x6570];
	v6 =	vadd.f32 v27, v6;
	[tilespmem:$0x5F00] =	vst v4  }
0x118: {  	v33 =	vld [tilespmem:$0x6580];
	v7 =	vadd.f32 v28, v7;
	[tilespmem:$0x5F10] =	vst v5  }
0x119: {  	v34 =	vld [tilespmem:$0x6590];
	v8 =	vadd.f32 v29, v8;
	[tilespmem:$0x5F20] =	vst v6  }
0x11a: {  	v35 =	vld [tilespmem:$0x65A0];
	v9 =	vadd.f32 v30, v9;
	[tilespmem:$0x5F30] =	vst v7  }
0x11b: {  	v36 =	vld [tilespmem:$0x65B0];
	v10 =	vadd.f32 v31, v10;
	[tilespmem:$0x5F40] =	vst v8  }
0x11c: {  	v37 =	vld [tilespmem:$0x65C0];
	v11 =	vadd.f32 v32, v11;
	[tilespmem:$0x5F50] =	vst v9  }
0x11d: {  	v38 =	vld [tilespmem:$0x65D0];
	[tilespmem:$0x5F60] =	vst v10;
	v4 =	vadd.f32 v33, v4  }
0x11e: {  	v39 =	vld [tilespmem:$0x65E0];
	[tilespmem:$0x5F70] =	vst v11;
	v5 =	vadd.f32 v34, v5  }
0x11f: {  	v40 =	vld [tilespmem:$0x65F0];
	v6 =	vadd.f32 v35, v6;
	[tilespmem:$0x5F00] =	vst v4  }
0x120: {  	v41 =	vld [tilespmem:$0x6600];
	v7 =	vadd.f32 v36, v7;
	[tilespmem:$0x5F10] =	vst v5  }
0x121: {  	v42 =	vld [tilespmem:$0x6610];
	v8 =	vadd.f32 v37, v8;
	[tilespmem:$0x5F20] =	vst v6  }
0x122: {  	v43 =	vld [tilespmem:$0x6620];
	v9 =	vadd.f32 v38, v9;
	[tilespmem:$0x5F30] =	vst v7  }
0x123: {  	v44 =	vld [tilespmem:$0x6630];
	v10 =	vadd.f32 v39, v10;
	[tilespmem:$0x5F40] =	vst v8  }
0x124: {  	v45 =	vld [tilespmem:$0x6640];
	v11 =	vadd.f32 v40, v11;
	[tilespmem:$0x5F50] =	vst v9  }
0x125: {  	v46 =	vld [tilespmem:$0x6650];
	[tilespmem:$0x5F60] =	vst v10;
	v4 =	vadd.f32 v41, v4  }
0x126: {  	v47 =	vld [tilespmem:$0x6660];
	[tilespmem:$0x5F70] =	vst v11;
	v5 =	vadd.f32 v42, v5  }
0x127: {  	v48 =	vld [tilespmem:$0x6670];
	v6 =	vadd.f32 v43, v6;
	[tilespmem:$0x5F00] =	vst v4  }
0x128: {  	v49 =	vld [tilespmem:$0x6680];
	v7 =	vadd.f32 v44, v7;
	[tilespmem:$0x5F10] =	vst v5  }
0x129: {  	v50 =	vld [tilespmem:$0x6690];
	v8 =	vadd.f32 v45, v8;
	[tilespmem:$0x5F20] =	vst v6  }
0x12a: {  	v51 =	vld [tilespmem:$0x66A0];
	v9 =	vadd.f32 v46, v9;
	[tilespmem:$0x5F30] =	vst v7  }
0x12b: {  	v52 =	vld [tilespmem:$0x66B0];
	v10 =	vadd.f32 v47, v10;
	[tilespmem:$0x5F40] =	vst v8  }
0x12c: {  	v53 =	vld [tilespmem:$0x6700];
	v11 =	vadd.f32 v48, v11;
	[tilespmem:$0x5F50] =	vst v9  }
0x12d: {  	v54 =	vld [tilespmem:$0x66C0];
	[tilespmem:$0x5F60] =	vst v10;
	v4 =	vadd.f32 v49, v4  }
0x12e: {  	v55 =	vld [tilespmem:$0x66D0];
	[tilespmem:$0x5F70] =	vst v11;
	v5 =	vadd.f32 v50, v5  }
0x12f: {  	v56 =	vld [tilespmem:$0x6710];
	v6 =	vadd.f32 v51, v6;
	[tilespmem:$0x5F00] =	vst v4  }
0x130: {  	v58 =	vld [tilespmem:$0x66E0];
	v7 =	vadd.f32 v52, v7;
	[tilespmem:$0x5F10] =	vst v5  }
0x131: {  	v59 =	vld [tilespmem:$0x66F0];
	[tilespmem:$0x5F20] =	vst v6;
	v4 =	vadd.f32 v53, v4  }
0x132: {  	v57 =	vld [tilespmem:$0x6720];
	v8 =	vadd.f32 v54, v8;
	[tilespmem:$0x5F30] =	vst v7  }
0x133: {  	v9 =	vadd.f32 v55, v9;
	[tilespmem:$0x5F00] =	vst v4;
	v4 =	vld [tilespmem:$0x6730]  }
0x134: {  	v60 =	vld [tilespmem:$0x6740];
	[tilespmem:$0x5F40] =	vst v8;
	v5 =	vadd.f32 v56, v5  }
0x135: {  	v61 =	vld [tilespmem:$0x6750];
	v10 =	vadd.f32 v58, v10;
	[tilespmem:$0x5F50] =	vst v9  }
0x136: {  	v11 =	vadd.f32 v59, v11;
	[tilespmem:$0x5F10] =	vst v5;
	v5 =	vld [tilespmem:$0x6760]  }
0x137: {  	v62 =	vld [tilespmem:$0x6770];
	v6 =	vadd.f32 v57, v6;
	[tilespmem:$0x5F60] =	vst v10  }
0x138: {  	[tilespmem:$0x5F70] =	vst v11;
	v4 =	vadd.f32 v4, v7  }
0x139: {  	v63 =	vadd.f32 v60, v8;
	[tilespmem:$0x5F20] =	vst v6  }
0x13a: {  	[tilespmem:$0x5F30] =	vst v4;
	v4 =	vadd.f32 v61, v9  }
0x13b: {  	[tilespmem:$0x5F40] =	vst v63;
	v5 =	vadd.f32 v5, v10  }
0x13c: {  	s28 =	sadd.s32 $0x1, s28;
	[tilespmem:$0x5F50] =	vst v4;
	v4 =	vadd.f32 v62, v11  }
0x13d: {  	p0 =	sne.s32 s28, s25;
	[tilespmem:$0x5F60] =	vst v5  }
.Ltmp3:
0x13e: {  	s26 =	simm.s32 $0x5F00;
	[tilespmem:$0x5F70] =	vst v4;
	(pc) =	sbr.rel @p0 .LBB2_1-.Ltmp3, $4  }
0x13f: {  	[hbm4b:s24+s2] =	stream.linear.scatter [tilespmem:s26], [sflag:$0x2], $0x80, $0x38;
	[tilespmem:$0x6F80] =	vst v63  }
0x140: {  	_ =	swait.ge [sflag:s0], $0x80  }
0x141: {  	[sflag:s0] =	ssyncset.done $0x0  }
0x142: {  	[sflag:s0] =	ssyncadd.s32 $0xFFFFFF80  }
0x143: {  	_ =	sfence.sel $0x180000  }
0x144: {  	[bflag:$0x0] =	sbarrier.arrive $0xFFFF  }
0x145: {  	_ =	strace $0x9000004A  }
0x146: {  	s0 =	stileid.u32;
	[bflag:$0x2] =	sbarrier.arrive $0xFFFF  }
0x147: {  	p0 =	sne.s32 s0, $0x0;
	s0 =	rddreg [dreg:$0x4]  }
0x148: {  	s0 =	sadd.s32 @!p0 $0x100000, s0  }
0x149: {  	[sflag:s0] =	ssyncadd.tile.s32 @!p0 $0x1;
	_ =	shalt  }
.Lfunc_end2:
_tile_overlayer_lowered:
.L_overlay_start_2:
0x14a: {  	(tag) =	ssettag $0x2  }
0x14b: {  	s0 =	rddreg [dreg:$0x0];
	s2 =	stileid.u32  }
0x14c: {  	s1 =	rddreg [dreg:$0x1];
	p0 =	sne.s32 s2, $0x0  }
0x14d: {  	s3 =	rddreg [dreg:$0x2];
	[bflag:$0x3] =	sbarrier.arrive $0xFFFF;
	s2 =	simm.s32 @!p0 $0x1C02  }
0x14e: {  	[timem:s3], [sflag:s2] =	dma.local @!p0 [hbm:s0], s1  }
0x14f: {  	s0 =	simm.s32 @!p0 $0x2  }
0x150: {  	_ =	swait.ge @!p0 [sflag:s0], s1  }
0x151: {  	s1 =	ssub.s32 @!p0 $0x0, s1;
	[sflag:s0] =	ssyncset.done @!p0 $0x0  }
0x152: {  	[sflag:s0] =	ssyncadd.s32 @!p0 s1  }
0x153: {  	[bflag:$0x3] =	sbarrier.arrive $0xFFFF  }
0x154: {  	_ =	shalt  }

</sc_bundles>
